<compile_context>
chip_gen: v7x
topology: tpu7x:2x2x1
jax: 0.10.2.dev20260603
libtpu: 0.0.44.dev20260713+nightly
codegen_flags: <defaults>
</compile_context>

<pallas_src>
import functools
import math

import numpy as np
import jax
import jax.numpy as jnp
from jax import lax
from jax.experimental import pallas as pl
from jax.experimental.pallas import tpu as pltpu
from jax.experimental.pallas import tpu_sc as plsc

_D = 256
_L = 4
_M = 8
_P = 4
_B = 8
_LQ = 300
_DH = _D // _M
_SPATIAL = ((64, 64), (32, 32), (16, 16), (8, 8))
_LIN = sum(h * w for h, w in _SPATIAL)
_STARTS = (0, 4096, 5120, 5376)
_LP = _L * _P
_NS = _LP * 4
_NW = 32
_QPW = (_B * _LQ) // _NW

_lvl = (np.arange(128) // _P) % _L
_WLF = np.asarray([_SPATIAL[l][1] for l in _lvl], np.float32)[None]
_HLF = np.asarray([_SPATIAL[l][0] for l in _lvl], np.float32)[None]
_WLI = _WLF.astype(np.int32)
_SLI = np.asarray([_STARTS[l] for l in _lvl], np.int32)[None]
_MLI = (np.arange(128) // _LP).astype(np.int32)[None]
_G2 = (np.arange(128)[:, None] // _LP == np.arange(128)[None, :] // _LP)
_G2 = _G2.astype(np.float32)

_CORNERS = ((0, 0), (1, 0), (0, 1), (1, 1))


def _prep_body(q_ref, rpx_ref, rpy_ref, wox_ref, woy_ref, wat_ref,
               box_ref, boy_ref, bat_ref, g2_ref,
               wlf_ref, hlf_ref, wli_ref, sli_ref, mli_ref, bvec_ref,
               idx_ref, wgt_ref):
    q = q_ref[...]
    sox = jnp.dot(q, wox_ref[...], preferred_element_type=jnp.float32) + box_ref[...]
    soy = jnp.dot(q, woy_ref[...], preferred_element_type=jnp.float32) + boy_ref[...]
    logits = jnp.dot(q, wat_ref[...], preferred_element_type=jnp.float32) + bat_ref[...]
    mx = jnp.max(logits, axis=-1, keepdims=True)
    e = jnp.exp(logits - mx)
    s = jnp.dot(e, g2_ref[...], preferred_element_type=jnp.float32)
    aw = e / s

    wlf = wlf_ref[...]
    hlf = hlf_ref[...]
    gx = rpx_ref[...] * wlf + sox - 0.5
    gy = rpy_ref[...] * hlf + soy - 0.5
    x0 = jnp.floor(gx)
    y0 = jnp.floor(gy)
    fx = gx - x0
    fy = gy - y0
    row_base = bvec_ref[...] + mli_ref[...]
    for n, (dx, dy) in enumerate(_CORNERS):
        xn = x0 + dx
        yn = y0 + dy
        wn = (fx if dx else 1.0 - fx) * (fy if dy else 1.0 - fy)
        valid = ((xn >= 0.0) & (xn <= wlf - 1.0)
                 & (yn >= 0.0) & (yn <= hlf - 1.0))
        xi = jnp.clip(xn, 0.0, wlf - 1.0).astype(jnp.int32)
        yi = jnp.clip(yn, 0.0, hlf - 1.0).astype(jnp.int32)
        lin = yi * wli_ref[...] + xi + sli_ref[...]
        idx_ref[:, pl.ds(n * 128, 128)] = lin * _M + row_base
        wgt_ref[:, pl.ds(n * 128, 128)] = aw * wn * valid.astype(jnp.float32)


_BVEC = ((np.arange(_B * _LQ) // _LQ) * (_LIN * _M)).astype(np.int32)[:, None]


def _prep(query, rpx, rpy, wox, woy, wat, box, boy, bat):
    g2 = jnp.asarray(_G2)
    nq = _B * _LQ
    return pl.pallas_call(
        _prep_body,
        out_shape=[
            jax.ShapeDtypeStruct((nq, 512), jnp.int32),
            jax.ShapeDtypeStruct((nq, 512), jnp.float32),
        ],
    )(query, rpx, rpy, wox, woy, wat, box, boy, bat, g2,
      jnp.asarray(_WLF), jnp.asarray(_HLF), jnp.asarray(_WLI),
      jnp.asarray(_SLI), jnp.asarray(_MLI), jnp.asarray(_BVEC))


def _matmul_bias_body(x_ref, w_ref, b_ref, o_ref):
    o_ref[...] = (jnp.dot(x_ref[...], w_ref[...],
                          preferred_element_type=jnp.float32)
                  + b_ref[...]).astype(o_ref.dtype)


def _matmul_bias(x, w_t, bias, block_rows, out_dtype=jnp.float32):
    n, k = x.shape
    m = w_t.shape[1]
    assert n % block_rows == 0
    return pl.pallas_call(
        _matmul_bias_body,
        grid=(n // block_rows,),
        in_specs=[
            pl.BlockSpec((block_rows, k), lambda i: (i, 0)),
            pl.BlockSpec((k, m), lambda i: (0, 0)),
            pl.BlockSpec((1, m), lambda i: (0, 0)),
        ],
        out_specs=pl.BlockSpec((block_rows, m), lambda i: (i, 0)),
        out_shape=jax.ShapeDtypeStruct((n, m), out_dtype),
    )(x, w_t, bias)


def _sc_body(table_ref, idxs_ref, wgts_ref, out_ref,
             idx_all, wgt_v, rows_v, out_v, s_i, sg0, sg1, sg2, sw0, sw1, sw2):
    wid = lax.axis_index("s") * 2 + lax.axis_index("c")
    pltpu.async_copy(idxs_ref.at[wid], idx_all, s_i).wait()

    def issue(buf, c, sg, sw):
        pltpu.async_copy(table_ref.at[idx_all.at[c]], rows_v.at[buf], sg)
        pltpu.async_copy(wgts_ref.at[wid, c], wgt_v.at[buf], sw)

    def wait_query(buf, c, sg, sw):
        pltpu.make_async_copy(table_ref.at[idx_all.at[c]], rows_v.at[buf],
                              sg).wait()
        pltpu.make_async_copy(wgts_ref.at[wid, c], wgt_v.at[buf], sw).wait()

    def compute(buf, c):
        def head(m, carry):
            acc0 = jnp.zeros((16,), jnp.float32)
            acc1 = jnp.zeros((16,), jnp.float32)
            for n in range(4):
                woff = n * 128 + m * 16
                wv = wgt_v[buf, pl.ds(woff, 16)]
                for j in range(16):
                    w = wv[j]
                    row = rows_v[buf, woff + j, :]
                    ev, od = plsc.unpack(row, format=plsc.PackFormat.INTERLEAVED,
                                         preferred_element_type=jnp.float32)
                    acc0 = acc0 + w * ev
                    acc1 = acc1 + w * od
            out_v[c, m, pl.ds(0, 16)] = acc0
            out_v[c, m, pl.ds(16, 16)] = acc1
            return carry

        lax.fori_loop(0, _M, head, 0)

    sgs = (sg0, sg1, sg2)
    sws = (sw0, sw1, sw2)
    last = _QPW - 1
    issue(0, 0, sg0, sw0)
    issue(1, 1, sg1, sw1)

    def it(k, carry):
        c = 3 * k
        issue(2, c + 2, sgs[2], sws[2])
        for b in range(3):
            wait_query(b, c + b, sgs[b], sws[b])
            compute(b, c + b)
            if b < 2:
                nxt = jnp.minimum(c + 3 + b, last)
                issue(b, nxt, sgs[b], sws[b])
        return carry

    lax.fori_loop(0, _QPW // 3, it, 0)
    wait_query(0, last, sg0, sw0)
    wait_query(1, last, sg1, sw1)
    pltpu.sync_copy(out_v, out_ref.at[wid])


def _sc_gather_combine(table, idxs, wgts):
    mesh = plsc.VectorSubcoreMesh(core_axis_name="c", subcore_axis_name="s",
                                  num_cores=2, num_subcores=16)
    kern = pl.kernel(
        _sc_body,
        out_type=jax.ShapeDtypeStruct((_NW, _QPW, _M, _DH), jnp.float32),
        mesh=mesh,
        scratch_types=[
            pltpu.VMEM((_QPW, 512), jnp.int32),
            pltpu.VMEM((3, 512), jnp.float32),
            pltpu.VMEM((3, 512, _DH), jnp.bfloat16),
            pltpu.VMEM((_QPW, _M, _DH), jnp.float32),
            pltpu.SemaphoreType.DMA,
            pltpu.SemaphoreType.DMA,
            pltpu.SemaphoreType.DMA,
            pltpu.SemaphoreType.DMA,
            pltpu.SemaphoreType.DMA,
            pltpu.SemaphoreType.DMA,
            pltpu.SemaphoreType.DMA,
        ],
        compiler_params=pltpu.CompilerParams(use_tc_tiling_on_sc=False,
                                             needs_layout_passes=False),
    )
    return kern(table, idxs, wgts)


def kernel(query, reference_points, input_flatten, input_spatial_shapes,
           input_level_start_index, W_off, b_off, W_attn, b_attn,
           W_val, b_val, W_out, b_out):
    wox = W_off[0::2].T
    woy = W_off[1::2].T
    box = b_off[0::2][None]
    boy = b_off[1::2][None]
    _aperm = np.arange(128).reshape(_M, _L, _P).transpose(0, 2, 1).reshape(-1)
    wat = W_attn[_aperm].T
    bat = b_attn[_aperm][None]
    rpx = jnp.broadcast_to(
        reference_points[:, :, None, :, None, 0], (_B, _LQ, _M, _L, _P)
    ).reshape(_B * _LQ, 128)
    rpy = jnp.broadcast_to(
        reference_points[:, :, None, :, None, 1], (_B, _LQ, _M, _L, _P)
    ).reshape(_B * _LQ, 128)

    idx4, wgt4 = _prep(query.reshape(_B * _LQ, _D), rpx, rpy,
                       wox, woy, wat, box, boy, bat)
    idxs = idx4.reshape(_NW, _QPW, 512)
    wgts = wgt4.reshape(_NW, _QPW, 512)

    value = _matmul_bias(input_flatten.reshape(_B * _LIN, _D), W_val.T,
                         b_val[None], 512, out_dtype=jnp.bfloat16)
    table = value.reshape(_B * _LIN * _M, _DH)

    attn = _sc_gather_combine(table, idxs, wgts)
    attn = attn.reshape(_B * _LQ, _D)

    ch = np.arange(_DH)
    src = (np.arange(_M)[:, None] * _DH
           + np.concatenate([ch[0::2], ch[1::2]])[None, :]).reshape(-1)
    out = _matmul_bias(attn, W_out.T[src], b_out[None], 480)
    return out.reshape(_B, _LQ, _D)

# --- scband reference (transcript-rebuilt; emitter-appended) ---
"""Pipeline reference for scband-msdeform-attn-33921651704057 (READ-ONLY COPY).

The authoritative reference and input builder live on the scoring server;
editing this copy changes nothing except your own understanding.
"""

import jax, jax.numpy as jnp
import numpy as np
import math

D_MODEL = 256
N_LEVELS = 4
N_HEADS = 8
N_POINTS = 4
B = 8
LEN_Q = 300
SPATIAL = [(64, 64), (32, 32), (16, 16), (8, 8)]
LEN_IN = sum(h * w for h, w in SPATIAL)


def _init_params():
    rng = np.random.RandomState(0)
    thetas = np.arange(N_HEADS, dtype=np.float32) * (2.0 * math.pi / N_HEADS)
    grid_init = np.stack([np.cos(thetas), np.sin(thetas)], -1)
    grid_init = grid_init / np.abs(grid_init).max(-1, keepdims=True)
    grid_init = np.tile(grid_init.reshape(N_HEADS, 1, 1, 2), (1, N_LEVELS, N_POINTS, 1))
    for i in range(N_POINTS):
        grid_init[:, :, i, :] *= (i + 1)
    b_off = grid_init.reshape(-1).astype(np.float32)
    W_off = np.zeros((N_HEADS * N_LEVELS * N_POINTS * 2, D_MODEL), np.float32)
    W_attn = np.zeros((N_HEADS * N_LEVELS * N_POINTS, D_MODEL), np.float32)
    b_attn = np.zeros((N_HEADS * N_LEVELS * N_POINTS,), np.float32)
    bound = math.sqrt(6.0 / (D_MODEL + D_MODEL))
    W_val = rng.uniform(-bound, bound, (D_MODEL, D_MODEL)).astype(np.float32)
    b_val = np.zeros((D_MODEL,), np.float32)
    W_out = rng.uniform(-bound, bound, (D_MODEL, D_MODEL)).astype(np.float32)
    b_out = np.zeros((D_MODEL,), np.float32)
    d = dict(W_off=W_off, b_off=b_off, W_attn=W_attn, b_attn=b_attn,
             W_val=W_val, b_val=b_val, W_out=W_out, b_out=b_out)
    return {k: jnp.asarray(v) for k, v in d.items()}


def setup_inputs(seed: int = 0) -> dict:
    key = jax.random.key(seed)
    k1, k2, k3 = jax.random.split(key, 3)
    inp = dict(
        query=jax.random.normal(k1, (B, LEN_Q, D_MODEL), dtype=jnp.float32),
        reference_points=jax.random.uniform(k2, (B, LEN_Q, N_LEVELS, 2), dtype=jnp.float32),
        input_flatten=jax.random.normal(k3, (B, LEN_IN, D_MODEL), dtype=jnp.float32),
        input_spatial_shapes=jnp.asarray(np.array(SPATIAL, dtype=np.int32)),
        input_level_start_index=jnp.asarray(np.cumsum([0] + [h * w for h, w in SPATIAL[:-1]]).astype(np.int32)),
    )
    inp.update(_init_params())
    return inp


def _grid_sample(value, grid):
    # value: [N, C, H, W], grid: [N, Hg, Wg, 2] in [-1, 1]
    # bilinear, padding_mode='zeros', align_corners=False
    N, C, H, W = value.shape
    gx = (grid[..., 0] + 1.0) * (W * 0.5) - 0.5
    gy = (grid[..., 1] + 1.0) * (H * 0.5) - 0.5
    x0 = jnp.floor(gx)
    y0 = jnp.floor(gy)
    x1 = x0 + 1.0
    y1 = y0 + 1.0
    wa = (x1 - gx) * (y1 - gy)
    wb = (gx - x0) * (y1 - gy)
    wc = (x1 - gx) * (gy - y0)
    wd = (gx - x0) * (gy - y0)
    flat = value.reshape(N, C, H * W)

    def gather(ix, iy):
        valid = (ix >= 0) & (ix <= W - 1) & (iy >= 0) & (iy <= H - 1)
        ixc = jnp.clip(ix, 0, W - 1).astype(jnp.int32)
        iyc = jnp.clip(iy, 0, H - 1).astype(jnp.int32)
        idx = (iyc * W + ixc).reshape(N, 1, -1)
        out = jnp.take_along_axis(flat, jnp.broadcast_to(idx, (N, C, idx.shape[-1])), axis=2)
        out = out.reshape(N, C, ix.shape[1], ix.shape[2])
        return out * valid[:, None, :, :].astype(value.dtype)

    return (gather(x0, y0) * wa[:, None] + gather(x1, y0) * wb[:, None]
            + gather(x0, y1) * wc[:, None] + gather(x1, y1) * wd[:, None])


def _core(value, spatial, sampling_locations, attention_weights):
    Bv, _, M, Dh = value.shape
    _, Lq, _, L, P, _ = sampling_locations.shape
    grids = 2.0 * sampling_locations - 1.0
    start = 0
    vals = []
    for lid, (h, w) in enumerate(spatial):
        value_l = value[:, start:start + h * w].transpose(0, 2, 3, 1).reshape(Bv * M, Dh, h, w)
        grid_l = grids[:, :, :, lid].transpose(0, 2, 1, 3, 4).reshape(Bv * M, Lq, P, 2)
        vals.append(_grid_sample(value_l, grid_l))
        start += h * w
    aw = attention_weights.transpose(0, 2, 1, 3).reshape(Bv * M, 1, Lq, L * P)
    sv = jnp.stack(vals, axis=-1).reshape(Bv * M, Dh, Lq, L * P)
    out = (sv * aw).sum(-1)
    return out.reshape(Bv, M, Dh, Lq).transpose(0, 3, 1, 2).reshape(Bv, Lq, M * Dh)


def _forward(query, reference_points, input_flatten, spatial, input_spatial_shapes,
             W_off, b_off, W_attn, b_attn, W_val, b_val, W_out, b_out):
    Bq, Lq, _ = query.shape
    Lin = input_flatten.shape[1]
    M = N_HEADS
    Dh = D_MODEL // M
    L = N_LEVELS
    P = N_POINTS
    value = (input_flatten @ W_val.T + b_val).reshape(Bq, Lin, M, Dh)
    so = (query @ W_off.T + b_off).reshape(Bq, Lq, M, L, P, 2)
    aw = jax.nn.softmax((query @ W_attn.T + b_attn).reshape(Bq, Lq, M, L * P), axis=-1)
    norm = input_spatial_shapes[:, ::-1].astype(jnp.float32)
    loc = reference_points[:, :, None, :, None, :] + so / norm[None, None, None, :, None, :]
    out = _core(value, spatial, loc, aw)
    return out @ W_out.T + b_out


def reference(query, reference_points, input_flatten, input_spatial_shapes,
              input_level_start_index, W_off, b_off, W_attn, b_attn,
              W_val, b_val, W_out, b_out):
    spatial = [(int(h), int(w)) for h, w in SPATIAL]
    return _forward(query, reference_points, input_flatten, spatial,
                    input_spatial_shapes,
                    W_off, b_off, W_attn, b_attn, W_val, b_val, W_out, b_out)

if __name__ == "__main__":
    import jax
    _d = setup_inputs()
    print(jax.jit(kernel)(*tuple(_d.values())))

</pallas_src>

<mosaic_0001>
#map = affine_map<(d0, d1) -> (0, 0)>
#map1 = affine_map<(d0, d1) -> (0, 0, 0)>
#map2 = affine_map<(d0, d1) -> (0, 0, 0, 0)>
module attributes {stable_mosaic.version = 14 : i64} {
  func.func @_sc_body(%arg0: i32, %arg1: i32, %arg2: memref<348160x32xbf16, #tpu.memory_space<hbm>>, %arg3: memref<32x75x512xi32, #tpu.memory_space<hbm>>, %arg4: memref<32x75x512xf32, #tpu.memory_space<hbm>>, %arg5: memref<32x75x8x32xf32, #tpu.memory_space<hbm>>, %arg6: memref<75x512xi32, #tpu.memory_space<vmem>>, %arg7: memref<3x512xf32, #tpu.memory_space<vmem>>, %arg8: memref<3x512x32xbf16, #tpu.memory_space<vmem>>, %arg9: memref<75x8x32xf32, #tpu.memory_space<vmem>>, %arg10: memref<!tpu.dma_semaphore, #tpu.memory_space<semaphore_mem>>, %arg11: memref<!tpu.dma_semaphore, #tpu.memory_space<semaphore_mem>>, %arg12: memref<!tpu.dma_semaphore, #tpu.memory_space<semaphore_mem>>, %arg13: memref<!tpu.dma_semaphore, #tpu.memory_space<semaphore_mem>>, %arg14: memref<!tpu.dma_semaphore, #tpu.memory_space<semaphore_mem>>, %arg15: memref<!tpu.dma_semaphore, #tpu.memory_space<semaphore_mem>>, %arg16: memref<!tpu.dma_semaphore, #tpu.memory_space<semaphore_mem>>) attributes {dimension_semantics = [#tpu.dimension_semantics<core_parallel>, #tpu.dimension_semantics<subcore_parallel>], iteration_bounds = array<i64: 2, 16>, scalar_prefetch = 0 : i64, scratch_operands = 11 : i64, tpu.core_type = #tpu.core_type<sc_vector_subcore>, window_params = [{transform_indices = #map}, {transform_indices = #map1}, {transform_indices = #map1}, {transform_indices = #map2}]} {
    %mul3A = arith.constant 2 : i32
    %mul3A_0 = arith.muli %arg1, %mul3A : i32
    %add3A = arith.addi %mul3A_0, %arg0 : i32
    %dma_start3A = arith.constant 0 : i32
    %dma_start3A_1 = arith.constant 0 : i32
    %dma_start3A_2 = tpu.memref_slice %arg3[%add3A, %dma_start3A, %dma_start3A_1] : memref<32x75x512xi32, #tpu.memory_space<hbm>> -> memref<1x75x512xi32, #tpu.memory_space<hbm>>
    %dma_start3A_3 = tpu.memref_squeeze %dma_start3A_2 : memref<1x75x512xi32, #tpu.memory_space<hbm>> -> memref<75x512xi32, #tpu.memory_space<hbm>>
    %dma_start3A_4 = arith.constant 0 : i32
    %dma_start3A_5 = arith.constant 0 : i32
    %dma_start3A_6 = tpu.memref_slice %arg3[%add3A, %dma_start3A_4, %dma_start3A_5] : memref<32x75x512xi32, #tpu.memory_space<hbm>> -> memref<1x75x512xi32, #tpu.memory_space<hbm>>
    %dma_start3A_7 = tpu.memref_squeeze %dma_start3A_6 : memref<1x75x512xi32, #tpu.memory_space<hbm>> -> memref<75x512xi32, #tpu.memory_space<hbm>>
    tpu.enqueue_dma source(%dma_start3A_7 : memref<75x512xi32, #tpu.memory_space<hbm>>) target(%arg6 : memref<75x512xi32, #tpu.memory_space<vmem>>) target_semaphore(%arg10 : memref<!tpu.dma_semaphore, #tpu.memory_space<semaphore_mem>>)
    %dma_wait3A = arith.constant 0 : i32
    %dma_wait3A_8 = arith.constant 0 : i32
    %dma_wait3A_9 = tpu.memref_slice %arg3[%add3A, %dma_wait3A, %dma_wait3A_8] : memref<32x75x512xi32, #tpu.memory_space<hbm>> -> memref<1x75x512xi32, #tpu.memory_space<hbm>>
    %dma_wait3A_10 = tpu.memref_squeeze %dma_wait3A_9 : memref<1x75x512xi32, #tpu.memory_space<hbm>> -> memref<75x512xi32, #tpu.memory_space<hbm>>
    %dma_wait3A_11 = arith.constant 0 : i32
    %dma_wait3A_12 = arith.constant 0 : i32
    %dma_wait3A_13 = tpu.memref_slice %arg3[%add3A, %dma_wait3A_11, %dma_wait3A_12] : memref<32x75x512xi32, #tpu.memory_space<hbm>> -> memref<1x75x512xi32, #tpu.memory_space<hbm>>
    %dma_wait3A_14 = tpu.memref_squeeze %dma_wait3A_13 : memref<1x75x512xi32, #tpu.memory_space<hbm>> -> memref<75x512xi32, #tpu.memory_space<hbm>>
    tpu.wait_dma2 semaphore(%arg10 : memref<!tpu.dma_semaphore, #tpu.memory_space<semaphore_mem>>) src(%dma_wait3A_14 : memref<75x512xi32, #tpu.memory_space<hbm>>) dst(%arg6 : memref<75x512xi32, #tpu.memory_space<vmem>>)
    %dma_start3A_15 = arith.constant 0 : i32
    %dma_start3A_16 = arith.constant 0 : i32
    %dma_start3A_17 = arith.constant 0 : i32
    %dma_start3A_18 = arith.constant 0 : i32
    %dma_start3A_19 = tpu.memref_slice %arg8[%dma_start3A_16, %dma_start3A_17, %dma_start3A_18] : memref<3x512x32xbf16, #tpu.memory_space<vmem>> -> memref<1x512x32xbf16, #tpu.memory_space<vmem>>
    %dma_start3A_20 = tpu.memref_squeeze %dma_start3A_19 : memref<1x512x32xbf16, #tpu.memory_space<vmem>> -> memref<512x32xbf16, #tpu.memory_space<vmem>>
    %dma_start3A_21 = arith.constant 0 : i32
    %dma_start3A_22 = tpu.memref_slice %arg6[%dma_start3A_15, %dma_start3A_21] : memref<75x512xi32, #tpu.memory_space<vmem>> -> memref<1x512xi32, #tpu.memory_space<vmem>>
    %dma_start3A_23 = tpu.memref_squeeze %dma_start3A_22 : memref<1x512xi32, #tpu.memory_space<vmem>> -> memref<512xi32, #tpu.memory_space<vmem>>
    %dma_start3A_24 = arith.constant 0 : i32
    %dma_start3A_25 = arith.constant 0 : i32
    %dma_start3A_26 = tpu.memref_slice %arg2[%dma_start3A_24, %dma_start3A_25] : memref<348160x32xbf16, #tpu.memory_space<hbm>> -> memref<348160x32xbf16, #tpu.memory_space<hbm>>
    tpu.enqueue_indirect_dma source(%dma_start3A_26 : memref<348160x32xbf16, #tpu.memory_space<hbm>>) target(%dma_start3A_20 : memref<512x32xbf16, #tpu.memory_space<vmem>>) offsets(%dma_start3A_23 : memref<512xi32, #tpu.memory_space<vmem>>) semaphore(%arg11 : memref<!tpu.dma_semaphore, #tpu.memory_space<semaphore_mem>>)
    %dma_start3A_27 = arith.constant 0 : i32
    %dma_start3A_28 = arith.constant 0 : i32
    %dma_start3A_29 = arith.constant 0 : i32
    %dma_start3A_30 = tpu.memref_slice %arg7[%dma_start3A_28, %dma_start3A_29] : memref<3x512xf32, #tpu.memory_space<vmem>> -> memref<1x512xf32, #tpu.memory_space<vmem>>
    %dma_start3A_31 = tpu.memref_squeeze %dma_start3A_30 : memref<1x512xf32, #tpu.memory_space<vmem>> -> memref<512xf32, #tpu.memory_space<vmem>>
    %dma_start3A_32 = arith.constant 0 : i32
    %dma_start3A_33 = tpu.memref_slice %arg4[%add3A, %dma_start3A_27, %dma_start3A_32] : memref<32x75x512xf32, #tpu.memory_space<hbm>> -> memref<1x1x512xf32, #tpu.memory_space<hbm>>
    %dma_start3A_34 = tpu.memref_squeeze %dma_start3A_33 : memref<1x1x512xf32, #tpu.memory_space<hbm>> -> memref<512xf32, #tpu.memory_space<hbm>>
    %dma_start3A_35 = arith.constant 0 : i32
    %dma_start3A_36 = tpu.memref_slice %arg7[%dma_start3A_28, %dma_start3A_35] : memref<3x512xf32, #tpu.memory_space<vmem>> -> memref<1x512xf32, #tpu.memory_space<vmem>>
    %dma_start3A_37 = tpu.memref_squeeze %dma_start3A_36 : memref<1x512xf32, #tpu.memory_space<vmem>> -> memref<512xf32, #tpu.memory_space<vmem>>
    %dma_start3A_38 = arith.constant 0 : i32
    %dma_start3A_39 = tpu.memref_slice %arg4[%add3A, %dma_start3A_27, %dma_start3A_38] : memref<32x75x512xf32, #tpu.memory_space<hbm>> -> memref<1x1x512xf32, #tpu.memory_space<hbm>>
    %dma_start3A_40 = tpu.memref_squeeze %dma_start3A_39 : memref<1x1x512xf32, #tpu.memory_space<hbm>> -> memref<512xf32, #tpu.memory_space<hbm>>
    tpu.enqueue_dma source(%dma_start3A_40 : memref<512xf32, #tpu.memory_space<hbm>>) target(%dma_start3A_37 : memref<512xf32, #tpu.memory_space<vmem>>) target_semaphore(%arg14 : memref<!tpu.dma_semaphore, #tpu.memory_space<semaphore_mem>>)
    %dma_start3A_41 = arith.constant 1 : i32
    %dma_start3A_42 = arith.constant 1 : i32
    %dma_start3A_43 = arith.constant 0 : i32
    %dma_start3A_44 = arith.constant 0 : i32
    %dma_start3A_45 = tpu.memref_slice %arg8[%dma_start3A_42, %dma_start3A_43, %dma_start3A_44] : memref<3x512x32xbf16, #tpu.memory_space<vmem>> -> memref<1x512x32xbf16, #tpu.memory_space<vmem>>
    %dma_start3A_46 = tpu.memref_squeeze %dma_start3A_45 : memref<1x512x32xbf16, #tpu.memory_space<vmem>> -> memref<512x32xbf16, #tpu.memory_space<vmem>>
    %dma_start3A_47 = arith.constant 0 : i32
    %dma_start3A_48 = tpu.memref_slice %arg6[%dma_start3A_41, %dma_start3A_47] : memref<75x512xi32, #tpu.memory_space<vmem>> -> memref<1x512xi32, #tpu.memory_space<vmem>>
    %dma_start3A_49 = tpu.memref_squeeze %dma_start3A_48 : memref<1x512xi32, #tpu.memory_space<vmem>> -> memref<512xi32, #tpu.memory_space<vmem>>
    %dma_start3A_50 = arith.constant 0 : i32
    %dma_start3A_51 = arith.constant 0 : i32
    %dma_start3A_52 = tpu.memref_slice %arg2[%dma_start3A_50, %dma_start3A_51] : memref<348160x32xbf16, #tpu.memory_space<hbm>> -> memref<348160x32xbf16, #tpu.memory_space<hbm>>
    tpu.enqueue_indirect_dma source(%dma_start3A_52 : memref<348160x32xbf16, #tpu.memory_space<hbm>>) target(%dma_start3A_46 : memref<512x32xbf16, #tpu.memory_space<vmem>>) offsets(%dma_start3A_49 : memref<512xi32, #tpu.memory_space<vmem>>) semaphore(%arg12 : memref<!tpu.dma_semaphore, #tpu.memory_space<semaphore_mem>>)
    %dma_start3A_53 = arith.constant 1 : i32
    %dma_start3A_54 = arith.constant 1 : i32
    %dma_start3A_55 = arith.constant 0 : i32
    %dma_start3A_56 = tpu.memref_slice %arg7[%dma_start3A_54, %dma_start3A_55] : memref<3x512xf32, #tpu.memory_space<vmem>> -> memref<1x512xf32, #tpu.memory_space<vmem>>
    %dma_start3A_57 = tpu.memref_squeeze %dma_start3A_56 : memref<1x512xf32, #tpu.memory_space<vmem>> -> memref<512xf32, #tpu.memory_space<vmem>>
    %dma_start3A_58 = arith.constant 0 : i32
    %dma_start3A_59 = tpu.memref_slice %arg4[%add3A, %dma_start3A_53, %dma_start3A_58] : memref<32x75x512xf32, #tpu.memory_space<hbm>> -> memref<1x1x512xf32, #tpu.memory_space<hbm>>
    %dma_start3A_60 = tpu.memref_squeeze %dma_start3A_59 : memref<1x1x512xf32, #tpu.memory_space<hbm>> -> memref<512xf32, #tpu.memory_space<hbm>>
    %dma_start3A_61 = arith.constant 0 : i32
    %dma_start3A_62 = tpu.memref_slice %arg7[%dma_start3A_54, %dma_start3A_61] : memref<3x512xf32, #tpu.memory_space<vmem>> -> memref<1x512xf32, #tpu.memory_space<vmem>>
    %dma_start3A_63 = tpu.memref_squeeze %dma_start3A_62 : memref<1x512xf32, #tpu.memory_space<vmem>> -> memref<512xf32, #tpu.memory_space<vmem>>
    %dma_start3A_64 = arith.constant 0 : i32
    %dma_start3A_65 = tpu.memref_slice %arg4[%add3A, %dma_start3A_53, %dma_start3A_64] : memref<32x75x512xf32, #tpu.memory_space<hbm>> -> memref<1x1x512xf32, #tpu.memory_space<hbm>>
    %dma_start3A_66 = tpu.memref_squeeze %dma_start3A_65 : memref<1x1x512xf32, #tpu.memory_space<hbm>> -> memref<512xf32, #tpu.memory_space<hbm>>
    tpu.enqueue_dma source(%dma_start3A_66 : memref<512xf32, #tpu.memory_space<hbm>>) target(%dma_start3A_63 : memref<512xf32, #tpu.memory_space<vmem>>) target_semaphore(%arg15 : memref<!tpu.dma_semaphore, #tpu.memory_space<semaphore_mem>>)
    %scan3A = arith.constant 0 : i32
    %scan3A_67 = arith.constant 0 : i32
    %scan3A_68 = arith.constant 25 : i32
    %scan3A_69 = arith.addi %scan3A_67, %scan3A_68 : i32
    %scan3A_70 = arith.constant 1 : i32
    scf.for %scan3A_124 = %scan3A_67 to %scan3A_69 step %scan3A_70  : i32 {
      %mul3A_125 = arith.constant 3 : i32
      %mul3A_126 = arith.muli %mul3A_125, %scan3A_124 : i32
      %add3A_127 = arith.constant 2 : i32
      %add3A_128 = arith.addi %mul3A_126, %add3A_127 : i32
      %dma_start3A_129 = arith.constant 2 : i32
      %dma_start3A_130 = arith.constant 0 : i32
      %dma_start3A_131 = arith.constant 0 : i32
      %dma_start3A_132 = tpu.memref_slice %arg8[%dma_start3A_129, %dma_start3A_130, %dma_start3A_131] : memref<3x512x32xbf16, #tpu.memory_space<vmem>> -> memref<1x512x32xbf16, #tpu.memory_space<vmem>>
      %dma_start3A_133 = tpu.memref_squeeze %dma_start3A_132 : memref<1x512x32xbf16, #tpu.memory_space<vmem>> -> memref<512x32xbf16, #tpu.memory_space<vmem>>
      %dma_start3A_134 = arith.constant 0 : i32
      %dma_start3A_135 = tpu.memref_slice %arg6[%add3A_128, %dma_start3A_134] : memref<75x512xi32, #tpu.memory_space<vmem>> -> memref<1x512xi32, #tpu.memory_space<vmem>>
      %dma_start3A_136 = tpu.memref_squeeze %dma_start3A_135 : memref<1x512xi32, #tpu.memory_space<vmem>> -> memref<512xi32, #tpu.memory_space<vmem>>
      %dma_start3A_137 = arith.constant 0 : i32
      %dma_start3A_138 = arith.constant 0 : i32
      %dma_start3A_139 = tpu.memref_slice %arg2[%dma_start3A_137, %dma_start3A_138] : memref<348160x32xbf16, #tpu.memory_space<hbm>> -> memref<348160x32xbf16, #tpu.memory_space<hbm>>
      tpu.enqueue_indirect_dma source(%dma_start3A_139 : memref<348160x32xbf16, #tpu.memory_space<hbm>>) target(%dma_start3A_133 : memref<512x32xbf16, #tpu.memory_space<vmem>>) offsets(%dma_start3A_136 : memref<512xi32, #tpu.memory_space<vmem>>) semaphore(%arg13 : memref<!tpu.dma_semaphore, #tpu.memory_space<semaphore_mem>>)
      %dma_start3A_140 = arith.constant 2 : i32
      %dma_start3A_141 = arith.constant 0 : i32
      %dma_start3A_142 = tpu.memref_slice %arg7[%dma_start3A_140, %dma_start3A_141] : memref<3x512xf32, #tpu.memory_space<vmem>> -> memref<1x512xf32, #tpu.memory_space<vmem>>
      %dma_start3A_143 = tpu.memref_squeeze %dma_start3A_142 : memref<1x512xf32, #tpu.memory_space<vmem>> -> memref<512xf32, #tpu.memory_space<vmem>>
      %dma_start3A_144 = arith.constant 0 : i32
      %dma_start3A_145 = tpu.memref_slice %arg4[%add3A, %add3A_128, %dma_start3A_144] : memref<32x75x512xf32, #tpu.memory_space<hbm>> -> memref<1x1x512xf32, #tpu.memory_space<hbm>>
      %dma_start3A_146 = tpu.memref_squeeze %dma_start3A_145 : memref<1x1x512xf32, #tpu.memory_space<hbm>> -> memref<512xf32, #tpu.memory_space<hbm>>
      %dma_start3A_147 = arith.constant 0 : i32
      %dma_start3A_148 = tpu.memref_slice %arg7[%dma_start3A_140, %dma_start3A_147] : memref<3x512xf32, #tpu.memory_space<vmem>> -> memref<1x512xf32, #tpu.memory_space<vmem>>
      %dma_start3A_149 = tpu.memref_squeeze %dma_start3A_148 : memref<1x512xf32, #tpu.memory_space<vmem>> -> memref<512xf32, #tpu.memory_space<vmem>>
      %dma_start3A_150 = arith.constant 0 : i32
      %dma_start3A_151 = tpu.memref_slice %arg4[%add3A, %add3A_128, %dma_start3A_150] : memref<32x75x512xf32, #tpu.memory_space<hbm>> -> memref<1x1x512xf32, #tpu.memory_space<hbm>>
      %dma_start3A_152 = tpu.memref_squeeze %dma_start3A_151 : memref<1x1x512xf32, #tpu.memory_space<hbm>> -> memref<512xf32, #tpu.memory_space<hbm>>
      tpu.enqueue_dma source(%dma_start3A_152 : memref<512xf32, #tpu.memory_space<hbm>>) target(%dma_start3A_149 : memref<512xf32, #tpu.memory_space<vmem>>) target_semaphore(%arg16 : memref<!tpu.dma_semaphore, #tpu.memory_space<semaphore_mem>>)
      %add3A_153 = arith.constant 0 : i32
      %add3A_154 = arith.addi %mul3A_126, %add3A_153 : i32
      %dma_wait3A_155 = arith.constant 0 : i32
      %dma_wait3A_156 = arith.constant 0 : i32
      %dma_wait3A_157 = arith.constant 0 : i32
      %dma_wait3A_158 = tpu.memref_slice %arg8[%dma_wait3A_155, %dma_wait3A_156, %dma_wait3A_157] : memref<3x512x32xbf16, #tpu.memory_space<vmem>> -> memref<1x512x32xbf16, #tpu.memory_space<vmem>>
      %dma_wait3A_159 = tpu.memref_squeeze %dma_wait3A_158 : memref<1x512x32xbf16, #tpu.memory_space<vmem>> -> memref<512x32xbf16, #tpu.memory_space<vmem>>
      %dma_wait3A_160 = arith.constant 0 : i32
      %dma_wait3A_161 = tpu.memref_slice %arg6[%add3A_154, %dma_wait3A_160] : memref<75x512xi32, #tpu.memory_space<vmem>> -> memref<1x512xi32, #tpu.memory_space<vmem>>
      %dma_wait3A_162 = tpu.memref_squeeze %dma_wait3A_161 : memref<1x512xi32, #tpu.memory_space<vmem>> -> memref<512xi32, #tpu.memory_space<vmem>>
      %dma_wait3A_163 = arith.constant 0 : i32
      %dma_wait3A_164 = arith.constant 0 : i32
      %dma_wait3A_165 = tpu.memref_slice %arg2[%dma_wait3A_163, %dma_wait3A_164] : memref<348160x32xbf16, #tpu.memory_space<hbm>> -> memref<348160x32xbf16, #tpu.memory_space<hbm>>
      tpu.wait_indirect_dma semaphore(%arg11 : memref<!tpu.dma_semaphore, #tpu.memory_space<semaphore_mem>>) src(%dma_wait3A_165 : memref<348160x32xbf16, #tpu.memory_space<hbm>>) dst(%dma_wait3A_159 : memref<512x32xbf16, #tpu.memory_space<vmem>>)
      %dma_wait3A_166 = arith.constant 0 : i32
      %dma_wait3A_167 = arith.constant 0 : i32
      %dma_wait3A_168 = tpu.memref_slice %arg7[%dma_wait3A_166, %dma_wait3A_167] : memref<3x512xf32, #tpu.memory_space<vmem>> -> memref<1x512xf32, #tpu.memory_space<vmem>>
      %dma_wait3A_169 = tpu.memref_squeeze %dma_wait3A_168 : memref<1x512xf32, #tpu.memory_space<vmem>> -> memref<512xf32, #tpu.memory_space<vmem>>
      %dma_wait3A_170 = arith.constant 0 : i32
      %dma_wait3A_171 = tpu.memref_slice %arg4[%add3A, %add3A_154, %dma_wait3A_170] : memref<32x75x512xf32, #tpu.memory_space<hbm>> -> memref<1x1x512xf32, #tpu.memory_space<hbm>>
      %dma_wait3A_172 = tpu.memref_squeeze %dma_wait3A_171 : memref<1x1x512xf32, #tpu.memory_space<hbm>> -> memref<512xf32, #tpu.memory_space<hbm>>
      %dma_wait3A_173 = arith.constant 0 : i32
      %dma_wait3A_174 = tpu.memref_slice %arg7[%dma_wait3A_166, %dma_wait3A_173] : memref<3x512xf32, #tpu.memory_space<vmem>> -> memref<1x512xf32, #tpu.memory_space<vmem>>
      %dma_wait3A_175 = tpu.memref_squeeze %dma_wait3A_174 : memref<1x512xf32, #tpu.memory_space<vmem>> -> memref<512xf32, #tpu.memory_space<vmem>>
      %dma_wait3A_176 = arith.constant 0 : i32
      %dma_wait3A_177 = tpu.memref_slice %arg4[%add3A, %add3A_154, %dma_wait3A_176] : memref<32x75x512xf32, #tpu.memory_space<hbm>> -> memref<1x1x512xf32, #tpu.memory_space<hbm>>
      %dma_wait3A_178 = tpu.memref_squeeze %dma_wait3A_177 : memref<1x1x512xf32, #tpu.memory_space<hbm>> -> memref<512xf32, #tpu.memory_space<hbm>>
      tpu.wait_dma2 semaphore(%arg14 : memref<!tpu.dma_semaphore, #tpu.memory_space<semaphore_mem>>) src(%dma_wait3A_178 : memref<512xf32, #tpu.memory_space<hbm>>) dst(%dma_wait3A_175 : memref<512xf32, #tpu.memory_space<vmem>>)
      %add3A_179 = arith.constant 0 : i32
      %add3A_180 = arith.addi %mul3A_126, %add3A_179 : i32
      %scan3A_181 = arith.constant 0 : i32
      %scan3A_182 = arith.constant 0 : i32
      %scan3A_183 = arith.constant 8 : i32
      %scan3A_184 = arith.addi %scan3A_182, %scan3A_183 : i32
      %scan3A_185 = arith.constant 1 : i32
      scf.for %scan3A_314 = %scan3A_182 to %scan3A_184 step %scan3A_185  : i32 {
        %broadcast_in_dim3A = arith.constant 0.000000e+00 : f32
        %broadcast_in_dim3A_315 = vector.broadcast %broadcast_in_dim3A : f32 to vector<16xf32>
        %broadcast_in_dim3A_316 = arith.constant 0.000000e+00 : f32
        %broadcast_in_dim3A_317 = vector.broadcast %broadcast_in_dim3A_316 : f32 to vector<16xf32>
        %mul3A_318 = arith.constant 16 : i32
        %mul3A_319 = arith.muli %scan3A_314, %mul3A_318 : i32
        %add3A_320 = arith.constant 0 : i32
        %add3A_321 = arith.addi %add3A_320, %mul3A_319 : i32
        %get3A = arith.constant 0 : i32
        %get3A_322 = arith.index_cast %get3A : i32 to index
        %get3A_323 = arith.index_cast %add3A_321 : i32 to index
        %get3A_324 = tpu.vector_load %arg7[%get3A_322, %get3A_323] {strides = array<i32>} : memref<3x512xf32, #tpu.memory_space<vmem>>, vector<16xf32>,
        %slice3A = vector.extract_strided_slice %get3A_324 {offsets = [0], sizes = [1], strides = [1]} : vector<16xf32> to vector<1xf32>
        %squeeze3A = vector.extract %slice3A[0] : f32 from vector<1xf32>
        %add3A_325 = arith.constant 0 : i32
        %add3A_326 = arith.addi %add3A_321, %add3A_325 : i32
        %get3A_327 = arith.constant 0 : i32
        %get3A_328 = arith.index_cast %get3A_327 : i32 to index
        %get3A_329 = arith.index_cast %add3A_326 : i32 to index
        %get3A_330 = arith.constant 0 : index
        %get3A_331 = tpu.vector_load %arg8[%get3A_328, %get3A_329, %get3A_330] {strides = array<i32>} : memref<3x512x32xbf16, #tpu.memory_space<vmem>>, vector<32xbf16>,
        %unpack3A = tpu.unpack_subelements %get3A_331, 0 {pack_format = #tpu.pack_format<interleaved>} : vector<32xbf16> -> vector<16xf32>
        %unpack3A_332 = tpu.unpack_subelements %get3A_331, 1 {pack_format = #tpu.pack_format<interleaved>} : vector<32xbf16> -> vector<16xf32>
        %mul3A_333 = vector.broadcast %squeeze3A : f32 to vector<16xf32>
        %mul3A_334 = arith.mulf %mul3A_333, %unpack3A : vector<16xf32>
        %add3A_335 = arith.addf %broadcast_in_dim3A_315, %mul3A_334 : vector<16xf32>
        %mul3A_336 = vector.broadcast %squeeze3A : f32 to vector<16xf32>
        %mul3A_337 = arith.mulf %mul3A_336, %unpack3A_332 : vector<16xf32>
        %add3A_338 = arith.addf %broadcast_in_dim3A_317, %mul3A_337 : vector<16xf32>
        %slice3A_339 = vector.extract_strided_slice %get3A_324 {offsets = [1], sizes = [1], strides = [1]} : vector<16xf32> to vector<1xf32>
        %squeeze3A_340 = vector.extract %slice3A_339[0] : f32 from vector<1xf32>
        %add3A_341 = arith.constant 1 : i32
        %add3A_342 = arith.addi %add3A_321, %add3A_341 : i32
        %get3A_343 = arith.constant 0 : i32
        %get3A_344 = arith.index_cast %get3A_343 : i32 to index
        %get3A_345 = arith.index_cast %add3A_342 : i32 to index
        %get3A_346 = arith.constant 0 : index
        %get3A_347 = tpu.vector_load %arg8[%get3A_344, %get3A_345, %get3A_346] {strides = array<i32>} : memref<3x512x32xbf16, #tpu.memory_space<vmem>>, vector<32xbf16>,
        %unpack3A_348 = tpu.unpack_subelements %get3A_347, 0 {pack_format = #tpu.pack_format<interleaved>} : vector<32xbf16> -> vector<16xf32>
        %unpack3A_349 = tpu.unpack_subelements %get3A_347, 1 {pack_format = #tpu.pack_format<interleaved>} : vector<32xbf16> -> vector<16xf32>
        %mul3A_350 = vector.broadcast %squeeze3A_340 : f32 to vector<16xf32>
        %mul3A_351 = arith.mulf %mul3A_350, %unpack3A_348 : vector<16xf32>
        %add3A_352 = arith.addf %add3A_335, %mul3A_351 : vector<16xf32>
        %mul3A_353 = vector.broadcast %squeeze3A_340 : f32 to vector<16xf32>
        %mul3A_354 = arith.mulf %mul3A_353, %unpack3A_349 : vector<16xf32>
        %add3A_355 = arith.addf %add3A_338, %mul3A_354 : vector<16xf32>
        %slice3A_356 = vector.extract_strided_slice %get3A_324 {offsets = [2], sizes = [1], strides = [1]} : vector<16xf32> to vector<1xf32>
        %squeeze3A_357 = vector.extract %slice3A_356[0] : f32 from vector<1xf32>
        %add3A_358 = arith.constant 2 : i32
        %add3A_359 = arith.addi %add3A_321, %add3A_358 : i32
        %get3A_360 = arith.constant 0 : i32
        %get3A_361 = arith.index_cast %get3A_360 : i32 to index
        %get3A_362 = arith.index_cast %add3A_359 : i32 to index
        %get3A_363 = arith.constant 0 : index
        %get3A_364 = tpu.vector_load %arg8[%get3A_361, %get3A_362, %get3A_363] {strides = array<i32>} : memref<3x512x32xbf16, #tpu.memory_space<vmem>>, vector<32xbf16>,
        %unpack3A_365 = tpu.unpack_subelements %get3A_364, 0 {pack_format = #tpu.pack_format<interleaved>} : vector<32xbf16> -> vector<16xf32>
        %unpack3A_366 = tpu.unpack_subelements %get3A_364, 1 {pack_format = #tpu.pack_format<interleaved>} : vector<32xbf16> -> vector<16xf32>
        %mul3A_367 = vector.broadcast %squeeze3A_357 : f32 to vector<16xf32>
        %mul3A_368 = arith.mulf %mul3A_367, %unpack3A_365 : vector<16xf32>
        %add3A_369 = arith.addf %add3A_352, %mul3A_368 : vector<16xf32>
        %mul3A_370 = vector.broadcast %squeeze3A_357 : f32 to vector<16xf32>
        %mul3A_371 = arith.mulf %mul3A_370, %unpack3A_366 : vector<16xf32>
        %add3A_372 = arith.addf %add3A_355, %mul3A_371 : vector<16xf32>
        %slice3A_373 = vector.extract_strided_slice %get3A_324 {offsets = [3], sizes = [1], strides = [1]} : vector<16xf32> to vector<1xf32>
        %squeeze3A_374 = vector.extract %slice3A_373[0] : f32 from vector<1xf32>
        %add3A_375 = arith.constant 3 : i32
        %add3A_376 = arith.addi %add3A_321, %add3A_375 : i32
        %get3A_377 = arith.constant 0 : i32
        %get3A_378 = arith.index_cast %get3A_377 : i32 to index
        %get3A_379 = arith.index_cast %add3A_376 : i32 to index
        %get3A_380 = arith.constant 0 : index
        %get3A_381 = tpu.vector_load %arg8[%get3A_378, %get3A_379, %get3A_380] {strides = array<i32>} : memref<3x512x32xbf16, #tpu.memory_space<vmem>>, vector<32xbf16>,
        %unpack3A_382 = tpu.unpack_subelements %get3A_381, 0 {pack_format = #tpu.pack_format<interleaved>} : vector<32xbf16> -> vector<16xf32>
        %unpack3A_383 = tpu.unpack_subelements %get3A_381, 1 {pack_format = #tpu.pack_format<interleaved>} : vector<32xbf16> -> vector<16xf32>
        %mul3A_384 = vector.broadcast %squeeze3A_374 : f32 to vector<16xf32>
        %mul3A_385 = arith.mulf %mul3A_384, %unpack3A_382 : vector<16xf32>
        %add3A_386 = arith.addf %add3A_369, %mul3A_385 : vector<16xf32>
        %mul3A_387 = vector.broadcast %squeeze3A_374 : f32 to vector<16xf32>
        %mul3A_388 = arith.mulf %mul3A_387, %unpack3A_383 : vector<16xf32>
        %add3A_389 = arith.addf %add3A_372, %mul3A_388 : vector<16xf32>
        %slice3A_390 = vector.extract_strided_slice %get3A_324 {offsets = [4], sizes = [1], strides = [1]} : vector<16xf32> to vector<1xf32>
        %squeeze3A_391 = vector.extract %slice3A_390[0] : f32 from vector<1xf32>
        %add3A_392 = arith.constant 4 : i32
        %add3A_393 = arith.addi %add3A_321, %add3A_392 : i32
        %get3A_394 = arith.constant 0 : i32
        %get3A_395 = arith.index_cast %get3A_394 : i32 to index
        %get3A_396 = arith.index_cast %add3A_393 : i32 to index
        %get3A_397 = arith.constant 0 : index
        %get3A_398 = tpu.vector_load %arg8[%get3A_395, %get3A_396, %get3A_397] {strides = array<i32>} : memref<3x512x32xbf16, #tpu.memory_space<vmem>>, vector<32xbf16>,
        %unpack3A_399 = tpu.unpack_subelements %get3A_398, 0 {pack_format = #tpu.pack_format<interleaved>} : vector<32xbf16> -> vector<16xf32>
        %unpack3A_400 = tpu.unpack_subelements %get3A_398, 1 {pack_format = #tpu.pack_format<interleaved>} : vector<32xbf16> -> vector<16xf32>
        %mul3A_401 = vector.broadcast %squeeze3A_391 : f32 to vector<16xf32>
        %mul3A_402 = arith.mulf %mul3A_401, %unpack3A_399 : vector<16xf32>
        %add3A_403 = arith.addf %add3A_386, %mul3A_402 : vector<16xf32>
        %mul3A_404 = vector.broadcast %squeeze3A_391 : f32 to vector<16xf32>
        %mul3A_405 = arith.mulf %mul3A_404, %unpack3A_400 : vector<16xf32>
        %add3A_406 = arith.addf %add3A_389, %mul3A_405 : vector<16xf32>
        %slice3A_407 = vector.extract_strided_slice %get3A_324 {offsets = [5], sizes = [1], strides = [1]} : vector<16xf32> to vector<1xf32>
        %squeeze3A_408 = vector.extract %slice3A_407[0] : f32 from vector<1xf32>
        %add3A_409 = arith.constant 5 : i32
        %add3A_410 = arith.addi %add3A_321, %add3A_409 : i32
        %get3A_411 = arith.constant 0 : i32
        %get3A_412 = arith.index_cast %get3A_411 : i32 to index
        %get3A_413 = arith.index_cast %add3A_410 : i32 to index
        %get3A_414 = arith.constant 0 : index
        %get3A_415 = tpu.vector_load %arg8[%get3A_412, %get3A_413, %get3A_414] {strides = array<i32>} : memref<3x512x32xbf16, #tpu.memory_space<vmem>>, vector<32xbf16>,
        %unpack3A_416 = tpu.unpack_subelements %get3A_415, 0 {pack_format = #tpu.pack_format<interleaved>} : vector<32xbf16> -> vector<16xf32>
        %unpack3A_417 = tpu.unpack_subelements %get3A_415, 1 {pack_format = #tpu.pack_format<interleaved>} : vector<32xbf16> -> vector<16xf32>
        %mul3A_418 = vector.broadcast %squeeze3A_408 : f32 to vector<16xf32>
        %mul3A_419 = arith.mulf %mul3A_418, %unpack3A_416 : vector<16xf32>
        %add3A_420 = arith.addf %add3A_403, %mul3A_419 : vector<16xf32>
        %mul3A_421 = vector.broadcast %squeeze3A_408 : f32 to vector<16xf32>
        %mul3A_422 = arith.mulf %mul3A_421, %unpack3A_417 : vector<16xf32>
        %add3A_423 = arith.addf %add3A_406, %mul3A_422 : vector<16xf32>
        %slice3A_424 = vector.extract_strided_slice %get3A_324 {offsets = [6], sizes = [1], strides = [1]} : vector<16xf32> to vector<1xf32>
        %squeeze3A_425 = vector.extract %slice3A_424[0] : f32 from vector<1xf32>
        %add3A_426 = arith.constant 6 : i32
        %add3A_427 = arith.addi %add3A_321, %add3A_426 : i32
        %get3A_428 = arith.constant 0 : i32
        %get3A_429 = arith.index_cast %get3A_428 : i32 to index
        %get3A_430 = arith.index_cast %add3A_427 : i32 to index
        %get3A_431 = arith.constant 0 : index
        %get3A_432 = tpu.vector_load %arg8[%get3A_429, %get3A_430, %get3A_431] {strides = array<i32>} : memref<3x512x32xbf16, #tpu.memory_space<vmem>>, vector<32xbf16>,
        %unpack3A_433 = tpu.unpack_subelements %get3A_432, 0 {pack_format = #tpu.pack_format<interleaved>} : vector<32xbf16> -> vector<16xf32>
        %unpack3A_434 = tpu.unpack_subelements %get3A_432, 1 {pack_format = #tpu.pack_format<interleaved>} : vector<32xbf16> -> vector<16xf32>
        %mul3A_435 = vector.broadcast %squeeze3A_425 : f32 to vector<16xf32>
        %mul3A_436 = arith.mulf %mul3A_435, %unpack3A_433 : vector<16xf32>
        %add3A_437 = arith.addf %add3A_420, %mul3A_436 : vector<16xf32>
        %mul3A_438 = vector.broadcast %squeeze3A_425 : f32 to vector<16xf32>
        %mul3A_439 = arith.mulf %mul3A_438, %unpack3A_434 : vector<16xf32>
        %add3A_440 = arith.addf %add3A_423, %mul3A_439 : vector<16xf32>
        %slice3A_441 = vector.extract_strided_slice %get3A_324 {offsets = [7], sizes = [1], strides = [1]} : vector<16xf32> to vector<1xf32>
        %squeeze3A_442 = vector.extract %slice3A_441[0] : f32 from vector<1xf32>
        %add3A_443 = arith.constant 7 : i32
        %add3A_444 = arith.addi %add3A_321, %add3A_443 : i32
        %get3A_445 = arith.constant 0 : i32
        %get3A_446 = arith.index_cast %get3A_445 : i32 to index
        %get3A_447 = arith.index_cast %add3A_444 : i32 to index
        %get3A_448 = arith.constant 0 : index
        %get3A_449 = tpu.vector_load %arg8[%get3A_446, %get3A_447, %get3A_448] {strides = array<i32>} : memref<3x512x32xbf16, #tpu.memory_space<vmem>>, vector<32xbf16>,
        %unpack3A_450 = tpu.unpack_subelements %get3A_449, 0 {pack_format = #tpu.pack_format<interleaved>} : vector<32xbf16> -> vector<16xf32>
        %unpack3A_451 = tpu.unpack_subelements %get3A_449, 1 {pack_format = #tpu.pack_format<interleaved>} : vector<32xbf16> -> vector<16xf32>
        %mul3A_452 = vector.broadcast %squeeze3A_442 : f32 to vector<16xf32>
        %mul3A_453 = arith.mulf %mul3A_452, %unpack3A_450 : vector<16xf32>
        %add3A_454 = arith.addf %add3A_437, %mul3A_453 : vector<16xf32>
        %mul3A_455 = vector.broadcast %squeeze3A_442 : f32 to vector<16xf32>
        %mul3A_456 = arith.mulf %mul3A_455, %unpack3A_451 : vector<16xf32>
        %add3A_457 = arith.addf %add3A_440, %mul3A_456 : vector<16xf32>
        %slice3A_458 = vector.extract_strided_slice %get3A_324 {offsets = [8], sizes = [1], strides = [1]} : vector<16xf32> to vector<1xf32>
        %squeeze3A_459 = vector.extract %slice3A_458[0] : f32 from vector<1xf32>
        %add3A_460 = arith.constant 8 : i32
        %add3A_461 = arith.addi %add3A_321, %add3A_460 : i32
        %get3A_462 = arith.constant 0 : i32
        %get3A_463 = arith.index_cast %get3A_462 : i32 to index
        %get3A_464 = arith.index_cast %add3A_461 : i32 to index
        %get3A_465 = arith.constant 0 : index
        %get3A_466 = tpu.vector_load %arg8[%get3A_463, %get3A_464, %get3A_465] {strides = array<i32>} : memref<3x512x32xbf16, #tpu.memory_space<vmem>>, vector<32xbf16>,
        %unpack3A_467 = tpu.unpack_subelements %get3A_466, 0 {pack_format = #tpu.pack_format<interleaved>} : vector<32xbf16> -> vector<16xf32>
        %unpack3A_468 = tpu.unpack_subelements %get3A_466, 1 {pack_format = #tpu.pack_format<interleaved>} : vector<32xbf16> -> vector<16xf32>
        %mul3A_469 = vector.broadcast %squeeze3A_459 : f32 to vector<16xf32>
        %mul3A_470 = arith.mulf %mul3A_469, %unpack3A_467 : vector<16xf32>
        %add3A_471 = arith.addf %add3A_454, %mul3A_470 : vector<16xf32>
        %mul3A_472 = vector.broadcast %squeeze3A_459 : f32 to vector<16xf32>
        %mul3A_473 = arith.mulf %mul3A_472, %unpack3A_468 : vector<16xf32>
        %add3A_474 = arith.addf %add3A_457, %mul3A_473 : vector<16xf32>
        %slice3A_475 = vector.extract_strided_slice %get3A_324 {offsets = [9], sizes = [1], strides = [1]} : vector<16xf32> to vector<1xf32>
        %squeeze3A_476 = vector.extract %slice3A_475[0] : f32 from vector<1xf32>
        %add3A_477 = arith.constant 9 : i32
        %add3A_478 = arith.addi %add3A_321, %add3A_477 : i32
        %get3A_479 = arith.constant 0 : i32
        %get3A_480 = arith.index_cast %get3A_479 : i32 to index
        %get3A_481 = arith.index_cast %add3A_478 : i32 to index
        %get3A_482 = arith.constant 0 : index
        %get3A_483 = tpu.vector_load %arg8[%get3A_480, %get3A_481, %get3A_482] {strides = array<i32>} : memref<3x512x32xbf16, #tpu.memory_space<vmem>>, vector<32xbf16>,
        %unpack3A_484 = tpu.unpack_subelements %get3A_483, 0 {pack_format = #tpu.pack_format<interleaved>} : vector<32xbf16> -> vector<16xf32>
        %unpack3A_485 = tpu.unpack_subelements %get3A_483, 1 {pack_format = #tpu.pack_format<interleaved>} : vector<32xbf16> -> vector<16xf32>
        %mul3A_486 = vector.broadcast %squeeze3A_476 : f32 to vector<16xf32>
        %mul3A_487 = arith.mulf %mul3A_486, %unpack3A_484 : vector<16xf32>
        %add3A_488 = arith.addf %add3A_471, %mul3A_487 : vector<16xf32>
        %mul3A_489 = vector.broadcast %squeeze3A_476 : f32 to vector<16xf32>
        %mul3A_490 = arith.mulf %mul3A_489, %unpack3A_485 : vector<16xf32>
        %add3A_491 = arith.addf %add3A_474, %mul3A_490 : vector<16xf32>
        %slice3A_492 = vector.extract_strided_slice %get3A_324 {offsets = [10], sizes = [1], strides = [1]} : vector<16xf32> to vector<1xf32>
        %squeeze3A_493 = vector.extract %slice3A_492[0] : f32 from vector<1xf32>
        %add3A_494 = arith.constant 10 : i32
        %add3A_495 = arith.addi %add3A_321, %add3A_494 : i32
        %get3A_496 = arith.constant 0 : i32
        %get3A_497 = arith.index_cast %get3A_496 : i32 to index
        %get3A_498 = arith.index_cast %add3A_495 : i32 to index
        %get3A_499 = arith.constant 0 : index
        %get3A_500 = tpu.vector_load %arg8[%get3A_497, %get3A_498, %get3A_499] {strides = array<i32>} : memref<3x512x32xbf16, #tpu.memory_space<vmem>>, vector<32xbf16>,
        %unpack3A_501 = tpu.unpack_subelements %get3A_500, 0 {pack_format = #tpu.pack_format<interleaved>} : vector<32xbf16> -> vector<16xf32>
        %unpack3A_502 = tpu.unpack_subelements %get3A_500, 1 {pack_format = #tpu.pack_format<interleaved>} : vector<32xbf16> -> vector<16xf32>
        %mul3A_503 = vector.broadcast %squeeze3A_493 : f32 to vector<16xf32>
        %mul3A_504 = arith.mulf %mul3A_503, %unpack3A_501 : vector<16xf32>
        %add3A_505 = arith.addf %add3A_488, %mul3A_504 : vector<16xf32>
        %mul3A_506 = vector.broadcast %squeeze3A_493 : f32 to vector<16xf32>
        %mul3A_507 = arith.mulf %mul3A_506, %unpack3A_502 : vector<16xf32>
        %add3A_508 = arith.addf %add3A_491, %mul3A_507 : vector<16xf32>
        %slice3A_509 = vector.extract_strided_slice %get3A_324 {offsets = [11], sizes = [1], strides = [1]} : vector<16xf32> to vector<1xf32>
        %squeeze3A_510 = vector.extract %slice3A_509[0] : f32 from vector<1xf32>
        %add3A_511 = arith.constant 11 : i32
        %add3A_512 = arith.addi %add3A_321, %add3A_511 : i32
        %get3A_513 = arith.constant 0 : i32
        %get3A_514 = arith.index_cast %get3A_513 : i32 to index
        %get3A_515 = arith.index_cast %add3A_512 : i32 to index
        %get3A_516 = arith.constant 0 : index
        %get3A_517 = tpu.vector_load %arg8[%get3A_514, %get3A_515, %get3A_516] {strides = array<i32>} : memref<3x512x32xbf16, #tpu.memory_space<vmem>>, vector<32xbf16>,
        %unpack3A_518 = tpu.unpack_subelements %get3A_517, 0 {pack_format = #tpu.pack_format<interleaved>} : vector<32xbf16> -> vector<16xf32>
        %unpack3A_519 = tpu.unpack_subelements %get3A_517, 1 {pack_format = #tpu.pack_format<interleaved>} : vector<32xbf16> -> vector<16xf32>
        %mul3A_520 = vector.broadcast %squeeze3A_510 : f32 to vector<16xf32>
        %mul3A_521 = arith.mulf %mul3A_520, %unpack3A_518 : vector<16xf32>
        %add3A_522 = arith.addf %add3A_505, %mul3A_521 : vector<16xf32>
        %mul3A_523 = vector.broadcast %squeeze3A_510 : f32 to vector<16xf32>
        %mul3A_524 = arith.mulf %mul3A_523, %unpack3A_519 : vector<16xf32>
        %add3A_525 = arith.addf %add3A_508, %mul3A_524 : vector<16xf32>
        %slice3A_526 = vector.extract_strided_slice %get3A_324 {offsets = [12], sizes = [1], strides = [1]} : vector<16xf32> to vector<1xf32>
        %squeeze3A_527 = vector.extract %slice3A_526[0] : f32 from vector<1xf32>
        %add3A_528 = arith.constant 12 : i32
        %add3A_529 = arith.addi %add3A_321, %add3A_528 : i32
        %get3A_530 = arith.constant 0 : i32
        %get3A_531 = arith.index_cast %get3A_530 : i32 to index
        %get3A_532 = arith.index_cast %add3A_529 : i32 to index
        %get3A_533 = arith.constant 0 : index
        %get3A_534 = tpu.vector_load %arg8[%get3A_531, %get3A_532, %get3A_533] {strides = array<i32>} : memref<3x512x32xbf16, #tpu.memory_space<vmem>>, vector<32xbf16>,
        %unpack3A_535 = tpu.unpack_subelements %get3A_534, 0 {pack_format = #tpu.pack_format<interleaved>} : vector<32xbf16> -> vector<16xf32>
        %unpack3A_536 = tpu.unpack_subelements %get3A_534, 1 {pack_format = #tpu.pack_format<interleaved>} : vector<32xbf16> -> vector<16xf32>
        %mul3A_537 = vector.broadcast %squeeze3A_527 : f32 to vector<16xf32>
        %mul3A_538 = arith.mulf %mul3A_537, %unpack3A_535 : vector<16xf32>
        %add3A_539 = arith.addf %add3A_522, %mul3A_538 : vector<16xf32>
        %mul3A_540 = vector.broadcast %squeeze3A_527 : f32 to vector<16xf32>
        %mul3A_541 = arith.mulf %mul3A_540, %unpack3A_536 : vector<16xf32>
        %add3A_542 = arith.addf %add3A_525, %mul3A_541 : vector<16xf32>
        %slice3A_543 = vector.extract_strided_slice %get3A_324 {offsets = [13], sizes = [1], strides = [1]} : vector<16xf32> to vector<1xf32>
        %squeeze3A_544 = vector.extract %slice3A_543[0] : f32 from vector<1xf32>
        %add3A_545 = arith.constant 13 : i32
        %add3A_546 = arith.addi %add3A_321, %add3A_545 : i32
        %get3A_547 = arith.constant 0 : i32
        %get3A_548 = arith.index_cast %get3A_547 : i32 to index
        %get3A_549 = arith.index_cast %add3A_546 : i32 to index
        %get3A_550 = arith.constant 0 : index
        %get3A_551 = tpu.vector_load %arg8[%get3A_548, %get3A_549, %get3A_550] {strides = array<i32>} : memref<3x512x32xbf16, #tpu.memory_space<vmem>>, vector<32xbf16>,
        %unpack3A_552 = tpu.unpack_subelements %get3A_551, 0 {pack_format = #tpu.pack_format<interleaved>} : vector<32xbf16> -> vector<16xf32>
        %unpack3A_553 = tpu.unpack_subelements %get3A_551, 1 {pack_format = #tpu.pack_format<interleaved>} : vector<32xbf16> -> vector<16xf32>
        %mul3A_554 = vector.broadcast %squeeze3A_544 : f32 to vector<16xf32>
        %mul3A_555 = arith.mulf %mul3A_554, %unpack3A_552 : vector<16xf32>
        %add3A_556 = arith.addf %add3A_539, %mul3A_555 : vector<16xf32>
        %mul3A_557 = vector.broadcast %squeeze3A_544 : f32 to vector<16xf32>
        %mul3A_558 = arith.mulf %mul3A_557, %unpack3A_553 : vector<16xf32>
        %add3A_559 = arith.addf %add3A_542, %mul3A_558 : vector<16xf32>
        %slice3A_560 = vector.extract_strided_slice %get3A_324 {offsets = [14], sizes = [1], strides = [1]} : vector<16xf32> to vector<1xf32>
        %squeeze3A_561 = vector.extract %slice3A_560[0] : f32 from vector<1xf32>
        %add3A_562 = arith.constant 14 : i32
        %add3A_563 = arith.addi %add3A_321, %add3A_562 : i32
        %get3A_564 = arith.constant 0 : i32
        %get3A_565 = arith.index_cast %get3A_564 : i32 to index
        %get3A_566 = arith.index_cast %add3A_563 : i32 to index
        %get3A_567 = arith.constant 0 : index
        %get3A_568 = tpu.vector_load %arg8[%get3A_565, %get3A_566, %get3A_567] {strides = array<i32>} : memref<3x512x32xbf16, #tpu.memory_space<vmem>>, vector<32xbf16>,
        %unpack3A_569 = tpu.unpack_subelements %get3A_568, 0 {pack_format = #tpu.pack_format<interleaved>} : vector<32xbf16> -> vector<16xf32>
        %unpack3A_570 = tpu.unpack_subelements %get3A_568, 1 {pack_format = #tpu.pack_format<interleaved>} : vector<32xbf16> -> vector<16xf32>
        %mul3A_571 = vector.broadcast %squeeze3A_561 : f32 to vector<16xf32>
        %mul3A_572 = arith.mulf %mul3A_571, %unpack3A_569 : vector<16xf32>
        %add3A_573 = arith.addf %add3A_556, %mul3A_572 : vector<16xf32>
        %mul3A_574 = vector.broadcast %squeeze3A_561 : f32 to vector<16xf32>
        %mul3A_575 = arith.mulf %mul3A_574, %unpack3A_570 : vector<16xf32>
        %add3A_576 = arith.addf %add3A_559, %mul3A_575 : vector<16xf32>
        %slice3A_577 = vector.extract_strided_slice %get3A_324 {offsets = [15], sizes = [1], strides = [1]} : vector<16xf32> to vector<1xf32>
        %squeeze3A_578 = vector.extract %slice3A_577[0] : f32 from vector<1xf32>
        %add3A_579 = arith.constant 15 : i32
        %add3A_580 = arith.addi %add3A_321, %add3A_579 : i32
        %get3A_581 = arith.constant 0 : i32
        %get3A_582 = arith.index_cast %get3A_581 : i32 to index
        %get3A_583 = arith.index_cast %add3A_580 : i32 to index
        %get3A_584 = arith.constant 0 : index
        %get3A_585 = tpu.vector_load %arg8[%get3A_582, %get3A_583, %get3A_584] {strides = array<i32>} : memref<3x512x32xbf16, #tpu.memory_space<vmem>>, vector<32xbf16>,
        %unpack3A_586 = tpu.unpack_subelements %get3A_585, 0 {pack_format = #tpu.pack_format<interleaved>} : vector<32xbf16> -> vector<16xf32>
        %unpack3A_587 = tpu.unpack_subelements %get3A_585, 1 {pack_format = #tpu.pack_format<interleaved>} : vector<32xbf16> -> vector<16xf32>
        %mul3A_588 = vector.broadcast %squeeze3A_578 : f32 to vector<16xf32>
        %mul3A_589 = arith.mulf %mul3A_588, %unpack3A_586 : vector<16xf32>
        %add3A_590 = arith.addf %add3A_573, %mul3A_589 : vector<16xf32>
        %mul3A_591 = vector.broadcast %squeeze3A_578 : f32 to vector<16xf32>
        %mul3A_592 = arith.mulf %mul3A_591, %unpack3A_587 : vector<16xf32>
        %add3A_593 = arith.addf %add3A_576, %mul3A_592 : vector<16xf32>
        %mul3A_594 = arith.constant 16 : i32
        %mul3A_595 = arith.muli %scan3A_314, %mul3A_594 : i32
        %add3A_596 = arith.constant 128 : i32
        %add3A_597 = arith.addi %add3A_596, %mul3A_595 : i32
        %get3A_598 = arith.constant 0 : i32
        %get3A_599 = arith.index_cast %get3A_598 : i32 to index
        %get3A_600 = arith.index_cast %add3A_597 : i32 to index
        %get3A_601 = tpu.vector_load %arg7[%get3A_599, %get3A_600] {strides = array<i32>} : memref<3x512xf32, #tpu.memory_space<vmem>>, vector<16xf32>,
        %slice3A_602 = vector.extract_strided_slice %get3A_601 {offsets = [0], sizes = [1], strides = [1]} : vector<16xf32> to vector<1xf32>
        %squeeze3A_603 = vector.extract %slice3A_602[0] : f32 from vector<1xf32>
        %add3A_604 = arith.constant 0 : i32
        %add3A_605 = arith.addi %add3A_597, %add3A_604 : i32
        %get3A_606 = arith.constant 0 : i32
        %get3A_607 = arith.index_cast %get3A_606 : i32 to index
        %get3A_608 = arith.index_cast %add3A_605 : i32 to index
        %get3A_609 = arith.constant 0 : index
        %get3A_610 = tpu.vector_load %arg8[%get3A_607, %get3A_608, %get3A_609] {strides = array<i32>} : memref<3x512x32xbf16, #tpu.memory_space<vmem>>, vector<32xbf16>,
        %unpack3A_611 = tpu.unpack_subelements %get3A_610, 0 {pack_format = #tpu.pack_format<interleaved>} : vector<32xbf16> -> vector<16xf32>
        %unpack3A_612 = tpu.unpack_subelements %get3A_610, 1 {pack_format = #tpu.pack_format<interleaved>} : vector<32xbf16> -> vector<16xf32>
        %mul3A_613 = vector.broadcast %squeeze3A_603 : f32 to vector<16xf32>
        %mul3A_614 = arith.mulf %mul3A_613, %unpack3A_611 : vector<16xf32>
        %add3A_615 = arith.addf %add3A_590, %mul3A_614 : vector<16xf32>
        %mul3A_616 = vector.broadcast %squeeze3A_603 : f32 to vector<16xf32>
        %mul3A_617 = arith.mulf %mul3A_616, %unpack3A_612 : vector<16xf32>
        %add3A_618 = arith.addf %add3A_593, %mul3A_617 : vector<16xf32>
        %slice3A_619 = vector.extract_strided_slice %get3A_601 {offsets = [1], sizes = [1], strides = [1]} : vector<16xf32> to vector<1xf32>
        %squeeze3A_620 = vector.extract %slice3A_619[0] : f32 from vector<1xf32>
        %add3A_621 = arith.constant 1 : i32
        %add3A_622 = arith.addi %add3A_597, %add3A_621 : i32
        %get3A_623 = arith.constant 0 : i32
        %get3A_624 = arith.index_cast %get3A_623 : i32 to index
        %get3A_625 = arith.index_cast %add3A_622 : i32 to index
        %get3A_626 = arith.constant 0 : index
        %get3A_627 = tpu.vector_load %arg8[%get3A_624, %get3A_625, %get3A_626] {strides = array<i32>} : memref<3x512x32xbf16, #tpu.memory_space<vmem>>, vector<32xbf16>,
        %unpack3A_628 = tpu.unpack_subelements %get3A_627, 0 {pack_format = #tpu.pack_format<interleaved>} : vector<32xbf16> -> vector<16xf32>
        %unpack3A_629 = tpu.unpack_subelements %get3A_627, 1 {pack_format = #tpu.pack_format<interleaved>} : vector<32xbf16> -> vector<16xf32>
        %mul3A_630 = vector.broadcast %squeeze3A_620 : f32 to vector<16xf32>
        %mul3A_631 = arith.mulf %mul3A_630, %unpack3A_628 : vector<16xf32>
        %add3A_632 = arith.addf %add3A_615, %mul3A_631 : vector<16xf32>
        %mul3A_633 = vector.broadcast %squeeze3A_620 : f32 to vector<16xf32>
        %mul3A_634 = arith.mulf %mul3A_633, %unpack3A_629 : vector<16xf32>
        %add3A_635 = arith.addf %add3A_618, %mul3A_634 : vector<16xf32>
        %slice3A_636 = vector.extract_strided_slice %get3A_601 {offsets = [2], sizes = [1], strides = [1]} : vector<16xf32> to vector<1xf32>
        %squeeze3A_637 = vector.extract %slice3A_636[0] : f32 from vector<1xf32>
        %add3A_638 = arith.constant 2 : i32
        %add3A_639 = arith.addi %add3A_597, %add3A_638 : i32
        %get3A_640 = arith.constant 0 : i32
        %get3A_641 = arith.index_cast %get3A_640 : i32 to index
        %get3A_642 = arith.index_cast %add3A_639 : i32 to index
        %get3A_643 = arith.constant 0 : index
        %get3A_644 = tpu.vector_load %arg8[%get3A_641, %get3A_642, %get3A_643] {strides = array<i32>} : memref<3x512x32xbf16, #tpu.memory_space<vmem>>, vector<32xbf16>,
        %unpack3A_645 = tpu.unpack_subelements %get3A_644, 0 {pack_format = #tpu.pack_format<interleaved>} : vector<32xbf16> -> vector<16xf32>
        %unpack3A_646 = tpu.unpack_subelements %get3A_644, 1 {pack_format = #tpu.pack_format<interleaved>} : vector<32xbf16> -> vector<16xf32>
        %mul3A_647 = vector.broadcast %squeeze3A_637 : f32 to vector<16xf32>
        %mul3A_648 = arith.mulf %mul3A_647, %unpack3A_645 : vector<16xf32>
        %add3A_649 = arith.addf %add3A_632, %mul3A_648 : vector<16xf32>
        %mul3A_650 = vector.broadcast %squeeze3A_637 : f32 to vector<16xf32>
        %mul3A_651 = arith.mulf %mul3A_650, %unpack3A_646 : vector<16xf32>
        %add3A_652 = arith.addf %add3A_635, %mul3A_651 : vector<16xf32>
        %slice3A_653 = vector.extract_strided_slice %get3A_601 {offsets = [3], sizes = [1], strides = [1]} : vector<16xf32> to vector<1xf32>
        %squeeze3A_654 = vector.extract %slice3A_653[0] : f32 from vector<1xf32>
        %add3A_655 = arith.constant 3 : i32
        %add3A_656 = arith.addi %add3A_597, %add3A_655 : i32
        %get3A_657 = arith.constant 0 : i32
        %get3A_658 = arith.index_cast %get3A_657 : i32 to index
        %get3A_659 = arith.index_cast %add3A_656 : i32 to index
        %get3A_660 = arith.constant 0 : index
        %get3A_661 = tpu.vector_load %arg8[%get3A_658, %get3A_659, %get3A_660] {strides = array<i32>} : memref<3x512x32xbf16, #tpu.memory_space<vmem>>, vector<32xbf16>,
        %unpack3A_662 = tpu.unpack_subelements %get3A_661, 0 {pack_format = #tpu.pack_format<interleaved>} : vector<32xbf16> -> vector<16xf32>
        %unpack3A_663 = tpu.unpack_subelements %get3A_661, 1 {pack_format = #tpu.pack_format<interleaved>} : vector<32xbf16> -> vector<16xf32>
        %mul3A_664 = vector.broadcast %squeeze3A_654 : f32 to vector<16xf32>
        %mul3A_665 = arith.mulf %mul3A_664, %unpack3A_662 : vector<16xf32>
        %add3A_666 = arith.addf %add3A_649, %mul3A_665 : vector<16xf32>
        %mul3A_667 = vector.broadcast %squeeze3A_654 : f32 to vector<16xf32>
        %mul3A_668 = arith.mulf %mul3A_667, %unpack3A_663 : vector<16xf32>
        %add3A_669 = arith.addf %add3A_652, %mul3A_668 : vector<16xf32>
        %slice3A_670 = vector.extract_strided_slice %get3A_601 {offsets = [4], sizes = [1], strides = [1]} : vector<16xf32> to vector<1xf32>
        %squeeze3A_671 = vector.extract %slice3A_670[0] : f32 from vector<1xf32>
        %add3A_672 = arith.constant 4 : i32
        %add3A_673 = arith.addi %add3A_597, %add3A_672 : i32
        %get3A_674 = arith.constant 0 : i32
        %get3A_675 = arith.index_cast %get3A_674 : i32 to index
        %get3A_676 = arith.index_cast %add3A_673 : i32 to index
        %get3A_677 = arith.constant 0 : index
        %get3A_678 = tpu.vector_load %arg8[%get3A_675, %get3A_676, %get3A_677] {strides = array<i32>} : memref<3x512x32xbf16, #tpu.memory_space<vmem>>, vector<32xbf16>,
        %unpack3A_679 = tpu.unpack_subelements %get3A_678, 0 {pack_format = #tpu.pack_format<interleaved>} : vector<32xbf16> -> vector<16xf32>
        %unpack3A_680 = tpu.unpack_subelements %get3A_678, 1 {pack_format = #tpu.pack_format<interleaved>} : vector<32xbf16> -> vector<16xf32>
        %mul3A_681 = vector.broadcast %squeeze3A_671 : f32 to vector<16xf32>
        %mul3A_682 = arith.mulf %mul3A_681, %unpack3A_679 : vector<16xf32>
        %add3A_683 = arith.addf %add3A_666, %mul3A_682 : vector<16xf32>
        %mul3A_684 = vector.broadcast %squeeze3A_671 : f32 to vector<16xf32>
        %mul3A_685 = arith.mulf %mul3A_684, %unpack3A_680 : vector<16xf32>
        %add3A_686 = arith.addf %add3A_669, %mul3A_685 : vector<16xf32>
        %slice3A_687 = vector.extract_strided_slice %get3A_601 {offsets = [5], sizes = [1], strides = [1]} : vector<16xf32> to vector<1xf32>
        %squeeze3A_688 = vector.extract %slice3A_687[0] : f32 from vector<1xf32>
        %add3A_689 = arith.constant 5 : i32
        %add3A_690 = arith.addi %add3A_597, %add3A_689 : i32
        %get3A_691 = arith.constant 0 : i32
        %get3A_692 = arith.index_cast %get3A_691 : i32 to index
        %get3A_693 = arith.index_cast %add3A_690 : i32 to index
        %get3A_694 = arith.constant 0 : index
        %get3A_695 = tpu.vector_load %arg8[%get3A_692, %get3A_693, %get3A_694] {strides = array<i32>} : memref<3x512x32xbf16, #tpu.memory_space<vmem>>, vector<32xbf16>,
        %unpack3A_696 = tpu.unpack_subelements %get3A_695, 0 {pack_format = #tpu.pack_format<interleaved>} : vector<32xbf16> -> vector<16xf32>
        %unpack3A_697 = tpu.unpack_subelements %get3A_695, 1 {pack_format = #tpu.pack_format<interleaved>} : vector<32xbf16> -> vector<16xf32>
        %mul3A_698 = vector.broadcast %squeeze3A_688 : f32 to vector<16xf32>
        %mul3A_699 = arith.mulf %mul3A_698, %unpack3A_696 : vector<16xf32>
        %add3A_700 = arith.addf %add3A_683, %mul3A_699 : vector<16xf32>
        %mul3A_701 = vector.broadcast %squeeze3A_688 : f32 to vector<16xf32>
        %mul3A_702 = arith.mulf %mul3A_701, %unpack3A_697 : vector<16xf32>
        %add3A_703 = arith.addf %add3A_686, %mul3A_702 : vector<16xf32>
        %slice3A_704 = vector.extract_strided_slice %get3A_601 {offsets = [6], sizes = [1], strides = [1]} : vector<16xf32> to vector<1xf32>
        %squeeze3A_705 = vector.extract %slice3A_704[0] : f32 from vector<1xf32>
        %add3A_706 = arith.constant 6 : i32
        %add3A_707 = arith.addi %add3A_597, %add3A_706 : i32
        %get3A_708 = arith.constant 0 : i32
        %get3A_709 = arith.index_cast %get3A_708 : i32 to index
        %get3A_710 = arith.index_cast %add3A_707 : i32 to index
        %get3A_711 = arith.constant 0 : index
        %get3A_712 = tpu.vector_load %arg8[%get3A_709, %get3A_710, %get3A_711] {strides = array<i32>} : memref<3x512x32xbf16, #tpu.memory_space<vmem>>, vector<32xbf16>,
        %unpack3A_713 = tpu.unpack_subelements %get3A_712, 0 {pack_format = #tpu.pack_format<interleaved>} : vector<32xbf16> -> vector<16xf32>
        %unpack3A_714 = tpu.unpack_subelements %get3A_712, 1 {pack_format = #tpu.pack_format<interleaved>} : vector<32xbf16> -> vector<16xf32>
        %mul3A_715 = vector.broadcast %squeeze3A_705 : f32 to vector<16xf32>
        %mul3A_716 = arith.mulf %mul3A_715, %unpack3A_713 : vector<16xf32>
        %add3A_717 = arith.addf %add3A_700, %mul3A_716 : vector<16xf32>
        %mul3A_718 = vector.broadcast %squeeze3A_705 : f32 to vector<16xf32>
        %mul3A_719 = arith.mulf %mul3A_718, %unpack3A_714 : vector<16xf32>
        %add3A_720 = arith.addf %add3A_703, %mul3A_719 : vector<16xf32>
        %slice3A_721 = vector.extract_strided_slice %get3A_601 {offsets = [7], sizes = [1], strides = [1]} : vector<16xf32> to vector<1xf32>
        %squeeze3A_722 = vector.extract %slice3A_721[0] : f32 from vector<1xf32>
        %add3A_723 = arith.constant 7 : i32
        %add3A_724 = arith.addi %add3A_597, %add3A_723 : i32
        %get3A_725 = arith.constant 0 : i32
        %get3A_726 = arith.index_cast %get3A_725 : i32 to index
        %get3A_727 = arith.index_cast %add3A_724 : i32 to index
        %get3A_728 = arith.constant 0 : index
        %get3A_729 = tpu.vector_load %arg8[%get3A_726, %get3A_727, %get3A_728] {strides = array<i32>} : memref<3x512x32xbf16, #tpu.memory_space<vmem>>, vector<32xbf16>,
        %unpack3A_730 = tpu.unpack_subelements %get3A_729, 0 {pack_format = #tpu.pack_format<interleaved>} : vector<32xbf16> -> vector<16xf32>
        %unpack3A_731 = tpu.unpack_subelements %get3A_729, 1 {pack_format = #tpu.pack_format<interleaved>} : vector<32xbf16> -> vector<16xf32>
        %mul3A_732 = vector.broadcast %squeeze3A_722 : f32 to vector<16xf32>
        %mul3A_733 = arith.mulf %mul3A_732, %unpack3A_730 : vector<16xf32>
        %add3A_734 = arith.addf %add3A_717, %mul3A_733 : vector<16xf32>
        %mul3A_735 = vector.broadcast %squeeze3A_722 : f32 to vector<16xf32>
        %mul3A_736 = arith.mulf %mul3A_735, %unpack3A_731 : vector<16xf32>
        %add3A_737 = arith.addf %add3A_720, %mul3A_736 : vector<16xf32>
        %slice3A_738 = vector.extract_strided_slice %get3A_601 {offsets = [8], sizes = [1], strides = [1]} : vector<16xf32> to vector<1xf32>
        %squeeze3A_739 = vector.extract %slice3A_738[0] : f32 from vector<1xf32>
        %add3A_740 = arith.constant 8 : i32
        %add3A_741 = arith.addi %add3A_597, %add3A_740 : i32
        %get3A_742 = arith.constant 0 : i32
        %get3A_743 = arith.index_cast %get3A_742 : i32 to index
        %get3A_744 = arith.index_cast %add3A_741 : i32 to index
        %get3A_745 = arith.constant 0 : index
        %get3A_746 = tpu.vector_load %arg8[%get3A_743, %get3A_744, %get3A_745] {strides = array<i32>} : memref<3x512x32xbf16, #tpu.memory_space<vmem>>, vector<32xbf16>,
        %unpack3A_747 = tpu.unpack_subelements %get3A_746, 0 {pack_format = #tpu.pack_format<interleaved>} : vector<32xbf16> -> vector<16xf32>
        %unpack3A_748 = tpu.unpack_subelements %get3A_746, 1 {pack_format = #tpu.pack_format<interleaved>} : vector<32xbf16> -> vector<16xf32>
        %mul3A_749 = vector.broadcast %squeeze3A_739 : f32 to vector<16xf32>
        %mul3A_750 = arith.mulf %mul3A_749, %unpack3A_747 : vector<16xf32>
        %add3A_751 = arith.addf %add3A_734, %mul3A_750 : vector<16xf32>
        %mul3A_752 = vector.broadcast %squeeze3A_739 : f32 to vector<16xf32>
        %mul3A_753 = arith.mulf %mul3A_752, %unpack3A_748 : vector<16xf32>
        %add3A_754 = arith.addf %add3A_737, %mul3A_753 : vector<16xf32>
        %slice3A_755 = vector.extract_strided_slice %get3A_601 {offsets = [9], sizes = [1], strides = [1]} : vector<16xf32> to vector<1xf32>
        %squeeze3A_756 = vector.extract %slice3A_755[0] : f32 from vector<1xf32>
        %add3A_757 = arith.constant 9 : i32
        %add3A_758 = arith.addi %add3A_597, %add3A_757 : i32
        %get3A_759 = arith.constant 0 : i32
        %get3A_760 = arith.index_cast %get3A_759 : i32 to index
        %get3A_761 = arith.index_cast %add3A_758 : i32 to index
        %get3A_762 = arith.constant 0 : index
        %get3A_763 = tpu.vector_load %arg8[%get3A_760, %get3A_761, %get3A_762] {strides = array<i32>} : memref<3x512x32xbf16, #tpu.memory_space<vmem>>, vector<32xbf16>,
        %unpack3A_764 = tpu.unpack_subelements %get3A_763, 0 {pack_format = #tpu.pack_format<interleaved>} : vector<32xbf16> -> vector<16xf32>
        %unpack3A_765 = tpu.unpack_subelements %get3A_763, 1 {pack_format = #tpu.pack_format<interleaved>} : vector<32xbf16> -> vector<16xf32>
        %mul3A_766 = vector.broadcast %squeeze3A_756 : f32 to vector<16xf32>
        %mul3A_767 = arith.mulf %mul3A_766, %unpack3A_764 : vector<16xf32>
        %add3A_768 = arith.addf %add3A_751, %mul3A_767 : vector<16xf32>
        %mul3A_769 = vector.broadcast %squeeze3A_756 : f32 to vector<16xf32>
        %mul3A_770 = arith.mulf %mul3A_769, %unpack3A_765 : vector<16xf32>
        %add3A_771 = arith.addf %add3A_754, %mul3A_770 : vector<16xf32>
        %slice3A_772 = vector.extract_strided_slice %get3A_601 {offsets = [10], sizes = [1], strides = [1]} : vector<16xf32> to vector<1xf32>
        %squeeze3A_773 = vector.extract %slice3A_772[0] : f32 from vector<1xf32>
        %add3A_774 = arith.constant 10 : i32
        %add3A_775 = arith.addi %add3A_597, %add3A_774 : i32
        %get3A_776 = arith.constant 0 : i32
        %get3A_777 = arith.index_cast %get3A_776 : i32 to index
        %get3A_778 = arith.index_cast %add3A_775 : i32 to index
        %get3A_779 = arith.constant 0 : index
        %get3A_780 = tpu.vector_load %arg8[%get3A_777, %get3A_778, %get3A_779] {strides = array<i32>} : memref<3x512x32xbf16, #tpu.memory_space<vmem>>, vector<32xbf16>,
        %unpack3A_781 = tpu.unpack_subelements %get3A_780, 0 {pack_format = #tpu.pack_format<interleaved>} : vector<32xbf16> -> vector<16xf32>
        %unpack3A_782 = tpu.unpack_subelements %get3A_780, 1 {pack_format = #tpu.pack_format<interleaved>} : vector<32xbf16> -> vector<16xf32>
        %mul3A_783 = vector.broadcast %squeeze3A_773 : f32 to vector<16xf32>
        %mul3A_784 = arith.mulf %mul3A_783, %unpack3A_781 : vector<16xf32>
        %add3A_785 = arith.addf %add3A_768, %mul3A_784 : vector<16xf32>
        %mul3A_786 = vector.broadcast %squeeze3A_773 : f32 to vector<16xf32>
        %mul3A_787 = arith.mulf %mul3A_786, %unpack3A_782 : vector<16xf32>
        %add3A_788 = arith.addf %add3A_771, %mul3A_787 : vector<16xf32>
        %slice3A_789 = vector.extract_strided_slice %get3A_601 {offsets = [11], sizes = [1], strides = [1]} : vector<16xf32> to vector<1xf32>
        %squeeze3A_790 = vector.extract %slice3A_789[0] : f32 from vector<1xf32>
        %add3A_791 = arith.constant 11 : i32
        %add3A_792 = arith.addi %add3A_597, %add3A_791 : i32
        %get3A_793 = arith.constant 0 : i32
        %get3A_794 = arith.index_cast %get3A_793 : i32 to index
        %get3A_795 = arith.index_cast %add3A_792 : i32 to index
        %get3A_796 = arith.constant 0 : index
        %get3A_797 = tpu.vector_load %arg8[%get3A_794, %get3A_795, %get3A_796] {strides = array<i32>} : memref<3x512x32xbf16, #tpu.memory_space<vmem>>, vector<32xbf16>,
        %unpack3A_798 = tpu.unpack_subelements %get3A_797, 0 {pack_format = #tpu.pack_format<interleaved>} : vector<32xbf16> -> vector<16xf32>
        %unpack3A_799 = tpu.unpack_subelements %get3A_797, 1 {pack_format = #tpu.pack_format<interleaved>} : vector<32xbf16> -> vector<16xf32>
        %mul3A_800 = vector.broadcast %squeeze3A_790 : f32 to vector<16xf32>
        %mul3A_801 = arith.mulf %mul3A_800, %unpack3A_798 : vector<16xf32>
        %add3A_802 = arith.addf %add3A_785, %mul3A_801 : vector<16xf32>
        %mul3A_803 = vector.broadcast %squeeze3A_790 : f32 to vector<16xf32>
        %mul3A_804 = arith.mulf %mul3A_803, %unpack3A_799 : vector<16xf32>
        %add3A_805 = arith.addf %add3A_788, %mul3A_804 : vector<16xf32>
        %slice3A_806 = vector.extract_strided_slice %get3A_601 {offsets = [12], sizes = [1], strides = [1]} : vector<16xf32> to vector<1xf32>
        %squeeze3A_807 = vector.extract %slice3A_806[0] : f32 from vector<1xf32>
        %add3A_808 = arith.constant 12 : i32
        %add3A_809 = arith.addi %add3A_597, %add3A_808 : i32
        %get3A_810 = arith.constant 0 : i32
        %get3A_811 = arith.index_cast %get3A_810 : i32 to index
        %get3A_812 = arith.index_cast %add3A_809 : i32 to index
        %get3A_813 = arith.constant 0 : index
        %get3A_814 = tpu.vector_load %arg8[%get3A_811, %get3A_812, %get3A_813] {strides = array<i32>} : memref<3x512x32xbf16, #tpu.memory_space<vmem>>, vector<32xbf16>,
        %unpack3A_815 = tpu.unpack_subelements %get3A_814, 0 {pack_format = #tpu.pack_format<interleaved>} : vector<32xbf16> -> vector<16xf32>
        %unpack3A_816 = tpu.unpack_subelements %get3A_814, 1 {pack_format = #tpu.pack_format<interleaved>} : vector<32xbf16> -> vector<16xf32>
        %mul3A_817 = vector.broadcast %squeeze3A_807 : f32 to vector<16xf32>
        %mul3A_818 = arith.mulf %mul3A_817, %unpack3A_815 : vector<16xf32>
        %add3A_819 = arith.addf %add3A_802, %mul3A_818 : vector<16xf32>
        %mul3A_820 = vector.broadcast %squeeze3A_807 : f32 to vector<16xf32>
        %mul3A_821 = arith.mulf %mul3A_820, %unpack3A_816 : vector<16xf32>
        %add3A_822 = arith.addf %add3A_805, %mul3A_821 : vector<16xf32>
        %slice3A_823 = vector.extract_strided_slice %get3A_601 {offsets = [13], sizes = [1], strides = [1]} : vector<16xf32> to vector<1xf32>
        %squeeze3A_824 = vector.extract %slice3A_823[0] : f32 from vector<1xf32>
        %add3A_825 = arith.constant 13 : i32
        %add3A_826 = arith.addi %add3A_597, %add3A_825 : i32
        %get3A_827 = arith.constant 0 : i32
        %get3A_828 = arith.index_cast %get3A_827 : i32 to index
        %get3A_829 = arith.index_cast %add3A_826 : i32 to index
        %get3A_830 = arith.constant 0 : index
        %get3A_831 = tpu.vector_load %arg8[%get3A_828, %get3A_829, %get3A_830] {strides = array<i32>} : memref<3x512x32xbf16, #tpu.memory_space<vmem>>, vector<32xbf16>,
        %unpack3A_832 = tpu.unpack_subelements %get3A_831, 0 {pack_format = #tpu.pack_format<interleaved>} : vector<32xbf16> -> vector<16xf32>
        %unpack3A_833 = tpu.unpack_subelements %get3A_831, 1 {pack_format = #tpu.pack_format<interleaved>} : vector<32xbf16> -> vector<16xf32>
        %mul3A_834 = vector.broadcast %squeeze3A_824 : f32 to vector<16xf32>
        %mul3A_835 = arith.mulf %mul3A_834, %unpack3A_832 : vector<16xf32>
        %add3A_836 = arith.addf %add3A_819, %mul3A_835 : vector<16xf32>
        %mul3A_837 = vector.broadcast %squeeze3A_824 : f32 to vector<16xf32>
        %mul3A_838 = arith.mulf %mul3A_837, %unpack3A_833 : vector<16xf32>
        %add3A_839 = arith.addf %add3A_822, %mul3A_838 : vector<16xf32>
        %slice3A_840 = vector.extract_strided_slice %get3A_601 {offsets = [14], sizes = [1], strides = [1]} : vector<16xf32> to vector<1xf32>
        %squeeze3A_841 = vector.extract %slice3A_840[0] : f32 from vector<1xf32>
        %add3A_842 = arith.constant 14 : i32
        %add3A_843 = arith.addi %add3A_597, %add3A_842 : i32
        %get3A_844 = arith.constant 0 : i32
        %get3A_845 = arith.index_cast %get3A_844 : i32 to index
        %get3A_846 = arith.index_cast %add3A_843 : i32 to index
        %get3A_847 = arith.constant 0 : index
        %get3A_848 = tpu.vector_load %arg8[%get3A_845, %get3A_846, %get3A_847] {strides = array<i32>} : memref<3x512x32xbf16, #tpu.memory_space<vmem>>, vector<32xbf16>,
        %unpack3A_849 = tpu.unpack_subelements %get3A_848, 0 {pack_format = #tpu.pack_format<interleaved>} : vector<32xbf16> -> vector<16xf32>
        %unpack3A_850 = tpu.unpack_subelements %get3A_848, 1 {pack_format = #tpu.pack_format<interleaved>} : vector<32xbf16> -> vector<16xf32>
        %mul3A_851 = vector.broadcast %squeeze3A_841 : f32 to vector<16xf32>
        %mul3A_852 = arith.mulf %mul3A_851, %unpack3A_849 : vector<16xf32>
        %add3A_853 = arith.addf %add3A_836, %mul3A_852 : vector<16xf32>
        %mul3A_854 = vector.broadcast %squeeze3A_841 : f32 to vector<16xf32>
        %mul3A_855 = arith.mulf %mul3A_854, %unpack3A_850 : vector<16xf32>
        %add3A_856 = arith.addf %add3A_839, %mul3A_855 : vector<16xf32>
        %slice3A_857 = vector.extract_strided_slice %get3A_601 {offsets = [15], sizes = [1], strides = [1]} : vector<16xf32> to vector<1xf32>
        %squeeze3A_858 = vector.extract %slice3A_857[0] : f32 from vector<1xf32>
        %add3A_859 = arith.constant 15 : i32
        %add3A_860 = arith.addi %add3A_597, %add3A_859 : i32
        %get3A_861 = arith.constant 0 : i32
        %get3A_862 = arith.index_cast %get3A_861 : i32 to index
        %get3A_863 = arith.index_cast %add3A_860 : i32 to index
        %get3A_864 = arith.constant 0 : index
        %get3A_865 = tpu.vector_load %arg8[%get3A_862, %get3A_863, %get3A_864] {strides = array<i32>} : memref<3x512x32xbf16, #tpu.memory_space<vmem>>, vector<32xbf16>,
        %unpack3A_866 = tpu.unpack_subelements %get3A_865, 0 {pack_format = #tpu.pack_format<interleaved>} : vector<32xbf16> -> vector<16xf32>
        %unpack3A_867 = tpu.unpack_subelements %get3A_865, 1 {pack_format = #tpu.pack_format<interleaved>} : vector<32xbf16> -> vector<16xf32>
        %mul3A_868 = vector.broadcast %squeeze3A_858 : f32 to vector<16xf32>
        %mul3A_869 = arith.mulf %mul3A_868, %unpack3A_866 : vector<16xf32>
        %add3A_870 = arith.addf %add3A_853, %mul3A_869 : vector<16xf32>
        %mul3A_871 = vector.broadcast %squeeze3A_858 : f32 to vector<16xf32>
        %mul3A_872 = arith.mulf %mul3A_871, %unpack3A_867 : vector<16xf32>
        %add3A_873 = arith.addf %add3A_856, %mul3A_872 : vector<16xf32>
        %mul3A_874 = arith.constant 16 : i32
        %mul3A_875 = arith.muli %scan3A_314, %mul3A_874 : i32
        %add3A_876 = arith.constant 256 : i32
        %add3A_877 = arith.addi %add3A_876, %mul3A_875 : i32
        %get3A_878 = arith.constant 0 : i32
        %get3A_879 = arith.index_cast %get3A_878 : i32 to index
        %get3A_880 = arith.index_cast %add3A_877 : i32 to index
        %get3A_881 = tpu.vector_load %arg7[%get3A_879, %get3A_880] {strides = array<i32>} : memref<3x512xf32, #tpu.memory_space<vmem>>, vector<16xf32>,
        %slice3A_882 = vector.extract_strided_slice %get3A_881 {offsets = [0], sizes = [1], strides = [1]} : vector<16xf32> to vector<1xf32>
        %squeeze3A_883 = vector.extract %slice3A_882[0] : f32 from vector<1xf32>
        %add3A_884 = arith.constant 0 : i32
        %add3A_885 = arith.addi %add3A_877, %add3A_884 : i32
        %get3A_886 = arith.constant 0 : i32
        %get3A_887 = arith.index_cast %get3A_886 : i32 to index
        %get3A_888 = arith.index_cast %add3A_885 : i32 to index
        %get3A_889 = arith.constant 0 : index
        %get3A_890 = tpu.vector_load %arg8[%get3A_887, %get3A_888, %get3A_889] {strides = array<i32>} : memref<3x512x32xbf16, #tpu.memory_space<vmem>>, vector<32xbf16>,
        %unpack3A_891 = tpu.unpack_subelements %get3A_890, 0 {pack_format = #tpu.pack_format<interleaved>} : vector<32xbf16> -> vector<16xf32>
        %unpack3A_892 = tpu.unpack_subelements %get3A_890, 1 {pack_format = #tpu.pack_format<interleaved>} : vector<32xbf16> -> vector<16xf32>
        %mul3A_893 = vector.broadcast %squeeze3A_883 : f32 to vector<16xf32>
        %mul3A_894 = arith.mulf %mul3A_893, %unpack3A_891 : vector<16xf32>
        %add3A_895 = arith.addf %add3A_870, %mul3A_894 : vector<16xf32>
        %mul3A_896 = vector.broadcast %squeeze3A_883 : f32 to vector<16xf32>
        %mul3A_897 = arith.mulf %mul3A_896, %unpack3A_892 : vector<16xf32>
        %add3A_898 = arith.addf %add3A_873, %mul3A_897 : vector<16xf32>
        %slice3A_899 = vector.extract_strided_slice %get3A_881 {offsets = [1], sizes = [1], strides = [1]} : vector<16xf32> to vector<1xf32>
        %squeeze3A_900 = vector.extract %slice3A_899[0] : f32 from vector<1xf32>
        %add3A_901 = arith.constant 1 : i32
        %add3A_902 = arith.addi %add3A_877, %add3A_901 : i32
        %get3A_903 = arith.constant 0 : i32
        %get3A_904 = arith.index_cast %get3A_903 : i32 to index
        %get3A_905 = arith.index_cast %add3A_902 : i32 to index
        %get3A_906 = arith.constant 0 : index
        %get3A_907 = tpu.vector_load %arg8[%get3A_904, %get3A_905, %get3A_906] {strides = array<i32>} : memref<3x512x32xbf16, #tpu.memory_space<vmem>>, vector<32xbf16>,
        %unpack3A_908 = tpu.unpack_subelements %get3A_907, 0 {pack_format = #tpu.pack_format<interleaved>} : vector<32xbf16> -> vector<16xf32>
        %unpack3A_909 = tpu.unpack_subelements %get3A_907, 1 {pack_format = #tpu.pack_format<interleaved>} : vector<32xbf16> -> vector<16xf32>
        %mul3A_910 = vector.broadcast %squeeze3A_900 : f32 to vector<16xf32>
        %mul3A_911 = arith.mulf %mul3A_910, %unpack3A_908 : vector<16xf32>
        %add3A_912 = arith.addf %add3A_895, %mul3A_911 : vector<16xf32>
        %mul3A_913 = vector.broadcast %squeeze3A_900 : f32 to vector<16xf32>
        %mul3A_914 = arith.mulf %mul3A_913, %unpack3A_909 : vector<16xf32>
        %add3A_915 = arith.addf %add3A_898, %mul3A_914 : vector<16xf32>
        %slice3A_916 = vector.extract_strided_slice %get3A_881 {offsets = [2], sizes = [1], strides = [1]} : vector<16xf32> to vector<1xf32>
        %squeeze3A_917 = vector.extract %slice3A_916[0] : f32 from vector<1xf32>
        %add3A_918 = arith.constant 2 : i32
        %add3A_919 = arith.addi %add3A_877, %add3A_918 : i32
        %get3A_920 = arith.constant 0 : i32
        %get3A_921 = arith.index_cast %get3A_920 : i32 to index
        %get3A_922 = arith.index_cast %add3A_919 : i32 to index
        %get3A_923 = arith.constant 0 : index
        %get3A_924 = tpu.vector_load %arg8[%get3A_921, %get3A_922, %get3A_923] {strides = array<i32>} : memref<3x512x32xbf16, #tpu.memory_space<vmem>>, vector<32xbf16>,
        %unpack3A_925 = tpu.unpack_subelements %get3A_924, 0 {pack_format = #tpu.pack_format<interleaved>} : vector<32xbf16> -> vector<16xf32>
        %unpack3A_926 = tpu.unpack_subelements %get3A_924, 1 {pack_format = #tpu.pack_format<interleaved>} : vector<32xbf16> -> vector<16xf32>
        %mul3A_927 = vector.broadcast %squeeze3A_917 : f32 to vector<16xf32>
        %mul3A_928 = arith.mulf %mul3A_927, %unpack3A_925 : vector<16xf32>
        %add3A_929 = arith.addf %add3A_912, %mul3A_928 : vector<16xf32>
        %mul3A_930 = vector.broadcast %squeeze3A_917 : f32 to vector<16xf32>
        %mul3A_931 = arith.mulf %mul3A_930, %unpack3A_926 : vector<16xf32>
        %add3A_932 = arith.addf %add3A_915, %mul3A_931 : vector<16xf32>
        %slice3A_933 = vector.extract_strided_slice %get3A_881 {offsets = [3], sizes = [1], strides = [1]} : vector<16xf32> to vector<1xf32>
        %squeeze3A_934 = vector.extract %slice3A_933[0] : f32 from vector<1xf32>
        %add3A_935 = arith.constant 3 : i32
        %add3A_936 = arith.addi %add3A_877, %add3A_935 : i32
        %get3A_937 = arith.constant 0 : i32
        %get3A_938 = arith.index_cast %get3A_937 : i32 to index
        %get3A_939 = arith.index_cast %add3A_936 : i32 to index
        %get3A_940 = arith.constant 0 : index
        %get3A_941 = tpu.vector_load %arg8[%get3A_938, %get3A_939, %get3A_940] {strides = array<i32>} : memref<3x512x32xbf16, #tpu.memory_space<vmem>>, vector<32xbf16>,
        %unpack3A_942 = tpu.unpack_subelements %get3A_941, 0 {pack_format = #tpu.pack_format<interleaved>} : vector<32xbf16> -> vector<16xf32>
        %unpack3A_943 = tpu.unpack_subelements %get3A_941, 1 {pack_format = #tpu.pack_format<interleaved>} : vector<32xbf16> -> vector<16xf32>
        %mul3A_944 = vector.broadcast %squeeze3A_934 : f32 to vector<16xf32>
        %mul3A_945 = arith.mulf %mul3A_944, %unpack3A_942 : vector<16xf32>
        %add3A_946 = arith.addf %add3A_929, %mul3A_945 : vector<16xf32>
        %mul3A_947 = vector.broadcast %squeeze3A_934 : f32 to vector<16xf32>
        %mul3A_948 = arith.mulf %mul3A_947, %unpack3A_943 : vector<16xf32>
        %add3A_949 = arith.addf %add3A_932, %mul3A_948 : vector<16xf32>
        %slice3A_950 = vector.extract_strided_slice %get3A_881 {offsets = [4], sizes = [1], strides = [1]} : vector<16xf32> to vector<1xf32>
        %squeeze3A_951 = vector.extract %slice3A_950[0] : f32 from vector<1xf32>
        %add3A_952 = arith.constant 4 : i32
        %add3A_953 = arith.addi %add3A_877, %add3A_952 : i32
        %get3A_954 = arith.constant 0 : i32
        %get3A_955 = arith.index_cast %get3A_954 : i32 to index
        %get3A_956 = arith.index_cast %add3A_953 : i32 to index
        %get3A_957 = arith.constant 0 : index
        %get3A_958 = tpu.vector_load %arg8[%get3A_955, %get3A_956, %get3A_957] {strides = array<i32>} : memref<3x512x32xbf16, #tpu.memory_space<vmem>>, vector<32xbf16>,
        %unpack3A_959 = tpu.unpack_subelements %get3A_958, 0 {pack_format = #tpu.pack_format<interleaved>} : vector<32xbf16> -> vector<16xf32>
        %unpack3A_960 = tpu.unpack_subelements %get3A_958, 1 {pack_format = #tpu.pack_format<interleaved>} : vector<32xbf16> -> vector<16xf32>
        %mul3A_961 = vector.broadcast %squeeze3A_951 : f32 to vector<16xf32>
        %mul3A_962 = arith.mulf %mul3A_961, %unpack3A_959 : vector<16xf32>
        %add3A_963 = arith.addf %add3A_946, %mul3A_962 : vector<16xf32>
        %mul3A_964 = vector.broadcast %squeeze3A_951 : f32 to vector<16xf32>
        %mul3A_965 = arith.mulf %mul3A_964, %unpack3A_960 : vector<16xf32>
        %add3A_966 = arith.addf %add3A_949, %mul3A_965 : vector<16xf32>
        %slice3A_967 = vector.extract_strided_slice %get3A_881 {offsets = [5], sizes = [1], strides = [1]} : vector<16xf32> to vector<1xf32>
        %squeeze3A_968 = vector.extract %slice3A_967[0] : f32 from vector<1xf32>
        %add3A_969 = arith.constant 5 : i32
        %add3A_970 = arith.addi %add3A_877, %add3A_969 : i32
        %get3A_971 = arith.constant 0 : i32
        %get3A_972 = arith.index_cast %get3A_971 : i32 to index
        %get3A_973 = arith.index_cast %add3A_970 : i32 to index
        %get3A_974 = arith.constant 0 : index
        %get3A_975 = tpu.vector_load %arg8[%get3A_972, %get3A_973, %get3A_974] {strides = array<i32>} : memref<3x512x32xbf16, #tpu.memory_space<vmem>>, vector<32xbf16>,
        %unpack3A_976 = tpu.unpack_subelements %get3A_975, 0 {pack_format = #tpu.pack_format<interleaved>} : vector<32xbf16> -> vector<16xf32>
        %unpack3A_977 = tpu.unpack_subelements %get3A_975, 1 {pack_format = #tpu.pack_format<interleaved>} : vector<32xbf16> -> vector<16xf32>
        %mul3A_978 = vector.broadcast %squeeze3A_968 : f32 to vector<16xf32>
        %mul3A_979 = arith.mulf %mul3A_978, %unpack3A_976 : vector<16xf32>
        %add3A_980 = arith.addf %add3A_963, %mul3A_979 : vector<16xf32>
        %mul3A_981 = vector.broadcast %squeeze3A_968 : f32 to vector<16xf32>
        %mul3A_982 = arith.mulf %mul3A_981, %unpack3A_977 : vector<16xf32>
        %add3A_983 = arith.addf %add3A_966, %mul3A_982 : vector<16xf32>
        %slice3A_984 = vector.extract_strided_slice %get3A_881 {offsets = [6], sizes = [1], strides = [1]} : vector<16xf32> to vector<1xf32>
        %squeeze3A_985 = vector.extract %slice3A_984[0] : f32 from vector<1xf32>
        %add3A_986 = arith.constant 6 : i32
        %add3A_987 = arith.addi %add3A_877, %add3A_986 : i32
        %get3A_988 = arith.constant 0 : i32
        %get3A_989 = arith.index_cast %get3A_988 : i32 to index
        %get3A_990 = arith.index_cast %add3A_987 : i32 to index
        %get3A_991 = arith.constant 0 : index
        %get3A_992 = tpu.vector_load %arg8[%get3A_989, %get3A_990, %get3A_991] {strides = array<i32>} : memref<3x512x32xbf16, #tpu.memory_space<vmem>>, vector<32xbf16>,
        %unpack3A_993 = tpu.unpack_subelements %get3A_992, 0 {pack_format = #tpu.pack_format<interleaved>} : vector<32xbf16> -> vector<16xf32>
        %unpack3A_994 = tpu.unpack_subelements %get3A_992, 1 {pack_format = #tpu.pack_format<interleaved>} : vector<32xbf16> -> vector<16xf32>
        %mul3A_995 = vector.broadcast %squeeze3A_985 : f32 to vector<16xf32>
        %mul3A_996 = arith.mulf %mul3A_995, %unpack3A_993 : vector<16xf32>
        %add3A_997 = arith.addf %add3A_980, %mul3A_996 : vector<16xf32>
        %mul3A_998 = vector.broadcast %squeeze3A_985 : f32 to vector<16xf32>
        %mul3A_999 = arith.mulf %mul3A_998, %unpack3A_994 : vector<16xf32>
        %add3A_1000 = arith.addf %add3A_983, %mul3A_999 : vector<16xf32>
        %slice3A_1001 = vector.extract_strided_slice %get3A_881 {offsets = [7], sizes = [1], strides = [1]} : vector<16xf32> to vector<1xf32>
        %squeeze3A_1002 = vector.extract %slice3A_1001[0] : f32 from vector<1xf32>
        %add3A_1003 = arith.constant 7 : i32
        %add3A_1004 = arith.addi %add3A_877, %add3A_1003 : i32
        %get3A_1005 = arith.constant 0 : i32
        %get3A_1006 = arith.index_cast %get3A_1005 : i32 to index
        %get3A_1007 = arith.index_cast %add3A_1004 : i32 to index
        %get3A_1008 = arith.constant 0 : index
        %get3A_1009 = tpu.vector_load %arg8[%get3A_1006, %get3A_1007, %get3A_1008] {strides = array<i32>} : memref<3x512x32xbf16, #tpu.memory_space<vmem>>, vector<32xbf16>,
        %unpack3A_1010 = tpu.unpack_subelements %get3A_1009, 0 {pack_format = #tpu.pack_format<interleaved>} : vector<32xbf16> -> vector<16xf32>
        %unpack3A_1011 = tpu.unpack_subelements %get3A_1009, 1 {pack_format = #tpu.pack_format<interleaved>} : vector<32xbf16> -> vector<16xf32>
        %mul3A_1012 = vector.broadcast %squeeze3A_1002 : f32 to vector<16xf32>
        %mul3A_1013 = arith.mulf %mul3A_1012, %unpack3A_1010 : vector<16xf32>
        %add3A_1014 = arith.addf %add3A_997, %mul3A_1013 : vector<16xf32>
        %mul3A_1015 = vector.broadcast %squeeze3A_1002 : f32 to vector<16xf32>
        %mul3A_1016 = arith.mulf %mul3A_1015, %unpack3A_1011 : vector<16xf32>
        %add3A_1017 = arith.addf %add3A_1000, %mul3A_1016 : vector<16xf32>
        %slice3A_1018 = vector.extract_strided_slice %get3A_881 {offsets = [8], sizes = [1], strides = [1]} : vector<16xf32> to vector<1xf32>
        %squeeze3A_1019 = vector.extract %slice3A_1018[0] : f32 from vector<1xf32>
        %add3A_1020 = arith.constant 8 : i32
        %add3A_1021 = arith.addi %add3A_877, %add3A_1020 : i32
        %get3A_1022 = arith.constant 0 : i32
        %get3A_1023 = arith.index_cast %get3A_1022 : i32 to index
        %get3A_1024 = arith.index_cast %add3A_1021 : i32 to index
        %get3A_1025 = arith.constant 0 : index
        %get3A_1026 = tpu.vector_load %arg8[%get3A_1023, %get3A_1024, %get3A_1025] {strides = array<i32>} : memref<3x512x32xbf16, #tpu.memory_space<vmem>>, vector<32xbf16>,
        %unpack3A_1027 = tpu.unpack_subelements %get3A_1026, 0 {pack_format = #tpu.pack_format<interleaved>} : vector<32xbf16> -> vector<16xf32>
        %unpack3A_1028 = tpu.unpack_subelements %get3A_1026, 1 {pack_format = #tpu.pack_format<interleaved>} : vector<32xbf16> -> vector<16xf32>
        %mul3A_1029 = vector.broadcast %squeeze3A_1019 : f32 to vector<16xf32>
        %mul3A_1030 = arith.mulf %mul3A_1029, %unpack3A_1027 : vector<16xf32>
        %add3A_1031 = arith.addf %add3A_1014, %mul3A_1030 : vector<16xf32>
        %mul3A_1032 = vector.broadcast %squeeze3A_1019 : f32 to vector<16xf32>
        %mul3A_1033 = arith.mulf %mul3A_1032, %unpack3A_1028 : vector<16xf32>
        %add3A_1034 = arith.addf %add3A_1017, %mul3A_1033 : vector<16xf32>
        %slice3A_1035 = vector.extract_strided_slice %get3A_881 {offsets = [9], sizes = [1], strides = [1]} : vector<16xf32> to vector<1xf32>
        %squeeze3A_1036 = vector.extract %slice3A_1035[0] : f32 from vector<1xf32>
        %add3A_1037 = arith.constant 9 : i32
        %add3A_1038 = arith.addi %add3A_877, %add3A_1037 : i32
        %get3A_1039 = arith.constant 0 : i32
        %get3A_1040 = arith.index_cast %get3A_1039 : i32 to index
        %get3A_1041 = arith.index_cast %add3A_1038 : i32 to index
        %get3A_1042 = arith.constant 0 : index
        %get3A_1043 = tpu.vector_load %arg8[%get3A_1040, %get3A_1041, %get3A_1042] {strides = array<i32>} : memref<3x512x32xbf16, #tpu.memory_space<vmem>>, vector<32xbf16>,
        %unpack3A_1044 = tpu.unpack_subelements %get3A_1043, 0 {pack_format = #tpu.pack_format<interleaved>} : vector<32xbf16> -> vector<16xf32>
        %unpack3A_1045 = tpu.unpack_subelements %get3A_1043, 1 {pack_format = #tpu.pack_format<interleaved>} : vector<32xbf16> -> vector<16xf32>
        %mul3A_1046 = vector.broadcast %squeeze3A_1036 : f32 to vector<16xf32>
        %mul3A_1047 = arith.mulf %mul3A_1046, %unpack3A_1044 : vector<16xf32>
        %add3A_1048 = arith.addf %add3A_1031, %mul3A_1047 : vector<16xf32>
        %mul3A_1049 = vector.broadcast %squeeze3A_1036 : f32 to vector<16xf32>
        %mul3A_1050 = arith.mulf %mul3A_1049, %unpack3A_1045 : vector<16xf32>
        %add3A_1051 = arith.addf %add3A_1034, %mul3A_1050 : vector<16xf32>
        %slice3A_1052 = vector.extract_strided_slice %get3A_881 {offsets = [10], sizes = [1], strides = [1]} : vector<16xf32> to vector<1xf32>
        %squeeze3A_1053 = vector.extract %slice3A_1052[0] : f32 from vector<1xf32>
        %add3A_1054 = arith.constant 10 : i32
        %add3A_1055 = arith.addi %add3A_877, %add3A_1054 : i32
        %get3A_1056 = arith.constant 0 : i32
        %get3A_1057 = arith.index_cast %get3A_1056 : i32 to index
        %get3A_1058 = arith.index_cast %add3A_1055 : i32 to index
        %get3A_1059 = arith.constant 0 : index
        %get3A_1060 = tpu.vector_load %arg8[%get3A_1057, %get3A_1058, %get3A_1059] {strides = array<i32>} : memref<3x512x32xbf16, #tpu.memory_space<vmem>>, vector<32xbf16>,
        %unpack3A_1061 = tpu.unpack_subelements %get3A_1060, 0 {pack_format = #tpu.pack_format<interleaved>} : vector<32xbf16> -> vector<16xf32>
        %unpack3A_1062 = tpu.unpack_subelements %get3A_1060, 1 {pack_format = #tpu.pack_format<interleaved>} : vector<32xbf16> -> vector<16xf32>
        %mul3A_1063 = vector.broadcast %squeeze3A_1053 : f32 to vector<16xf32>
        %mul3A_1064 = arith.mulf %mul3A_1063, %unpack3A_1061 : vector<16xf32>
        %add3A_1065 = arith.addf %add3A_1048, %mul3A_1064 : vector<16xf32>
        %mul3A_1066 = vector.broadcast %squeeze3A_1053 : f32 to vector<16xf32>
        %mul3A_1067 = arith.mulf %mul3A_1066, %unpack3A_1062 : vector<16xf32>
        %add3A_1068 = arith.addf %add3A_1051, %mul3A_1067 : vector<16xf32>
        %slice3A_1069 = vector.extract_strided_slice %get3A_881 {offsets = [11], sizes = [1], strides = [1]} : vector<16xf32> to vector<1xf32>
        %squeeze3A_1070 = vector.extract %slice3A_1069[0] : f32 from vector<1xf32>
        %add3A_1071 = arith.constant 11 : i32
        %add3A_1072 = arith.addi %add3A_877, %add3A_1071 : i32
        %get3A_1073 = arith.constant 0 : i32
        %get3A_1074 = arith.index_cast %get3A_1073 : i32 to index
        %get3A_1075 = arith.index_cast %add3A_1072 : i32 to index
        %get3A_1076 = arith.constant 0 : index
        %get3A_1077 = tpu.vector_load %arg8[%get3A_1074, %get3A_1075, %get3A_1076] {strides = array<i32>} : memref<3x512x32xbf16, #tpu.memory_space<vmem>>, vector<32xbf16>,
        %unpack3A_1078 = tpu.unpack_subelements %get3A_1077, 0 {pack_format = #tpu.pack_format<interleaved>} : vector<32xbf16> -> vector<16xf32>
        %unpack3A_1079 = tpu.unpack_subelements %get3A_1077, 1 {pack_format = #tpu.pack_format<interleaved>} : vector<32xbf16> -> vector<16xf32>
        %mul3A_1080 = vector.broadcast %squeeze3A_1070 : f32 to vector<16xf32>
        %mul3A_1081 = arith.mulf %mul3A_1080, %unpack3A_1078 : vector<16xf32>
        %add3A_1082 = arith.addf %add3A_1065, %mul3A_1081 : vector<16xf32>
        %mul3A_1083 = vector.broadcast %squeeze3A_1070 : f32 to vector<16xf32>
        %mul3A_1084 = arith.mulf %mul3A_1083, %unpack3A_1079 : vector<16xf32>
        %add3A_1085 = arith.addf %add3A_1068, %mul3A_1084 : vector<16xf32>
        %slice3A_1086 = vector.extract_strided_slice %get3A_881 {offsets = [12], sizes = [1], strides = [1]} : vector<16xf32> to vector<1xf32>
        %squeeze3A_1087 = vector.extract %slice3A_1086[0] : f32 from vector<1xf32>
        %add3A_1088 = arith.constant 12 : i32
        %add3A_1089 = arith.addi %add3A_877, %add3A_1088 : i32
        %get3A_1090 = arith.constant 0 : i32
        %get3A_1091 = arith.index_cast %get3A_1090 : i32 to index
        %get3A_1092 = arith.index_cast %add3A_1089 : i32 to index
        %get3A_1093 = arith.constant 0 : index
        %get3A_1094 = tpu.vector_load %arg8[%get3A_1091, %get3A_1092, %get3A_1093] {strides = array<i32>} : memref<3x512x32xbf16, #tpu.memory_space<vmem>>, vector<32xbf16>,
        %unpack3A_1095 = tpu.unpack_subelements %get3A_1094, 0 {pack_format = #tpu.pack_format<interleaved>} : vector<32xbf16> -> vector<16xf32>
        %unpack3A_1096 = tpu.unpack_subelements %get3A_1094, 1 {pack_format = #tpu.pack_format<interleaved>} : vector<32xbf16> -> vector<16xf32>
        %mul3A_1097 = vector.broadcast %squeeze3A_1087 : f32 to vector<16xf32>
        %mul3A_1098 = arith.mulf %mul3A_1097, %unpack3A_1095 : vector<16xf32>
        %add3A_1099 = arith.addf %add3A_1082, %mul3A_1098 : vector<16xf32>
        %mul3A_1100 = vector.broadcast %squeeze3A_1087 : f32 to vector<16xf32>
        %mul3A_1101 = arith.mulf %mul3A_1100, %unpack3A_1096 : vector<16xf32>
        %add3A_1102 = arith.addf %add3A_1085, %mul3A_1101 : vector<16xf32>
        %slice3A_1103 = vector.extract_strided_slice %get3A_881 {offsets = [13], sizes = [1], strides = [1]} : vector<16xf32> to vector<1xf32>
        %squeeze3A_1104 = vector.extract %slice3A_1103[0] : f32 from vector<1xf32>
        %add3A_1105 = arith.constant 13 : i32
        %add3A_1106 = arith.addi %add3A_877, %add3A_1105 : i32
        %get3A_1107 = arith.constant 0 : i32
        %get3A_1108 = arith.index_cast %get3A_1107 : i32 to index
        %get3A_1109 = arith.index_cast %add3A_1106 : i32 to index
        %get3A_1110 = arith.constant 0 : index
        %get3A_1111 = tpu.vector_load %arg8[%get3A_1108, %get3A_1109, %get3A_1110] {strides = array<i32>} : memref<3x512x32xbf16, #tpu.memory_space<vmem>>, vector<32xbf16>,
        %unpack3A_1112 = tpu.unpack_subelements %get3A_1111, 0 {pack_format = #tpu.pack_format<interleaved>} : vector<32xbf16> -> vector<16xf32>
        %unpack3A_1113 = tpu.unpack_subelements %get3A_1111, 1 {pack_format = #tpu.pack_format<interleaved>} : vector<32xbf16> -> vector<16xf32>
        %mul3A_1114 = vector.broadcast %squeeze3A_1104 : f32 to vector<16xf32>
        %mul3A_1115 = arith.mulf %mul3A_1114, %unpack3A_1112 : vector<16xf32>
        %add3A_1116 = arith.addf %add3A_1099, %mul3A_1115 : vector<16xf32>
        %mul3A_1117 = vector.broadcast %squeeze3A_1104 : f32 to vector<16xf32>
        %mul3A_1118 = arith.mulf %mul3A_1117, %unpack3A_1113 : vector<16xf32>
        %add3A_1119 = arith.addf %add3A_1102, %mul3A_1118 : vector<16xf32>
        %slice3A_1120 = vector.extract_strided_slice %get3A_881 {offsets = [14], sizes = [1], strides = [1]} : vector<16xf32> to vector<1xf32>
        %squeeze3A_1121 = vector.extract %slice3A_1120[0] : f32 from vector<1xf32>
        %add3A_1122 = arith.constant 14 : i32
        %add3A_1123 = arith.addi %add3A_877, %add3A_1122 : i32
        %get3A_1124 = arith.constant 0 : i32
        %get3A_1125 = arith.index_cast %get3A_1124 : i32 to index
        %get3A_1126 = arith.index_cast %add3A_1123 : i32 to index
        %get3A_1127 = arith.constant 0 : index
        %get3A_1128 = tpu.vector_load %arg8[%get3A_1125, %get3A_1126, %get3A_1127] {strides = array<i32>} : memref<3x512x32xbf16, #tpu.memory_space<vmem>>, vector<32xbf16>,
        %unpack3A_1129 = tpu.unpack_subelements %get3A_1128, 0 {pack_format = #tpu.pack_format<interleaved>} : vector<32xbf16> -> vector<16xf32>
        %unpack3A_1130 = tpu.unpack_subelements %get3A_1128, 1 {pack_format = #tpu.pack_format<interleaved>} : vector<32xbf16> -> vector<16xf32>
        %mul3A_1131 = vector.broadcast %squeeze3A_1121 : f32 to vector<16xf32>
        %mul3A_1132 = arith.mulf %mul3A_1131, %unpack3A_1129 : vector<16xf32>
        %add3A_1133 = arith.addf %add3A_1116, %mul3A_1132 : vector<16xf32>
        %mul3A_1134 = vector.broadcast %squeeze3A_1121 : f32 to vector<16xf32>
        %mul3A_1135 = arith.mulf %mul3A_1134, %unpack3A_1130 : vector<16xf32>
        %add3A_1136 = arith.addf %add3A_1119, %mul3A_1135 : vector<16xf32>
        %slice3A_1137 = vector.extract_strided_slice %get3A_881 {offsets = [15], sizes = [1], strides = [1]} : vector<16xf32> to vector<1xf32>
        %squeeze3A_1138 = vector.extract %slice3A_1137[0] : f32 from vector<1xf32>
        %add3A_1139 = arith.constant 15 : i32
        %add3A_1140 = arith.addi %add3A_877, %add3A_1139 : i32
        %get3A_1141 = arith.constant 0 : i32
        %get3A_1142 = arith.index_cast %get3A_1141 : i32 to index
        %get3A_1143 = arith.index_cast %add3A_1140 : i32 to index
        %get3A_1144 = arith.constant 0 : index
        %get3A_1145 = tpu.vector_load %arg8[%get3A_1142, %get3A_1143, %get3A_1144] {strides = array<i32>} : memref<3x512x32xbf16, #tpu.memory_space<vmem>>, vector<32xbf16>,
        %unpack3A_1146 = tpu.unpack_subelements %get3A_1145, 0 {pack_format = #tpu.pack_format<interleaved>} : vector<32xbf16> -> vector<16xf32>
        %unpack3A_1147 = tpu.unpack_subelements %get3A_1145, 1 {pack_format = #tpu.pack_format<interleaved>} : vector<32xbf16> -> vector<16xf32>
        %mul3A_1148 = vector.broadcast %squeeze3A_1138 : f32 to vector<16xf32>
        %mul3A_1149 = arith.mulf %mul3A_1148, %unpack3A_1146 : vector<16xf32>
        %add3A_1150 = arith.addf %add3A_1133, %mul3A_1149 : vector<16xf32>
        %mul3A_1151 = vector.broadcast %squeeze3A_1138 : f32 to vector<16xf32>
        %mul3A_1152 = arith.mulf %mul3A_1151, %unpack3A_1147 : vector<16xf32>
        %add3A_1153 = arith.addf %add3A_1136, %mul3A_1152 : vector<16xf32>
        %mul3A_1154 = arith.constant 16 : i32
        %mul3A_1155 = arith.muli %scan3A_314, %mul3A_1154 : i32
        %add3A_1156 = arith.constant 384 : i32
        %add3A_1157 = arith.addi %add3A_1156, %mul3A_1155 : i32
        %get3A_1158 = arith.constant 0 : i32
        %get3A_1159 = arith.index_cast %get3A_1158 : i32 to index
        %get3A_1160 = arith.index_cast %add3A_1157 : i32 to index
        %get3A_1161 = tpu.vector_load %arg7[%get3A_1159, %get3A_1160] {strides = array<i32>} : memref<3x512xf32, #tpu.memory_space<vmem>>, vector<16xf32>,
        %slice3A_1162 = vector.extract_strided_slice %get3A_1161 {offsets = [0], sizes = [1], strides = [1]} : vector<16xf32> to vector<1xf32>
        %squeeze3A_1163 = vector.extract %slice3A_1162[0] : f32 from vector<1xf32>
        %add3A_1164 = arith.constant 0 : i32
        %add3A_1165 = arith.addi %add3A_1157, %add3A_1164 : i32
        %get3A_1166 = arith.constant 0 : i32
        %get3A_1167 = arith.index_cast %get3A_1166 : i32 to index
        %get3A_1168 = arith.index_cast %add3A_1165 : i32 to index
        %get3A_1169 = arith.constant 0 : index
        %get3A_1170 = tpu.vector_load %arg8[%get3A_1167, %get3A_1168, %get3A_1169] {strides = array<i32>} : memref<3x512x32xbf16, #tpu.memory_space<vmem>>, vector<32xbf16>,
        %unpack3A_1171 = tpu.unpack_subelements %get3A_1170, 0 {pack_format = #tpu.pack_format<interleaved>} : vector<32xbf16> -> vector<16xf32>
        %unpack3A_1172 = tpu.unpack_subelements %get3A_1170, 1 {pack_format = #tpu.pack_format<interleaved>} : vector<32xbf16> -> vector<16xf32>
        %mul3A_1173 = vector.broadcast %squeeze3A_1163 : f32 to vector<16xf32>
        %mul3A_1174 = arith.mulf %mul3A_1173, %unpack3A_1171 : vector<16xf32>
        %add3A_1175 = arith.addf %add3A_1150, %mul3A_1174 : vector<16xf32>
        %mul3A_1176 = vector.broadcast %squeeze3A_1163 : f32 to vector<16xf32>
        %mul3A_1177 = arith.mulf %mul3A_1176, %unpack3A_1172 : vector<16xf32>
        %add3A_1178 = arith.addf %add3A_1153, %mul3A_1177 : vector<16xf32>
        %slice3A_1179 = vector.extract_strided_slice %get3A_1161 {offsets = [1], sizes = [1], strides = [1]} : vector<16xf32> to vector<1xf32>
        %squeeze3A_1180 = vector.extract %slice3A_1179[0] : f32 from vector<1xf32>
        %add3A_1181 = arith.constant 1 : i32
        %add3A_1182 = arith.addi %add3A_1157, %add3A_1181 : i32
        %get3A_1183 = arith.constant 0 : i32
        %get3A_1184 = arith.index_cast %get3A_1183 : i32 to index
        %get3A_1185 = arith.index_cast %add3A_1182 : i32 to index
        %get3A_1186 = arith.constant 0 : index
        %get3A_1187 = tpu.vector_load %arg8[%get3A_1184, %get3A_1185, %get3A_1186] {strides = array<i32>} : memref<3x512x32xbf16, #tpu.memory_space<vmem>>, vector<32xbf16>,
        %unpack3A_1188 = tpu.unpack_subelements %get3A_1187, 0 {pack_format = #tpu.pack_format<interleaved>} : vector<32xbf16> -> vector<16xf32>
        %unpack3A_1189 = tpu.unpack_subelements %get3A_1187, 1 {pack_format = #tpu.pack_format<interleaved>} : vector<32xbf16> -> vector<16xf32>
        %mul3A_1190 = vector.broadcast %squeeze3A_1180 : f32 to vector<16xf32>
        %mul3A_1191 = arith.mulf %mul3A_1190, %unpack3A_1188 : vector<16xf32>
        %add3A_1192 = arith.addf %add3A_1175, %mul3A_1191 : vector<16xf32>
        %mul3A_1193 = vector.broadcast %squeeze3A_1180 : f32 to vector<16xf32>
        %mul3A_1194 = arith.mulf %mul3A_1193, %unpack3A_1189 : vector<16xf32>
        %add3A_1195 = arith.addf %add3A_1178, %mul3A_1194 : vector<16xf32>
        %slice3A_1196 = vector.extract_strided_slice %get3A_1161 {offsets = [2], sizes = [1], strides = [1]} : vector<16xf32> to vector<1xf32>
        %squeeze3A_1197 = vector.extract %slice3A_1196[0] : f32 from vector<1xf32>
        %add3A_1198 = arith.constant 2 : i32
        %add3A_1199 = arith.addi %add3A_1157, %add3A_1198 : i32
        %get3A_1200 = arith.constant 0 : i32
        %get3A_1201 = arith.index_cast %get3A_1200 : i32 to index
        %get3A_1202 = arith.index_cast %add3A_1199 : i32 to index
        %get3A_1203 = arith.constant 0 : index
        %get3A_1204 = tpu.vector_load %arg8[%get3A_1201, %get3A_1202, %get3A_1203] {strides = array<i32>} : memref<3x512x32xbf16, #tpu.memory_space<vmem>>, vector<32xbf16>,
        %unpack3A_1205 = tpu.unpack_subelements %get3A_1204, 0 {pack_format = #tpu.pack_format<interleaved>} : vector<32xbf16> -> vector<16xf32>
        %unpack3A_1206 = tpu.unpack_subelements %get3A_1204, 1 {pack_format = #tpu.pack_format<interleaved>} : vector<32xbf16> -> vector<16xf32>
        %mul3A_1207 = vector.broadcast %squeeze3A_1197 : f32 to vector<16xf32>
        %mul3A_1208 = arith.mulf %mul3A_1207, %unpack3A_1205 : vector<16xf32>
        %add3A_1209 = arith.addf %add3A_1192, %mul3A_1208 : vector<16xf32>
        %mul3A_1210 = vector.broadcast %squeeze3A_1197 : f32 to vector<16xf32>
        %mul3A_1211 = arith.mulf %mul3A_1210, %unpack3A_1206 : vector<16xf32>
        %add3A_1212 = arith.addf %add3A_1195, %mul3A_1211 : vector<16xf32>
        %slice3A_1213 = vector.extract_strided_slice %get3A_1161 {offsets = [3], sizes = [1], strides = [1]} : vector<16xf32> to vector<1xf32>
        %squeeze3A_1214 = vector.extract %slice3A_1213[0] : f32 from vector<1xf32>
        %add3A_1215 = arith.constant 3 : i32
        %add3A_1216 = arith.addi %add3A_1157, %add3A_1215 : i32
        %get3A_1217 = arith.constant 0 : i32
        %get3A_1218 = arith.index_cast %get3A_1217 : i32 to index
        %get3A_1219 = arith.index_cast %add3A_1216 : i32 to index
        %get3A_1220 = arith.constant 0 : index
        %get3A_1221 = tpu.vector_load %arg8[%get3A_1218, %get3A_1219, %get3A_1220] {strides = array<i32>} : memref<3x512x32xbf16, #tpu.memory_space<vmem>>, vector<32xbf16>,
        %unpack3A_1222 = tpu.unpack_subelements %get3A_1221, 0 {pack_format = #tpu.pack_format<interleaved>} : vector<32xbf16> -> vector<16xf32>
        %unpack3A_1223 = tpu.unpack_subelements %get3A_1221, 1 {pack_format = #tpu.pack_format<interleaved>} : vector<32xbf16> -> vector<16xf32>
        %mul3A_1224 = vector.broadcast %squeeze3A_1214 : f32 to vector<16xf32>
        %mul3A_1225 = arith.mulf %mul3A_1224, %unpack3A_1222 : vector<16xf32>
        %add3A_1226 = arith.addf %add3A_1209, %mul3A_1225 : vector<16xf32>
        %mul3A_1227 = vector.broadcast %squeeze3A_1214 : f32 to vector<16xf32>
        %mul3A_1228 = arith.mulf %mul3A_1227, %unpack3A_1223 : vector<16xf32>
        %add3A_1229 = arith.addf %add3A_1212, %mul3A_1228 : vector<16xf32>
        %slice3A_1230 = vector.extract_strided_slice %get3A_1161 {offsets = [4], sizes = [1], strides = [1]} : vector<16xf32> to vector<1xf32>
        %squeeze3A_1231 = vector.extract %slice3A_1230[0] : f32 from vector<1xf32>
        %add3A_1232 = arith.constant 4 : i32
        %add3A_1233 = arith.addi %add3A_1157, %add3A_1232 : i32
        %get3A_1234 = arith.constant 0 : i32
        %get3A_1235 = arith.index_cast %get3A_1234 : i32 to index
        %get3A_1236 = arith.index_cast %add3A_1233 : i32 to index
        %get3A_1237 = arith.constant 0 : index
        %get3A_1238 = tpu.vector_load %arg8[%get3A_1235, %get3A_1236, %get3A_1237] {strides = array<i32>} : memref<3x512x32xbf16, #tpu.memory_space<vmem>>, vector<32xbf16>,
        %unpack3A_1239 = tpu.unpack_subelements %get3A_1238, 0 {pack_format = #tpu.pack_format<interleaved>} : vector<32xbf16> -> vector<16xf32>
        %unpack3A_1240 = tpu.unpack_subelements %get3A_1238, 1 {pack_format = #tpu.pack_format<interleaved>} : vector<32xbf16> -> vector<16xf32>
        %mul3A_1241 = vector.broadcast %squeeze3A_1231 : f32 to vector<16xf32>
        %mul3A_1242 = arith.mulf %mul3A_1241, %unpack3A_1239 : vector<16xf32>
        %add3A_1243 = arith.addf %add3A_1226, %mul3A_1242 : vector<16xf32>
        %mul3A_1244 = vector.broadcast %squeeze3A_1231 : f32 to vector<16xf32>
        %mul3A_1245 = arith.mulf %mul3A_1244, %unpack3A_1240 : vector<16xf32>
        %add3A_1246 = arith.addf %add3A_1229, %mul3A_1245 : vector<16xf32>
        %slice3A_1247 = vector.extract_strided_slice %get3A_1161 {offsets = [5], sizes = [1], strides = [1]} : vector<16xf32> to vector<1xf32>
        %squeeze3A_1248 = vector.extract %slice3A_1247[0] : f32 from vector<1xf32>
        %add3A_1249 = arith.constant 5 : i32
        %add3A_1250 = arith.addi %add3A_1157, %add3A_1249 : i32
        %get3A_1251 = arith.constant 0 : i32
        %get3A_1252 = arith.index_cast %get3A_1251 : i32 to index
        %get3A_1253 = arith.index_cast %add3A_1250 : i32 to index
        %get3A_1254 = arith.constant 0 : index
        %get3A_1255 = tpu.vector_load %arg8[%get3A_1252, %get3A_1253, %get3A_1254] {strides = array<i32>} : memref<3x512x32xbf16, #tpu.memory_space<vmem>>, vector<32xbf16>,
        %unpack3A_1256 = tpu.unpack_subelements %get3A_1255, 0 {pack_format = #tpu.pack_format<interleaved>} : vector<32xbf16> -> vector<16xf32>
        %unpack3A_1257 = tpu.unpack_subelements %get3A_1255, 1 {pack_format = #tpu.pack_format<interleaved>} : vector<32xbf16> -> vector<16xf32>
        %mul3A_1258 = vector.broadcast %squeeze3A_1248 : f32 to vector<16xf32>
        %mul3A_1259 = arith.mulf %mul3A_1258, %unpack3A_1256 : vector<16xf32>
        %add3A_1260 = arith.addf %add3A_1243, %mul3A_1259 : vector<16xf32>
        %mul3A_1261 = vector.broadcast %squeeze3A_1248 : f32 to vector<16xf32>
        %mul3A_1262 = arith.mulf %mul3A_1261, %unpack3A_1257 : vector<16xf32>
        %add3A_1263 = arith.addf %add3A_1246, %mul3A_1262 : vector<16xf32>
        %slice3A_1264 = vector.extract_strided_slice %get3A_1161 {offsets = [6], sizes = [1], strides = [1]} : vector<16xf32> to vector<1xf32>
        %squeeze3A_1265 = vector.extract %slice3A_1264[0] : f32 from vector<1xf32>
        %add3A_1266 = arith.constant 6 : i32
        %add3A_1267 = arith.addi %add3A_1157, %add3A_1266 : i32
        %get3A_1268 = arith.constant 0 : i32
        %get3A_1269 = arith.index_cast %get3A_1268 : i32 to index
        %get3A_1270 = arith.index_cast %add3A_1267 : i32 to index
        %get3A_1271 = arith.constant 0 : index
        %get3A_1272 = tpu.vector_load %arg8[%get3A_1269, %get3A_1270, %get3A_1271] {strides = array<i32>} : memref<3x512x32xbf16, #tpu.memory_space<vmem>>, vector<32xbf16>,
        %unpack3A_1273 = tpu.unpack_subelements %get3A_1272, 0 {pack_format = #tpu.pack_format<interleaved>} : vector<32xbf16> -> vector<16xf32>
        %unpack3A_1274 = tpu.unpack_subelements %get3A_1272, 1 {pack_format = #tpu.pack_format<interleaved>} : vector<32xbf16> -> vector<16xf32>
        %mul3A_1275 = vector.broadcast %squeeze3A_1265 : f32 to vector<16xf32>
        %mul3A_1276 = arith.mulf %mul3A_1275, %unpack3A_1273 : vector<16xf32>
        %add3A_1277 = arith.addf %add3A_1260, %mul3A_1276 : vector<16xf32>
        %mul3A_1278 = vector.broadcast %squeeze3A_1265 : f32 to vector<16xf32>
        %mul3A_1279 = arith.mulf %mul3A_1278, %unpack3A_1274 : vector<16xf32>
        %add3A_1280 = arith.addf %add3A_1263, %mul3A_1279 : vector<16xf32>
        %slice3A_1281 = vector.extract_strided_slice %get3A_1161 {offsets = [7], sizes = [1], strides = [1]} : vector<16xf32> to vector<1xf32>
        %squeeze3A_1282 = vector.extract %slice3A_1281[0] : f32 from vector<1xf32>
        %add3A_1283 = arith.constant 7 : i32
        %add3A_1284 = arith.addi %add3A_1157, %add3A_1283 : i32
        %get3A_1285 = arith.constant 0 : i32
        %get3A_1286 = arith.index_cast %get3A_1285 : i32 to index
        %get3A_1287 = arith.index_cast %add3A_1284 : i32 to index
        %get3A_1288 = arith.constant 0 : index
        %get3A_1289 = tpu.vector_load %arg8[%get3A_1286, %get3A_1287, %get3A_1288] {strides = array<i32>} : memref<3x512x32xbf16, #tpu.memory_space<vmem>>, vector<32xbf16>,
        %unpack3A_1290 = tpu.unpack_subelements %get3A_1289, 0 {pack_format = #tpu.pack_format<interleaved>} : vector<32xbf16> -> vector<16xf32>
        %unpack3A_1291 = tpu.unpack_subelements %get3A_1289, 1 {pack_format = #tpu.pack_format<interleaved>} : vector<32xbf16> -> vector<16xf32>
        %mul3A_1292 = vector.broadcast %squeeze3A_1282 : f32 to vector<16xf32>
        %mul3A_1293 = arith.mulf %mul3A_1292, %unpack3A_1290 : vector<16xf32>
        %add3A_1294 = arith.addf %add3A_1277, %mul3A_1293 : vector<16xf32>
        %mul3A_1295 = vector.broadcast %squeeze3A_1282 : f32 to vector<16xf32>
        %mul3A_1296 = arith.mulf %mul3A_1295, %unpack3A_1291 : vector<16xf32>
        %add3A_1297 = arith.addf %add3A_1280, %mul3A_1296 : vector<16xf32>
        %slice3A_1298 = vector.extract_strided_slice %get3A_1161 {offsets = [8], sizes = [1], strides = [1]} : vector<16xf32> to vector<1xf32>
        %squeeze3A_1299 = vector.extract %slice3A_1298[0] : f32 from vector<1xf32>
        %add3A_1300 = arith.constant 8 : i32
        %add3A_1301 = arith.addi %add3A_1157, %add3A_1300 : i32
        %get3A_1302 = arith.constant 0 : i32
        %get3A_1303 = arith.index_cast %get3A_1302 : i32 to index
        %get3A_1304 = arith.index_cast %add3A_1301 : i32 to index
        %get3A_1305 = arith.constant 0 : index
        %get3A_1306 = tpu.vector_load %arg8[%get3A_1303, %get3A_1304, %get3A_1305] {strides = array<i32>} : memref<3x512x32xbf16, #tpu.memory_space<vmem>>, vector<32xbf16>,
        %unpack3A_1307 = tpu.unpack_subelements %get3A_1306, 0 {pack_format = #tpu.pack_format<interleaved>} : vector<32xbf16> -> vector<16xf32>
        %unpack3A_1308 = tpu.unpack_subelements %get3A_1306, 1 {pack_format = #tpu.pack_format<interleaved>} : vector<32xbf16> -> vector<16xf32>
        %mul3A_1309 = vector.broadcast %squeeze3A_1299 : f32 to vector<16xf32>
        %mul3A_1310 = arith.mulf %mul3A_1309, %unpack3A_1307 : vector<16xf32>
        %add3A_1311 = arith.addf %add3A_1294, %mul3A_1310 : vector<16xf32>
        %mul3A_1312 = vector.broadcast %squeeze3A_1299 : f32 to vector<16xf32>
        %mul3A_1313 = arith.mulf %mul3A_1312, %unpack3A_1308 : vector<16xf32>
        %add3A_1314 = arith.addf %add3A_1297, %mul3A_1313 : vector<16xf32>
        %slice3A_1315 = vector.extract_strided_slice %get3A_1161 {offsets = [9], sizes = [1], strides = [1]} : vector<16xf32> to vector<1xf32>
        %squeeze3A_1316 = vector.extract %slice3A_1315[0] : f32 from vector<1xf32>
        %add3A_1317 = arith.constant 9 : i32
        %add3A_1318 = arith.addi %add3A_1157, %add3A_1317 : i32
        %get3A_1319 = arith.constant 0 : i32
        %get3A_1320 = arith.index_cast %get3A_1319 : i32 to index
        %get3A_1321 = arith.index_cast %add3A_1318 : i32 to index
        %get3A_1322 = arith.constant 0 : index
        %get3A_1323 = tpu.vector_load %arg8[%get3A_1320, %get3A_1321, %get3A_1322] {strides = array<i32>} : memref<3x512x32xbf16, #tpu.memory_space<vmem>>, vector<32xbf16>,
        %unpack3A_1324 = tpu.unpack_subelements %get3A_1323, 0 {pack_format = #tpu.pack_format<interleaved>} : vector<32xbf16> -> vector<16xf32>
        %unpack3A_1325 = tpu.unpack_subelements %get3A_1323, 1 {pack_format = #tpu.pack_format<interleaved>} : vector<32xbf16> -> vector<16xf32>
        %mul3A_1326 = vector.broadcast %squeeze3A_1316 : f32 to vector<16xf32>
        %mul3A_1327 = arith.mulf %mul3A_1326, %unpack3A_1324 : vector<16xf32>
        %add3A_1328 = arith.addf %add3A_1311, %mul3A_1327 : vector<16xf32>
        %mul3A_1329 = vector.broadcast %squeeze3A_1316 : f32 to vector<16xf32>
        %mul3A_1330 = arith.mulf %mul3A_1329, %unpack3A_1325 : vector<16xf32>
        %add3A_1331 = arith.addf %add3A_1314, %mul3A_1330 : vector<16xf32>
        %slice3A_1332 = vector.extract_strided_slice %get3A_1161 {offsets = [10], sizes = [1], strides = [1]} : vector<16xf32> to vector<1xf32>
        %squeeze3A_1333 = vector.extract %slice3A_1332[0] : f32 from vector<1xf32>
        %add3A_1334 = arith.constant 10 : i32
        %add3A_1335 = arith.addi %add3A_1157, %add3A_1334 : i32
        %get3A_1336 = arith.constant 0 : i32
        %get3A_1337 = arith.index_cast %get3A_1336 : i32 to index
        %get3A_1338 = arith.index_cast %add3A_1335 : i32 to index
        %get3A_1339 = arith.constant 0 : index
        %get3A_1340 = tpu.vector_load %arg8[%get3A_1337, %get3A_1338, %get3A_1339] {strides = array<i32>} : memref<3x512x32xbf16, #tpu.memory_space<vmem>>, vector<32xbf16>,
        %unpack3A_1341 = tpu.unpack_subelements %get3A_1340, 0 {pack_format = #tpu.pack_format<interleaved>} : vector<32xbf16> -> vector<16xf32>
        %unpack3A_1342 = tpu.unpack_subelements %get3A_1340, 1 {pack_format = #tpu.pack_format<interleaved>} : vector<32xbf16> -> vector<16xf32>
        %mul3A_1343 = vector.broadcast %squeeze3A_1333 : f32 to vector<16xf32>
        %mul3A_1344 = arith.mulf %mul3A_1343, %unpack3A_1341 : vector<16xf32>
        %add3A_1345 = arith.addf %add3A_1328, %mul3A_1344 : vector<16xf32>
        %mul3A_1346 = vector.broadcast %squeeze3A_1333 : f32 to vector<16xf32>
        %mul3A_1347 = arith.mulf %mul3A_1346, %unpack3A_1342 : vector<16xf32>
        %add3A_1348 = arith.addf %add3A_1331, %mul3A_1347 : vector<16xf32>
        %slice3A_1349 = vector.extract_strided_slice %get3A_1161 {offsets = [11], sizes = [1], strides = [1]} : vector<16xf32> to vector<1xf32>
        %squeeze3A_1350 = vector.extract %slice3A_1349[0] : f32 from vector<1xf32>
        %add3A_1351 = arith.constant 11 : i32
        %add3A_1352 = arith.addi %add3A_1157, %add3A_1351 : i32
        %get3A_1353 = arith.constant 0 : i32
        %get3A_1354 = arith.index_cast %get3A_1353 : i32 to index
        %get3A_1355 = arith.index_cast %add3A_1352 : i32 to index
        %get3A_1356 = arith.constant 0 : index
        %get3A_1357 = tpu.vector_load %arg8[%get3A_1354, %get3A_1355, %get3A_1356] {strides = array<i32>} : memref<3x512x32xbf16, #tpu.memory_space<vmem>>, vector<32xbf16>,
        %unpack3A_1358 = tpu.unpack_subelements %get3A_1357, 0 {pack_format = #tpu.pack_format<interleaved>} : vector<32xbf16> -> vector<16xf32>
        %unpack3A_1359 = tpu.unpack_subelements %get3A_1357, 1 {pack_format = #tpu.pack_format<interleaved>} : vector<32xbf16> -> vector<16xf32>
        %mul3A_1360 = vector.broadcast %squeeze3A_1350 : f32 to vector<16xf32>
        %mul3A_1361 = arith.mulf %mul3A_1360, %unpack3A_1358 : vector<16xf32>
        %add3A_1362 = arith.addf %add3A_1345, %mul3A_1361 : vector<16xf32>
        %mul3A_1363 = vector.broadcast %squeeze3A_1350 : f32 to vector<16xf32>
        %mul3A_1364 = arith.mulf %mul3A_1363, %unpack3A_1359 : vector<16xf32>
        %add3A_1365 = arith.addf %add3A_1348, %mul3A_1364 : vector<16xf32>
        %slice3A_1366 = vector.extract_strided_slice %get3A_1161 {offsets = [12], sizes = [1], strides = [1]} : vector<16xf32> to vector<1xf32>
        %squeeze3A_1367 = vector.extract %slice3A_1366[0] : f32 from vector<1xf32>
        %add3A_1368 = arith.constant 12 : i32
        %add3A_1369 = arith.addi %add3A_1157, %add3A_1368 : i32
        %get3A_1370 = arith.constant 0 : i32
        %get3A_1371 = arith.index_cast %get3A_1370 : i32 to index
        %get3A_1372 = arith.index_cast %add3A_1369 : i32 to index
        %get3A_1373 = arith.constant 0 : index
        %get3A_1374 = tpu.vector_load %arg8[%get3A_1371, %get3A_1372, %get3A_1373] {strides = array<i32>} : memref<3x512x32xbf16, #tpu.memory_space<vmem>>, vector<32xbf16>,
        %unpack3A_1375 = tpu.unpack_subelements %get3A_1374, 0 {pack_format = #tpu.pack_format<interleaved>} : vector<32xbf16> -> vector<16xf32>
        %unpack3A_1376 = tpu.unpack_subelements %get3A_1374, 1 {pack_format = #tpu.pack_format<interleaved>} : vector<32xbf16> -> vector<16xf32>
        %mul3A_1377 = vector.broadcast %squeeze3A_1367 : f32 to vector<16xf32>
        %mul3A_1378 = arith.mulf %mul3A_1377, %unpack3A_1375 : vector<16xf32>
        %add3A_1379 = arith.addf %add3A_1362, %mul3A_1378 : vector<16xf32>
        %mul3A_1380 = vector.broadcast %squeeze3A_1367 : f32 to vector<16xf32>
        %mul3A_1381 = arith.mulf %mul3A_1380, %unpack3A_1376 : vector<16xf32>
        %add3A_1382 = arith.addf %add3A_1365, %mul3A_1381 : vector<16xf32>
        %slice3A_1383 = vector.extract_strided_slice %get3A_1161 {offsets = [13], sizes = [1], strides = [1]} : vector<16xf32> to vector<1xf32>
        %squeeze3A_1384 = vector.extract %slice3A_1383[0] : f32 from vector<1xf32>
        %add3A_1385 = arith.constant 13 : i32
        %add3A_1386 = arith.addi %add3A_1157, %add3A_1385 : i32
        %get3A_1387 = arith.constant 0 : i32
        %get3A_1388 = arith.index_cast %get3A_1387 : i32 to index
        %get3A_1389 = arith.index_cast %add3A_1386 : i32 to index
        %get3A_1390 = arith.constant 0 : index
        %get3A_1391 = tpu.vector_load %arg8[%get3A_1388, %get3A_1389, %get3A_1390] {strides = array<i32>} : memref<3x512x32xbf16, #tpu.memory_space<vmem>>, vector<32xbf16>,
        %unpack3A_1392 = tpu.unpack_subelements %get3A_1391, 0 {pack_format = #tpu.pack_format<interleaved>} : vector<32xbf16> -> vector<16xf32>
        %unpack3A_1393 = tpu.unpack_subelements %get3A_1391, 1 {pack_format = #tpu.pack_format<interleaved>} : vector<32xbf16> -> vector<16xf32>
        %mul3A_1394 = vector.broadcast %squeeze3A_1384 : f32 to vector<16xf32>
        %mul3A_1395 = arith.mulf %mul3A_1394, %unpack3A_1392 : vector<16xf32>
        %add3A_1396 = arith.addf %add3A_1379, %mul3A_1395 : vector<16xf32>
        %mul3A_1397 = vector.broadcast %squeeze3A_1384 : f32 to vector<16xf32>
        %mul3A_1398 = arith.mulf %mul3A_1397, %unpack3A_1393 : vector<16xf32>
        %add3A_1399 = arith.addf %add3A_1382, %mul3A_1398 : vector<16xf32>
        %slice3A_1400 = vector.extract_strided_slice %get3A_1161 {offsets = [14], sizes = [1], strides = [1]} : vector<16xf32> to vector<1xf32>
        %squeeze3A_1401 = vector.extract %slice3A_1400[0] : f32 from vector<1xf32>
        %add3A_1402 = arith.constant 14 : i32
        %add3A_1403 = arith.addi %add3A_1157, %add3A_1402 : i32
        %get3A_1404 = arith.constant 0 : i32
        %get3A_1405 = arith.index_cast %get3A_1404 : i32 to index
        %get3A_1406 = arith.index_cast %add3A_1403 : i32 to index
        %get3A_1407 = arith.constant 0 : index
        %get3A_1408 = tpu.vector_load %arg8[%get3A_1405, %get3A_1406, %get3A_1407] {strides = array<i32>} : memref<3x512x32xbf16, #tpu.memory_space<vmem>>, vector<32xbf16>,
        %unpack3A_1409 = tpu.unpack_subelements %get3A_1408, 0 {pack_format = #tpu.pack_format<interleaved>} : vector<32xbf16> -> vector<16xf32>
        %unpack3A_1410 = tpu.unpack_subelements %get3A_1408, 1 {pack_format = #tpu.pack_format<interleaved>} : vector<32xbf16> -> vector<16xf32>
        %mul3A_1411 = vector.broadcast %squeeze3A_1401 : f32 to vector<16xf32>
        %mul3A_1412 = arith.mulf %mul3A_1411, %unpack3A_1409 : vector<16xf32>
        %add3A_1413 = arith.addf %add3A_1396, %mul3A_1412 : vector<16xf32>
        %mul3A_1414 = vector.broadcast %squeeze3A_1401 : f32 to vector<16xf32>
        %mul3A_1415 = arith.mulf %mul3A_1414, %unpack3A_1410 : vector<16xf32>
        %add3A_1416 = arith.addf %add3A_1399, %mul3A_1415 : vector<16xf32>
        %slice3A_1417 = vector.extract_strided_slice %get3A_1161 {offsets = [15], sizes = [1], strides = [1]} : vector<16xf32> to vector<1xf32>
        %squeeze3A_1418 = vector.extract %slice3A_1417[0] : f32 from vector<1xf32>
        %add3A_1419 = arith.constant 15 : i32
        %add3A_1420 = arith.addi %add3A_1157, %add3A_1419 : i32
        %get3A_1421 = arith.constant 0 : i32
        %get3A_1422 = arith.index_cast %get3A_1421 : i32 to index
        %get3A_1423 = arith.index_cast %add3A_1420 : i32 to index
        %get3A_1424 = arith.constant 0 : index
        %get3A_1425 = tpu.vector_load %arg8[%get3A_1422, %get3A_1423, %get3A_1424] {strides = array<i32>} : memref<3x512x32xbf16, #tpu.memory_space<vmem>>, vector<32xbf16>,
        %unpack3A_1426 = tpu.unpack_subelements %get3A_1425, 0 {pack_format = #tpu.pack_format<interleaved>} : vector<32xbf16> -> vector<16xf32>
        %unpack3A_1427 = tpu.unpack_subelements %get3A_1425, 1 {pack_format = #tpu.pack_format<interleaved>} : vector<32xbf16> -> vector<16xf32>
        %mul3A_1428 = vector.broadcast %squeeze3A_1418 : f32 to vector<16xf32>
        %mul3A_1429 = arith.mulf %mul3A_1428, %unpack3A_1426 : vector<16xf32>
        %add3A_1430 = arith.addf %add3A_1413, %mul3A_1429 : vector<16xf32>
        %mul3A_1431 = vector.broadcast %squeeze3A_1418 : f32 to vector<16xf32>
        %mul3A_1432 = arith.mulf %mul3A_1431, %unpack3A_1427 : vector<16xf32>
        %add3A_1433 = arith.addf %add3A_1416, %mul3A_1432 : vector<16xf32>
        %swap3A = arith.index_cast %add3A_180 : i32 to index
        %swap3A_1434 = arith.index_cast %scan3A_314 : i32 to index
        %swap3A_1435 = arith.constant 0 : index
        %swap3A_1436 = tpu.vector_load %arg9[%swap3A, %swap3A_1434, %swap3A_1435] {strides = array<i32>} : memref<75x8x32xf32, #tpu.memory_space<vmem>>, vector<16xf32>,
        tpu.vector_store %arg9[%swap3A, %swap3A_1434, %swap3A_1435], %add3A_1430 {strides = array<i32>} : memref<75x8x32xf32, #tpu.memory_space<vmem>>, vector<16xf32>,
        %swap3A_1437 = arith.index_cast %add3A_180 : i32 to index
        %swap3A_1438 = arith.index_cast %scan3A_314 : i32 to index
        %swap3A_1439 = arith.constant 16 : index
        %swap3A_1440 = tpu.vector_load %arg9[%swap3A_1437, %swap3A_1438, %swap3A_1439] {strides = array<i32>} : memref<75x8x32xf32, #tpu.memory_space<vmem>>, vector<16xf32>,
        tpu.vector_store %arg9[%swap3A_1437, %swap3A_1438, %swap3A_1439], %add3A_1433 {strides = array<i32>} : memref<75x8x32xf32, #tpu.memory_space<vmem>>, vector<16xf32>,
      }
      %scan3A_186 = arith.constant 8 : i32
      %add3A_187 = arith.constant 3 : i32
      %add3A_188 = arith.addi %mul3A_126, %add3A_187 : i32
      %add3A_189 = arith.constant 0 : i32
      %add3A_190 = arith.addi %add3A_188, %add3A_189 : i32
      %min3A = arith.constant 74 : i32
      %min3A_191 = arith.minsi %add3A_190, %min3A : i32
      %dma_start3A_192 = arith.constant 0 : i32
      %dma_start3A_193 = arith.constant 0 : i32
      %dma_start3A_194 = arith.constant 0 : i32
      %dma_start3A_195 = tpu.memref_slice %arg8[%dma_start3A_192, %dma_start3A_193, %dma_start3A_194] : memref<3x512x32xbf16, #tpu.memory_space<vmem>> -> memref<1x512x32xbf16, #tpu.memory_space<vmem>>
      %dma_start3A_196 = tpu.memref_squeeze %dma_start3A_195 : memref<1x512x32xbf16, #tpu.memory_space<vmem>> -> memref<512x32xbf16, #tpu.memory_space<vmem>>
      %dma_start3A_197 = arith.constant 0 : i32
      %dma_start3A_198 = tpu.memref_slice %arg6[%min3A_191, %dma_start3A_197] : memref<75x512xi32, #tpu.memory_space<vmem>> -> memref<1x512xi32, #tpu.memory_space<vmem>>
      %dma_start3A_199 = tpu.memref_squeeze %dma_start3A_198 : memref<1x512xi32, #tpu.memory_space<vmem>> -> memref<512xi32, #tpu.memory_space<vmem>>
      %dma_start3A_200 = arith.constant 0 : i32
      %dma_start3A_201 = arith.constant 0 : i32
      %dma_start3A_202 = tpu.memref_slice %arg2[%dma_start3A_200, %dma_start3A_201] : memref<348160x32xbf16, #tpu.memory_space<hbm>> -> memref<348160x32xbf16, #tpu.memory_space<hbm>>
      tpu.enqueue_indirect_dma source(%dma_start3A_202 : memref<348160x32xbf16, #tpu.memory_space<hbm>>) target(%dma_start3A_196 : memref<512x32xbf16, #tpu.memory_space<vmem>>) offsets(%dma_start3A_199 : memref<512xi32, #tpu.memory_space<vmem>>) semaphore(%arg11 : memref<!tpu.dma_semaphore, #tpu.memory_space<semaphore_mem>>)
      %dma_start3A_203 = arith.constant 0 : i32
      %dma_start3A_204 = arith.constant 0 : i32
      %dma_start3A_205 = tpu.memref_slice %arg7[%dma_start3A_203, %dma_start3A_204] : memref<3x512xf32, #tpu.memory_space<vmem>> -> memref<1x512xf32, #tpu.memory_space<vmem>>
      %dma_start3A_206 = tpu.memref_squeeze %dma_start3A_205 : memref<1x512xf32, #tpu.memory_space<vmem>> -> memref<512xf32, #tpu.memory_space<vmem>>
      %dma_start3A_207 = arith.constant 0 : i32
      %dma_start3A_208 = tpu.memref_slice %arg4[%add3A, %min3A_191, %dma_start3A_207] : memref<32x75x512xf32, #tpu.memory_space<hbm>> -> memref<1x1x512xf32, #tpu.memory_space<hbm>>
      %dma_start3A_209 = tpu.memref_squeeze %dma_start3A_208 : memref<1x1x512xf32, #tpu.memory_space<hbm>> -> memref<512xf32, #tpu.memory_space<hbm>>
      %dma_start3A_210 = arith.constant 0 : i32
      %dma_start3A_211 = tpu.memref_slice %arg7[%dma_start3A_203, %dma_start3A_210] : memref<3x512xf32, #tpu.memory_space<vmem>> -> memref<1x512xf32, #tpu.memory_space<vmem>>
      %dma_start3A_212 = tpu.memref_squeeze %dma_start3A_211 : memref<1x512xf32, #tpu.memory_space<vmem>> -> memref<512xf32, #tpu.memory_space<vmem>>
      %dma_start3A_213 = arith.constant 0 : i32
      %dma_start3A_214 = tpu.memref_slice %arg4[%add3A, %min3A_191, %dma_start3A_213] : memref<32x75x512xf32, #tpu.memory_space<hbm>> -> memref<1x1x512xf32, #tpu.memory_space<hbm>>
      %dma_start3A_215 = tpu.memref_squeeze %dma_start3A_214 : memref<1x1x512xf32, #tpu.memory_space<hbm>> -> memref<512xf32, #tpu.memory_space<hbm>>
      tpu.enqueue_dma source(%dma_start3A_215 : memref<512xf32, #tpu.memory_space<hbm>>) target(%dma_start3A_212 : memref<512xf32, #tpu.memory_space<vmem>>) target_semaphore(%arg14 : memref<!tpu.dma_semaphore, #tpu.memory_space<semaphore_mem>>)
      %add3A_216 = arith.constant 1 : i32
      %add3A_217 = arith.addi %mul3A_126, %add3A_216 : i32
      %dma_wait3A_218 = arith.constant 1 : i32
      %dma_wait3A_219 = arith.constant 0 : i32
      %dma_wait3A_220 = arith.constant 0 : i32
      %dma_wait3A_221 = tpu.memref_slice %arg8[%dma_wait3A_218, %dma_wait3A_219, %dma_wait3A_220] : memref<3x512x32xbf16, #tpu.memory_space<vmem>> -> memref<1x512x32xbf16, #tpu.memory_space<vmem>>
      %dma_wait3A_222 = tpu.memref_squeeze %dma_wait3A_221 : memref<1x512x32xbf16, #tpu.memory_space<vmem>> -> memref<512x32xbf16, #tpu.memory_space<vmem>>
      %dma_wait3A_223 = arith.constant 0 : i32
      %dma_wait3A_224 = tpu.memref_slice %arg6[%add3A_217, %dma_wait3A_223] : memref<75x512xi32, #tpu.memory_space<vmem>> -> memref<1x512xi32, #tpu.memory_space<vmem>>
      %dma_wait3A_225 = tpu.memref_squeeze %dma_wait3A_224 : memref<1x512xi32, #tpu.memory_space<vmem>> -> memref<512xi32, #tpu.memory_space<vmem>>
      %dma_wait3A_226 = arith.constant 0 : i32
      %dma_wait3A_227 = arith.constant 0 : i32
      %dma_wait3A_228 = tpu.memref_slice %arg2[%dma_wait3A_226, %dma_wait3A_227] : memref<348160x32xbf16, #tpu.memory_space<hbm>> -> memref<348160x32xbf16, #tpu.memory_space<hbm>>
      tpu.wait_indirect_dma semaphore(%arg12 : memref<!tpu.dma_semaphore, #tpu.memory_space<semaphore_mem>>) src(%dma_wait3A_228 : memref<348160x32xbf16, #tpu.memory_space<hbm>>) dst(%dma_wait3A_222 : memref<512x32xbf16, #tpu.memory_space<vmem>>)
      %dma_wait3A_229 = arith.constant 1 : i32
      %dma_wait3A_230 = arith.constant 0 : i32
      %dma_wait3A_231 = tpu.memref_slice %arg7[%dma_wait3A_229, %dma_wait3A_230] : memref<3x512xf32, #tpu.memory_space<vmem>> -> memref<1x512xf32, #tpu.memory_space<vmem>>
      %dma_wait3A_232 = tpu.memref_squeeze %dma_wait3A_231 : memref<1x512xf32, #tpu.memory_space<vmem>> -> memref<512xf32, #tpu.memory_space<vmem>>
      %dma_wait3A_233 = arith.constant 0 : i32
      %dma_wait3A_234 = tpu.memref_slice %arg4[%add3A, %add3A_217, %dma_wait3A_233] : memref<32x75x512xf32, #tpu.memory_space<hbm>> -> memref<1x1x512xf32, #tpu.memory_space<hbm>>
      %dma_wait3A_235 = tpu.memref_squeeze %dma_wait3A_234 : memref<1x1x512xf32, #tpu.memory_space<hbm>> -> memref<512xf32, #tpu.memory_space<hbm>>
      %dma_wait3A_236 = arith.constant 0 : i32
      %dma_wait3A_237 = tpu.memref_slice %arg7[%dma_wait3A_229, %dma_wait3A_236] : memref<3x512xf32, #tpu.memory_space<vmem>> -> memref<1x512xf32, #tpu.memory_space<vmem>>
      %dma_wait3A_238 = tpu.memref_squeeze %dma_wait3A_237 : memref<1x512xf32, #tpu.memory_space<vmem>> -> memref<512xf32, #tpu.memory_space<vmem>>
      %dma_wait3A_239 = arith.constant 0 : i32
      %dma_wait3A_240 = tpu.memref_slice %arg4[%add3A, %add3A_217, %dma_wait3A_239] : memref<32x75x512xf32, #tpu.memory_space<hbm>> -> memref<1x1x512xf32, #tpu.memory_space<hbm>>
      %dma_wait3A_241 = tpu.memref_squeeze %dma_wait3A_240 : memref<1x1x512xf32, #tpu.memory_space<hbm>> -> memref<512xf32, #tpu.memory_space<hbm>>
      tpu.wait_dma2 semaphore(%arg15 : memref<!tpu.dma_semaphore, #tpu.memory_space<semaphore_mem>>) src(%dma_wait3A_241 : memref<512xf32, #tpu.memory_space<hbm>>) dst(%dma_wait3A_238 : memref<512xf32, #tpu.memory_space<vmem>>)
      %add3A_242 = arith.constant 1 : i32
      %add3A_243 = arith.addi %mul3A_126, %add3A_242 : i32
      %scan3A_244 = arith.constant 0 : i32
      %scan3A_245 = arith.constant 0 : i32
      %scan3A_246 = arith.constant 8 : i32
      %scan3A_247 = arith.addi %scan3A_245, %scan3A_246 : i32
      %scan3A_248 = arith.constant 1 : i32
      scf.for %scan3A_314 = %scan3A_245 to %scan3A_247 step %scan3A_248  : i32 {
        %broadcast_in_dim3A = arith.constant 0.000000e+00 : f32
        %broadcast_in_dim3A_315 = vector.broadcast %broadcast_in_dim3A : f32 to vector<16xf32>
        %broadcast_in_dim3A_316 = arith.constant 0.000000e+00 : f32
        %broadcast_in_dim3A_317 = vector.broadcast %broadcast_in_dim3A_316 : f32 to vector<16xf32>
        %mul3A_318 = arith.constant 16 : i32
        %mul3A_319 = arith.muli %scan3A_314, %mul3A_318 : i32
        %add3A_320 = arith.constant 0 : i32
        %add3A_321 = arith.addi %add3A_320, %mul3A_319 : i32
        %get3A = arith.constant 1 : i32
        %get3A_322 = arith.index_cast %get3A : i32 to index
        %get3A_323 = arith.index_cast %add3A_321 : i32 to index
        %get3A_324 = tpu.vector_load %arg7[%get3A_322, %get3A_323] {strides = array<i32>} : memref<3x512xf32, #tpu.memory_space<vmem>>, vector<16xf32>,
        %slice3A = vector.extract_strided_slice %get3A_324 {offsets = [0], sizes = [1], strides = [1]} : vector<16xf32> to vector<1xf32>
        %squeeze3A = vector.extract %slice3A[0] : f32 from vector<1xf32>
        %add3A_325 = arith.constant 0 : i32
        %add3A_326 = arith.addi %add3A_321, %add3A_325 : i32
        %get3A_327 = arith.constant 1 : i32
        %get3A_328 = arith.index_cast %get3A_327 : i32 to index
        %get3A_329 = arith.index_cast %add3A_326 : i32 to index
        %get3A_330 = arith.constant 0 : index
        %get3A_331 = tpu.vector_load %arg8[%get3A_328, %get3A_329, %get3A_330] {strides = array<i32>} : memref<3x512x32xbf16, #tpu.memory_space<vmem>>, vector<32xbf16>,
        %unpack3A = tpu.unpack_subelements %get3A_331, 0 {pack_format = #tpu.pack_format<interleaved>} : vector<32xbf16> -> vector<16xf32>
        %unpack3A_332 = tpu.unpack_subelements %get3A_331, 1 {pack_format = #tpu.pack_format<interleaved>} : vector<32xbf16> -> vector<16xf32>
        %mul3A_333 = vector.broadcast %squeeze3A : f32 to vector<16xf32>
        %mul3A_334 = arith.mulf %mul3A_333, %unpack3A : vector<16xf32>
        %add3A_335 = arith.addf %broadcast_in_dim3A_315, %mul3A_334 : vector<16xf32>
        %mul3A_336 = vector.broadcast %squeeze3A : f32 to vector<16xf32>
        %mul3A_337 = arith.mulf %mul3A_336, %unpack3A_332 : vector<16xf32>
        %add3A_338 = arith.addf %broadcast_in_dim3A_317, %mul3A_337 : vector<16xf32>
        %slice3A_339 = vector.extract_strided_slice %get3A_324 {offsets = [1], sizes = [1], strides = [1]} : vector<16xf32> to vector<1xf32>
        %squeeze3A_340 = vector.extract %slice3A_339[0] : f32 from vector<1xf32>
        %add3A_341 = arith.constant 1 : i32
        %add3A_342 = arith.addi %add3A_321, %add3A_341 : i32
        %get3A_343 = arith.constant 1 : i32
        %get3A_344 = arith.index_cast %get3A_343 : i32 to index
        %get3A_345 = arith.index_cast %add3A_342 : i32 to index
        %get3A_346 = arith.constant 0 : index
        %get3A_347 = tpu.vector_load %arg8[%get3A_344, %get3A_345, %get3A_346] {strides = array<i32>} : memref<3x512x32xbf16, #tpu.memory_space<vmem>>, vector<32xbf16>,
        %unpack3A_348 = tpu.unpack_subelements %get3A_347, 0 {pack_format = #tpu.pack_format<interleaved>} : vector<32xbf16> -> vector<16xf32>
        %unpack3A_349 = tpu.unpack_subelements %get3A_347, 1 {pack_format = #tpu.pack_format<interleaved>} : vector<32xbf16> -> vector<16xf32>
        %mul3A_350 = vector.broadcast %squeeze3A_340 : f32 to vector<16xf32>
        %mul3A_351 = arith.mulf %mul3A_350, %unpack3A_348 : vector<16xf32>
        %add3A_352 = arith.addf %add3A_335, %mul3A_351 : vector<16xf32>
        %mul3A_353 = vector.broadcast %squeeze3A_340 : f32 to vector<16xf32>
        %mul3A_354 = arith.mulf %mul3A_353, %unpack3A_349 : vector<16xf32>
        %add3A_355 = arith.addf %add3A_338, %mul3A_354 : vector<16xf32>
        %slice3A_356 = vector.extract_strided_slice %get3A_324 {offsets = [2], sizes = [1], strides = [1]} : vector<16xf32> to vector<1xf32>
        %squeeze3A_357 = vector.extract %slice3A_356[0] : f32 from vector<1xf32>
        %add3A_358 = arith.constant 2 : i32
        %add3A_359 = arith.addi %add3A_321, %add3A_358 : i32
        %get3A_360 = arith.constant 1 : i32
        %get3A_361 = arith.index_cast %get3A_360 : i32 to index
        %get3A_362 = arith.index_cast %add3A_359 : i32 to index
        %get3A_363 = arith.constant 0 : index
        %get3A_364 = tpu.vector_load %arg8[%get3A_361, %get3A_362, %get3A_363] {strides = array<i32>} : memref<3x512x32xbf16, #tpu.memory_space<vmem>>, vector<32xbf16>,
        %unpack3A_365 = tpu.unpack_subelements %get3A_364, 0 {pack_format = #tpu.pack_format<interleaved>} : vector<32xbf16> -> vector<16xf32>
        %unpack3A_366 = tpu.unpack_subelements %get3A_364, 1 {pack_format = #tpu.pack_format<interleaved>} : vector<32xbf16> -> vector<16xf32>
        %mul3A_367 = vector.broadcast %squeeze3A_357 : f32 to vector<16xf32>
        %mul3A_368 = arith.mulf %mul3A_367, %unpack3A_365 : vector<16xf32>
        %add3A_369 = arith.addf %add3A_352, %mul3A_368 : vector<16xf32>
        %mul3A_370 = vector.broadcast %squeeze3A_357 : f32 to vector<16xf32>
        %mul3A_371 = arith.mulf %mul3A_370, %unpack3A_366 : vector<16xf32>
        %add3A_372 = arith.addf %add3A_355, %mul3A_371 : vector<16xf32>
        %slice3A_373 = vector.extract_strided_slice %get3A_324 {offsets = [3], sizes = [1], strides = [1]} : vector<16xf32> to vector<1xf32>
        %squeeze3A_374 = vector.extract %slice3A_373[0] : f32 from vector<1xf32>
        %add3A_375 = arith.constant 3 : i32
        %add3A_376 = arith.addi %add3A_321, %add3A_375 : i32
        %get3A_377 = arith.constant 1 : i32
        %get3A_378 = arith.index_cast %get3A_377 : i32 to index
        %get3A_379 = arith.index_cast %add3A_376 : i32 to index
        %get3A_380 = arith.constant 0 : index
        %get3A_381 = tpu.vector_load %arg8[%get3A_378, %get3A_379, %get3A_380] {strides = array<i32>} : memref<3x512x32xbf16, #tpu.memory_space<vmem>>, vector<32xbf16>,
        %unpack3A_382 = tpu.unpack_subelements %get3A_381, 0 {pack_format = #tpu.pack_format<interleaved>} : vector<32xbf16> -> vector<16xf32>
        %unpack3A_383 = tpu.unpack_subelements %get3A_381, 1 {pack_format = #tpu.pack_format<interleaved>} : vector<32xbf16> -> vector<16xf32>
        %mul3A_384 = vector.broadcast %squeeze3A_374 : f32 to vector<16xf32>
        %mul3A_385 = arith.mulf %mul3A_384, %unpack3A_382 : vector<16xf32>
        %add3A_386 = arith.addf %add3A_369, %mul3A_385 : vector<16xf32>
        %mul3A_387 = vector.broadcast %squeeze3A_374 : f32 to vector<16xf32>
        %mul3A_388 = arith.mulf %mul3A_387, %unpack3A_383 : vector<16xf32>
        %add3A_389 = arith.addf %add3A_372, %mul3A_388 : vector<16xf32>
        %slice3A_390 = vector.extract_strided_slice %get3A_324 {offsets = [4], sizes = [1], strides = [1]} : vector<16xf32> to vector<1xf32>
        %squeeze3A_391 = vector.extract %slice3A_390[0] : f32 from vector<1xf32>
        %add3A_392 = arith.constant 4 : i32
        %add3A_393 = arith.addi %add3A_321, %add3A_392 : i32
        %get3A_394 = arith.constant 1 : i32
        %get3A_395 = arith.index_cast %get3A_394 : i32 to index
        %get3A_396 = arith.index_cast %add3A_393 : i32 to index
        %get3A_397 = arith.constant 0 : index
        %get3A_398 = tpu.vector_load %arg8[%get3A_395, %get3A_396, %get3A_397] {strides = array<i32>} : memref<3x512x32xbf16, #tpu.memory_space<vmem>>, vector<32xbf16>,
        %unpack3A_399 = tpu.unpack_subelements %get3A_398, 0 {pack_format = #tpu.pack_format<interleaved>} : vector<32xbf16> -> vector<16xf32>
        %unpack3A_400 = tpu.unpack_subelements %get3A_398, 1 {pack_format = #tpu.pack_format<interleaved>} : vector<32xbf16> -> vector<16xf32>
        %mul3A_401 = vector.broadcast %squeeze3A_391 : f32 to vector<16xf32>
        %mul3A_402 = arith.mulf %mul3A_401, %unpack3A_399 : vector<16xf32>
        %add3A_403 = arith.addf %add3A_386, %mul3A_402 : vector<16xf32>
        %mul3A_404 = vector.broadcast %squeeze3A_391 : f32 to vector<16xf32>
        %mul3A_405 = arith.mulf %mul3A_404, %unpack3A_400 : vector<16xf32>
        %add3A_406 = arith.addf %add3A_389, %mul3A_405 : vector<16xf32>
        %slice3A_407 = vector.extract_strided_slice %get3A_324 {offsets = [5], sizes = [1], strides = [1]} : vector<16xf32> to vector<1xf32>
        %squeeze3A_408 = vector.extract %slice3A_407[0] : f32 from vector<1xf32>
        %add3A_409 = arith.constant 5 : i32
        %add3A_410 = arith.addi %add3A_321, %add3A_409 : i32
        %get3A_411 = arith.constant 1 : i32
        %get3A_412 = arith.index_cast %get3A_411 : i32 to index
        %get3A_413 = arith.index_cast %add3A_410 : i32 to index
        %get3A_414 = arith.constant 0 : index
        %get3A_415 = tpu.vector_load %arg8[%get3A_412, %get3A_413, %get3A_414] {strides = array<i32>} : memref<3x512x32xbf16, #tpu.memory_space<vmem>>, vector<32xbf16>,
        %unpack3A_416 = tpu.unpack_subelements %get3A_415, 0 {pack_format = #tpu.pack_format<interleaved>} : vector<32xbf16> -> vector<16xf32>
        %unpack3A_417 = tpu.unpack_subelements %get3A_415, 1 {pack_format = #tpu.pack_format<interleaved>} : vector<32xbf16> -> vector<16xf32>
        %mul3A_418 = vector.broadcast %squeeze3A_408 : f32 to vector<16xf32>
        %mul3A_419 = arith.mulf %mul3A_418, %unpack3A_416 : vector<16xf32>
        %add3A_420 = arith.addf %add3A_403, %mul3A_419 : vector<16xf32>
        %mul3A_421 = vector.broadcast %squeeze3A_408 : f32 to vector<16xf32>
        %mul3A_422 = arith.mulf %mul3A_421, %unpack3A_417 : vector<16xf32>
        %add3A_423 = arith.addf %add3A_406, %mul3A_422 : vector<16xf32>
        %slice3A_424 = vector.extract_strided_slice %get3A_324 {offsets = [6], sizes = [1], strides = [1]} : vector<16xf32> to vector<1xf32>
        %squeeze3A_425 = vector.extract %slice3A_424[0] : f32 from vector<1xf32>
        %add3A_426 = arith.constant 6 : i32
        %add3A_427 = arith.addi %add3A_321, %add3A_426 : i32
        %get3A_428 = arith.constant 1 : i32
        %get3A_429 = arith.index_cast %get3A_428 : i32 to index
        %get3A_430 = arith.index_cast %add3A_427 : i32 to index
        %get3A_431 = arith.constant 0 : index
        %get3A_432 = tpu.vector_load %arg8[%get3A_429, %get3A_430, %get3A_431] {strides = array<i32>} : memref<3x512x32xbf16, #tpu.memory_space<vmem>>, vector<32xbf16>,
        %unpack3A_433 = tpu.unpack_subelements %get3A_432, 0 {pack_format = #tpu.pack_format<interleaved>} : vector<32xbf16> -> vector<16xf32>
        %unpack3A_434 = tpu.unpack_subelements %get3A_432, 1 {pack_format = #tpu.pack_format<interleaved>} : vector<32xbf16> -> vector<16xf32>
        %mul3A_435 = vector.broadcast %squeeze3A_425 : f32 to vector<16xf32>
        %mul3A_436 = arith.mulf %mul3A_435, %unpack3A_433 : vector<16xf32>
        %add3A_437 = arith.addf %add3A_420, %mul3A_436 : vector<16xf32>
        %mul3A_438 = vector.broadcast %squeeze3A_425 : f32 to vector<16xf32>
        %mul3A_439 = arith.mulf %mul3A_438, %unpack3A_434 : vector<16xf32>
        %add3A_440 = arith.addf %add3A_423, %mul3A_439 : vector<16xf32>
        %slice3A_441 = vector.extract_strided_slice %get3A_324 {offsets = [7], sizes = [1], strides = [1]} : vector<16xf32> to vector<1xf32>
        %squeeze3A_442 = vector.extract %slice3A_441[0] : f32 from vector<1xf32>
        %add3A_443 = arith.constant 7 : i32
        %add3A_444 = arith.addi %add3A_321, %add3A_443 : i32
        %get3A_445 = arith.constant 1 : i32
        %get3A_446 = arith.index_cast %get3A_445 : i32 to index
        %get3A_447 = arith.index_cast %add3A_444 : i32 to index
        %get3A_448 = arith.constant 0 : index
        %get3A_449 = tpu.vector_load %arg8[%get3A_446, %get3A_447, %get3A_448] {strides = array<i32>} : memref<3x512x32xbf16, #tpu.memory_space<vmem>>, vector<32xbf16>,
        %unpack3A_450 = tpu.unpack_subelements %get3A_449, 0 {pack_format = #tpu.pack_format<interleaved>} : vector<32xbf16> -> vector<16xf32>
        %unpack3A_451 = tpu.unpack_subelements %get3A_449, 1 {pack_format = #tpu.pack_format<interleaved>} : vector<32xbf16> -> vector<16xf32>
        %mul3A_452 = vector.broadcast %squeeze3A_442 : f32 to vector<16xf32>
        %mul3A_453 = arith.mulf %mul3A_452, %unpack3A_450 : vector<16xf32>
        %add3A_454 = arith.addf %add3A_437, %mul3A_453 : vector<16xf32>
        %mul3A_455 = vector.broadcast %squeeze3A_442 : f32 to vector<16xf32>
        %mul3A_456 = arith.mulf %mul3A_455, %unpack3A_451 : vector<16xf32>
        %add3A_457 = arith.addf %add3A_440, %mul3A_456 : vector<16xf32>
        %slice3A_458 = vector.extract_strided_slice %get3A_324 {offsets = [8], sizes = [1], strides = [1]} : vector<16xf32> to vector<1xf32>
        %squeeze3A_459 = vector.extract %slice3A_458[0] : f32 from vector<1xf32>
        %add3A_460 = arith.constant 8 : i32
        %add3A_461 = arith.addi %add3A_321, %add3A_460 : i32
        %get3A_462 = arith.constant 1 : i32
        %get3A_463 = arith.index_cast %get3A_462 : i32 to index
        %get3A_464 = arith.index_cast %add3A_461 : i32 to index
        %get3A_465 = arith.constant 0 : index
        %get3A_466 = tpu.vector_load %arg8[%get3A_463, %get3A_464, %get3A_465] {strides = array<i32>} : memref<3x512x32xbf16, #tpu.memory_space<vmem>>, vector<32xbf16>,
        %unpack3A_467 = tpu.unpack_subelements %get3A_466, 0 {pack_format = #tpu.pack_format<interleaved>} : vector<32xbf16> -> vector<16xf32>
        %unpack3A_468 = tpu.unpack_subelements %get3A_466, 1 {pack_format = #tpu.pack_format<interleaved>} : vector<32xbf16> -> vector<16xf32>
        %mul3A_469 = vector.broadcast %squeeze3A_459 : f32 to vector<16xf32>
        %mul3A_470 = arith.mulf %mul3A_469, %unpack3A_467 : vector<16xf32>
        %add3A_471 = arith.addf %add3A_454, %mul3A_470 : vector<16xf32>
        %mul3A_472 = vector.broadcast %squeeze3A_459 : f32 to vector<16xf32>
        %mul3A_473 = arith.mulf %mul3A_472, %unpack3A_468 : vector<16xf32>
        %add3A_474 = arith.addf %add3A_457, %mul3A_473 : vector<16xf32>
        %slice3A_475 = vector.extract_strided_slice %get3A_324 {offsets = [9], sizes = [1], strides = [1]} : vector<16xf32> to vector<1xf32>
        %squeeze3A_476 = vector.extract %slice3A_475[0] : f32 from vector<1xf32>
        %add3A_477 = arith.constant 9 : i32
        %add3A_478 = arith.addi %add3A_321, %add3A_477 : i32
        %get3A_479 = arith.constant 1 : i32
        %get3A_480 = arith.index_cast %get3A_479 : i32 to index
        %get3A_481 = arith.index_cast %add3A_478 : i32 to index
        %get3A_482 = arith.constant 0 : index
        %get3A_483 = tpu.vector_load %arg8[%get3A_480, %get3A_481, %get3A_482] {strides = array<i32>} : memref<3x512x32xbf16, #tpu.memory_space<vmem>>, vector<32xbf16>,
        %unpack3A_484 = tpu.unpack_subelements %get3A_483, 0 {pack_format = #tpu.pack_format<interleaved>} : vector<32xbf16> -> vector<16xf32>
        %unpack3A_485 = tpu.unpack_subelements %get3A_483, 1 {pack_format = #tpu.pack_format<interleaved>} : vector<32xbf16> -> vector<16xf32>
        %mul3A_486 = vector.broadcast %squeeze3A_476 : f32 to vector<16xf32>
        %mul3A_487 = arith.mulf %mul3A_486, %unpack3A_484 : vector<16xf32>
        %add3A_488 = arith.addf %add3A_471, %mul3A_487 : vector<16xf32>
        %mul3A_489 = vector.broadcast %squeeze3A_476 : f32 to vector<16xf32>
        %mul3A_490 = arith.mulf %mul3A_489, %unpack3A_485 : vector<16xf32>
        %add3A_491 = arith.addf %add3A_474, %mul3A_490 : vector<16xf32>
        %slice3A_492 = vector.extract_strided_slice %get3A_324 {offsets = [10], sizes = [1], strides = [1]} : vector<16xf32> to vector<1xf32>
        %squeeze3A_493 = vector.extract %slice3A_492[0] : f32 from vector<1xf32>
        %add3A_494 = arith.constant 10 : i32
        %add3A_495 = arith.addi %add3A_321, %add3A_494 : i32
        %get3A_496 = arith.constant 1 : i32
        %get3A_497 = arith.index_cast %get3A_496 : i32 to index
        %get3A_498 = arith.index_cast %add3A_495 : i32 to index
        %get3A_499 = arith.constant 0 : index
        %get3A_500 = tpu.vector_load %arg8[%get3A_497, %get3A_498, %get3A_499] {strides = array<i32>} : memref<3x512x32xbf16, #tpu.memory_space<vmem>>, vector<32xbf16>,
        %unpack3A_501 = tpu.unpack_subelements %get3A_500, 0 {pack_format = #tpu.pack_format<interleaved>} : vector<32xbf16> -> vector<16xf32>
        %unpack3A_502 = tpu.unpack_subelements %get3A_500, 1 {pack_format = #tpu.pack_format<interleaved>} : vector<32xbf16> -> vector<16xf32>
        %mul3A_503 = vector.broadcast %squeeze3A_493 : f32 to vector<16xf32>
        %mul3A_504 = arith.mulf %mul3A_503, %unpack3A_501 : vector<16xf32>
        %add3A_505 = arith.addf %add3A_488, %mul3A_504 : vector<16xf32>
        %mul3A_506 = vector.broadcast %squeeze3A_493 : f32 to vector<16xf32>
        %mul3A_507 = arith.mulf %mul3A_506, %unpack3A_502 : vector<16xf32>
        %add3A_508 = arith.addf %add3A_491, %mul3A_507 : vector<16xf32>
        %slice3A_509 = vector.extract_strided_slice %get3A_324 {offsets = [11], sizes = [1], strides = [1]} : vector<16xf32> to vector<1xf32>
        %squeeze3A_510 = vector.extract %slice3A_509[0] : f32 from vector<1xf32>
        %add3A_511 = arith.constant 11 : i32
        %add3A_512 = arith.addi %add3A_321, %add3A_511 : i32
        %get3A_513 = arith.constant 1 : i32
        %get3A_514 = arith.index_cast %get3A_513 : i32 to index
        %get3A_515 = arith.index_cast %add3A_512 : i32 to index
        %get3A_516 = arith.constant 0 : index
        %get3A_517 = tpu.vector_load %arg8[%get3A_514, %get3A_515, %get3A_516] {strides = array<i32>} : memref<3x512x32xbf16, #tpu.memory_space<vmem>>, vector<32xbf16>,
        %unpack3A_518 = tpu.unpack_subelements %get3A_517, 0 {pack_format = #tpu.pack_format<interleaved>} : vector<32xbf16> -> vector<16xf32>
        %unpack3A_519 = tpu.unpack_subelements %get3A_517, 1 {pack_format = #tpu.pack_format<interleaved>} : vector<32xbf16> -> vector<16xf32>
        %mul3A_520 = vector.broadcast %squeeze3A_510 : f32 to vector<16xf32>
        %mul3A_521 = arith.mulf %mul3A_520, %unpack3A_518 : vector<16xf32>
        %add3A_522 = arith.addf %add3A_505, %mul3A_521 : vector<16xf32>
        %mul3A_523 = vector.broadcast %squeeze3A_510 : f32 to vector<16xf32>
        %mul3A_524 = arith.mulf %mul3A_523, %unpack3A_519 : vector<16xf32>
        %add3A_525 = arith.addf %add3A_508, %mul3A_524 : vector<16xf32>
        %slice3A_526 = vector.extract_strided_slice %get3A_324 {offsets = [12], sizes = [1], strides = [1]} : vector<16xf32> to vector<1xf32>
        %squeeze3A_527 = vector.extract %slice3A_526[0] : f32 from vector<1xf32>
        %add3A_528 = arith.constant 12 : i32
        %add3A_529 = arith.addi %add3A_321, %add3A_528 : i32
        %get3A_530 = arith.constant 1 : i32
        %get3A_531 = arith.index_cast %get3A_530 : i32 to index
        %get3A_532 = arith.index_cast %add3A_529 : i32 to index
        %get3A_533 = arith.constant 0 : index
        %get3A_534 = tpu.vector_load %arg8[%get3A_531, %get3A_532, %get3A_533] {strides = array<i32>} : memref<3x512x32xbf16, #tpu.memory_space<vmem>>, vector<32xbf16>,
        %unpack3A_535 = tpu.unpack_subelements %get3A_534, 0 {pack_format = #tpu.pack_format<interleaved>} : vector<32xbf16> -> vector<16xf32>
        %unpack3A_536 = tpu.unpack_subelements %get3A_534, 1 {pack_format = #tpu.pack_format<interleaved>} : vector<32xbf16> -> vector<16xf32>
        %mul3A_537 = vector.broadcast %squeeze3A_527 : f32 to vector<16xf32>
        %mul3A_538 = arith.mulf %mul3A_537, %unpack3A_535 : vector<16xf32>
        %add3A_539 = arith.addf %add3A_522, %mul3A_538 : vector<16xf32>
        %mul3A_540 = vector.broadcast %squeeze3A_527 : f32 to vector<16xf32>
        %mul3A_541 = arith.mulf %mul3A_540, %unpack3A_536 : vector<16xf32>
        %add3A_542 = arith.addf %add3A_525, %mul3A_541 : vector<16xf32>
        %slice3A_543 = vector.extract_strided_slice %get3A_324 {offsets = [13], sizes = [1], strides = [1]} : vector<16xf32> to vector<1xf32>
        %squeeze3A_544 = vector.extract %slice3A_543[0] : f32 from vector<1xf32>
        %add3A_545 = arith.constant 13 : i32
        %add3A_546 = arith.addi %add3A_321, %add3A_545 : i32
        %get3A_547 = arith.constant 1 : i32
        %get3A_548 = arith.index_cast %get3A_547 : i32 to index
        %get3A_549 = arith.index_cast %add3A_546 : i32 to index
        %get3A_550 = arith.constant 0 : index
        %get3A_551 = tpu.vector_load %arg8[%get3A_548, %get3A_549, %get3A_550] {strides = array<i32>} : memref<3x512x32xbf16, #tpu.memory_space<vmem>>, vector<32xbf16>,
        %unpack3A_552 = tpu.unpack_subelements %get3A_551, 0 {pack_format = #tpu.pack_format<interleaved>} : vector<32xbf16> -> vector<16xf32>
        %unpack3A_553 = tpu.unpack_subelements %get3A_551, 1 {pack_format = #tpu.pack_format<interleaved>} : vector<32xbf16> -> vector<16xf32>
        %mul3A_554 = vector.broadcast %squeeze3A_544 : f32 to vector<16xf32>
        %mul3A_555 = arith.mulf %mul3A_554, %unpack3A_552 : vector<16xf32>
        %add3A_556 = arith.addf %add3A_539, %mul3A_555 : vector<16xf32>
        %mul3A_557 = vector.broadcast %squeeze3A_544 : f32 to vector<16xf32>
        %mul3A_558 = arith.mulf %mul3A_557, %unpack3A_553 : vector<16xf32>
        %add3A_559 = arith.addf %add3A_542, %mul3A_558 : vector<16xf32>
        %slice3A_560 = vector.extract_strided_slice %get3A_324 {offsets = [14], sizes = [1], strides = [1]} : vector<16xf32> to vector<1xf32>
        %squeeze3A_561 = vector.extract %slice3A_560[0] : f32 from vector<1xf32>
        %add3A_562 = arith.constant 14 : i32
        %add3A_563 = arith.addi %add3A_321, %add3A_562 : i32
        %get3A_564 = arith.constant 1 : i32
        %get3A_565 = arith.index_cast %get3A_564 : i32 to index
        %get3A_566 = arith.index_cast %add3A_563 : i32 to index
        %get3A_567 = arith.constant 0 : index
        %get3A_568 = tpu.vector_load %arg8[%get3A_565, %get3A_566, %get3A_567] {strides = array<i32>} : memref<3x512x32xbf16, #tpu.memory_space<vmem>>, vector<32xbf16>,
        %unpack3A_569 = tpu.unpack_subelements %get3A_568, 0 {pack_format = #tpu.pack_format<interleaved>} : vector<32xbf16> -> vector<16xf32>
        %unpack3A_570 = tpu.unpack_subelements %get3A_568, 1 {pack_format = #tpu.pack_format<interleaved>} : vector<32xbf16> -> vector<16xf32>
        %mul3A_571 = vector.broadcast %squeeze3A_561 : f32 to vector<16xf32>
        %mul3A_572 = arith.mulf %mul3A_571, %unpack3A_569 : vector<16xf32>
        %add3A_573 = arith.addf %add3A_556, %mul3A_572 : vector<16xf32>
        %mul3A_574 = vector.broadcast %squeeze3A_561 : f32 to vector<16xf32>
        %mul3A_575 = arith.mulf %mul3A_574, %unpack3A_570 : vector<16xf32>
        %add3A_576 = arith.addf %add3A_559, %mul3A_575 : vector<16xf32>
        %slice3A_577 = vector.extract_strided_slice %get3A_324 {offsets = [15], sizes = [1], strides = [1]} : vector<16xf32> to vector<1xf32>
        %squeeze3A_578 = vector.extract %slice3A_577[0] : f32 from vector<1xf32>
        %add3A_579 = arith.constant 15 : i32
        %add3A_580 = arith.addi %add3A_321, %add3A_579 : i32
        %get3A_581 = arith.constant 1 : i32
        %get3A_582 = arith.index_cast %get3A_581 : i32 to index
        %get3A_583 = arith.index_cast %add3A_580 : i32 to index
        %get3A_584 = arith.constant 0 : index
        %get3A_585 = tpu.vector_load %arg8[%get3A_582, %get3A_583, %get3A_584] {strides = array<i32>} : memref<3x512x32xbf16, #tpu.memory_space<vmem>>, vector<32xbf16>,
        %unpack3A_586 = tpu.unpack_subelements %get3A_585, 0 {pack_format = #tpu.pack_format<interleaved>} : vector<32xbf16> -> vector<16xf32>
        %unpack3A_587 = tpu.unpack_subelements %get3A_585, 1 {pack_format = #tpu.pack_format<interleaved>} : vector<32xbf16> -> vector<16xf32>
        %mul3A_588 = vector.broadcast %squeeze3A_578 : f32 to vector<16xf32>
        %mul3A_589 = arith.mulf %mul3A_588, %unpack3A_586 : vector<16xf32>
        %add3A_590 = arith.addf %add3A_573, %mul3A_589 : vector<16xf32>
        %mul3A_591 = vector.broadcast %squeeze3A_578 : f32 to vector<16xf32>
        %mul3A_592 = arith.mulf %mul3A_591, %unpack3A_587 : vector<16xf32>
        %add3A_593 = arith.addf %add3A_576, %mul3A_592 : vector<16xf32>
        %mul3A_594 = arith.constant 16 : i32
        %mul3A_595 = arith.muli %scan3A_314, %mul3A_594 : i32
        %add3A_596 = arith.constant 128 : i32
        %add3A_597 = arith.addi %add3A_596, %mul3A_595 : i32
        %get3A_598 = arith.constant 1 : i32
        %get3A_599 = arith.index_cast %get3A_598 : i32 to index
        %get3A_600 = arith.index_cast %add3A_597 : i32 to index
        %get3A_601 = tpu.vector_load %arg7[%get3A_599, %get3A_600] {strides = array<i32>} : memref<3x512xf32, #tpu.memory_space<vmem>>, vector<16xf32>,
        %slice3A_602 = vector.extract_strided_slice %get3A_601 {offsets = [0], sizes = [1], strides = [1]} : vector<16xf32> to vector<1xf32>
        %squeeze3A_603 = vector.extract %slice3A_602[0] : f32 from vector<1xf32>
        %add3A_604 = arith.constant 0 : i32
        %add3A_605 = arith.addi %add3A_597, %add3A_604 : i32
        %get3A_606 = arith.constant 1 : i32
        %get3A_607 = arith.index_cast %get3A_606 : i32 to index
        %get3A_608 = arith.index_cast %add3A_605 : i32 to index
        %get3A_609 = arith.constant 0 : index
        %get3A_610 = tpu.vector_load %arg8[%get3A_607, %get3A_608, %get3A_609] {strides = array<i32>} : memref<3x512x32xbf16, #tpu.memory_space<vmem>>, vector<32xbf16>,
        %unpack3A_611 = tpu.unpack_subelements %get3A_610, 0 {pack_format = #tpu.pack_format<interleaved>} : vector<32xbf16> -> vector<16xf32>
        %unpack3A_612 = tpu.unpack_subelements %get3A_610, 1 {pack_format = #tpu.pack_format<interleaved>} : vector<32xbf16> -> vector<16xf32>
        %mul3A_613 = vector.broadcast %squeeze3A_603 : f32 to vector<16xf32>
        %mul3A_614 = arith.mulf %mul3A_613, %unpack3A_611 : vector<16xf32>
        %add3A_615 = arith.addf %add3A_590, %mul3A_614 : vector<16xf32>
        %mul3A_616 = vector.broadcast %squeeze3A_603 : f32 to vector<16xf32>
        %mul3A_617 = arith.mulf %mul3A_616, %unpack3A_612 : vector<16xf32>
        %add3A_618 = arith.addf %add3A_593, %mul3A_617 : vector<16xf32>
        %slice3A_619 = vector.extract_strided_slice %get3A_601 {offsets = [1], sizes = [1], strides = [1]} : vector<16xf32> to vector<1xf32>
        %squeeze3A_620 = vector.extract %slice3A_619[0] : f32 from vector<1xf32>
        %add3A_621 = arith.constant 1 : i32
        %add3A_622 = arith.addi %add3A_597, %add3A_621 : i32
        %get3A_623 = arith.constant 1 : i32
        %get3A_624 = arith.index_cast %get3A_623 : i32 to index
        %get3A_625 = arith.index_cast %add3A_622 : i32 to index
        %get3A_626 = arith.constant 0 : index
        %get3A_627 = tpu.vector_load %arg8[%get3A_624, %get3A_625, %get3A_626] {strides = array<i32>} : memref<3x512x32xbf16, #tpu.memory_space<vmem>>, vector<32xbf16>,
        %unpack3A_628 = tpu.unpack_subelements %get3A_627, 0 {pack_format = #tpu.pack_format<interleaved>} : vector<32xbf16> -> vector<16xf32>
        %unpack3A_629 = tpu.unpack_subelements %get3A_627, 1 {pack_format = #tpu.pack_format<interleaved>} : vector<32xbf16> -> vector<16xf32>
        %mul3A_630 = vector.broadcast %squeeze3A_620 : f32 to vector<16xf32>
        %mul3A_631 = arith.mulf %mul3A_630, %unpack3A_628 : vector<16xf32>
        %add3A_632 = arith.addf %add3A_615, %mul3A_631 : vector<16xf32>
        %mul3A_633 = vector.broadcast %squeeze3A_620 : f32 to vector<16xf32>
        %mul3A_634 = arith.mulf %mul3A_633, %unpack3A_629 : vector<16xf32>
        %add3A_635 = arith.addf %add3A_618, %mul3A_634 : vector<16xf32>
        %slice3A_636 = vector.extract_strided_slice %get3A_601 {offsets = [2], sizes = [1], strides = [1]} : vector<16xf32> to vector<1xf32>
        %squeeze3A_637 = vector.extract %slice3A_636[0] : f32 from vector<1xf32>
        %add3A_638 = arith.constant 2 : i32
        %add3A_639 = arith.addi %add3A_597, %add3A_638 : i32
        %get3A_640 = arith.constant 1 : i32
        %get3A_641 = arith.index_cast %get3A_640 : i32 to index
        %get3A_642 = arith.index_cast %add3A_639 : i32 to index
        %get3A_643 = arith.constant 0 : index
        %get3A_644 = tpu.vector_load %arg8[%get3A_641, %get3A_642, %get3A_643] {strides = array<i32>} : memref<3x512x32xbf16, #tpu.memory_space<vmem>>, vector<32xbf16>,
        %unpack3A_645 = tpu.unpack_subelements %get3A_644, 0 {pack_format = #tpu.pack_format<interleaved>} : vector<32xbf16> -> vector<16xf32>
        %unpack3A_646 = tpu.unpack_subelements %get3A_644, 1 {pack_format = #tpu.pack_format<interleaved>} : vector<32xbf16> -> vector<16xf32>
        %mul3A_647 = vector.broadcast %squeeze3A_637 : f32 to vector<16xf32>
        %mul3A_648 = arith.mulf %mul3A_647, %unpack3A_645 : vector<16xf32>
        %add3A_649 = arith.addf %add3A_632, %mul3A_648 : vector<16xf32>
        %mul3A_650 = vector.broadcast %squeeze3A_637 : f32 to vector<16xf32>
        %mul3A_651 = arith.mulf %mul3A_650, %unpack3A_646 : vector<16xf32>
        %add3A_652 = arith.addf %add3A_635, %mul3A_651 : vector<16xf32>
        %slice3A_653 = vector.extract_strided_slice %get3A_601 {offsets = [3], sizes = [1], strides = [1]} : vector<16xf32> to vector<1xf32>
        %squeeze3A_654 = vector.extract %slice3A_653[0] : f32 from vector<1xf32>
        %add3A_655 = arith.constant 3 : i32
        %add3A_656 = arith.addi %add3A_597, %add3A_655 : i32
        %get3A_657 = arith.constant 1 : i32
        %get3A_658 = arith.index_cast %get3A_657 : i32 to index
        %get3A_659 = arith.index_cast %add3A_656 : i32 to index
        %get3A_660 = arith.constant 0 : index
        %get3A_661 = tpu.vector_load %arg8[%get3A_658, %get3A_659, %get3A_660] {strides = array<i32>} : memref<3x512x32xbf16, #tpu.memory_space<vmem>>, vector<32xbf16>,
        %unpack3A_662 = tpu.unpack_subelements %get3A_661, 0 {pack_format = #tpu.pack_format<interleaved>} : vector<32xbf16> -> vector<16xf32>
        %unpack3A_663 = tpu.unpack_subelements %get3A_661, 1 {pack_format = #tpu.pack_format<interleaved>} : vector<32xbf16> -> vector<16xf32>
        %mul3A_664 = vector.broadcast %squeeze3A_654 : f32 to vector<16xf32>
        %mul3A_665 = arith.mulf %mul3A_664, %unpack3A_662 : vector<16xf32>
        %add3A_666 = arith.addf %add3A_649, %mul3A_665 : vector<16xf32>
        %mul3A_667 = vector.broadcast %squeeze3A_654 : f32 to vector<16xf32>
        %mul3A_668 = arith.mulf %mul3A_667, %unpack3A_663 : vector<16xf32>
        %add3A_669 = arith.addf %add3A_652, %mul3A_668 : vector<16xf32>
        %slice3A_670 = vector.extract_strided_slice %get3A_601 {offsets = [4], sizes = [1], strides = [1]} : vector<16xf32> to vector<1xf32>
        %squeeze3A_671 = vector.extract %slice3A_670[0] : f32 from vector<1xf32>
        %add3A_672 = arith.constant 4 : i32
        %add3A_673 = arith.addi %add3A_597, %add3A_672 : i32
        %get3A_674 = arith.constant 1 : i32
        %get3A_675 = arith.index_cast %get3A_674 : i32 to index
        %get3A_676 = arith.index_cast %add3A_673 : i32 to index
        %get3A_677 = arith.constant 0 : index
        %get3A_678 = tpu.vector_load %arg8[%get3A_675, %get3A_676, %get3A_677] {strides = array<i32>} : memref<3x512x32xbf16, #tpu.memory_space<vmem>>, vector<32xbf16>,
        %unpack3A_679 = tpu.unpack_subelements %get3A_678, 0 {pack_format = #tpu.pack_format<interleaved>} : vector<32xbf16> -> vector<16xf32>
        %unpack3A_680 = tpu.unpack_subelements %get3A_678, 1 {pack_format = #tpu.pack_format<interleaved>} : vector<32xbf16> -> vector<16xf32>
        %mul3A_681 = vector.broadcast %squeeze3A_671 : f32 to vector<16xf32>
        %mul3A_682 = arith.mulf %mul3A_681, %unpack3A_679 : vector<16xf32>
        %add3A_683 = arith.addf %add3A_666, %mul3A_682 : vector<16xf32>
        %mul3A_684 = vector.broadcast %squeeze3A_671 : f32 to vector<16xf32>
        %mul3A_685 = arith.mulf %mul3A_684, %unpack3A_680 : vector<16xf32>
        %add3A_686 = arith.addf %add3A_669, %mul3A_685 : vector<16xf32>
        %slice3A_687 = vector.extract_strided_slice %get3A_601 {offsets = [5], sizes = [1], strides = [1]} : vector<16xf32> to vector<1xf32>
        %squeeze3A_688 = vector.extract %slice3A_687[0] : f32 from vector<1xf32>
        %add3A_689 = arith.constant 5 : i32
        %add3A_690 = arith.addi %add3A_597, %add3A_689 : i32
        %get3A_691 = arith.constant 1 : i32
        %get3A_692 = arith.index_cast %get3A_691 : i32 to index
        %get3A_693 = arith.index_cast %add3A_690 : i32 to index
        %get3A_694 = arith.constant 0 : index
        %get3A_695 = tpu.vector_load %arg8[%get3A_692, %get3A_693, %get3A_694] {strides = array<i32>} : memref<3x512x32xbf16, #tpu.memory_space<vmem>>, vector<32xbf16>,
        %unpack3A_696 = tpu.unpack_subelements %get3A_695, 0 {pack_format = #tpu.pack_format<interleaved>} : vector<32xbf16> -> vector<16xf32>
        %unpack3A_697 = tpu.unpack_subelements %get3A_695, 1 {pack_format = #tpu.pack_format<interleaved>} : vector<32xbf16> -> vector<16xf32>
        %mul3A_698 = vector.broadcast %squeeze3A_688 : f32 to vector<16xf32>
        %mul3A_699 = arith.mulf %mul3A_698, %unpack3A_696 : vector<16xf32>
        %add3A_700 = arith.addf %add3A_683, %mul3A_699 : vector<16xf32>
        %mul3A_701 = vector.broadcast %squeeze3A_688 : f32 to vector<16xf32>
        %mul3A_702 = arith.mulf %mul3A_701, %unpack3A_697 : vector<16xf32>
        %add3A_703 = arith.addf %add3A_686, %mul3A_702 : vector<16xf32>
        %slice3A_704 = vector.extract_strided_slice %get3A_601 {offsets = [6], sizes = [1], strides = [1]} : vector<16xf32> to vector<1xf32>
        %squeeze3A_705 = vector.extract %slice3A_704[0] : f32 from vector<1xf32>
        %add3A_706 = arith.constant 6 : i32
        %add3A_707 = arith.addi %add3A_597, %add3A_706 : i32
        %get3A_708 = arith.constant 1 : i32
        %get3A_709 = arith.index_cast %get3A_708 : i32 to index
        %get3A_710 = arith.index_cast %add3A_707 : i32 to index
        %get3A_711 = arith.constant 0 : index
        %get3A_712 = tpu.vector_load %arg8[%get3A_709, %get3A_710, %get3A_711] {strides = array<i32>} : memref<3x512x32xbf16, #tpu.memory_space<vmem>>, vector<32xbf16>,
        %unpack3A_713 = tpu.unpack_subelements %get3A_712, 0 {pack_format = #tpu.pack_format<interleaved>} : vector<32xbf16> -> vector<16xf32>
        %unpack3A_714 = tpu.unpack_subelements %get3A_712, 1 {pack_format = #tpu.pack_format<interleaved>} : vector<32xbf16> -> vector<16xf32>
        %mul3A_715 = vector.broadcast %squeeze3A_705 : f32 to vector<16xf32>
        %mul3A_716 = arith.mulf %mul3A_715, %unpack3A_713 : vector<16xf32>
        %add3A_717 = arith.addf %add3A_700, %mul3A_716 : vector<16xf32>
        %mul3A_718 = vector.broadcast %squeeze3A_705 : f32 to vector<16xf32>
        %mul3A_719 = arith.mulf %mul3A_718, %unpack3A_714 : vector<16xf32>
        %add3A_720 = arith.addf %add3A_703, %mul3A_719 : vector<16xf32>
        %slice3A_721 = vector.extract_strided_slice %get3A_601 {offsets = [7], sizes = [1], strides = [1]} : vector<16xf32> to vector<1xf32>
        %squeeze3A_722 = vector.extract %slice3A_721[0] : f32 from vector<1xf32>
        %add3A_723 = arith.constant 7 : i32
        %add3A_724 = arith.addi %add3A_597, %add3A_723 : i32
        %get3A_725 = arith.constant 1 : i32
        %get3A_726 = arith.index_cast %get3A_725 : i32 to index
        %get3A_727 = arith.index_cast %add3A_724 : i32 to index
        %get3A_728 = arith.constant 0 : index
        %get3A_729 = tpu.vector_load %arg8[%get3A_726, %get3A_727, %get3A_728] {strides = array<i32>} : memref<3x512x32xbf16, #tpu.memory_space<vmem>>, vector<32xbf16>,
        %unpack3A_730 = tpu.unpack_subelements %get3A_729, 0 {pack_format = #tpu.pack_format<interleaved>} : vector<32xbf16> -> vector<16xf32>
        %unpack3A_731 = tpu.unpack_subelements %get3A_729, 1 {pack_format = #tpu.pack_format<interleaved>} : vector<32xbf16> -> vector<16xf32>
        %mul3A_732 = vector.broadcast %squeeze3A_722 : f32 to vector<16xf32>
        %mul3A_733 = arith.mulf %mul3A_732, %unpack3A_730 : vector<16xf32>
        %add3A_734 = arith.addf %add3A_717, %mul3A_733 : vector<16xf32>
        %mul3A_735 = vector.broadcast %squeeze3A_722 : f32 to vector<16xf32>
        %mul3A_736 = arith.mulf %mul3A_735, %unpack3A_731 : vector<16xf32>
        %add3A_737 = arith.addf %add3A_720, %mul3A_736 : vector<16xf32>
        %slice3A_738 = vector.extract_strided_slice %get3A_601 {offsets = [8], sizes = [1], strides = [1]} : vector<16xf32> to vector<1xf32>
        %squeeze3A_739 = vector.extract %slice3A_738[0] : f32 from vector<1xf32>
        %add3A_740 = arith.constant 8 : i32
        %add3A_741 = arith.addi %add3A_597, %add3A_740 : i32
        %get3A_742 = arith.constant 1 : i32
        %get3A_743 = arith.index_cast %get3A_742 : i32 to index
        %get3A_744 = arith.index_cast %add3A_741 : i32 to index
        %get3A_745 = arith.constant 0 : index
        %get3A_746 = tpu.vector_load %arg8[%get3A_743, %get3A_744, %get3A_745] {strides = array<i32>} : memref<3x512x32xbf16, #tpu.memory_space<vmem>>, vector<32xbf16>,
        %unpack3A_747 = tpu.unpack_subelements %get3A_746, 0 {pack_format = #tpu.pack_format<interleaved>} : vector<32xbf16> -> vector<16xf32>
        %unpack3A_748 = tpu.unpack_subelements %get3A_746, 1 {pack_format = #tpu.pack_format<interleaved>} : vector<32xbf16> -> vector<16xf32>
        %mul3A_749 = vector.broadcast %squeeze3A_739 : f32 to vector<16xf32>
        %mul3A_750 = arith.mulf %mul3A_749, %unpack3A_747 : vector<16xf32>
        %add3A_751 = arith.addf %add3A_734, %mul3A_750 : vector<16xf32>
        %mul3A_752 = vector.broadcast %squeeze3A_739 : f32 to vector<16xf32>
        %mul3A_753 = arith.mulf %mul3A_752, %unpack3A_748 : vector<16xf32>
        %add3A_754 = arith.addf %add3A_737, %mul3A_753 : vector<16xf32>
        %slice3A_755 = vector.extract_strided_slice %get3A_601 {offsets = [9], sizes = [1], strides = [1]} : vector<16xf32> to vector<1xf32>
        %squeeze3A_756 = vector.extract %slice3A_755[0] : f32 from vector<1xf32>
        %add3A_757 = arith.constant 9 : i32
        %add3A_758 = arith.addi %add3A_597, %add3A_757 : i32
        %get3A_759 = arith.constant 1 : i32
        %get3A_760 = arith.index_cast %get3A_759 : i32 to index
        %get3A_761 = arith.index_cast %add3A_758 : i32 to index
        %get3A_762 = arith.constant 0 : index
        %get3A_763 = tpu.vector_load %arg8[%get3A_760, %get3A_761, %get3A_762] {strides = array<i32>} : memref<3x512x32xbf16, #tpu.memory_space<vmem>>, vector<32xbf16>,
        %unpack3A_764 = tpu.unpack_subelements %get3A_763, 0 {pack_format = #tpu.pack_format<interleaved>} : vector<32xbf16> -> vector<16xf32>
        %unpack3A_765 = tpu.unpack_subelements %get3A_763, 1 {pack_format = #tpu.pack_format<interleaved>} : vector<32xbf16> -> vector<16xf32>
        %mul3A_766 = vector.broadcast %squeeze3A_756 : f32 to vector<16xf32>
        %mul3A_767 = arith.mulf %mul3A_766, %unpack3A_764 : vector<16xf32>
        %add3A_768 = arith.addf %add3A_751, %mul3A_767 : vector<16xf32>
        %mul3A_769 = vector.broadcast %squeeze3A_756 : f32 to vector<16xf32>
        %mul3A_770 = arith.mulf %mul3A_769, %unpack3A_765 : vector<16xf32>
        %add3A_771 = arith.addf %add3A_754, %mul3A_770 : vector<16xf32>
        %slice3A_772 = vector.extract_strided_slice %get3A_601 {offsets = [10], sizes = [1], strides = [1]} : vector<16xf32> to vector<1xf32>
        %squeeze3A_773 = vector.extract %slice3A_772[0] : f32 from vector<1xf32>
        %add3A_774 = arith.constant 10 : i32
        %add3A_775 = arith.addi %add3A_597, %add3A_774 : i32
        %get3A_776 = arith.constant 1 : i32
        %get3A_777 = arith.index_cast %get3A_776 : i32 to index
        %get3A_778 = arith.index_cast %add3A_775 : i32 to index
        %get3A_779 = arith.constant 0 : index
        %get3A_780 = tpu.vector_load %arg8[%get3A_777, %get3A_778, %get3A_779] {strides = array<i32>} : memref<3x512x32xbf16, #tpu.memory_space<vmem>>, vector<32xbf16>,
        %unpack3A_781 = tpu.unpack_subelements %get3A_780, 0 {pack_format = #tpu.pack_format<interleaved>} : vector<32xbf16> -> vector<16xf32>
        %unpack3A_782 = tpu.unpack_subelements %get3A_780, 1 {pack_format = #tpu.pack_format<interleaved>} : vector<32xbf16> -> vector<16xf32>
        %mul3A_783 = vector.broadcast %squeeze3A_773 : f32 to vector<16xf32>
        %mul3A_784 = arith.mulf %mul3A_783, %unpack3A_781 : vector<16xf32>
        %add3A_785 = arith.addf %add3A_768, %mul3A_784 : vector<16xf32>
        %mul3A_786 = vector.broadcast %squeeze3A_773 : f32 to vector<16xf32>
        %mul3A_787 = arith.mulf %mul3A_786, %unpack3A_782 : vector<16xf32>
        %add3A_788 = arith.addf %add3A_771, %mul3A_787 : vector<16xf32>
        %slice3A_789 = vector.extract_strided_slice %get3A_601 {offsets = [11], sizes = [1], strides = [1]} : vector<16xf32> to vector<1xf32>
        %squeeze3A_790 = vector.extract %slice3A_789[0] : f32 from vector<1xf32>
        %add3A_791 = arith.constant 11 : i32
        %add3A_792 = arith.addi %add3A_597, %add3A_791 : i32
        %get3A_793 = arith.constant 1 : i32
        %get3A_794 = arith.index_cast %get3A_793 : i32 to index
        %get3A_795 = arith.index_cast %add3A_792 : i32 to index
        %get3A_796 = arith.constant 0 : index
        %get3A_797 = tpu.vector_load %arg8[%get3A_794, %get3A_795, %get3A_796] {strides = array<i32>} : memref<3x512x32xbf16, #tpu.memory_space<vmem>>, vector<32xbf16>,
        %unpack3A_798 = tpu.unpack_subelements %get3A_797, 0 {pack_format = #tpu.pack_format<interleaved>} : vector<32xbf16> -> vector<16xf32>
        %unpack3A_799 = tpu.unpack_subelements %get3A_797, 1 {pack_format = #tpu.pack_format<interleaved>} : vector<32xbf16> -> vector<16xf32>
        %mul3A_800 = vector.broadcast %squeeze3A_790 : f32 to vector<16xf32>
        %mul3A_801 = arith.mulf %mul3A_800, %unpack3A_798 : vector<16xf32>
        %add3A_802 = arith.addf %add3A_785, %mul3A_801 : vector<16xf32>
        %mul3A_803 = vector.broadcast %squeeze3A_790 : f32 to vector<16xf32>
        %mul3A_804 = arith.mulf %mul3A_803, %unpack3A_799 : vector<16xf32>
        %add3A_805 = arith.addf %add3A_788, %mul3A_804 : vector<16xf32>
        %slice3A_806 = vector.extract_strided_slice %get3A_601 {offsets = [12], sizes = [1], strides = [1]} : vector<16xf32> to vector<1xf32>
        %squeeze3A_807 = vector.extract %slice3A_806[0] : f32 from vector<1xf32>
        %add3A_808 = arith.constant 12 : i32
        %add3A_809 = arith.addi %add3A_597, %add3A_808 : i32
        %get3A_810 = arith.constant 1 : i32
        %get3A_811 = arith.index_cast %get3A_810 : i32 to index
        %get3A_812 = arith.index_cast %add3A_809 : i32 to index
        %get3A_813 = arith.constant 0 : index
        %get3A_814 = tpu.vector_load %arg8[%get3A_811, %get3A_812, %get3A_813] {strides = array<i32>} : memref<3x512x32xbf16, #tpu.memory_space<vmem>>, vector<32xbf16>,
        %unpack3A_815 = tpu.unpack_subelements %get3A_814, 0 {pack_format = #tpu.pack_format<interleaved>} : vector<32xbf16> -> vector<16xf32>
        %unpack3A_816 = tpu.unpack_subelements %get3A_814, 1 {pack_format = #tpu.pack_format<interleaved>} : vector<32xbf16> -> vector<16xf32>
        %mul3A_817 = vector.broadcast %squeeze3A_807 : f32 to vector<16xf32>
        %mul3A_818 = arith.mulf %mul3A_817, %unpack3A_815 : vector<16xf32>
        %add3A_819 = arith.addf %add3A_802, %mul3A_818 : vector<16xf32>
        %mul3A_820 = vector.broadcast %squeeze3A_807 : f32 to vector<16xf32>
        %mul3A_821 = arith.mulf %mul3A_820, %unpack3A_816 : vector<16xf32>
        %add3A_822 = arith.addf %add3A_805, %mul3A_821 : vector<16xf32>
        %slice3A_823 = vector.extract_strided_slice %get3A_601 {offsets = [13], sizes = [1], strides = [1]} : vector<16xf32> to vector<1xf32>
        %squeeze3A_824 = vector.extract %slice3A_823[0] : f32 from vector<1xf32>
        %add3A_825 = arith.constant 13 : i32
        %add3A_826 = arith.addi %add3A_597, %add3A_825 : i32
        %get3A_827 = arith.constant 1 : i32
        %get3A_828 = arith.index_cast %get3A_827 : i32 to index
        %get3A_829 = arith.index_cast %add3A_826 : i32 to index
        %get3A_830 = arith.constant 0 : index
        %get3A_831 = tpu.vector_load %arg8[%get3A_828, %get3A_829, %get3A_830] {strides = array<i32>} : memref<3x512x32xbf16, #tpu.memory_space<vmem>>, vector<32xbf16>,
        %unpack3A_832 = tpu.unpack_subelements %get3A_831, 0 {pack_format = #tpu.pack_format<interleaved>} : vector<32xbf16> -> vector<16xf32>
        %unpack3A_833 = tpu.unpack_subelements %get3A_831, 1 {pack_format = #tpu.pack_format<interleaved>} : vector<32xbf16> -> vector<16xf32>
        %mul3A_834 = vector.broadcast %squeeze3A_824 : f32 to vector<16xf32>
        %mul3A_835 = arith.mulf %mul3A_834, %unpack3A_832 : vector<16xf32>
        %add3A_836 = arith.addf %add3A_819, %mul3A_835 : vector<16xf32>
        %mul3A_837 = vector.broadcast %squeeze3A_824 : f32 to vector<16xf32>
        %mul3A_838 = arith.mulf %mul3A_837, %unpack3A_833 : vector<16xf32>
        %add3A_839 = arith.addf %add3A_822, %mul3A_838 : vector<16xf32>
        %slice3A_840 = vector.extract_strided_slice %get3A_601 {offsets = [14], sizes = [1], strides = [1]} : vector<16xf32> to vector<1xf32>
        %squeeze3A_841 = vector.extract %slice3A_840[0] : f32 from vector<1xf32>
        %add3A_842 = arith.constant 14 : i32
        %add3A_843 = arith.addi %add3A_597, %add3A_842 : i32
        %get3A_844 = arith.constant 1 : i32
        %get3A_845 = arith.index_cast %get3A_844 : i32 to index
        %get3A_846 = arith.index_cast %add3A_843 : i32 to index
        %get3A_847 = arith.constant 0 : index
        %get3A_848 = tpu.vector_load %arg8[%get3A_845, %get3A_846, %get3A_847] {strides = array<i32>} : memref<3x512x32xbf16, #tpu.memory_space<vmem>>, vector<32xbf16>,
        %unpack3A_849 = tpu.unpack_subelements %get3A_848, 0 {pack_format = #tpu.pack_format<interleaved>} : vector<32xbf16> -> vector<16xf32>
        %unpack3A_850 = tpu.unpack_subelements %get3A_848, 1 {pack_format = #tpu.pack_format<interleaved>} : vector<32xbf16> -> vector<16xf32>
        %mul3A_851 = vector.broadcast %squeeze3A_841 : f32 to vector<16xf32>
        %mul3A_852 = arith.mulf %mul3A_851, %unpack3A_849 : vector<16xf32>
        %add3A_853 = arith.addf %add3A_836, %mul3A_852 : vector<16xf32>
        %mul3A_854 = vector.broadcast %squeeze3A_841 : f32 to vector<16xf32>
        %mul3A_855 = arith.mulf %mul3A_854, %unpack3A_850 : vector<16xf32>
        %add3A_856 = arith.addf %add3A_839, %mul3A_855 : vector<16xf32>
        %slice3A_857 = vector.extract_strided_slice %get3A_601 {offsets = [15], sizes = [1], strides = [1]} : vector<16xf32> to vector<1xf32>
        %squeeze3A_858 = vector.extract %slice3A_857[0] : f32 from vector<1xf32>
        %add3A_859 = arith.constant 15 : i32
        %add3A_860 = arith.addi %add3A_597, %add3A_859 : i32
        %get3A_861 = arith.constant 1 : i32
        %get3A_862 = arith.index_cast %get3A_861 : i32 to index
        %get3A_863 = arith.index_cast %add3A_860 : i32 to index
        %get3A_864 = arith.constant 0 : index
        %get3A_865 = tpu.vector_load %arg8[%get3A_862, %get3A_863, %get3A_864] {strides = array<i32>} : memref<3x512x32xbf16, #tpu.memory_space<vmem>>, vector<32xbf16>,
        %unpack3A_866 = tpu.unpack_subelements %get3A_865, 0 {pack_format = #tpu.pack_format<interleaved>} : vector<32xbf16> -> vector<16xf32>
        %unpack3A_867 = tpu.unpack_subelements %get3A_865, 1 {pack_format = #tpu.pack_format<interleaved>} : vector<32xbf16> -> vector<16xf32>
        %mul3A_868 = vector.broadcast %squeeze3A_858 : f32 to vector<16xf32>
        %mul3A_869 = arith.mulf %mul3A_868, %unpack3A_866 : vector<16xf32>
        %add3A_870 = arith.addf %add3A_853, %mul3A_869 : vector<16xf32>
        %mul3A_871 = vector.broadcast %squeeze3A_858 : f32 to vector<16xf32>
        %mul3A_872 = arith.mulf %mul3A_871, %unpack3A_867 : vector<16xf32>
        %add3A_873 = arith.addf %add3A_856, %mul3A_872 : vector<16xf32>
        %mul3A_874 = arith.constant 16 : i32
        %mul3A_875 = arith.muli %scan3A_314, %mul3A_874 : i32
        %add3A_876 = arith.constant 256 : i32
        %add3A_877 = arith.addi %add3A_876, %mul3A_875 : i32
        %get3A_878 = arith.constant 1 : i32
        %get3A_879 = arith.index_cast %get3A_878 : i32 to index
        %get3A_880 = arith.index_cast %add3A_877 : i32 to index
        %get3A_881 = tpu.vector_load %arg7[%get3A_879, %get3A_880] {strides = array<i32>} : memref<3x512xf32, #tpu.memory_space<vmem>>, vector<16xf32>,
        %slice3A_882 = vector.extract_strided_slice %get3A_881 {offsets = [0], sizes = [1], strides = [1]} : vector<16xf32> to vector<1xf32>
        %squeeze3A_883 = vector.extract %slice3A_882[0] : f32 from vector<1xf32>
        %add3A_884 = arith.constant 0 : i32
        %add3A_885 = arith.addi %add3A_877, %add3A_884 : i32
        %get3A_886 = arith.constant 1 : i32
        %get3A_887 = arith.index_cast %get3A_886 : i32 to index
        %get3A_888 = arith.index_cast %add3A_885 : i32 to index
        %get3A_889 = arith.constant 0 : index
        %get3A_890 = tpu.vector_load %arg8[%get3A_887, %get3A_888, %get3A_889] {strides = array<i32>} : memref<3x512x32xbf16, #tpu.memory_space<vmem>>, vector<32xbf16>,
        %unpack3A_891 = tpu.unpack_subelements %get3A_890, 0 {pack_format = #tpu.pack_format<interleaved>} : vector<32xbf16> -> vector<16xf32>
        %unpack3A_892 = tpu.unpack_subelements %get3A_890, 1 {pack_format = #tpu.pack_format<interleaved>} : vector<32xbf16> -> vector<16xf32>
        %mul3A_893 = vector.broadcast %squeeze3A_883 : f32 to vector<16xf32>
        %mul3A_894 = arith.mulf %mul3A_893, %unpack3A_891 : vector<16xf32>
        %add3A_895 = arith.addf %add3A_870, %mul3A_894 : vector<16xf32>
        %mul3A_896 = vector.broadcast %squeeze3A_883 : f32 to vector<16xf32>
        %mul3A_897 = arith.mulf %mul3A_896, %unpack3A_892 : vector<16xf32>
        %add3A_898 = arith.addf %add3A_873, %mul3A_897 : vector<16xf32>
        %slice3A_899 = vector.extract_strided_slice %get3A_881 {offsets = [1], sizes = [1], strides = [1]} : vector<16xf32> to vector<1xf32>
        %squeeze3A_900 = vector.extract %slice3A_899[0] : f32 from vector<1xf32>
        %add3A_901 = arith.constant 1 : i32
        %add3A_902 = arith.addi %add3A_877, %add3A_901 : i32
        %get3A_903 = arith.constant 1 : i32
        %get3A_904 = arith.index_cast %get3A_903 : i32 to index
        %get3A_905 = arith.index_cast %add3A_902 : i32 to index
        %get3A_906 = arith.constant 0 : index
        %get3A_907 = tpu.vector_load %arg8[%get3A_904, %get3A_905, %get3A_906] {strides = array<i32>} : memref<3x512x32xbf16, #tpu.memory_space<vmem>>, vector<32xbf16>,
        %unpack3A_908 = tpu.unpack_subelements %get3A_907, 0 {pack_format = #tpu.pack_format<interleaved>} : vector<32xbf16> -> vector<16xf32>
        %unpack3A_909 = tpu.unpack_subelements %get3A_907, 1 {pack_format = #tpu.pack_format<interleaved>} : vector<32xbf16> -> vector<16xf32>
        %mul3A_910 = vector.broadcast %squeeze3A_900 : f32 to vector<16xf32>
        %mul3A_911 = arith.mulf %mul3A_910, %unpack3A_908 : vector<16xf32>
        %add3A_912 = arith.addf %add3A_895, %mul3A_911 : vector<16xf32>
        %mul3A_913 = vector.broadcast %squeeze3A_900 : f32 to vector<16xf32>
        %mul3A_914 = arith.mulf %mul3A_913, %unpack3A_909 : vector<16xf32>
        %add3A_915 = arith.addf %add3A_898, %mul3A_914 : vector<16xf32>
        %slice3A_916 = vector.extract_strided_slice %get3A_881 {offsets = [2], sizes = [1], strides = [1]} : vector<16xf32> to vector<1xf32>
        %squeeze3A_917 = vector.extract %slice3A_916[0] : f32 from vector<1xf32>
        %add3A_918 = arith.constant 2 : i32
        %add3A_919 = arith.addi %add3A_877, %add3A_918 : i32
        %get3A_920 = arith.constant 1 : i32
        %get3A_921 = arith.index_cast %get3A_920 : i32 to index
        %get3A_922 = arith.index_cast %add3A_919 : i32 to index
        %get3A_923 = arith.constant 0 : index
        %get3A_924 = tpu.vector_load %arg8[%get3A_921, %get3A_922, %get3A_923] {strides = array<i32>} : memref<3x512x32xbf16, #tpu.memory_space<vmem>>, vector<32xbf16>,
        %unpack3A_925 = tpu.unpack_subelements %get3A_924, 0 {pack_format = #tpu.pack_format<interleaved>} : vector<32xbf16> -> vector<16xf32>
        %unpack3A_926 = tpu.unpack_subelements %get3A_924, 1 {pack_format = #tpu.pack_format<interleaved>} : vector<32xbf16> -> vector<16xf32>
        %mul3A_927 = vector.broadcast %squeeze3A_917 : f32 to vector<16xf32>
        %mul3A_928 = arith.mulf %mul3A_927, %unpack3A_925 : vector<16xf32>
        %add3A_929 = arith.addf %add3A_912, %mul3A_928 : vector<16xf32>
        %mul3A_930 = vector.broadcast %squeeze3A_917 : f32 to vector<16xf32>
        %mul3A_931 = arith.mulf %mul3A_930, %unpack3A_926 : vector<16xf32>
        %add3A_932 = arith.addf %add3A_915, %mul3A_931 : vector<16xf32>
        %slice3A_933 = vector.extract_strided_slice %get3A_881 {offsets = [3], sizes = [1], strides = [1]} : vector<16xf32> to vector<1xf32>
        %squeeze3A_934 = vector.extract %slice3A_933[0] : f32 from vector<1xf32>
        %add3A_935 = arith.constant 3 : i32
        %add3A_936 = arith.addi %add3A_877, %add3A_935 : i32
        %get3A_937 = arith.constant 1 : i32
        %get3A_938 = arith.index_cast %get3A_937 : i32 to index
        %get3A_939 = arith.index_cast %add3A_936 : i32 to index
        %get3A_940 = arith.constant 0 : index
        %get3A_941 = tpu.vector_load %arg8[%get3A_938, %get3A_939, %get3A_940] {strides = array<i32>} : memref<3x512x32xbf16, #tpu.memory_space<vmem>>, vector<32xbf16>,
        %unpack3A_942 = tpu.unpack_subelements %get3A_941, 0 {pack_format = #tpu.pack_format<interleaved>} : vector<32xbf16> -> vector<16xf32>
        %unpack3A_943 = tpu.unpack_subelements %get3A_941, 1 {pack_format = #tpu.pack_format<interleaved>} : vector<32xbf16> -> vector<16xf32>
        %mul3A_944 = vector.broadcast %squeeze3A_934 : f32 to vector<16xf32>
        %mul3A_945 = arith.mulf %mul3A_944, %unpack3A_942 : vector<16xf32>
        %add3A_946 = arith.addf %add3A_929, %mul3A_945 : vector<16xf32>
        %mul3A_947 = vector.broadcast %squeeze3A_934 : f32 to vector<16xf32>
        %mul3A_948 = arith.mulf %mul3A_947, %unpack3A_943 : vector<16xf32>
        %add3A_949 = arith.addf %add3A_932, %mul3A_948 : vector<16xf32>
        %slice3A_950 = vector.extract_strided_slice %get3A_881 {offsets = [4], sizes = [1], strides = [1]} : vector<16xf32> to vector<1xf32>
        %squeeze3A_951 = vector.extract %slice3A_950[0] : f32 from vector<1xf32>
        %add3A_952 = arith.constant 4 : i32
        %add3A_953 = arith.addi %add3A_877, %add3A_952 : i32
        %get3A_954 = arith.constant 1 : i32
        %get3A_955 = arith.index_cast %get3A_954 : i32 to index
        %get3A_956 = arith.index_cast %add3A_953 : i32 to index
        %get3A_957 = arith.constant 0 : index
        %get3A_958 = tpu.vector_load %arg8[%get3A_955, %get3A_956, %get3A_957] {strides = array<i32>} : memref<3x512x32xbf16, #tpu.memory_space<vmem>>, vector<32xbf16>,
        %unpack3A_959 = tpu.unpack_subelements %get3A_958, 0 {pack_format = #tpu.pack_format<interleaved>} : vector<32xbf16> -> vector<16xf32>
        %unpack3A_960 = tpu.unpack_subelements %get3A_958, 1 {pack_format = #tpu.pack_format<interleaved>} : vector<32xbf16> -> vector<16xf32>
        %mul3A_961 = vector.broadcast %squeeze3A_951 : f32 to vector<16xf32>
        %mul3A_962 = arith.mulf %mul3A_961, %unpack3A_959 : vector<16xf32>
        %add3A_963 = arith.addf %add3A_946, %mul3A_962 : vector<16xf32>
        %mul3A_964 = vector.broadcast %squeeze3A_951 : f32 to vector<16xf32>
        %mul3A_965 = arith.mulf %mul3A_964, %unpack3A_960 : vector<16xf32>
        %add3A_966 = arith.addf %add3A_949, %mul3A_965 : vector<16xf32>
        %slice3A_967 = vector.extract_strided_slice %get3A_881 {offsets = [5], sizes = [1], strides = [1]} : vector<16xf32> to vector<1xf32>
        %squeeze3A_968 = vector.extract %slice3A_967[0] : f32 from vector<1xf32>
        %add3A_969 = arith.constant 5 : i32
        %add3A_970 = arith.addi %add3A_877, %add3A_969 : i32
        %get3A_971 = arith.constant 1 : i32
        %get3A_972 = arith.index_cast %get3A_971 : i32 to index
        %get3A_973 = arith.index_cast %add3A_970 : i32 to index
        %get3A_974 = arith.constant 0 : index
        %get3A_975 = tpu.vector_load %arg8[%get3A_972, %get3A_973, %get3A_974] {strides = array<i32>} : memref<3x512x32xbf16, #tpu.memory_space<vmem>>, vector<32xbf16>,
        %unpack3A_976 = tpu.unpack_subelements %get3A_975, 0 {pack_format = #tpu.pack_format<interleaved>} : vector<32xbf16> -> vector<16xf32>
        %unpack3A_977 = tpu.unpack_subelements %get3A_975, 1 {pack_format = #tpu.pack_format<interleaved>} : vector<32xbf16> -> vector<16xf32>
        %mul3A_978 = vector.broadcast %squeeze3A_968 : f32 to vector<16xf32>
        %mul3A_979 = arith.mulf %mul3A_978, %unpack3A_976 : vector<16xf32>
        %add3A_980 = arith.addf %add3A_963, %mul3A_979 : vector<16xf32>
        %mul3A_981 = vector.broadcast %squeeze3A_968 : f32 to vector<16xf32>
        %mul3A_982 = arith.mulf %mul3A_981, %unpack3A_977 : vector<16xf32>
        %add3A_983 = arith.addf %add3A_966, %mul3A_982 : vector<16xf32>
        %slice3A_984 = vector.extract_strided_slice %get3A_881 {offsets = [6], sizes = [1], strides = [1]} : vector<16xf32> to vector<1xf32>
        %squeeze3A_985 = vector.extract %slice3A_984[0] : f32 from vector<1xf32>
        %add3A_986 = arith.constant 6 : i32
        %add3A_987 = arith.addi %add3A_877, %add3A_986 : i32
        %get3A_988 = arith.constant 1 : i32
        %get3A_989 = arith.index_cast %get3A_988 : i32 to index
        %get3A_990 = arith.index_cast %add3A_987 : i32 to index
        %get3A_991 = arith.constant 0 : index
        %get3A_992 = tpu.vector_load %arg8[%get3A_989, %get3A_990, %get3A_991] {strides = array<i32>} : memref<3x512x32xbf16, #tpu.memory_space<vmem>>, vector<32xbf16>,
        %unpack3A_993 = tpu.unpack_subelements %get3A_992, 0 {pack_format = #tpu.pack_format<interleaved>} : vector<32xbf16> -> vector<16xf32>
        %unpack3A_994 = tpu.unpack_subelements %get3A_992, 1 {pack_format = #tpu.pack_format<interleaved>} : vector<32xbf16> -> vector<16xf32>
        %mul3A_995 = vector.broadcast %squeeze3A_985 : f32 to vector<16xf32>
        %mul3A_996 = arith.mulf %mul3A_995, %unpack3A_993 : vector<16xf32>
        %add3A_997 = arith.addf %add3A_980, %mul3A_996 : vector<16xf32>
        %mul3A_998 = vector.broadcast %squeeze3A_985 : f32 to vector<16xf32>
        %mul3A_999 = arith.mulf %mul3A_998, %unpack3A_994 : vector<16xf32>
        %add3A_1000 = arith.addf %add3A_983, %mul3A_999 : vector<16xf32>
        %slice3A_1001 = vector.extract_strided_slice %get3A_881 {offsets = [7], sizes = [1], strides = [1]} : vector<16xf32> to vector<1xf32>
        %squeeze3A_1002 = vector.extract %slice3A_1001[0] : f32 from vector<1xf32>
        %add3A_1003 = arith.constant 7 : i32
        %add3A_1004 = arith.addi %add3A_877, %add3A_1003 : i32
        %get3A_1005 = arith.constant 1 : i32
        %get3A_1006 = arith.index_cast %get3A_1005 : i32 to index
        %get3A_1007 = arith.index_cast %add3A_1004 : i32 to index
        %get3A_1008 = arith.constant 0 : index
        %get3A_1009 = tpu.vector_load %arg8[%get3A_1006, %get3A_1007, %get3A_1008] {strides = array<i32>} : memref<3x512x32xbf16, #tpu.memory_space<vmem>>, vector<32xbf16>,
        %unpack3A_1010 = tpu.unpack_subelements %get3A_1009, 0 {pack_format = #tpu.pack_format<interleaved>} : vector<32xbf16> -> vector<16xf32>
        %unpack3A_1011 = tpu.unpack_subelements %get3A_1009, 1 {pack_format = #tpu.pack_format<interleaved>} : vector<32xbf16> -> vector<16xf32>
        %mul3A_1012 = vector.broadcast %squeeze3A_1002 : f32 to vector<16xf32>
        %mul3A_1013 = arith.mulf %mul3A_1012, %unpack3A_1010 : vector<16xf32>
        %add3A_1014 = arith.addf %add3A_997, %mul3A_1013 : vector<16xf32>
        %mul3A_1015 = vector.broadcast %squeeze3A_1002 : f32 to vector<16xf32>
        %mul3A_1016 = arith.mulf %mul3A_1015, %unpack3A_1011 : vector<16xf32>
        %add3A_1017 = arith.addf %add3A_1000, %mul3A_1016 : vector<16xf32>
        %slice3A_1018 = vector.extract_strided_slice %get3A_881 {offsets = [8], sizes = [1], strides = [1]} : vector<16xf32> to vector<1xf32>
        %squeeze3A_1019 = vector.extract %slice3A_1018[0] : f32 from vector<1xf32>
        %add3A_1020 = arith.constant 8 : i32
        %add3A_1021 = arith.addi %add3A_877, %add3A_1020 : i32
        %get3A_1022 = arith.constant 1 : i32
        %get3A_1023 = arith.index_cast %get3A_1022 : i32 to index
        %get3A_1024 = arith.index_cast %add3A_1021 : i32 to index
        %get3A_1025 = arith.constant 0 : index
        %get3A_1026 = tpu.vector_load %arg8[%get3A_1023, %get3A_1024, %get3A_1025] {strides = array<i32>} : memref<3x512x32xbf16, #tpu.memory_space<vmem>>, vector<32xbf16>,
        %unpack3A_1027 = tpu.unpack_subelements %get3A_1026, 0 {pack_format = #tpu.pack_format<interleaved>} : vector<32xbf16> -> vector<16xf32>
        %unpack3A_1028 = tpu.unpack_subelements %get3A_1026, 1 {pack_format = #tpu.pack_format<interleaved>} : vector<32xbf16> -> vector<16xf32>
        %mul3A_1029 = vector.broadcast %squeeze3A_1019 : f32 to vector<16xf32>
        %mul3A_1030 = arith.mulf %mul3A_1029, %unpack3A_1027 : vector<16xf32>
        %add3A_1031 = arith.addf %add3A_1014, %mul3A_1030 : vector<16xf32>
        %mul3A_1032 = vector.broadcast %squeeze3A_1019 : f32 to vector<16xf32>
        %mul3A_1033 = arith.mulf %mul3A_1032, %unpack3A_1028 : vector<16xf32>
        %add3A_1034 = arith.addf %add3A_1017, %mul3A_1033 : vector<16xf32>
        %slice3A_1035 = vector.extract_strided_slice %get3A_881 {offsets = [9], sizes = [1], strides = [1]} : vector<16xf32> to vector<1xf32>
        %squeeze3A_1036 = vector.extract %slice3A_1035[0] : f32 from vector<1xf32>
        %add3A_1037 = arith.constant 9 : i32
        %add3A_1038 = arith.addi %add3A_877, %add3A_1037 : i32
        %get3A_1039 = arith.constant 1 : i32
        %get3A_1040 = arith.index_cast %get3A_1039 : i32 to index
        %get3A_1041 = arith.index_cast %add3A_1038 : i32 to index
        %get3A_1042 = arith.constant 0 : index
        %get3A_1043 = tpu.vector_load %arg8[%get3A_1040, %get3A_1041, %get3A_1042] {strides = array<i32>} : memref<3x512x32xbf16, #tpu.memory_space<vmem>>, vector<32xbf16>,
        %unpack3A_1044 = tpu.unpack_subelements %get3A_1043, 0 {pack_format = #tpu.pack_format<interleaved>} : vector<32xbf16> -> vector<16xf32>
        %unpack3A_1045 = tpu.unpack_subelements %get3A_1043, 1 {pack_format = #tpu.pack_format<interleaved>} : vector<32xbf16> -> vector<16xf32>
        %mul3A_1046 = vector.broadcast %squeeze3A_1036 : f32 to vector<16xf32>
        %mul3A_1047 = arith.mulf %mul3A_1046, %unpack3A_1044 : vector<16xf32>
        %add3A_1048 = arith.addf %add3A_1031, %mul3A_1047 : vector<16xf32>
        %mul3A_1049 = vector.broadcast %squeeze3A_1036 : f32 to vector<16xf32>
        %mul3A_1050 = arith.mulf %mul3A_1049, %unpack3A_1045 : vector<16xf32>
        %add3A_1051 = arith.addf %add3A_1034, %mul3A_1050 : vector<16xf32>
        %slice3A_1052 = vector.extract_strided_slice %get3A_881 {offsets = [10], sizes = [1], strides = [1]} : vector<16xf32> to vector<1xf32>
        %squeeze3A_1053 = vector.extract %slice3A_1052[0] : f32 from vector<1xf32>
        %add3A_1054 = arith.constant 10 : i32
        %add3A_1055 = arith.addi %add3A_877, %add3A_1054 : i32
        %get3A_1056 = arith.constant 1 : i32
        %get3A_1057 = arith.index_cast %get3A_1056 : i32 to index
        %get3A_1058 = arith.index_cast %add3A_1055 : i32 to index
        %get3A_1059 = arith.constant 0 : index
        %get3A_1060 = tpu.vector_load %arg8[%get3A_1057, %get3A_1058, %get3A_1059] {strides = array<i32>} : memref<3x512x32xbf16, #tpu.memory_space<vmem>>, vector<32xbf16>,
        %unpack3A_1061 = tpu.unpack_subelements %get3A_1060, 0 {pack_format = #tpu.pack_format<interleaved>} : vector<32xbf16> -> vector<16xf32>
        %unpack3A_1062 = tpu.unpack_subelements %get3A_1060, 1 {pack_format = #tpu.pack_format<interleaved>} : vector<32xbf16> -> vector<16xf32>
        %mul3A_1063 = vector.broadcast %squeeze3A_1053 : f32 to vector<16xf32>
        %mul3A_1064 = arith.mulf %mul3A_1063, %unpack3A_1061 : vector<16xf32>
        %add3A_1065 = arith.addf %add3A_1048, %mul3A_1064 : vector<16xf32>
        %mul3A_1066 = vector.broadcast %squeeze3A_1053 : f32 to vector<16xf32>
        %mul3A_1067 = arith.mulf %mul3A_1066, %unpack3A_1062 : vector<16xf32>
        %add3A_1068 = arith.addf %add3A_1051, %mul3A_1067 : vector<16xf32>
        %slice3A_1069 = vector.extract_strided_slice %get3A_881 {offsets = [11], sizes = [1], strides = [1]} : vector<16xf32> to vector<1xf32>
        %squeeze3A_1070 = vector.extract %slice3A_1069[0] : f32 from vector<1xf32>
        %add3A_1071 = arith.constant 11 : i32
        %add3A_1072 = arith.addi %add3A_877, %add3A_1071 : i32
        %get3A_1073 = arith.constant 1 : i32
        %get3A_1074 = arith.index_cast %get3A_1073 : i32 to index
        %get3A_1075 = arith.index_cast %add3A_1072 : i32 to index
        %get3A_1076 = arith.constant 0 : index
        %get3A_1077 = tpu.vector_load %arg8[%get3A_1074, %get3A_1075, %get3A_1076] {strides = array<i32>} : memref<3x512x32xbf16, #tpu.memory_space<vmem>>, vector<32xbf16>,
        %unpack3A_1078 = tpu.unpack_subelements %get3A_1077, 0 {pack_format = #tpu.pack_format<interleaved>} : vector<32xbf16> -> vector<16xf32>
        %unpack3A_1079 = tpu.unpack_subelements %get3A_1077, 1 {pack_format = #tpu.pack_format<interleaved>} : vector<32xbf16> -> vector<16xf32>
        %mul3A_1080 = vector.broadcast %squeeze3A_1070 : f32 to vector<16xf32>
        %mul3A_1081 = arith.mulf %mul3A_1080, %unpack3A_1078 : vector<16xf32>
        %add3A_1082 = arith.addf %add3A_1065, %mul3A_1081 : vector<16xf32>
        %mul3A_1083 = vector.broadcast %squeeze3A_1070 : f32 to vector<16xf32>
        %mul3A_1084 = arith.mulf %mul3A_1083, %unpack3A_1079 : vector<16xf32>
        %add3A_1085 = arith.addf %add3A_1068, %mul3A_1084 : vector<16xf32>
        %slice3A_1086 = vector.extract_strided_slice %get3A_881 {offsets = [12], sizes = [1], strides = [1]} : vector<16xf32> to vector<1xf32>
        %squeeze3A_1087 = vector.extract %slice3A_1086[0] : f32 from vector<1xf32>
        %add3A_1088 = arith.constant 12 : i32
        %add3A_1089 = arith.addi %add3A_877, %add3A_1088 : i32
        %get3A_1090 = arith.constant 1 : i32
        %get3A_1091 = arith.index_cast %get3A_1090 : i32 to index
        %get3A_1092 = arith.index_cast %add3A_1089 : i32 to index
        %get3A_1093 = arith.constant 0 : index
        %get3A_1094 = tpu.vector_load %arg8[%get3A_1091, %get3A_1092, %get3A_1093] {strides = array<i32>} : memref<3x512x32xbf16, #tpu.memory_space<vmem>>, vector<32xbf16>,
        %unpack3A_1095 = tpu.unpack_subelements %get3A_1094, 0 {pack_format = #tpu.pack_format<interleaved>} : vector<32xbf16> -> vector<16xf32>
        %unpack3A_1096 = tpu.unpack_subelements %get3A_1094, 1 {pack_format = #tpu.pack_format<interleaved>} : vector<32xbf16> -> vector<16xf32>
        %mul3A_1097 = vector.broadcast %squeeze3A_1087 : f32 to vector<16xf32>
        %mul3A_1098 = arith.mulf %mul3A_1097, %unpack3A_1095 : vector<16xf32>
        %add3A_1099 = arith.addf %add3A_1082, %mul3A_1098 : vector<16xf32>
        %mul3A_1100 = vector.broadcast %squeeze3A_1087 : f32 to vector<16xf32>
        %mul3A_1101 = arith.mulf %mul3A_1100, %unpack3A_1096 : vector<16xf32>
        %add3A_1102 = arith.addf %add3A_1085, %mul3A_1101 : vector<16xf32>
        %slice3A_1103 = vector.extract_strided_slice %get3A_881 {offsets = [13], sizes = [1], strides = [1]} : vector<16xf32> to vector<1xf32>
        %squeeze3A_1104 = vector.extract %slice3A_1103[0] : f32 from vector<1xf32>
        %add3A_1105 = arith.constant 13 : i32
        %add3A_1106 = arith.addi %add3A_877, %add3A_1105 : i32
        %get3A_1107 = arith.constant 1 : i32
        %get3A_1108 = arith.index_cast %get3A_1107 : i32 to index
        %get3A_1109 = arith.index_cast %add3A_1106 : i32 to index
        %get3A_1110 = arith.constant 0 : index
        %get3A_1111 = tpu.vector_load %arg8[%get3A_1108, %get3A_1109, %get3A_1110] {strides = array<i32>} : memref<3x512x32xbf16, #tpu.memory_space<vmem>>, vector<32xbf16>,
        %unpack3A_1112 = tpu.unpack_subelements %get3A_1111, 0 {pack_format = #tpu.pack_format<interleaved>} : vector<32xbf16> -> vector<16xf32>
        %unpack3A_1113 = tpu.unpack_subelements %get3A_1111, 1 {pack_format = #tpu.pack_format<interleaved>} : vector<32xbf16> -> vector<16xf32>
        %mul3A_1114 = vector.broadcast %squeeze3A_1104 : f32 to vector<16xf32>
        %mul3A_1115 = arith.mulf %mul3A_1114, %unpack3A_1112 : vector<16xf32>
        %add3A_1116 = arith.addf %add3A_1099, %mul3A_1115 : vector<16xf32>
        %mul3A_1117 = vector.broadcast %squeeze3A_1104 : f32 to vector<16xf32>
        %mul3A_1118 = arith.mulf %mul3A_1117, %unpack3A_1113 : vector<16xf32>
        %add3A_1119 = arith.addf %add3A_1102, %mul3A_1118 : vector<16xf32>
        %slice3A_1120 = vector.extract_strided_slice %get3A_881 {offsets = [14], sizes = [1], strides = [1]} : vector<16xf32> to vector<1xf32>
        %squeeze3A_1121 = vector.extract %slice3A_1120[0] : f32 from vector<1xf32>
        %add3A_1122 = arith.constant 14 : i32
        %add3A_1123 = arith.addi %add3A_877, %add3A_1122 : i32
        %get3A_1124 = arith.constant 1 : i32
        %get3A_1125 = arith.index_cast %get3A_1124 : i32 to index
        %get3A_1126 = arith.index_cast %add3A_1123 : i32 to index
        %get3A_1127 = arith.constant 0 : index
        %get3A_1128 = tpu.vector_load %arg8[%get3A_1125, %get3A_1126, %get3A_1127] {strides = array<i32>} : memref<3x512x32xbf16, #tpu.memory_space<vmem>>, vector<32xbf16>,
        %unpack3A_1129 = tpu.unpack_subelements %get3A_1128, 0 {pack_format = #tpu.pack_format<interleaved>} : vector<32xbf16> -> vector<16xf32>
        %unpack3A_1130 = tpu.unpack_subelements %get3A_1128, 1 {pack_format = #tpu.pack_format<interleaved>} : vector<32xbf16> -> vector<16xf32>
        %mul3A_1131 = vector.broadcast %squeeze3A_1121 : f32 to vector<16xf32>
        %mul3A_1132 = arith.mulf %mul3A_1131, %unpack3A_1129 : vector<16xf32>
        %add3A_1133 = arith.addf %add3A_1116, %mul3A_1132 : vector<16xf32>
        %mul3A_1134 = vector.broadcast %squeeze3A_1121 : f32 to vector<16xf32>
        %mul3A_1135 = arith.mulf %mul3A_1134, %unpack3A_1130 : vector<16xf32>
        %add3A_1136 = arith.addf %add3A_1119, %mul3A_1135 : vector<16xf32>
        %slice3A_1137 = vector.extract_strided_slice %get3A_881 {offsets = [15], sizes = [1], strides = [1]} : vector<16xf32> to vector<1xf32>
        %squeeze3A_1138 = vector.extract %slice3A_1137[0] : f32 from vector<1xf32>
        %add3A_1139 = arith.constant 15 : i32
        %add3A_1140 = arith.addi %add3A_877, %add3A_1139 : i32
        %get3A_1141 = arith.constant 1 : i32
        %get3A_1142 = arith.index_cast %get3A_1141 : i32 to index
        %get3A_1143 = arith.index_cast %add3A_1140 : i32 to index
        %get3A_1144 = arith.constant 0 : index
        %get3A_1145 = tpu.vector_load %arg8[%get3A_1142, %get3A_1143, %get3A_1144] {strides = array<i32>} : memref<3x512x32xbf16, #tpu.memory_space<vmem>>, vector<32xbf16>,
        %unpack3A_1146 = tpu.unpack_subelements %get3A_1145, 0 {pack_format = #tpu.pack_format<interleaved>} : vector<32xbf16> -> vector<16xf32>
        %unpack3A_1147 = tpu.unpack_subelements %get3A_1145, 1 {pack_format = #tpu.pack_format<interleaved>} : vector<32xbf16> -> vector<16xf32>
        %mul3A_1148 = vector.broadcast %squeeze3A_1138 : f32 to vector<16xf32>
        %mul3A_1149 = arith.mulf %mul3A_1148, %unpack3A_1146 : vector<16xf32>
        %add3A_1150 = arith.addf %add3A_1133, %mul3A_1149 : vector<16xf32>
        %mul3A_1151 = vector.broadcast %squeeze3A_1138 : f32 to vector<16xf32>
        %mul3A_1152 = arith.mulf %mul3A_1151, %unpack3A_1147 : vector<16xf32>
        %add3A_1153 = arith.addf %add3A_1136, %mul3A_1152 : vector<16xf32>
        %mul3A_1154 = arith.constant 16 : i32
        %mul3A_1155 = arith.muli %scan3A_314, %mul3A_1154 : i32
        %add3A_1156 = arith.constant 384 : i32
        %add3A_1157 = arith.addi %add3A_1156, %mul3A_1155 : i32
        %get3A_1158 = arith.constant 1 : i32
        %get3A_1159 = arith.index_cast %get3A_1158 : i32 to index
        %get3A_1160 = arith.index_cast %add3A_1157 : i32 to index
        %get3A_1161 = tpu.vector_load %arg7[%get3A_1159, %get3A_1160] {strides = array<i32>} : memref<3x512xf32, #tpu.memory_space<vmem>>, vector<16xf32>,
        %slice3A_1162 = vector.extract_strided_slice %get3A_1161 {offsets = [0], sizes = [1], strides = [1]} : vector<16xf32> to vector<1xf32>
        %squeeze3A_1163 = vector.extract %slice3A_1162[0] : f32 from vector<1xf32>
        %add3A_1164 = arith.constant 0 : i32
        %add3A_1165 = arith.addi %add3A_1157, %add3A_1164 : i32
        %get3A_1166 = arith.constant 1 : i32
        %get3A_1167 = arith.index_cast %get3A_1166 : i32 to index
        %get3A_1168 = arith.index_cast %add3A_1165 : i32 to index
        %get3A_1169 = arith.constant 0 : index
        %get3A_1170 = tpu.vector_load %arg8[%get3A_1167, %get3A_1168, %get3A_1169] {strides = array<i32>} : memref<3x512x32xbf16, #tpu.memory_space<vmem>>, vector<32xbf16>,
        %unpack3A_1171 = tpu.unpack_subelements %get3A_1170, 0 {pack_format = #tpu.pack_format<interleaved>} : vector<32xbf16> -> vector<16xf32>
        %unpack3A_1172 = tpu.unpack_subelements %get3A_1170, 1 {pack_format = #tpu.pack_format<interleaved>} : vector<32xbf16> -> vector<16xf32>
        %mul3A_1173 = vector.broadcast %squeeze3A_1163 : f32 to vector<16xf32>
        %mul3A_1174 = arith.mulf %mul3A_1173, %unpack3A_1171 : vector<16xf32>
        %add3A_1175 = arith.addf %add3A_1150, %mul3A_1174 : vector<16xf32>
        %mul3A_1176 = vector.broadcast %squeeze3A_1163 : f32 to vector<16xf32>
        %mul3A_1177 = arith.mulf %mul3A_1176, %unpack3A_1172 : vector<16xf32>
        %add3A_1178 = arith.addf %add3A_1153, %mul3A_1177 : vector<16xf32>
        %slice3A_1179 = vector.extract_strided_slice %get3A_1161 {offsets = [1], sizes = [1], strides = [1]} : vector<16xf32> to vector<1xf32>
        %squeeze3A_1180 = vector.extract %slice3A_1179[0] : f32 from vector<1xf32>
        %add3A_1181 = arith.constant 1 : i32
        %add3A_1182 = arith.addi %add3A_1157, %add3A_1181 : i32
        %get3A_1183 = arith.constant 1 : i32
        %get3A_1184 = arith.index_cast %get3A_1183 : i32 to index
        %get3A_1185 = arith.index_cast %add3A_1182 : i32 to index
        %get3A_1186 = arith.constant 0 : index
        %get3A_1187 = tpu.vector_load %arg8[%get3A_1184, %get3A_1185, %get3A_1186] {strides = array<i32>} : memref<3x512x32xbf16, #tpu.memory_space<vmem>>, vector<32xbf16>,
        %unpack3A_1188 = tpu.unpack_subelements %get3A_1187, 0 {pack_format = #tpu.pack_format<interleaved>} : vector<32xbf16> -> vector<16xf32>
        %unpack3A_1189 = tpu.unpack_subelements %get3A_1187, 1 {pack_format = #tpu.pack_format<interleaved>} : vector<32xbf16> -> vector<16xf32>
        %mul3A_1190 = vector.broadcast %squeeze3A_1180 : f32 to vector<16xf32>
        %mul3A_1191 = arith.mulf %mul3A_1190, %unpack3A_1188 : vector<16xf32>
        %add3A_1192 = arith.addf %add3A_1175, %mul3A_1191 : vector<16xf32>
        %mul3A_1193 = vector.broadcast %squeeze3A_1180 : f32 to vector<16xf32>
        %mul3A_1194 = arith.mulf %mul3A_1193, %unpack3A_1189 : vector<16xf32>
        %add3A_1195 = arith.addf %add3A_1178, %mul3A_1194 : vector<16xf32>
        %slice3A_1196 = vector.extract_strided_slice %get3A_1161 {offsets = [2], sizes = [1], strides = [1]} : vector<16xf32> to vector<1xf32>
        %squeeze3A_1197 = vector.extract %slice3A_1196[0] : f32 from vector<1xf32>
        %add3A_1198 = arith.constant 2 : i32
        %add3A_1199 = arith.addi %add3A_1157, %add3A_1198 : i32
        %get3A_1200 = arith.constant 1 : i32
        %get3A_1201 = arith.index_cast %get3A_1200 : i32 to index
        %get3A_1202 = arith.index_cast %add3A_1199 : i32 to index
        %get3A_1203 = arith.constant 0 : index
        %get3A_1204 = tpu.vector_load %arg8[%get3A_1201, %get3A_1202, %get3A_1203] {strides = array<i32>} : memref<3x512x32xbf16, #tpu.memory_space<vmem>>, vector<32xbf16>,
        %unpack3A_1205 = tpu.unpack_subelements %get3A_1204, 0 {pack_format = #tpu.pack_format<interleaved>} : vector<32xbf16> -> vector<16xf32>
        %unpack3A_1206 = tpu.unpack_subelements %get3A_1204, 1 {pack_format = #tpu.pack_format<interleaved>} : vector<32xbf16> -> vector<16xf32>
        %mul3A_1207 = vector.broadcast %squeeze3A_1197 : f32 to vector<16xf32>
        %mul3A_1208 = arith.mulf %mul3A_1207, %unpack3A_1205 : vector<16xf32>
        %add3A_1209 = arith.addf %add3A_1192, %mul3A_1208 : vector<16xf32>
        %mul3A_1210 = vector.broadcast %squeeze3A_1197 : f32 to vector<16xf32>
        %mul3A_1211 = arith.mulf %mul3A_1210, %unpack3A_1206 : vector<16xf32>
        %add3A_1212 = arith.addf %add3A_1195, %mul3A_1211 : vector<16xf32>
        %slice3A_1213 = vector.extract_strided_slice %get3A_1161 {offsets = [3], sizes = [1], strides = [1]} : vector<16xf32> to vector<1xf32>
        %squeeze3A_1214 = vector.extract %slice3A_1213[0] : f32 from vector<1xf32>
        %add3A_1215 = arith.constant 3 : i32
        %add3A_1216 = arith.addi %add3A_1157, %add3A_1215 : i32
        %get3A_1217 = arith.constant 1 : i32
        %get3A_1218 = arith.index_cast %get3A_1217 : i32 to index
        %get3A_1219 = arith.index_cast %add3A_1216 : i32 to index
        %get3A_1220 = arith.constant 0 : index
        %get3A_1221 = tpu.vector_load %arg8[%get3A_1218, %get3A_1219, %get3A_1220] {strides = array<i32>} : memref<3x512x32xbf16, #tpu.memory_space<vmem>>, vector<32xbf16>,
        %unpack3A_1222 = tpu.unpack_subelements %get3A_1221, 0 {pack_format = #tpu.pack_format<interleaved>} : vector<32xbf16> -> vector<16xf32>
        %unpack3A_1223 = tpu.unpack_subelements %get3A_1221, 1 {pack_format = #tpu.pack_format<interleaved>} : vector<32xbf16> -> vector<16xf32>
        %mul3A_1224 = vector.broadcast %squeeze3A_1214 : f32 to vector<16xf32>
        %mul3A_1225 = arith.mulf %mul3A_1224, %unpack3A_1222 : vector<16xf32>
        %add3A_1226 = arith.addf %add3A_1209, %mul3A_1225 : vector<16xf32>
        %mul3A_1227 = vector.broadcast %squeeze3A_1214 : f32 to vector<16xf32>
        %mul3A_1228 = arith.mulf %mul3A_1227, %unpack3A_1223 : vector<16xf32>
        %add3A_1229 = arith.addf %add3A_1212, %mul3A_1228 : vector<16xf32>
        %slice3A_1230 = vector.extract_strided_slice %get3A_1161 {offsets = [4], sizes = [1], strides = [1]} : vector<16xf32> to vector<1xf32>
        %squeeze3A_1231 = vector.extract %slice3A_1230[0] : f32 from vector<1xf32>
        %add3A_1232 = arith.constant 4 : i32
        %add3A_1233 = arith.addi %add3A_1157, %add3A_1232 : i32
        %get3A_1234 = arith.constant 1 : i32
        %get3A_1235 = arith.index_cast %get3A_1234 : i32 to index
        %get3A_1236 = arith.index_cast %add3A_1233 : i32 to index
        %get3A_1237 = arith.constant 0 : index
        %get3A_1238 = tpu.vector_load %arg8[%get3A_1235, %get3A_1236, %get3A_1237] {strides = array<i32>} : memref<3x512x32xbf16, #tpu.memory_space<vmem>>, vector<32xbf16>,
        %unpack3A_1239 = tpu.unpack_subelements %get3A_1238, 0 {pack_format = #tpu.pack_format<interleaved>} : vector<32xbf16> -> vector<16xf32>
        %unpack3A_1240 = tpu.unpack_subelements %get3A_1238, 1 {pack_format = #tpu.pack_format<interleaved>} : vector<32xbf16> -> vector<16xf32>
        %mul3A_1241 = vector.broadcast %squeeze3A_1231 : f32 to vector<16xf32>
        %mul3A_1242 = arith.mulf %mul3A_1241, %unpack3A_1239 : vector<16xf32>
        %add3A_1243 = arith.addf %add3A_1226, %mul3A_1242 : vector<16xf32>
        %mul3A_1244 = vector.broadcast %squeeze3A_1231 : f32 to vector<16xf32>
        %mul3A_1245 = arith.mulf %mul3A_1244, %unpack3A_1240 : vector<16xf32>
        %add3A_1246 = arith.addf %add3A_1229, %mul3A_1245 : vector<16xf32>
        %slice3A_1247 = vector.extract_strided_slice %get3A_1161 {offsets = [5], sizes = [1], strides = [1]} : vector<16xf32> to vector<1xf32>
        %squeeze3A_1248 = vector.extract %slice3A_1247[0] : f32 from vector<1xf32>
        %add3A_1249 = arith.constant 5 : i32
        %add3A_1250 = arith.addi %add3A_1157, %add3A_1249 : i32
        %get3A_1251 = arith.constant 1 : i32
        %get3A_1252 = arith.index_cast %get3A_1251 : i32 to index
        %get3A_1253 = arith.index_cast %add3A_1250 : i32 to index
        %get3A_1254 = arith.constant 0 : index
        %get3A_1255 = tpu.vector_load %arg8[%get3A_1252, %get3A_1253, %get3A_1254] {strides = array<i32>} : memref<3x512x32xbf16, #tpu.memory_space<vmem>>, vector<32xbf16>,
        %unpack3A_1256 = tpu.unpack_subelements %get3A_1255, 0 {pack_format = #tpu.pack_format<interleaved>} : vector<32xbf16> -> vector<16xf32>
        %unpack3A_1257 = tpu.unpack_subelements %get3A_1255, 1 {pack_format = #tpu.pack_format<interleaved>} : vector<32xbf16> -> vector<16xf32>
        %mul3A_1258 = vector.broadcast %squeeze3A_1248 : f32 to vector<16xf32>
        %mul3A_1259 = arith.mulf %mul3A_1258, %unpack3A_1256 : vector<16xf32>
        %add3A_1260 = arith.addf %add3A_1243, %mul3A_1259 : vector<16xf32>
        %mul3A_1261 = vector.broadcast %squeeze3A_1248 : f32 to vector<16xf32>
        %mul3A_1262 = arith.mulf %mul3A_1261, %unpack3A_1257 : vector<16xf32>
        %add3A_1263 = arith.addf %add3A_1246, %mul3A_1262 : vector<16xf32>
        %slice3A_1264 = vector.extract_strided_slice %get3A_1161 {offsets = [6], sizes = [1], strides = [1]} : vector<16xf32> to vector<1xf32>
        %squeeze3A_1265 = vector.extract %slice3A_1264[0] : f32 from vector<1xf32>
        %add3A_1266 = arith.constant 6 : i32
        %add3A_1267 = arith.addi %add3A_1157, %add3A_1266 : i32
        %get3A_1268 = arith.constant 1 : i32
        %get3A_1269 = arith.index_cast %get3A_1268 : i32 to index
        %get3A_1270 = arith.index_cast %add3A_1267 : i32 to index
        %get3A_1271 = arith.constant 0 : index
        %get3A_1272 = tpu.vector_load %arg8[%get3A_1269, %get3A_1270, %get3A_1271] {strides = array<i32>} : memref<3x512x32xbf16, #tpu.memory_space<vmem>>, vector<32xbf16>,
        %unpack3A_1273 = tpu.unpack_subelements %get3A_1272, 0 {pack_format = #tpu.pack_format<interleaved>} : vector<32xbf16> -> vector<16xf32>
        %unpack3A_1274 = tpu.unpack_subelements %get3A_1272, 1 {pack_format = #tpu.pack_format<interleaved>} : vector<32xbf16> -> vector<16xf32>
        %mul3A_1275 = vector.broadcast %squeeze3A_1265 : f32 to vector<16xf32>
        %mul3A_1276 = arith.mulf %mul3A_1275, %unpack3A_1273 : vector<16xf32>
        %add3A_1277 = arith.addf %add3A_1260, %mul3A_1276 : vector<16xf32>
        %mul3A_1278 = vector.broadcast %squeeze3A_1265 : f32 to vector<16xf32>
        %mul3A_1279 = arith.mulf %mul3A_1278, %unpack3A_1274 : vector<16xf32>
        %add3A_1280 = arith.addf %add3A_1263, %mul3A_1279 : vector<16xf32>
        %slice3A_1281 = vector.extract_strided_slice %get3A_1161 {offsets = [7], sizes = [1], strides = [1]} : vector<16xf32> to vector<1xf32>
        %squeeze3A_1282 = vector.extract %slice3A_1281[0] : f32 from vector<1xf32>
        %add3A_1283 = arith.constant 7 : i32
        %add3A_1284 = arith.addi %add3A_1157, %add3A_1283 : i32
        %get3A_1285 = arith.constant 1 : i32
        %get3A_1286 = arith.index_cast %get3A_1285 : i32 to index
        %get3A_1287 = arith.index_cast %add3A_1284 : i32 to index
        %get3A_1288 = arith.constant 0 : index
        %get3A_1289 = tpu.vector_load %arg8[%get3A_1286, %get3A_1287, %get3A_1288] {strides = array<i32>} : memref<3x512x32xbf16, #tpu.memory_space<vmem>>, vector<32xbf16>,
        %unpack3A_1290 = tpu.unpack_subelements %get3A_1289, 0 {pack_format = #tpu.pack_format<interleaved>} : vector<32xbf16> -> vector<16xf32>
        %unpack3A_1291 = tpu.unpack_subelements %get3A_1289, 1 {pack_format = #tpu.pack_format<interleaved>} : vector<32xbf16> -> vector<16xf32>
        %mul3A_1292 = vector.broadcast %squeeze3A_1282 : f32 to vector<16xf32>
        %mul3A_1293 = arith.mulf %mul3A_1292, %unpack3A_1290 : vector<16xf32>
        %add3A_1294 = arith.addf %add3A_1277, %mul3A_1293 : vector<16xf32>
        %mul3A_1295 = vector.broadcast %squeeze3A_1282 : f32 to vector<16xf32>
        %mul3A_1296 = arith.mulf %mul3A_1295, %unpack3A_1291 : vector<16xf32>
        %add3A_1297 = arith.addf %add3A_1280, %mul3A_1296 : vector<16xf32>
        %slice3A_1298 = vector.extract_strided_slice %get3A_1161 {offsets = [8], sizes = [1], strides = [1]} : vector<16xf32> to vector<1xf32>
        %squeeze3A_1299 = vector.extract %slice3A_1298[0] : f32 from vector<1xf32>
        %add3A_1300 = arith.constant 8 : i32
        %add3A_1301 = arith.addi %add3A_1157, %add3A_1300 : i32
        %get3A_1302 = arith.constant 1 : i32
        %get3A_1303 = arith.index_cast %get3A_1302 : i32 to index
        %get3A_1304 = arith.index_cast %add3A_1301 : i32 to index
        %get3A_1305 = arith.constant 0 : index
        %get3A_1306 = tpu.vector_load %arg8[%get3A_1303, %get3A_1304, %get3A_1305] {strides = array<i32>} : memref<3x512x32xbf16, #tpu.memory_space<vmem>>, vector<32xbf16>,
        %unpack3A_1307 = tpu.unpack_subelements %get3A_1306, 0 {pack_format = #tpu.pack_format<interleaved>} : vector<32xbf16> -> vector<16xf32>
        %unpack3A_1308 = tpu.unpack_subelements %get3A_1306, 1 {pack_format = #tpu.pack_format<interleaved>} : vector<32xbf16> -> vector<16xf32>
        %mul3A_1309 = vector.broadcast %squeeze3A_1299 : f32 to vector<16xf32>
        %mul3A_1310 = arith.mulf %mul3A_1309, %unpack3A_1307 : vector<16xf32>
        %add3A_1311 = arith.addf %add3A_1294, %mul3A_1310 : vector<16xf32>
        %mul3A_1312 = vector.broadcast %squeeze3A_1299 : f32 to vector<16xf32>
        %mul3A_1313 = arith.mulf %mul3A_1312, %unpack3A_1308 : vector<16xf32>
        %add3A_1314 = arith.addf %add3A_1297, %mul3A_1313 : vector<16xf32>
        %slice3A_1315 = vector.extract_strided_slice %get3A_1161 {offsets = [9], sizes = [1], strides = [1]} : vector<16xf32> to vector<1xf32>
        %squeeze3A_1316 = vector.extract %slice3A_1315[0] : f32 from vector<1xf32>
        %add3A_1317 = arith.constant 9 : i32
        %add3A_1318 = arith.addi %add3A_1157, %add3A_1317 : i32
        %get3A_1319 = arith.constant 1 : i32
        %get3A_1320 = arith.index_cast %get3A_1319 : i32 to index
        %get3A_1321 = arith.index_cast %add3A_1318 : i32 to index
        %get3A_1322 = arith.constant 0 : index
        %get3A_1323 = tpu.vector_load %arg8[%get3A_1320, %get3A_1321, %get3A_1322] {strides = array<i32>} : memref<3x512x32xbf16, #tpu.memory_space<vmem>>, vector<32xbf16>,
        %unpack3A_1324 = tpu.unpack_subelements %get3A_1323, 0 {pack_format = #tpu.pack_format<interleaved>} : vector<32xbf16> -> vector<16xf32>
        %unpack3A_1325 = tpu.unpack_subelements %get3A_1323, 1 {pack_format = #tpu.pack_format<interleaved>} : vector<32xbf16> -> vector<16xf32>
        %mul3A_1326 = vector.broadcast %squeeze3A_1316 : f32 to vector<16xf32>
        %mul3A_1327 = arith.mulf %mul3A_1326, %unpack3A_1324 : vector<16xf32>
        %add3A_1328 = arith.addf %add3A_1311, %mul3A_1327 : vector<16xf32>
        %mul3A_1329 = vector.broadcast %squeeze3A_1316 : f32 to vector<16xf32>
        %mul3A_1330 = arith.mulf %mul3A_1329, %unpack3A_1325 : vector<16xf32>
        %add3A_1331 = arith.addf %add3A_1314, %mul3A_1330 : vector<16xf32>
        %slice3A_1332 = vector.extract_strided_slice %get3A_1161 {offsets = [10], sizes = [1], strides = [1]} : vector<16xf32> to vector<1xf32>
        %squeeze3A_1333 = vector.extract %slice3A_1332[0] : f32 from vector<1xf32>
        %add3A_1334 = arith.constant 10 : i32
        %add3A_1335 = arith.addi %add3A_1157, %add3A_1334 : i32
        %get3A_1336 = arith.constant 1 : i32
        %get3A_1337 = arith.index_cast %get3A_1336 : i32 to index
        %get3A_1338 = arith.index_cast %add3A_1335 : i32 to index
        %get3A_1339 = arith.constant 0 : index
        %get3A_1340 = tpu.vector_load %arg8[%get3A_1337, %get3A_1338, %get3A_1339] {strides = array<i32>} : memref<3x512x32xbf16, #tpu.memory_space<vmem>>, vector<32xbf16>,
        %unpack3A_1341 = tpu.unpack_subelements %get3A_1340, 0 {pack_format = #tpu.pack_format<interleaved>} : vector<32xbf16> -> vector<16xf32>
        %unpack3A_1342 = tpu.unpack_subelements %get3A_1340, 1 {pack_format = #tpu.pack_format<interleaved>} : vector<32xbf16> -> vector<16xf32>
        %mul3A_1343 = vector.broadcast %squeeze3A_1333 : f32 to vector<16xf32>
        %mul3A_1344 = arith.mulf %mul3A_1343, %unpack3A_1341 : vector<16xf32>
        %add3A_1345 = arith.addf %add3A_1328, %mul3A_1344 : vector<16xf32>
        %mul3A_1346 = vector.broadcast %squeeze3A_1333 : f32 to vector<16xf32>
        %mul3A_1347 = arith.mulf %mul3A_1346, %unpack3A_1342 : vector<16xf32>
        %add3A_1348 = arith.addf %add3A_1331, %mul3A_1347 : vector<16xf32>
        %slice3A_1349 = vector.extract_strided_slice %get3A_1161 {offsets = [11], sizes = [1], strides = [1]} : vector<16xf32> to vector<1xf32>
        %squeeze3A_1350 = vector.extract %slice3A_1349[0] : f32 from vector<1xf32>
        %add3A_1351 = arith.constant 11 : i32
        %add3A_1352 = arith.addi %add3A_1157, %add3A_1351 : i32
        %get3A_1353 = arith.constant 1 : i32
        %get3A_1354 = arith.index_cast %get3A_1353 : i32 to index
        %get3A_1355 = arith.index_cast %add3A_1352 : i32 to index
        %get3A_1356 = arith.constant 0 : index
        %get3A_1357 = tpu.vector_load %arg8[%get3A_1354, %get3A_1355, %get3A_1356] {strides = array<i32>} : memref<3x512x32xbf16, #tpu.memory_space<vmem>>, vector<32xbf16>,
        %unpack3A_1358 = tpu.unpack_subelements %get3A_1357, 0 {pack_format = #tpu.pack_format<interleaved>} : vector<32xbf16> -> vector<16xf32>
        %unpack3A_1359 = tpu.unpack_subelements %get3A_1357, 1 {pack_format = #tpu.pack_format<interleaved>} : vector<32xbf16> -> vector<16xf32>
        %mul3A_1360 = vector.broadcast %squeeze3A_1350 : f32 to vector<16xf32>
        %mul3A_1361 = arith.mulf %mul3A_1360, %unpack3A_1358 : vector<16xf32>
        %add3A_1362 = arith.addf %add3A_1345, %mul3A_1361 : vector<16xf32>
        %mul3A_1363 = vector.broadcast %squeeze3A_1350 : f32 to vector<16xf32>
        %mul3A_1364 = arith.mulf %mul3A_1363, %unpack3A_1359 : vector<16xf32>
        %add3A_1365 = arith.addf %add3A_1348, %mul3A_1364 : vector<16xf32>
        %slice3A_1366 = vector.extract_strided_slice %get3A_1161 {offsets = [12], sizes = [1], strides = [1]} : vector<16xf32> to vector<1xf32>
        %squeeze3A_1367 = vector.extract %slice3A_1366[0] : f32 from vector<1xf32>
        %add3A_1368 = arith.constant 12 : i32
        %add3A_1369 = arith.addi %add3A_1157, %add3A_1368 : i32
        %get3A_1370 = arith.constant 1 : i32
        %get3A_1371 = arith.index_cast %get3A_1370 : i32 to index
        %get3A_1372 = arith.index_cast %add3A_1369 : i32 to index
        %get3A_1373 = arith.constant 0 : index
        %get3A_1374 = tpu.vector_load %arg8[%get3A_1371, %get3A_1372, %get3A_1373] {strides = array<i32>} : memref<3x512x32xbf16, #tpu.memory_space<vmem>>, vector<32xbf16>,
        %unpack3A_1375 = tpu.unpack_subelements %get3A_1374, 0 {pack_format = #tpu.pack_format<interleaved>} : vector<32xbf16> -> vector<16xf32>
        %unpack3A_1376 = tpu.unpack_subelements %get3A_1374, 1 {pack_format = #tpu.pack_format<interleaved>} : vector<32xbf16> -> vector<16xf32>
        %mul3A_1377 = vector.broadcast %squeeze3A_1367 : f32 to vector<16xf32>
        %mul3A_1378 = arith.mulf %mul3A_1377, %unpack3A_1375 : vector<16xf32>
        %add3A_1379 = arith.addf %add3A_1362, %mul3A_1378 : vector<16xf32>
        %mul3A_1380 = vector.broadcast %squeeze3A_1367 : f32 to vector<16xf32>
        %mul3A_1381 = arith.mulf %mul3A_1380, %unpack3A_1376 : vector<16xf32>
        %add3A_1382 = arith.addf %add3A_1365, %mul3A_1381 : vector<16xf32>
        %slice3A_1383 = vector.extract_strided_slice %get3A_1161 {offsets = [13], sizes = [1], strides = [1]} : vector<16xf32> to vector<1xf32>
        %squeeze3A_1384 = vector.extract %slice3A_1383[0] : f32 from vector<1xf32>
        %add3A_1385 = arith.constant 13 : i32
        %add3A_1386 = arith.addi %add3A_1157, %add3A_1385 : i32
        %get3A_1387 = arith.constant 1 : i32
        %get3A_1388 = arith.index_cast %get3A_1387 : i32 to index
        %get3A_1389 = arith.index_cast %add3A_1386 : i32 to index
        %get3A_1390 = arith.constant 0 : index
        %get3A_1391 = tpu.vector_load %arg8[%get3A_1388, %get3A_1389, %get3A_1390] {strides = array<i32>} : memref<3x512x32xbf16, #tpu.memory_space<vmem>>, vector<32xbf16>,
        %unpack3A_1392 = tpu.unpack_subelements %get3A_1391, 0 {pack_format = #tpu.pack_format<interleaved>} : vector<32xbf16> -> vector<16xf32>
        %unpack3A_1393 = tpu.unpack_subelements %get3A_1391, 1 {pack_format = #tpu.pack_format<interleaved>} : vector<32xbf16> -> vector<16xf32>
        %mul3A_1394 = vector.broadcast %squeeze3A_1384 : f32 to vector<16xf32>
        %mul3A_1395 = arith.mulf %mul3A_1394, %unpack3A_1392 : vector<16xf32>
        %add3A_1396 = arith.addf %add3A_1379, %mul3A_1395 : vector<16xf32>
        %mul3A_1397 = vector.broadcast %squeeze3A_1384 : f32 to vector<16xf32>
        %mul3A_1398 = arith.mulf %mul3A_1397, %unpack3A_1393 : vector<16xf32>
        %add3A_1399 = arith.addf %add3A_1382, %mul3A_1398 : vector<16xf32>
        %slice3A_1400 = vector.extract_strided_slice %get3A_1161 {offsets = [14], sizes = [1], strides = [1]} : vector<16xf32> to vector<1xf32>
        %squeeze3A_1401 = vector.extract %slice3A_1400[0] : f32 from vector<1xf32>
        %add3A_1402 = arith.constant 14 : i32
        %add3A_1403 = arith.addi %add3A_1157, %add3A_1402 : i32
        %get3A_1404 = arith.constant 1 : i32
        %get3A_1405 = arith.index_cast %get3A_1404 : i32 to index
        %get3A_1406 = arith.index_cast %add3A_1403 : i32 to index
        %get3A_1407 = arith.constant 0 : index
        %get3A_1408 = tpu.vector_load %arg8[%get3A_1405, %get3A_1406, %get3A_1407] {strides = array<i32>} : memref<3x512x32xbf16, #tpu.memory_space<vmem>>, vector<32xbf16>,
        %unpack3A_1409 = tpu.unpack_subelements %get3A_1408, 0 {pack_format = #tpu.pack_format<interleaved>} : vector<32xbf16> -> vector<16xf32>
        %unpack3A_1410 = tpu.unpack_subelements %get3A_1408, 1 {pack_format = #tpu.pack_format<interleaved>} : vector<32xbf16> -> vector<16xf32>
        %mul3A_1411 = vector.broadcast %squeeze3A_1401 : f32 to vector<16xf32>
        %mul3A_1412 = arith.mulf %mul3A_1411, %unpack3A_1409 : vector<16xf32>
        %add3A_1413 = arith.addf %add3A_1396, %mul3A_1412 : vector<16xf32>
        %mul3A_1414 = vector.broadcast %squeeze3A_1401 : f32 to vector<16xf32>
        %mul3A_1415 = arith.mulf %mul3A_1414, %unpack3A_1410 : vector<16xf32>
        %add3A_1416 = arith.addf %add3A_1399, %mul3A_1415 : vector<16xf32>
        %slice3A_1417 = vector.extract_strided_slice %get3A_1161 {offsets = [15], sizes = [1], strides = [1]} : vector<16xf32> to vector<1xf32>
        %squeeze3A_1418 = vector.extract %slice3A_1417[0] : f32 from vector<1xf32>
        %add3A_1419 = arith.constant 15 : i32
        %add3A_1420 = arith.addi %add3A_1157, %add3A_1419 : i32
        %get3A_1421 = arith.constant 1 : i32
        %get3A_1422 = arith.index_cast %get3A_1421 : i32 to index
        %get3A_1423 = arith.index_cast %add3A_1420 : i32 to index
        %get3A_1424 = arith.constant 0 : index
        %get3A_1425 = tpu.vector_load %arg8[%get3A_1422, %get3A_1423, %get3A_1424] {strides = array<i32>} : memref<3x512x32xbf16, #tpu.memory_space<vmem>>, vector<32xbf16>,
        %unpack3A_1426 = tpu.unpack_subelements %get3A_1425, 0 {pack_format = #tpu.pack_format<interleaved>} : vector<32xbf16> -> vector<16xf32>
        %unpack3A_1427 = tpu.unpack_subelements %get3A_1425, 1 {pack_format = #tpu.pack_format<interleaved>} : vector<32xbf16> -> vector<16xf32>
        %mul3A_1428 = vector.broadcast %squeeze3A_1418 : f32 to vector<16xf32>
        %mul3A_1429 = arith.mulf %mul3A_1428, %unpack3A_1426 : vector<16xf32>
        %add3A_1430 = arith.addf %add3A_1413, %mul3A_1429 : vector<16xf32>
        %mul3A_1431 = vector.broadcast %squeeze3A_1418 : f32 to vector<16xf32>
        %mul3A_1432 = arith.mulf %mul3A_1431, %unpack3A_1427 : vector<16xf32>
        %add3A_1433 = arith.addf %add3A_1416, %mul3A_1432 : vector<16xf32>
        %swap3A = arith.index_cast %add3A_243 : i32 to index
        %swap3A_1434 = arith.index_cast %scan3A_314 : i32 to index
        %swap3A_1435 = arith.constant 0 : index
        %swap3A_1436 = tpu.vector_load %arg9[%swap3A, %swap3A_1434, %swap3A_1435] {strides = array<i32>} : memref<75x8x32xf32, #tpu.memory_space<vmem>>, vector<16xf32>,
        tpu.vector_store %arg9[%swap3A, %swap3A_1434, %swap3A_1435], %add3A_1430 {strides = array<i32>} : memref<75x8x32xf32, #tpu.memory_space<vmem>>, vector<16xf32>,
        %swap3A_1437 = arith.index_cast %add3A_243 : i32 to index
        %swap3A_1438 = arith.index_cast %scan3A_314 : i32 to index
        %swap3A_1439 = arith.constant 16 : index
        %swap3A_1440 = tpu.vector_load %arg9[%swap3A_1437, %swap3A_1438, %swap3A_1439] {strides = array<i32>} : memref<75x8x32xf32, #tpu.memory_space<vmem>>, vector<16xf32>,
        tpu.vector_store %arg9[%swap3A_1437, %swap3A_1438, %swap3A_1439], %add3A_1433 {strides = array<i32>} : memref<75x8x32xf32, #tpu.memory_space<vmem>>, vector<16xf32>,
      }
      %scan3A_249 = arith.constant 8 : i32
      %add3A_250 = arith.constant 3 : i32
      %add3A_251 = arith.addi %mul3A_126, %add3A_250 : i32
      %add3A_252 = arith.constant 1 : i32
      %add3A_253 = arith.addi %add3A_251, %add3A_252 : i32
      %min3A_254 = arith.constant 74 : i32
      %min3A_255 = arith.minsi %add3A_253, %min3A_254 : i32
      %dma_start3A_256 = arith.constant 1 : i32
      %dma_start3A_257 = arith.constant 0 : i32
      %dma_start3A_258 = arith.constant 0 : i32
      %dma_start3A_259 = tpu.memref_slice %arg8[%dma_start3A_256, %dma_start3A_257, %dma_start3A_258] : memref<3x512x32xbf16, #tpu.memory_space<vmem>> -> memref<1x512x32xbf16, #tpu.memory_space<vmem>>
      %dma_start3A_260 = tpu.memref_squeeze %dma_start3A_259 : memref<1x512x32xbf16, #tpu.memory_space<vmem>> -> memref<512x32xbf16, #tpu.memory_space<vmem>>
      %dma_start3A_261 = arith.constant 0 : i32
      %dma_start3A_262 = tpu.memref_slice %arg6[%min3A_255, %dma_start3A_261] : memref<75x512xi32, #tpu.memory_space<vmem>> -> memref<1x512xi32, #tpu.memory_space<vmem>>
      %dma_start3A_263 = tpu.memref_squeeze %dma_start3A_262 : memref<1x512xi32, #tpu.memory_space<vmem>> -> memref<512xi32, #tpu.memory_space<vmem>>
      %dma_start3A_264 = arith.constant 0 : i32
      %dma_start3A_265 = arith.constant 0 : i32
      %dma_start3A_266 = tpu.memref_slice %arg2[%dma_start3A_264, %dma_start3A_265] : memref<348160x32xbf16, #tpu.memory_space<hbm>> -> memref<348160x32xbf16, #tpu.memory_space<hbm>>
      tpu.enqueue_indirect_dma source(%dma_start3A_266 : memref<348160x32xbf16, #tpu.memory_space<hbm>>) target(%dma_start3A_260 : memref<512x32xbf16, #tpu.memory_space<vmem>>) offsets(%dma_start3A_263 : memref<512xi32, #tpu.memory_space<vmem>>) semaphore(%arg12 : memref<!tpu.dma_semaphore, #tpu.memory_space<semaphore_mem>>)
      %dma_start3A_267 = arith.constant 1 : i32
      %dma_start3A_268 = arith.constant 0 : i32
      %dma_start3A_269 = tpu.memref_slice %arg7[%dma_start3A_267, %dma_start3A_268] : memref<3x512xf32, #tpu.memory_space<vmem>> -> memref<1x512xf32, #tpu.memory_space<vmem>>
      %dma_start3A_270 = tpu.memref_squeeze %dma_start3A_269 : memref<1x512xf32, #tpu.memory_space<vmem>> -> memref<512xf32, #tpu.memory_space<vmem>>
      %dma_start3A_271 = arith.constant 0 : i32
      %dma_start3A_272 = tpu.memref_slice %arg4[%add3A, %min3A_255, %dma_start3A_271] : memref<32x75x512xf32, #tpu.memory_space<hbm>> -> memref<1x1x512xf32, #tpu.memory_space<hbm>>
      %dma_start3A_273 = tpu.memref_squeeze %dma_start3A_272 : memref<1x1x512xf32, #tpu.memory_space<hbm>> -> memref<512xf32, #tpu.memory_space<hbm>>
      %dma_start3A_274 = arith.constant 0 : i32
      %dma_start3A_275 = tpu.memref_slice %arg7[%dma_start3A_267, %dma_start3A_274] : memref<3x512xf32, #tpu.memory_space<vmem>> -> memref<1x512xf32, #tpu.memory_space<vmem>>
      %dma_start3A_276 = tpu.memref_squeeze %dma_start3A_275 : memref<1x512xf32, #tpu.memory_space<vmem>> -> memref<512xf32, #tpu.memory_space<vmem>>
      %dma_start3A_277 = arith.constant 0 : i32
      %dma_start3A_278 = tpu.memref_slice %arg4[%add3A, %min3A_255, %dma_start3A_277] : memref<32x75x512xf32, #tpu.memory_space<hbm>> -> memref<1x1x512xf32, #tpu.memory_space<hbm>>
      %dma_start3A_279 = tpu.memref_squeeze %dma_start3A_278 : memref<1x1x512xf32, #tpu.memory_space<hbm>> -> memref<512xf32, #tpu.memory_space<hbm>>
      tpu.enqueue_dma source(%dma_start3A_279 : memref<512xf32, #tpu.memory_space<hbm>>) target(%dma_start3A_276 : memref<512xf32, #tpu.memory_space<vmem>>) target_semaphore(%arg15 : memref<!tpu.dma_semaphore, #tpu.memory_space<semaphore_mem>>)
      %add3A_280 = arith.constant 2 : i32
      %add3A_281 = arith.addi %mul3A_126, %add3A_280 : i32
      %dma_wait3A_282 = arith.constant 2 : i32
      %dma_wait3A_283 = arith.constant 0 : i32
      %dma_wait3A_284 = arith.constant 0 : i32
      %dma_wait3A_285 = tpu.memref_slice %arg8[%dma_wait3A_282, %dma_wait3A_283, %dma_wait3A_284] : memref<3x512x32xbf16, #tpu.memory_space<vmem>> -> memref<1x512x32xbf16, #tpu.memory_space<vmem>>
      %dma_wait3A_286 = tpu.memref_squeeze %dma_wait3A_285 : memref<1x512x32xbf16, #tpu.memory_space<vmem>> -> memref<512x32xbf16, #tpu.memory_space<vmem>>
      %dma_wait3A_287 = arith.constant 0 : i32
      %dma_wait3A_288 = tpu.memref_slice %arg6[%add3A_281, %dma_wait3A_287] : memref<75x512xi32, #tpu.memory_space<vmem>> -> memref<1x512xi32, #tpu.memory_space<vmem>>
      %dma_wait3A_289 = tpu.memref_squeeze %dma_wait3A_288 : memref<1x512xi32, #tpu.memory_space<vmem>> -> memref<512xi32, #tpu.memory_space<vmem>>
      %dma_wait3A_290 = arith.constant 0 : i32
      %dma_wait3A_291 = arith.constant 0 : i32
      %dma_wait3A_292 = tpu.memref_slice %arg2[%dma_wait3A_290, %dma_wait3A_291] : memref<348160x32xbf16, #tpu.memory_space<hbm>> -> memref<348160x32xbf16, #tpu.memory_space<hbm>>
      tpu.wait_indirect_dma semaphore(%arg13 : memref<!tpu.dma_semaphore, #tpu.memory_space<semaphore_mem>>) src(%dma_wait3A_292 : memref<348160x32xbf16, #tpu.memory_space<hbm>>) dst(%dma_wait3A_286 : memref<512x32xbf16, #tpu.memory_space<vmem>>)
      %dma_wait3A_293 = arith.constant 2 : i32
      %dma_wait3A_294 = arith.constant 0 : i32
      %dma_wait3A_295 = tpu.memref_slice %arg7[%dma_wait3A_293, %dma_wait3A_294] : memref<3x512xf32, #tpu.memory_space<vmem>> -> memref<1x512xf32, #tpu.memory_space<vmem>>
      %dma_wait3A_296 = tpu.memref_squeeze %dma_wait3A_295 : memref<1x512xf32, #tpu.memory_space<vmem>> -> memref<512xf32, #tpu.memory_space<vmem>>
      %dma_wait3A_297 = arith.constant 0 : i32
      %dma_wait3A_298 = tpu.memref_slice %arg4[%add3A, %add3A_281, %dma_wait3A_297] : memref<32x75x512xf32, #tpu.memory_space<hbm>> -> memref<1x1x512xf32, #tpu.memory_space<hbm>>
      %dma_wait3A_299 = tpu.memref_squeeze %dma_wait3A_298 : memref<1x1x512xf32, #tpu.memory_space<hbm>> -> memref<512xf32, #tpu.memory_space<hbm>>
      %dma_wait3A_300 = arith.constant 0 : i32
      %dma_wait3A_301 = tpu.memref_slice %arg7[%dma_wait3A_293, %dma_wait3A_300] : memref<3x512xf32, #tpu.memory_space<vmem>> -> memref<1x512xf32, #tpu.memory_space<vmem>>
      %dma_wait3A_302 = tpu.memref_squeeze %dma_wait3A_301 : memref<1x512xf32, #tpu.memory_space<vmem>> -> memref<512xf32, #tpu.memory_space<vmem>>
      %dma_wait3A_303 = arith.constant 0 : i32
      %dma_wait3A_304 = tpu.memref_slice %arg4[%add3A, %add3A_281, %dma_wait3A_303] : memref<32x75x512xf32, #tpu.memory_space<hbm>> -> memref<1x1x512xf32, #tpu.memory_space<hbm>>
      %dma_wait3A_305 = tpu.memref_squeeze %dma_wait3A_304 : memref<1x1x512xf32, #tpu.memory_space<hbm>> -> memref<512xf32, #tpu.memory_space<hbm>>
      tpu.wait_dma2 semaphore(%arg16 : memref<!tpu.dma_semaphore, #tpu.memory_space<semaphore_mem>>) src(%dma_wait3A_305 : memref<512xf32, #tpu.memory_space<hbm>>) dst(%dma_wait3A_302 : memref<512xf32, #tpu.memory_space<vmem>>)
      %add3A_306 = arith.constant 2 : i32
      %add3A_307 = arith.addi %mul3A_126, %add3A_306 : i32
      %scan3A_308 = arith.constant 0 : i32
      %scan3A_309 = arith.constant 0 : i32
      %scan3A_310 = arith.constant 8 : i32
      %scan3A_311 = arith.addi %scan3A_309, %scan3A_310 : i32
      %scan3A_312 = arith.constant 1 : i32
      scf.for %scan3A_314 = %scan3A_309 to %scan3A_311 step %scan3A_312  : i32 {
        %broadcast_in_dim3A = arith.constant 0.000000e+00 : f32
        %broadcast_in_dim3A_315 = vector.broadcast %broadcast_in_dim3A : f32 to vector<16xf32>
        %broadcast_in_dim3A_316 = arith.constant 0.000000e+00 : f32
        %broadcast_in_dim3A_317 = vector.broadcast %broadcast_in_dim3A_316 : f32 to vector<16xf32>
        %mul3A_318 = arith.constant 16 : i32
        %mul3A_319 = arith.muli %scan3A_314, %mul3A_318 : i32
        %add3A_320 = arith.constant 0 : i32
        %add3A_321 = arith.addi %add3A_320, %mul3A_319 : i32
        %get3A = arith.constant 2 : i32
        %get3A_322 = arith.index_cast %get3A : i32 to index
        %get3A_323 = arith.index_cast %add3A_321 : i32 to index
        %get3A_324 = tpu.vector_load %arg7[%get3A_322, %get3A_323] {strides = array<i32>} : memref<3x512xf32, #tpu.memory_space<vmem>>, vector<16xf32>,
        %slice3A = vector.extract_strided_slice %get3A_324 {offsets = [0], sizes = [1], strides = [1]} : vector<16xf32> to vector<1xf32>
        %squeeze3A = vector.extract %slice3A[0] : f32 from vector<1xf32>
        %add3A_325 = arith.constant 0 : i32
        %add3A_326 = arith.addi %add3A_321, %add3A_325 : i32
        %get3A_327 = arith.constant 2 : i32
        %get3A_328 = arith.index_cast %get3A_327 : i32 to index
        %get3A_329 = arith.index_cast %add3A_326 : i32 to index
        %get3A_330 = arith.constant 0 : index
        %get3A_331 = tpu.vector_load %arg8[%get3A_328, %get3A_329, %get3A_330] {strides = array<i32>} : memref<3x512x32xbf16, #tpu.memory_space<vmem>>, vector<32xbf16>,
        %unpack3A = tpu.unpack_subelements %get3A_331, 0 {pack_format = #tpu.pack_format<interleaved>} : vector<32xbf16> -> vector<16xf32>
        %unpack3A_332 = tpu.unpack_subelements %get3A_331, 1 {pack_format = #tpu.pack_format<interleaved>} : vector<32xbf16> -> vector<16xf32>
        %mul3A_333 = vector.broadcast %squeeze3A : f32 to vector<16xf32>
        %mul3A_334 = arith.mulf %mul3A_333, %unpack3A : vector<16xf32>
        %add3A_335 = arith.addf %broadcast_in_dim3A_315, %mul3A_334 : vector<16xf32>
        %mul3A_336 = vector.broadcast %squeeze3A : f32 to vector<16xf32>
        %mul3A_337 = arith.mulf %mul3A_336, %unpack3A_332 : vector<16xf32>
        %add3A_338 = arith.addf %broadcast_in_dim3A_317, %mul3A_337 : vector<16xf32>
        %slice3A_339 = vector.extract_strided_slice %get3A_324 {offsets = [1], sizes = [1], strides = [1]} : vector<16xf32> to vector<1xf32>
        %squeeze3A_340 = vector.extract %slice3A_339[0] : f32 from vector<1xf32>
        %add3A_341 = arith.constant 1 : i32
        %add3A_342 = arith.addi %add3A_321, %add3A_341 : i32
        %get3A_343 = arith.constant 2 : i32
        %get3A_344 = arith.index_cast %get3A_343 : i32 to index
        %get3A_345 = arith.index_cast %add3A_342 : i32 to index
        %get3A_346 = arith.constant 0 : index
        %get3A_347 = tpu.vector_load %arg8[%get3A_344, %get3A_345, %get3A_346] {strides = array<i32>} : memref<3x512x32xbf16, #tpu.memory_space<vmem>>, vector<32xbf16>,
        %unpack3A_348 = tpu.unpack_subelements %get3A_347, 0 {pack_format = #tpu.pack_format<interleaved>} : vector<32xbf16> -> vector<16xf32>
        %unpack3A_349 = tpu.unpack_subelements %get3A_347, 1 {pack_format = #tpu.pack_format<interleaved>} : vector<32xbf16> -> vector<16xf32>
        %mul3A_350 = vector.broadcast %squeeze3A_340 : f32 to vector<16xf32>
        %mul3A_351 = arith.mulf %mul3A_350, %unpack3A_348 : vector<16xf32>
        %add3A_352 = arith.addf %add3A_335, %mul3A_351 : vector<16xf32>
        %mul3A_353 = vector.broadcast %squeeze3A_340 : f32 to vector<16xf32>
        %mul3A_354 = arith.mulf %mul3A_353, %unpack3A_349 : vector<16xf32>
        %add3A_355 = arith.addf %add3A_338, %mul3A_354 : vector<16xf32>
        %slice3A_356 = vector.extract_strided_slice %get3A_324 {offsets = [2], sizes = [1], strides = [1]} : vector<16xf32> to vector<1xf32>
        %squeeze3A_357 = vector.extract %slice3A_356[0] : f32 from vector<1xf32>
        %add3A_358 = arith.constant 2 : i32
        %add3A_359 = arith.addi %add3A_321, %add3A_358 : i32
        %get3A_360 = arith.constant 2 : i32
        %get3A_361 = arith.index_cast %get3A_360 : i32 to index
        %get3A_362 = arith.index_cast %add3A_359 : i32 to index
        %get3A_363 = arith.constant 0 : index
        %get3A_364 = tpu.vector_load %arg8[%get3A_361, %get3A_362, %get3A_363] {strides = array<i32>} : memref<3x512x32xbf16, #tpu.memory_space<vmem>>, vector<32xbf16>,
        %unpack3A_365 = tpu.unpack_subelements %get3A_364, 0 {pack_format = #tpu.pack_format<interleaved>} : vector<32xbf16> -> vector<16xf32>
        %unpack3A_366 = tpu.unpack_subelements %get3A_364, 1 {pack_format = #tpu.pack_format<interleaved>} : vector<32xbf16> -> vector<16xf32>
        %mul3A_367 = vector.broadcast %squeeze3A_357 : f32 to vector<16xf32>
        %mul3A_368 = arith.mulf %mul3A_367, %unpack3A_365 : vector<16xf32>
        %add3A_369 = arith.addf %add3A_352, %mul3A_368 : vector<16xf32>
        %mul3A_370 = vector.broadcast %squeeze3A_357 : f32 to vector<16xf32>
        %mul3A_371 = arith.mulf %mul3A_370, %unpack3A_366 : vector<16xf32>
        %add3A_372 = arith.addf %add3A_355, %mul3A_371 : vector<16xf32>
        %slice3A_373 = vector.extract_strided_slice %get3A_324 {offsets = [3], sizes = [1], strides = [1]} : vector<16xf32> to vector<1xf32>
        %squeeze3A_374 = vector.extract %slice3A_373[0] : f32 from vector<1xf32>
        %add3A_375 = arith.constant 3 : i32
        %add3A_376 = arith.addi %add3A_321, %add3A_375 : i32
        %get3A_377 = arith.constant 2 : i32
        %get3A_378 = arith.index_cast %get3A_377 : i32 to index
        %get3A_379 = arith.index_cast %add3A_376 : i32 to index
        %get3A_380 = arith.constant 0 : index
        %get3A_381 = tpu.vector_load %arg8[%get3A_378, %get3A_379, %get3A_380] {strides = array<i32>} : memref<3x512x32xbf16, #tpu.memory_space<vmem>>, vector<32xbf16>,
        %unpack3A_382 = tpu.unpack_subelements %get3A_381, 0 {pack_format = #tpu.pack_format<interleaved>} : vector<32xbf16> -> vector<16xf32>
        %unpack3A_383 = tpu.unpack_subelements %get3A_381, 1 {pack_format = #tpu.pack_format<interleaved>} : vector<32xbf16> -> vector<16xf32>
        %mul3A_384 = vector.broadcast %squeeze3A_374 : f32 to vector<16xf32>
        %mul3A_385 = arith.mulf %mul3A_384, %unpack3A_382 : vector<16xf32>
        %add3A_386 = arith.addf %add3A_369, %mul3A_385 : vector<16xf32>
        %mul3A_387 = vector.broadcast %squeeze3A_374 : f32 to vector<16xf32>
        %mul3A_388 = arith.mulf %mul3A_387, %unpack3A_383 : vector<16xf32>
        %add3A_389 = arith.addf %add3A_372, %mul3A_388 : vector<16xf32>
        %slice3A_390 = vector.extract_strided_slice %get3A_324 {offsets = [4], sizes = [1], strides = [1]} : vector<16xf32> to vector<1xf32>
        %squeeze3A_391 = vector.extract %slice3A_390[0] : f32 from vector<1xf32>
        %add3A_392 = arith.constant 4 : i32
        %add3A_393 = arith.addi %add3A_321, %add3A_392 : i32
        %get3A_394 = arith.constant 2 : i32
        %get3A_395 = arith.index_cast %get3A_394 : i32 to index
        %get3A_396 = arith.index_cast %add3A_393 : i32 to index
        %get3A_397 = arith.constant 0 : index
        %get3A_398 = tpu.vector_load %arg8[%get3A_395, %get3A_396, %get3A_397] {strides = array<i32>} : memref<3x512x32xbf16, #tpu.memory_space<vmem>>, vector<32xbf16>,
        %unpack3A_399 = tpu.unpack_subelements %get3A_398, 0 {pack_format = #tpu.pack_format<interleaved>} : vector<32xbf16> -> vector<16xf32>
        %unpack3A_400 = tpu.unpack_subelements %get3A_398, 1 {pack_format = #tpu.pack_format<interleaved>} : vector<32xbf16> -> vector<16xf32>
        %mul3A_401 = vector.broadcast %squeeze3A_391 : f32 to vector<16xf32>
        %mul3A_402 = arith.mulf %mul3A_401, %unpack3A_399 : vector<16xf32>
        %add3A_403 = arith.addf %add3A_386, %mul3A_402 : vector<16xf32>
        %mul3A_404 = vector.broadcast %squeeze3A_391 : f32 to vector<16xf32>
        %mul3A_405 = arith.mulf %mul3A_404, %unpack3A_400 : vector<16xf32>
        %add3A_406 = arith.addf %add3A_389, %mul3A_405 : vector<16xf32>
        %slice3A_407 = vector.extract_strided_slice %get3A_324 {offsets = [5], sizes = [1], strides = [1]} : vector<16xf32> to vector<1xf32>
        %squeeze3A_408 = vector.extract %slice3A_407[0] : f32 from vector<1xf32>
        %add3A_409 = arith.constant 5 : i32
        %add3A_410 = arith.addi %add3A_321, %add3A_409 : i32
        %get3A_411 = arith.constant 2 : i32
        %get3A_412 = arith.index_cast %get3A_411 : i32 to index
        %get3A_413 = arith.index_cast %add3A_410 : i32 to index
        %get3A_414 = arith.constant 0 : index
        %get3A_415 = tpu.vector_load %arg8[%get3A_412, %get3A_413, %get3A_414] {strides = array<i32>} : memref<3x512x32xbf16, #tpu.memory_space<vmem>>, vector<32xbf16>,
        %unpack3A_416 = tpu.unpack_subelements %get3A_415, 0 {pack_format = #tpu.pack_format<interleaved>} : vector<32xbf16> -> vector<16xf32>
        %unpack3A_417 = tpu.unpack_subelements %get3A_415, 1 {pack_format = #tpu.pack_format<interleaved>} : vector<32xbf16> -> vector<16xf32>
        %mul3A_418 = vector.broadcast %squeeze3A_408 : f32 to vector<16xf32>
        %mul3A_419 = arith.mulf %mul3A_418, %unpack3A_416 : vector<16xf32>
        %add3A_420 = arith.addf %add3A_403, %mul3A_419 : vector<16xf32>
        %mul3A_421 = vector.broadcast %squeeze3A_408 : f32 to vector<16xf32>
        %mul3A_422 = arith.mulf %mul3A_421, %unpack3A_417 : vector<16xf32>
        %add3A_423 = arith.addf %add3A_406, %mul3A_422 : vector<16xf32>
        %slice3A_424 = vector.extract_strided_slice %get3A_324 {offsets = [6], sizes = [1], strides = [1]} : vector<16xf32> to vector<1xf32>
        %squeeze3A_425 = vector.extract %slice3A_424[0] : f32 from vector<1xf32>
        %add3A_426 = arith.constant 6 : i32
        %add3A_427 = arith.addi %add3A_321, %add3A_426 : i32
        %get3A_428 = arith.constant 2 : i32
        %get3A_429 = arith.index_cast %get3A_428 : i32 to index
        %get3A_430 = arith.index_cast %add3A_427 : i32 to index
        %get3A_431 = arith.constant 0 : index
        %get3A_432 = tpu.vector_load %arg8[%get3A_429, %get3A_430, %get3A_431] {strides = array<i32>} : memref<3x512x32xbf16, #tpu.memory_space<vmem>>, vector<32xbf16>,
        %unpack3A_433 = tpu.unpack_subelements %get3A_432, 0 {pack_format = #tpu.pack_format<interleaved>} : vector<32xbf16> -> vector<16xf32>
        %unpack3A_434 = tpu.unpack_subelements %get3A_432, 1 {pack_format = #tpu.pack_format<interleaved>} : vector<32xbf16> -> vector<16xf32>
        %mul3A_435 = vector.broadcast %squeeze3A_425 : f32 to vector<16xf32>
        %mul3A_436 = arith.mulf %mul3A_435, %unpack3A_433 : vector<16xf32>
        %add3A_437 = arith.addf %add3A_420, %mul3A_436 : vector<16xf32>
        %mul3A_438 = vector.broadcast %squeeze3A_425 : f32 to vector<16xf32>
        %mul3A_439 = arith.mulf %mul3A_438, %unpack3A_434 : vector<16xf32>
        %add3A_440 = arith.addf %add3A_423, %mul3A_439 : vector<16xf32>
        %slice3A_441 = vector.extract_strided_slice %get3A_324 {offsets = [7], sizes = [1], strides = [1]} : vector<16xf32> to vector<1xf32>
        %squeeze3A_442 = vector.extract %slice3A_441[0] : f32 from vector<1xf32>
        %add3A_443 = arith.constant 7 : i32
        %add3A_444 = arith.addi %add3A_321, %add3A_443 : i32
        %get3A_445 = arith.constant 2 : i32
        %get3A_446 = arith.index_cast %get3A_445 : i32 to index
        %get3A_447 = arith.index_cast %add3A_444 : i32 to index
        %get3A_448 = arith.constant 0 : index
        %get3A_449 = tpu.vector_load %arg8[%get3A_446, %get3A_447, %get3A_448] {strides = array<i32>} : memref<3x512x32xbf16, #tpu.memory_space<vmem>>, vector<32xbf16>,
        %unpack3A_450 = tpu.unpack_subelements %get3A_449, 0 {pack_format = #tpu.pack_format<interleaved>} : vector<32xbf16> -> vector<16xf32>
        %unpack3A_451 = tpu.unpack_subelements %get3A_449, 1 {pack_format = #tpu.pack_format<interleaved>} : vector<32xbf16> -> vector<16xf32>
        %mul3A_452 = vector.broadcast %squeeze3A_442 : f32 to vector<16xf32>
        %mul3A_453 = arith.mulf %mul3A_452, %unpack3A_450 : vector<16xf32>
        %add3A_454 = arith.addf %add3A_437, %mul3A_453 : vector<16xf32>
        %mul3A_455 = vector.broadcast %squeeze3A_442 : f32 to vector<16xf32>
        %mul3A_456 = arith.mulf %mul3A_455, %unpack3A_451 : vector<16xf32>
        %add3A_457 = arith.addf %add3A_440, %mul3A_456 : vector<16xf32>
        %slice3A_458 = vector.extract_strided_slice %get3A_324 {offsets = [8], sizes = [1], strides = [1]} : vector<16xf32> to vector<1xf32>
        %squeeze3A_459 = vector.extract %slice3A_458[0] : f32 from vector<1xf32>
        %add3A_460 = arith.constant 8 : i32
        %add3A_461 = arith.addi %add3A_321, %add3A_460 : i32
        %get3A_462 = arith.constant 2 : i32
        %get3A_463 = arith.index_cast %get3A_462 : i32 to index
        %get3A_464 = arith.index_cast %add3A_461 : i32 to index
        %get3A_465 = arith.constant 0 : index
        %get3A_466 = tpu.vector_load %arg8[%get3A_463, %get3A_464, %get3A_465] {strides = array<i32>} : memref<3x512x32xbf16, #tpu.memory_space<vmem>>, vector<32xbf16>,
        %unpack3A_467 = tpu.unpack_subelements %get3A_466, 0 {pack_format = #tpu.pack_format<interleaved>} : vector<32xbf16> -> vector<16xf32>
        %unpack3A_468 = tpu.unpack_subelements %get3A_466, 1 {pack_format = #tpu.pack_format<interleaved>} : vector<32xbf16> -> vector<16xf32>
        %mul3A_469 = vector.broadcast %squeeze3A_459 : f32 to vector<16xf32>
        %mul3A_470 = arith.mulf %mul3A_469, %unpack3A_467 : vector<16xf32>
        %add3A_471 = arith.addf %add3A_454, %mul3A_470 : vector<16xf32>
        %mul3A_472 = vector.broadcast %squeeze3A_459 : f32 to vector<16xf32>
        %mul3A_473 = arith.mulf %mul3A_472, %unpack3A_468 : vector<16xf32>
        %add3A_474 = arith.addf %add3A_457, %mul3A_473 : vector<16xf32>
        %slice3A_475 = vector.extract_strided_slice %get3A_324 {offsets = [9], sizes = [1], strides = [1]} : vector<16xf32> to vector<1xf32>
        %squeeze3A_476 = vector.extract %slice3A_475[0] : f32 from vector<1xf32>
        %add3A_477 = arith.constant 9 : i32
        %add3A_478 = arith.addi %add3A_321, %add3A_477 : i32
        %get3A_479 = arith.constant 2 : i32
        %get3A_480 = arith.index_cast %get3A_479 : i32 to index
        %get3A_481 = arith.index_cast %add3A_478 : i32 to index
        %get3A_482 = arith.constant 0 : index
        %get3A_483 = tpu.vector_load %arg8[%get3A_480, %get3A_481, %get3A_482] {strides = array<i32>} : memref<3x512x32xbf16, #tpu.memory_space<vmem>>, vector<32xbf16>,
        %unpack3A_484 = tpu.unpack_subelements %get3A_483, 0 {pack_format = #tpu.pack_format<interleaved>} : vector<32xbf16> -> vector<16xf32>
        %unpack3A_485 = tpu.unpack_subelements %get3A_483, 1 {pack_format = #tpu.pack_format<interleaved>} : vector<32xbf16> -> vector<16xf32>
        %mul3A_486 = vector.broadcast %squeeze3A_476 : f32 to vector<16xf32>
        %mul3A_487 = arith.mulf %mul3A_486, %unpack3A_484 : vector<16xf32>
        %add3A_488 = arith.addf %add3A_471, %mul3A_487 : vector<16xf32>
        %mul3A_489 = vector.broadcast %squeeze3A_476 : f32 to vector<16xf32>
        %mul3A_490 = arith.mulf %mul3A_489, %unpack3A_485 : vector<16xf32>
        %add3A_491 = arith.addf %add3A_474, %mul3A_490 : vector<16xf32>
        %slice3A_492 = vector.extract_strided_slice %get3A_324 {offsets = [10], sizes = [1], strides = [1]} : vector<16xf32> to vector<1xf32>
        %squeeze3A_493 = vector.extract %slice3A_492[0] : f32 from vector<1xf32>
        %add3A_494 = arith.constant 10 : i32
        %add3A_495 = arith.addi %add3A_321, %add3A_494 : i32
        %get3A_496 = arith.constant 2 : i32
        %get3A_497 = arith.index_cast %get3A_496 : i32 to index
        %get3A_498 = arith.index_cast %add3A_495 : i32 to index
        %get3A_499 = arith.constant 0 : index
        %get3A_500 = tpu.vector_load %arg8[%get3A_497, %get3A_498, %get3A_499] {strides = array<i32>} : memref<3x512x32xbf16, #tpu.memory_space<vmem>>, vector<32xbf16>,
        %unpack3A_501 = tpu.unpack_subelements %get3A_500, 0 {pack_format = #tpu.pack_format<interleaved>} : vector<32xbf16> -> vector<16xf32>
        %unpack3A_502 = tpu.unpack_subelements %get3A_500, 1 {pack_format = #tpu.pack_format<interleaved>} : vector<32xbf16> -> vector<16xf32>
        %mul3A_503 = vector.broadcast %squeeze3A_493 : f32 to vector<16xf32>
        %mul3A_504 = arith.mulf %mul3A_503, %unpack3A_501 : vector<16xf32>
        %add3A_505 = arith.addf %add3A_488, %mul3A_504 : vector<16xf32>
        %mul3A_506 = vector.broadcast %squeeze3A_493 : f32 to vector<16xf32>
        %mul3A_507 = arith.mulf %mul3A_506, %unpack3A_502 : vector<16xf32>
        %add3A_508 = arith.addf %add3A_491, %mul3A_507 : vector<16xf32>
        %slice3A_509 = vector.extract_strided_slice %get3A_324 {offsets = [11], sizes = [1], strides = [1]} : vector<16xf32> to vector<1xf32>
        %squeeze3A_510 = vector.extract %slice3A_509[0] : f32 from vector<1xf32>
        %add3A_511 = arith.constant 11 : i32
        %add3A_512 = arith.addi %add3A_321, %add3A_511 : i32
        %get3A_513 = arith.constant 2 : i32
        %get3A_514 = arith.index_cast %get3A_513 : i32 to index
        %get3A_515 = arith.index_cast %add3A_512 : i32 to index
        %get3A_516 = arith.constant 0 : index
        %get3A_517 = tpu.vector_load %arg8[%get3A_514, %get3A_515, %get3A_516] {strides = array<i32>} : memref<3x512x32xbf16, #tpu.memory_space<vmem>>, vector<32xbf16>,
        %unpack3A_518 = tpu.unpack_subelements %get3A_517, 0 {pack_format = #tpu.pack_format<interleaved>} : vector<32xbf16> -> vector<16xf32>
        %unpack3A_519 = tpu.unpack_subelements %get3A_517, 1 {pack_format = #tpu.pack_format<interleaved>} : vector<32xbf16> -> vector<16xf32>
        %mul3A_520 = vector.broadcast %squeeze3A_510 : f32 to vector<16xf32>
        %mul3A_521 = arith.mulf %mul3A_520, %unpack3A_518 : vector<16xf32>
        %add3A_522 = arith.addf %add3A_505, %mul3A_521 : vector<16xf32>
        %mul3A_523 = vector.broadcast %squeeze3A_510 : f32 to vector<16xf32>
        %mul3A_524 = arith.mulf %mul3A_523, %unpack3A_519 : vector<16xf32>
        %add3A_525 = arith.addf %add3A_508, %mul3A_524 : vector<16xf32>
        %slice3A_526 = vector.extract_strided_slice %get3A_324 {offsets = [12], sizes = [1], strides = [1]} : vector<16xf32> to vector<1xf32>
        %squeeze3A_527 = vector.extract %slice3A_526[0] : f32 from vector<1xf32>
        %add3A_528 = arith.constant 12 : i32
        %add3A_529 = arith.addi %add3A_321, %add3A_528 : i32
        %get3A_530 = arith.constant 2 : i32
        %get3A_531 = arith.index_cast %get3A_530 : i32 to index
        %get3A_532 = arith.index_cast %add3A_529 : i32 to index
        %get3A_533 = arith.constant 0 : index
        %get3A_534 = tpu.vector_load %arg8[%get3A_531, %get3A_532, %get3A_533] {strides = array<i32>} : memref<3x512x32xbf16, #tpu.memory_space<vmem>>, vector<32xbf16>,
        %unpack3A_535 = tpu.unpack_subelements %get3A_534, 0 {pack_format = #tpu.pack_format<interleaved>} : vector<32xbf16> -> vector<16xf32>
        %unpack3A_536 = tpu.unpack_subelements %get3A_534, 1 {pack_format = #tpu.pack_format<interleaved>} : vector<32xbf16> -> vector<16xf32>
        %mul3A_537 = vector.broadcast %squeeze3A_527 : f32 to vector<16xf32>
        %mul3A_538 = arith.mulf %mul3A_537, %unpack3A_535 : vector<16xf32>
        %add3A_539 = arith.addf %add3A_522, %mul3A_538 : vector<16xf32>
        %mul3A_540 = vector.broadcast %squeeze3A_527 : f32 to vector<16xf32>
        %mul3A_541 = arith.mulf %mul3A_540, %unpack3A_536 : vector<16xf32>
        %add3A_542 = arith.addf %add3A_525, %mul3A_541 : vector<16xf32>
        %slice3A_543 = vector.extract_strided_slice %get3A_324 {offsets = [13], sizes = [1], strides = [1]} : vector<16xf32> to vector<1xf32>
        %squeeze3A_544 = vector.extract %slice3A_543[0] : f32 from vector<1xf32>
        %add3A_545 = arith.constant 13 : i32
        %add3A_546 = arith.addi %add3A_321, %add3A_545 : i32
        %get3A_547 = arith.constant 2 : i32
        %get3A_548 = arith.index_cast %get3A_547 : i32 to index
        %get3A_549 = arith.index_cast %add3A_546 : i32 to index
        %get3A_550 = arith.constant 0 : index
        %get3A_551 = tpu.vector_load %arg8[%get3A_548, %get3A_549, %get3A_550] {strides = array<i32>} : memref<3x512x32xbf16, #tpu.memory_space<vmem>>, vector<32xbf16>,
        %unpack3A_552 = tpu.unpack_subelements %get3A_551, 0 {pack_format = #tpu.pack_format<interleaved>} : vector<32xbf16> -> vector<16xf32>
        %unpack3A_553 = tpu.unpack_subelements %get3A_551, 1 {pack_format = #tpu.pack_format<interleaved>} : vector<32xbf16> -> vector<16xf32>
        %mul3A_554 = vector.broadcast %squeeze3A_544 : f32 to vector<16xf32>
        %mul3A_555 = arith.mulf %mul3A_554, %unpack3A_552 : vector<16xf32>
        %add3A_556 = arith.addf %add3A_539, %mul3A_555 : vector<16xf32>
        %mul3A_557 = vector.broadcast %squeeze3A_544 : f32 to vector<16xf32>
        %mul3A_558 = arith.mulf %mul3A_557, %unpack3A_553 : vector<16xf32>
        %add3A_559 = arith.addf %add3A_542, %mul3A_558 : vector<16xf32>
        %slice3A_560 = vector.extract_strided_slice %get3A_324 {offsets = [14], sizes = [1], strides = [1]} : vector<16xf32> to vector<1xf32>
        %squeeze3A_561 = vector.extract %slice3A_560[0] : f32 from vector<1xf32>
        %add3A_562 = arith.constant 14 : i32
        %add3A_563 = arith.addi %add3A_321, %add3A_562 : i32
        %get3A_564 = arith.constant 2 : i32
        %get3A_565 = arith.index_cast %get3A_564 : i32 to index
        %get3A_566 = arith.index_cast %add3A_563 : i32 to index
        %get3A_567 = arith.constant 0 : index
        %get3A_568 = tpu.vector_load %arg8[%get3A_565, %get3A_566, %get3A_567] {strides = array<i32>} : memref<3x512x32xbf16, #tpu.memory_space<vmem>>, vector<32xbf16>,
        %unpack3A_569 = tpu.unpack_subelements %get3A_568, 0 {pack_format = #tpu.pack_format<interleaved>} : vector<32xbf16> -> vector<16xf32>
        %unpack3A_570 = tpu.unpack_subelements %get3A_568, 1 {pack_format = #tpu.pack_format<interleaved>} : vector<32xbf16> -> vector<16xf32>
        %mul3A_571 = vector.broadcast %squeeze3A_561 : f32 to vector<16xf32>
        %mul3A_572 = arith.mulf %mul3A_571, %unpack3A_569 : vector<16xf32>
        %add3A_573 = arith.addf %add3A_556, %mul3A_572 : vector<16xf32>
        %mul3A_574 = vector.broadcast %squeeze3A_561 : f32 to vector<16xf32>
        %mul3A_575 = arith.mulf %mul3A_574, %unpack3A_570 : vector<16xf32>
        %add3A_576 = arith.addf %add3A_559, %mul3A_575 : vector<16xf32>
        %slice3A_577 = vector.extract_strided_slice %get3A_324 {offsets = [15], sizes = [1], strides = [1]} : vector<16xf32> to vector<1xf32>
        %squeeze3A_578 = vector.extract %slice3A_577[0] : f32 from vector<1xf32>
        %add3A_579 = arith.constant 15 : i32
        %add3A_580 = arith.addi %add3A_321, %add3A_579 : i32
        %get3A_581 = arith.constant 2 : i32
        %get3A_582 = arith.index_cast %get3A_581 : i32 to index
        %get3A_583 = arith.index_cast %add3A_580 : i32 to index
        %get3A_584 = arith.constant 0 : index
        %get3A_585 = tpu.vector_load %arg8[%get3A_582, %get3A_583, %get3A_584] {strides = array<i32>} : memref<3x512x32xbf16, #tpu.memory_space<vmem>>, vector<32xbf16>,
        %unpack3A_586 = tpu.unpack_subelements %get3A_585, 0 {pack_format = #tpu.pack_format<interleaved>} : vector<32xbf16> -> vector<16xf32>
        %unpack3A_587 = tpu.unpack_subelements %get3A_585, 1 {pack_format = #tpu.pack_format<interleaved>} : vector<32xbf16> -> vector<16xf32>
        %mul3A_588 = vector.broadcast %squeeze3A_578 : f32 to vector<16xf32>
        %mul3A_589 = arith.mulf %mul3A_588, %unpack3A_586 : vector<16xf32>
        %add3A_590 = arith.addf %add3A_573, %mul3A_589 : vector<16xf32>
        %mul3A_591 = vector.broadcast %squeeze3A_578 : f32 to vector<16xf32>
        %mul3A_592 = arith.mulf %mul3A_591, %unpack3A_587 : vector<16xf32>
        %add3A_593 = arith.addf %add3A_576, %mul3A_592 : vector<16xf32>
        %mul3A_594 = arith.constant 16 : i32
        %mul3A_595 = arith.muli %scan3A_314, %mul3A_594 : i32
        %add3A_596 = arith.constant 128 : i32
        %add3A_597 = arith.addi %add3A_596, %mul3A_595 : i32
        %get3A_598 = arith.constant 2 : i32
        %get3A_599 = arith.index_cast %get3A_598 : i32 to index
        %get3A_600 = arith.index_cast %add3A_597 : i32 to index
        %get3A_601 = tpu.vector_load %arg7[%get3A_599, %get3A_600] {strides = array<i32>} : memref<3x512xf32, #tpu.memory_space<vmem>>, vector<16xf32>,
        %slice3A_602 = vector.extract_strided_slice %get3A_601 {offsets = [0], sizes = [1], strides = [1]} : vector<16xf32> to vector<1xf32>
        %squeeze3A_603 = vector.extract %slice3A_602[0] : f32 from vector<1xf32>
        %add3A_604 = arith.constant 0 : i32
        %add3A_605 = arith.addi %add3A_597, %add3A_604 : i32
        %get3A_606 = arith.constant 2 : i32
        %get3A_607 = arith.index_cast %get3A_606 : i32 to index
        %get3A_608 = arith.index_cast %add3A_605 : i32 to index
        %get3A_609 = arith.constant 0 : index
        %get3A_610 = tpu.vector_load %arg8[%get3A_607, %get3A_608, %get3A_609] {strides = array<i32>} : memref<3x512x32xbf16, #tpu.memory_space<vmem>>, vector<32xbf16>,
        %unpack3A_611 = tpu.unpack_subelements %get3A_610, 0 {pack_format = #tpu.pack_format<interleaved>} : vector<32xbf16> -> vector<16xf32>
        %unpack3A_612 = tpu.unpack_subelements %get3A_610, 1 {pack_format = #tpu.pack_format<interleaved>} : vector<32xbf16> -> vector<16xf32>
        %mul3A_613 = vector.broadcast %squeeze3A_603 : f32 to vector<16xf32>
        %mul3A_614 = arith.mulf %mul3A_613, %unpack3A_611 : vector<16xf32>
        %add3A_615 = arith.addf %add3A_590, %mul3A_614 : vector<16xf32>
        %mul3A_616 = vector.broadcast %squeeze3A_603 : f32 to vector<16xf32>
        %mul3A_617 = arith.mulf %mul3A_616, %unpack3A_612 : vector<16xf32>
        %add3A_618 = arith.addf %add3A_593, %mul3A_617 : vector<16xf32>
        %slice3A_619 = vector.extract_strided_slice %get3A_601 {offsets = [1], sizes = [1], strides = [1]} : vector<16xf32> to vector<1xf32>
        %squeeze3A_620 = vector.extract %slice3A_619[0] : f32 from vector<1xf32>
        %add3A_621 = arith.constant 1 : i32
        %add3A_622 = arith.addi %add3A_597, %add3A_621 : i32
        %get3A_623 = arith.constant 2 : i32
        %get3A_624 = arith.index_cast %get3A_623 : i32 to index
        %get3A_625 = arith.index_cast %add3A_622 : i32 to index
        %get3A_626 = arith.constant 0 : index
        %get3A_627 = tpu.vector_load %arg8[%get3A_624, %get3A_625, %get3A_626] {strides = array<i32>} : memref<3x512x32xbf16, #tpu.memory_space<vmem>>, vector<32xbf16>,
        %unpack3A_628 = tpu.unpack_subelements %get3A_627, 0 {pack_format = #tpu.pack_format<interleaved>} : vector<32xbf16> -> vector<16xf32>
        %unpack3A_629 = tpu.unpack_subelements %get3A_627, 1 {pack_format = #tpu.pack_format<interleaved>} : vector<32xbf16> -> vector<16xf32>
        %mul3A_630 = vector.broadcast %squeeze3A_620 : f32 to vector<16xf32>
        %mul3A_631 = arith.mulf %mul3A_630, %unpack3A_628 : vector<16xf32>
        %add3A_632 = arith.addf %add3A_615, %mul3A_631 : vector<16xf32>
        %mul3A_633 = vector.broadcast %squeeze3A_620 : f32 to vector<16xf32>
        %mul3A_634 = arith.mulf %mul3A_633, %unpack3A_629 : vector<16xf32>
        %add3A_635 = arith.addf %add3A_618, %mul3A_634 : vector<16xf32>
        %slice3A_636 = vector.extract_strided_slice %get3A_601 {offsets = [2], sizes = [1], strides = [1]} : vector<16xf32> to vector<1xf32>
        %squeeze3A_637 = vector.extract %slice3A_636[0] : f32 from vector<1xf32>
        %add3A_638 = arith.constant 2 : i32
        %add3A_639 = arith.addi %add3A_597, %add3A_638 : i32
        %get3A_640 = arith.constant 2 : i32
        %get3A_641 = arith.index_cast %get3A_640 : i32 to index
        %get3A_642 = arith.index_cast %add3A_639 : i32 to index
        %get3A_643 = arith.constant 0 : index
        %get3A_644 = tpu.vector_load %arg8[%get3A_641, %get3A_642, %get3A_643] {strides = array<i32>} : memref<3x512x32xbf16, #tpu.memory_space<vmem>>, vector<32xbf16>,
        %unpack3A_645 = tpu.unpack_subelements %get3A_644, 0 {pack_format = #tpu.pack_format<interleaved>} : vector<32xbf16> -> vector<16xf32>
        %unpack3A_646 = tpu.unpack_subelements %get3A_644, 1 {pack_format = #tpu.pack_format<interleaved>} : vector<32xbf16> -> vector<16xf32>
        %mul3A_647 = vector.broadcast %squeeze3A_637 : f32 to vector<16xf32>
        %mul3A_648 = arith.mulf %mul3A_647, %unpack3A_645 : vector<16xf32>
        %add3A_649 = arith.addf %add3A_632, %mul3A_648 : vector<16xf32>
        %mul3A_650 = vector.broadcast %squeeze3A_637 : f32 to vector<16xf32>
        %mul3A_651 = arith.mulf %mul3A_650, %unpack3A_646 : vector<16xf32>
        %add3A_652 = arith.addf %add3A_635, %mul3A_651 : vector<16xf32>
        %slice3A_653 = vector.extract_strided_slice %get3A_601 {offsets = [3], sizes = [1], strides = [1]} : vector<16xf32> to vector<1xf32>
        %squeeze3A_654 = vector.extract %slice3A_653[0] : f32 from vector<1xf32>
        %add3A_655 = arith.constant 3 : i32
        %add3A_656 = arith.addi %add3A_597, %add3A_655 : i32
        %get3A_657 = arith.constant 2 : i32
        %get3A_658 = arith.index_cast %get3A_657 : i32 to index
        %get3A_659 = arith.index_cast %add3A_656 : i32 to index
        %get3A_660 = arith.constant 0 : index
        %get3A_661 = tpu.vector_load %arg8[%get3A_658, %get3A_659, %get3A_660] {strides = array<i32>} : memref<3x512x32xbf16, #tpu.memory_space<vmem>>, vector<32xbf16>,
        %unpack3A_662 = tpu.unpack_subelements %get3A_661, 0 {pack_format = #tpu.pack_format<interleaved>} : vector<32xbf16> -> vector<16xf32>
        %unpack3A_663 = tpu.unpack_subelements %get3A_661, 1 {pack_format = #tpu.pack_format<interleaved>} : vector<32xbf16> -> vector<16xf32>
        %mul3A_664 = vector.broadcast %squeeze3A_654 : f32 to vector<16xf32>
        %mul3A_665 = arith.mulf %mul3A_664, %unpack3A_662 : vector<16xf32>
        %add3A_666 = arith.addf %add3A_649, %mul3A_665 : vector<16xf32>
        %mul3A_667 = vector.broadcast %squeeze3A_654 : f32 to vector<16xf32>
        %mul3A_668 = arith.mulf %mul3A_667, %unpack3A_663 : vector<16xf32>
        %add3A_669 = arith.addf %add3A_652, %mul3A_668 : vector<16xf32>
        %slice3A_670 = vector.extract_strided_slice %get3A_601 {offsets = [4], sizes = [1], strides = [1]} : vector<16xf32> to vector<1xf32>
        %squeeze3A_671 = vector.extract %slice3A_670[0] : f32 from vector<1xf32>
        %add3A_672 = arith.constant 4 : i32
        %add3A_673 = arith.addi %add3A_597, %add3A_672 : i32
        %get3A_674 = arith.constant 2 : i32
        %get3A_675 = arith.index_cast %get3A_674 : i32 to index
        %get3A_676 = arith.index_cast %add3A_673 : i32 to index
        %get3A_677 = arith.constant 0 : index
        %get3A_678 = tpu.vector_load %arg8[%get3A_675, %get3A_676, %get3A_677] {strides = array<i32>} : memref<3x512x32xbf16, #tpu.memory_space<vmem>>, vector<32xbf16>,
        %unpack3A_679 = tpu.unpack_subelements %get3A_678, 0 {pack_format = #tpu.pack_format<interleaved>} : vector<32xbf16> -> vector<16xf32>
        %unpack3A_680 = tpu.unpack_subelements %get3A_678, 1 {pack_format = #tpu.pack_format<interleaved>} : vector<32xbf16> -> vector<16xf32>
        %mul3A_681 = vector.broadcast %squeeze3A_671 : f32 to vector<16xf32>
        %mul3A_682 = arith.mulf %mul3A_681, %unpack3A_679 : vector<16xf32>
        %add3A_683 = arith.addf %add3A_666, %mul3A_682 : vector<16xf32>
        %mul3A_684 = vector.broadcast %squeeze3A_671 : f32 to vector<16xf32>
        %mul3A_685 = arith.mulf %mul3A_684, %unpack3A_680 : vector<16xf32>
        %add3A_686 = arith.addf %add3A_669, %mul3A_685 : vector<16xf32>
        %slice3A_687 = vector.extract_strided_slice %get3A_601 {offsets = [5], sizes = [1], strides = [1]} : vector<16xf32> to vector<1xf32>
        %squeeze3A_688 = vector.extract %slice3A_687[0] : f32 from vector<1xf32>
        %add3A_689 = arith.constant 5 : i32
        %add3A_690 = arith.addi %add3A_597, %add3A_689 : i32
        %get3A_691 = arith.constant 2 : i32
        %get3A_692 = arith.index_cast %get3A_691 : i32 to index
        %get3A_693 = arith.index_cast %add3A_690 : i32 to index
        %get3A_694 = arith.constant 0 : index
        %get3A_695 = tpu.vector_load %arg8[%get3A_692, %get3A_693, %get3A_694] {strides = array<i32>} : memref<3x512x32xbf16, #tpu.memory_space<vmem>>, vector<32xbf16>,
        %unpack3A_696 = tpu.unpack_subelements %get3A_695, 0 {pack_format = #tpu.pack_format<interleaved>} : vector<32xbf16> -> vector<16xf32>
        %unpack3A_697 = tpu.unpack_subelements %get3A_695, 1 {pack_format = #tpu.pack_format<interleaved>} : vector<32xbf16> -> vector<16xf32>
        %mul3A_698 = vector.broadcast %squeeze3A_688 : f32 to vector<16xf32>
        %mul3A_699 = arith.mulf %mul3A_698, %unpack3A_696 : vector<16xf32>
        %add3A_700 = arith.addf %add3A_683, %mul3A_699 : vector<16xf32>
        %mul3A_701 = vector.broadcast %squeeze3A_688 : f32 to vector<16xf32>
        %mul3A_702 = arith.mulf %mul3A_701, %unpack3A_697 : vector<16xf32>
        %add3A_703 = arith.addf %add3A_686, %mul3A_702 : vector<16xf32>
        %slice3A_704 = vector.extract_strided_slice %get3A_601 {offsets = [6], sizes = [1], strides = [1]} : vector<16xf32> to vector<1xf32>
        %squeeze3A_705 = vector.extract %slice3A_704[0] : f32 from vector<1xf32>
        %add3A_706 = arith.constant 6 : i32
        %add3A_707 = arith.addi %add3A_597, %add3A_706 : i32
        %get3A_708 = arith.constant 2 : i32
        %get3A_709 = arith.index_cast %get3A_708 : i32 to index
        %get3A_710 = arith.index_cast %add3A_707 : i32 to index
        %get3A_711 = arith.constant 0 : index
        %get3A_712 = tpu.vector_load %arg8[%get3A_709, %get3A_710, %get3A_711] {strides = array<i32>} : memref<3x512x32xbf16, #tpu.memory_space<vmem>>, vector<32xbf16>,
        %unpack3A_713 = tpu.unpack_subelements %get3A_712, 0 {pack_format = #tpu.pack_format<interleaved>} : vector<32xbf16> -> vector<16xf32>
        %unpack3A_714 = tpu.unpack_subelements %get3A_712, 1 {pack_format = #tpu.pack_format<interleaved>} : vector<32xbf16> -> vector<16xf32>
        %mul3A_715 = vector.broadcast %squeeze3A_705 : f32 to vector<16xf32>
        %mul3A_716 = arith.mulf %mul3A_715, %unpack3A_713 : vector<16xf32>
        %add3A_717 = arith.addf %add3A_700, %mul3A_716 : vector<16xf32>
        %mul3A_718 = vector.broadcast %squeeze3A_705 : f32 to vector<16xf32>
        %mul3A_719 = arith.mulf %mul3A_718, %unpack3A_714 : vector<16xf32>
        %add3A_720 = arith.addf %add3A_703, %mul3A_719 : vector<16xf32>
        %slice3A_721 = vector.extract_strided_slice %get3A_601 {offsets = [7], sizes = [1], strides = [1]} : vector<16xf32> to vector<1xf32>
        %squeeze3A_722 = vector.extract %slice3A_721[0] : f32 from vector<1xf32>
        %add3A_723 = arith.constant 7 : i32
        %add3A_724 = arith.addi %add3A_597, %add3A_723 : i32
        %get3A_725 = arith.constant 2 : i32
        %get3A_726 = arith.index_cast %get3A_725 : i32 to index
        %get3A_727 = arith.index_cast %add3A_724 : i32 to index
        %get3A_728 = arith.constant 0 : index
        %get3A_729 = tpu.vector_load %arg8[%get3A_726, %get3A_727, %get3A_728] {strides = array<i32>} : memref<3x512x32xbf16, #tpu.memory_space<vmem>>, vector<32xbf16>,
        %unpack3A_730 = tpu.unpack_subelements %get3A_729, 0 {pack_format = #tpu.pack_format<interleaved>} : vector<32xbf16> -> vector<16xf32>
        %unpack3A_731 = tpu.unpack_subelements %get3A_729, 1 {pack_format = #tpu.pack_format<interleaved>} : vector<32xbf16> -> vector<16xf32>
        %mul3A_732 = vector.broadcast %squeeze3A_722 : f32 to vector<16xf32>
        %mul3A_733 = arith.mulf %mul3A_732, %unpack3A_730 : vector<16xf32>
        %add3A_734 = arith.addf %add3A_717, %mul3A_733 : vector<16xf32>
        %mul3A_735 = vector.broadcast %squeeze3A_722 : f32 to vector<16xf32>
        %mul3A_736 = arith.mulf %mul3A_735, %unpack3A_731 : vector<16xf32>
        %add3A_737 = arith.addf %add3A_720, %mul3A_736 : vector<16xf32>
        %slice3A_738 = vector.extract_strided_slice %get3A_601 {offsets = [8], sizes = [1], strides = [1]} : vector<16xf32> to vector<1xf32>
        %squeeze3A_739 = vector.extract %slice3A_738[0] : f32 from vector<1xf32>
        %add3A_740 = arith.constant 8 : i32
        %add3A_741 = arith.addi %add3A_597, %add3A_740 : i32
        %get3A_742 = arith.constant 2 : i32
        %get3A_743 = arith.index_cast %get3A_742 : i32 to index
        %get3A_744 = arith.index_cast %add3A_741 : i32 to index
        %get3A_745 = arith.constant 0 : index
        %get3A_746 = tpu.vector_load %arg8[%get3A_743, %get3A_744, %get3A_745] {strides = array<i32>} : memref<3x512x32xbf16, #tpu.memory_space<vmem>>, vector<32xbf16>,
        %unpack3A_747 = tpu.unpack_subelements %get3A_746, 0 {pack_format = #tpu.pack_format<interleaved>} : vector<32xbf16> -> vector<16xf32>
        %unpack3A_748 = tpu.unpack_subelements %get3A_746, 1 {pack_format = #tpu.pack_format<interleaved>} : vector<32xbf16> -> vector<16xf32>
        %mul3A_749 = vector.broadcast %squeeze3A_739 : f32 to vector<16xf32>
        %mul3A_750 = arith.mulf %mul3A_749, %unpack3A_747 : vector<16xf32>
        %add3A_751 = arith.addf %add3A_734, %mul3A_750 : vector<16xf32>
        %mul3A_752 = vector.broadcast %squeeze3A_739 : f32 to vector<16xf32>
        %mul3A_753 = arith.mulf %mul3A_752, %unpack3A_748 : vector<16xf32>
        %add3A_754 = arith.addf %add3A_737, %mul3A_753 : vector<16xf32>
        %slice3A_755 = vector.extract_strided_slice %get3A_601 {offsets = [9], sizes = [1], strides = [1]} : vector<16xf32> to vector<1xf32>
        %squeeze3A_756 = vector.extract %slice3A_755[0] : f32 from vector<1xf32>
        %add3A_757 = arith.constant 9 : i32
        %add3A_758 = arith.addi %add3A_597, %add3A_757 : i32
        %get3A_759 = arith.constant 2 : i32
        %get3A_760 = arith.index_cast %get3A_759 : i32 to index
        %get3A_761 = arith.index_cast %add3A_758 : i32 to index
        %get3A_762 = arith.constant 0 : index
        %get3A_763 = tpu.vector_load %arg8[%get3A_760, %get3A_761, %get3A_762] {strides = array<i32>} : memref<3x512x32xbf16, #tpu.memory_space<vmem>>, vector<32xbf16>,
        %unpack3A_764 = tpu.unpack_subelements %get3A_763, 0 {pack_format = #tpu.pack_format<interleaved>} : vector<32xbf16> -> vector<16xf32>
        %unpack3A_765 = tpu.unpack_subelements %get3A_763, 1 {pack_format = #tpu.pack_format<interleaved>} : vector<32xbf16> -> vector<16xf32>
        %mul3A_766 = vector.broadcast %squeeze3A_756 : f32 to vector<16xf32>
        %mul3A_767 = arith.mulf %mul3A_766, %unpack3A_764 : vector<16xf32>
        %add3A_768 = arith.addf %add3A_751, %mul3A_767 : vector<16xf32>
        %mul3A_769 = vector.broadcast %squeeze3A_756 : f32 to vector<16xf32>
        %mul3A_770 = arith.mulf %mul3A_769, %unpack3A_765 : vector<16xf32>
        %add3A_771 = arith.addf %add3A_754, %mul3A_770 : vector<16xf32>
        %slice3A_772 = vector.extract_strided_slice %get3A_601 {offsets = [10], sizes = [1], strides = [1]} : vector<16xf32> to vector<1xf32>
        %squeeze3A_773 = vector.extract %slice3A_772[0] : f32 from vector<1xf32>
        %add3A_774 = arith.constant 10 : i32
        %add3A_775 = arith.addi %add3A_597, %add3A_774 : i32
        %get3A_776 = arith.constant 2 : i32
        %get3A_777 = arith.index_cast %get3A_776 : i32 to index
        %get3A_778 = arith.index_cast %add3A_775 : i32 to index
        %get3A_779 = arith.constant 0 : index
        %get3A_780 = tpu.vector_load %arg8[%get3A_777, %get3A_778, %get3A_779] {strides = array<i32>} : memref<3x512x32xbf16, #tpu.memory_space<vmem>>, vector<32xbf16>,
        %unpack3A_781 = tpu.unpack_subelements %get3A_780, 0 {pack_format = #tpu.pack_format<interleaved>} : vector<32xbf16> -> vector<16xf32>
        %unpack3A_782 = tpu.unpack_subelements %get3A_780, 1 {pack_format = #tpu.pack_format<interleaved>} : vector<32xbf16> -> vector<16xf32>
        %mul3A_783 = vector.broadcast %squeeze3A_773 : f32 to vector<16xf32>
        %mul3A_784 = arith.mulf %mul3A_783, %unpack3A_781 : vector<16xf32>
        %add3A_785 = arith.addf %add3A_768, %mul3A_784 : vector<16xf32>
        %mul3A_786 = vector.broadcast %squeeze3A_773 : f32 to vector<16xf32>
        %mul3A_787 = arith.mulf %mul3A_786, %unpack3A_782 : vector<16xf32>
        %add3A_788 = arith.addf %add3A_771, %mul3A_787 : vector<16xf32>
        %slice3A_789 = vector.extract_strided_slice %get3A_601 {offsets = [11], sizes = [1], strides = [1]} : vector<16xf32> to vector<1xf32>
        %squeeze3A_790 = vector.extract %slice3A_789[0] : f32 from vector<1xf32>
        %add3A_791 = arith.constant 11 : i32
        %add3A_792 = arith.addi %add3A_597, %add3A_791 : i32
        %get3A_793 = arith.constant 2 : i32
        %get3A_794 = arith.index_cast %get3A_793 : i32 to index
        %get3A_795 = arith.index_cast %add3A_792 : i32 to index
        %get3A_796 = arith.constant 0 : index
        %get3A_797 = tpu.vector_load %arg8[%get3A_794, %get3A_795, %get3A_796] {strides = array<i32>} : memref<3x512x32xbf16, #tpu.memory_space<vmem>>, vector<32xbf16>,
        %unpack3A_798 = tpu.unpack_subelements %get3A_797, 0 {pack_format = #tpu.pack_format<interleaved>} : vector<32xbf16> -> vector<16xf32>
        %unpack3A_799 = tpu.unpack_subelements %get3A_797, 1 {pack_format = #tpu.pack_format<interleaved>} : vector<32xbf16> -> vector<16xf32>
        %mul3A_800 = vector.broadcast %squeeze3A_790 : f32 to vector<16xf32>
        %mul3A_801 = arith.mulf %mul3A_800, %unpack3A_798 : vector<16xf32>
        %add3A_802 = arith.addf %add3A_785, %mul3A_801 : vector<16xf32>
        %mul3A_803 = vector.broadcast %squeeze3A_790 : f32 to vector<16xf32>
        %mul3A_804 = arith.mulf %mul3A_803, %unpack3A_799 : vector<16xf32>
        %add3A_805 = arith.addf %add3A_788, %mul3A_804 : vector<16xf32>
        %slice3A_806 = vector.extract_strided_slice %get3A_601 {offsets = [12], sizes = [1], strides = [1]} : vector<16xf32> to vector<1xf32>
        %squeeze3A_807 = vector.extract %slice3A_806[0] : f32 from vector<1xf32>
        %add3A_808 = arith.constant 12 : i32
        %add3A_809 = arith.addi %add3A_597, %add3A_808 : i32
        %get3A_810 = arith.constant 2 : i32
        %get3A_811 = arith.index_cast %get3A_810 : i32 to index
        %get3A_812 = arith.index_cast %add3A_809 : i32 to index
        %get3A_813 = arith.constant 0 : index
        %get3A_814 = tpu.vector_load %arg8[%get3A_811, %get3A_812, %get3A_813] {strides = array<i32>} : memref<3x512x32xbf16, #tpu.memory_space<vmem>>, vector<32xbf16>,
        %unpack3A_815 = tpu.unpack_subelements %get3A_814, 0 {pack_format = #tpu.pack_format<interleaved>} : vector<32xbf16> -> vector<16xf32>
        %unpack3A_816 = tpu.unpack_subelements %get3A_814, 1 {pack_format = #tpu.pack_format<interleaved>} : vector<32xbf16> -> vector<16xf32>
        %mul3A_817 = vector.broadcast %squeeze3A_807 : f32 to vector<16xf32>
        %mul3A_818 = arith.mulf %mul3A_817, %unpack3A_815 : vector<16xf32>
        %add3A_819 = arith.addf %add3A_802, %mul3A_818 : vector<16xf32>
        %mul3A_820 = vector.broadcast %squeeze3A_807 : f32 to vector<16xf32>
        %mul3A_821 = arith.mulf %mul3A_820, %unpack3A_816 : vector<16xf32>
        %add3A_822 = arith.addf %add3A_805, %mul3A_821 : vector<16xf32>
        %slice3A_823 = vector.extract_strided_slice %get3A_601 {offsets = [13], sizes = [1], strides = [1]} : vector<16xf32> to vector<1xf32>
        %squeeze3A_824 = vector.extract %slice3A_823[0] : f32 from vector<1xf32>
        %add3A_825 = arith.constant 13 : i32
        %add3A_826 = arith.addi %add3A_597, %add3A_825 : i32
        %get3A_827 = arith.constant 2 : i32
        %get3A_828 = arith.index_cast %get3A_827 : i32 to index
        %get3A_829 = arith.index_cast %add3A_826 : i32 to index
        %get3A_830 = arith.constant 0 : index
        %get3A_831 = tpu.vector_load %arg8[%get3A_828, %get3A_829, %get3A_830] {strides = array<i32>} : memref<3x512x32xbf16, #tpu.memory_space<vmem>>, vector<32xbf16>,
        %unpack3A_832 = tpu.unpack_subelements %get3A_831, 0 {pack_format = #tpu.pack_format<interleaved>} : vector<32xbf16> -> vector<16xf32>
        %unpack3A_833 = tpu.unpack_subelements %get3A_831, 1 {pack_format = #tpu.pack_format<interleaved>} : vector<32xbf16> -> vector<16xf32>
        %mul3A_834 = vector.broadcast %squeeze3A_824 : f32 to vector<16xf32>
        %mul3A_835 = arith.mulf %mul3A_834, %unpack3A_832 : vector<16xf32>
        %add3A_836 = arith.addf %add3A_819, %mul3A_835 : vector<16xf32>
        %mul3A_837 = vector.broadcast %squeeze3A_824 : f32 to vector<16xf32>
        %mul3A_838 = arith.mulf %mul3A_837, %unpack3A_833 : vector<16xf32>
        %add3A_839 = arith.addf %add3A_822, %mul3A_838 : vector<16xf32>
        %slice3A_840 = vector.extract_strided_slice %get3A_601 {offsets = [14], sizes = [1], strides = [1]} : vector<16xf32> to vector<1xf32>
        %squeeze3A_841 = vector.extract %slice3A_840[0] : f32 from vector<1xf32>
        %add3A_842 = arith.constant 14 : i32
        %add3A_843 = arith.addi %add3A_597, %add3A_842 : i32
        %get3A_844 = arith.constant 2 : i32
        %get3A_845 = arith.index_cast %get3A_844 : i32 to index
        %get3A_846 = arith.index_cast %add3A_843 : i32 to index
        %get3A_847 = arith.constant 0 : index
        %get3A_848 = tpu.vector_load %arg8[%get3A_845, %get3A_846, %get3A_847] {strides = array<i32>} : memref<3x512x32xbf16, #tpu.memory_space<vmem>>, vector<32xbf16>,
        %unpack3A_849 = tpu.unpack_subelements %get3A_848, 0 {pack_format = #tpu.pack_format<interleaved>} : vector<32xbf16> -> vector<16xf32>
        %unpack3A_850 = tpu.unpack_subelements %get3A_848, 1 {pack_format = #tpu.pack_format<interleaved>} : vector<32xbf16> -> vector<16xf32>
        %mul3A_851 = vector.broadcast %squeeze3A_841 : f32 to vector<16xf32>
        %mul3A_852 = arith.mulf %mul3A_851, %unpack3A_849 : vector<16xf32>
        %add3A_853 = arith.addf %add3A_836, %mul3A_852 : vector<16xf32>
        %mul3A_854 = vector.broadcast %squeeze3A_841 : f32 to vector<16xf32>
        %mul3A_855 = arith.mulf %mul3A_854, %unpack3A_850 : vector<16xf32>
        %add3A_856 = arith.addf %add3A_839, %mul3A_855 : vector<16xf32>
        %slice3A_857 = vector.extract_strided_slice %get3A_601 {offsets = [15], sizes = [1], strides = [1]} : vector<16xf32> to vector<1xf32>
        %squeeze3A_858 = vector.extract %slice3A_857[0] : f32 from vector<1xf32>
        %add3A_859 = arith.constant 15 : i32
        %add3A_860 = arith.addi %add3A_597, %add3A_859 : i32
        %get3A_861 = arith.constant 2 : i32
        %get3A_862 = arith.index_cast %get3A_861 : i32 to index
        %get3A_863 = arith.index_cast %add3A_860 : i32 to index
        %get3A_864 = arith.constant 0 : index
        %get3A_865 = tpu.vector_load %arg8[%get3A_862, %get3A_863, %get3A_864] {strides = array<i32>} : memref<3x512x32xbf16, #tpu.memory_space<vmem>>, vector<32xbf16>,
        %unpack3A_866 = tpu.unpack_subelements %get3A_865, 0 {pack_format = #tpu.pack_format<interleaved>} : vector<32xbf16> -> vector<16xf32>
        %unpack3A_867 = tpu.unpack_subelements %get3A_865, 1 {pack_format = #tpu.pack_format<interleaved>} : vector<32xbf16> -> vector<16xf32>
        %mul3A_868 = vector.broadcast %squeeze3A_858 : f32 to vector<16xf32>
        %mul3A_869 = arith.mulf %mul3A_868, %unpack3A_866 : vector<16xf32>
        %add3A_870 = arith.addf %add3A_853, %mul3A_869 : vector<16xf32>
        %mul3A_871 = vector.broadcast %squeeze3A_858 : f32 to vector<16xf32>
        %mul3A_872 = arith.mulf %mul3A_871, %unpack3A_867 : vector<16xf32>
        %add3A_873 = arith.addf %add3A_856, %mul3A_872 : vector<16xf32>
        %mul3A_874 = arith.constant 16 : i32
        %mul3A_875 = arith.muli %scan3A_314, %mul3A_874 : i32
        %add3A_876 = arith.constant 256 : i32
        %add3A_877 = arith.addi %add3A_876, %mul3A_875 : i32
        %get3A_878 = arith.constant 2 : i32
        %get3A_879 = arith.index_cast %get3A_878 : i32 to index
        %get3A_880 = arith.index_cast %add3A_877 : i32 to index
        %get3A_881 = tpu.vector_load %arg7[%get3A_879, %get3A_880] {strides = array<i32>} : memref<3x512xf32, #tpu.memory_space<vmem>>, vector<16xf32>,
        %slice3A_882 = vector.extract_strided_slice %get3A_881 {offsets = [0], sizes = [1], strides = [1]} : vector<16xf32> to vector<1xf32>
        %squeeze3A_883 = vector.extract %slice3A_882[0] : f32 from vector<1xf32>
        %add3A_884 = arith.constant 0 : i32
        %add3A_885 = arith.addi %add3A_877, %add3A_884 : i32
        %get3A_886 = arith.constant 2 : i32
        %get3A_887 = arith.index_cast %get3A_886 : i32 to index
        %get3A_888 = arith.index_cast %add3A_885 : i32 to index
        %get3A_889 = arith.constant 0 : index
        %get3A_890 = tpu.vector_load %arg8[%get3A_887, %get3A_888, %get3A_889] {strides = array<i32>} : memref<3x512x32xbf16, #tpu.memory_space<vmem>>, vector<32xbf16>,
        %unpack3A_891 = tpu.unpack_subelements %get3A_890, 0 {pack_format = #tpu.pack_format<interleaved>} : vector<32xbf16> -> vector<16xf32>
        %unpack3A_892 = tpu.unpack_subelements %get3A_890, 1 {pack_format = #tpu.pack_format<interleaved>} : vector<32xbf16> -> vector<16xf32>
        %mul3A_893 = vector.broadcast %squeeze3A_883 : f32 to vector<16xf32>
        %mul3A_894 = arith.mulf %mul3A_893, %unpack3A_891 : vector<16xf32>
        %add3A_895 = arith.addf %add3A_870, %mul3A_894 : vector<16xf32>
        %mul3A_896 = vector.broadcast %squeeze3A_883 : f32 to vector<16xf32>
        %mul3A_897 = arith.mulf %mul3A_896, %unpack3A_892 : vector<16xf32>
        %add3A_898 = arith.addf %add3A_873, %mul3A_897 : vector<16xf32>
        %slice3A_899 = vector.extract_strided_slice %get3A_881 {offsets = [1], sizes = [1], strides = [1]} : vector<16xf32> to vector<1xf32>
        %squeeze3A_900 = vector.extract %slice3A_899[0] : f32 from vector<1xf32>
        %add3A_901 = arith.constant 1 : i32
        %add3A_902 = arith.addi %add3A_877, %add3A_901 : i32
        %get3A_903 = arith.constant 2 : i32
        %get3A_904 = arith.index_cast %get3A_903 : i32 to index
        %get3A_905 = arith.index_cast %add3A_902 : i32 to index
        %get3A_906 = arith.constant 0 : index
        %get3A_907 = tpu.vector_load %arg8[%get3A_904, %get3A_905, %get3A_906] {strides = array<i32>} : memref<3x512x32xbf16, #tpu.memory_space<vmem>>, vector<32xbf16>,
        %unpack3A_908 = tpu.unpack_subelements %get3A_907, 0 {pack_format = #tpu.pack_format<interleaved>} : vector<32xbf16> -> vector<16xf32>
        %unpack3A_909 = tpu.unpack_subelements %get3A_907, 1 {pack_format = #tpu.pack_format<interleaved>} : vector<32xbf16> -> vector<16xf32>
        %mul3A_910 = vector.broadcast %squeeze3A_900 : f32 to vector<16xf32>
        %mul3A_911 = arith.mulf %mul3A_910, %unpack3A_908 : vector<16xf32>
        %add3A_912 = arith.addf %add3A_895, %mul3A_911 : vector<16xf32>
        %mul3A_913 = vector.broadcast %squeeze3A_900 : f32 to vector<16xf32>
        %mul3A_914 = arith.mulf %mul3A_913, %unpack3A_909 : vector<16xf32>
        %add3A_915 = arith.addf %add3A_898, %mul3A_914 : vector<16xf32>
        %slice3A_916 = vector.extract_strided_slice %get3A_881 {offsets = [2], sizes = [1], strides = [1]} : vector<16xf32> to vector<1xf32>
        %squeeze3A_917 = vector.extract %slice3A_916[0] : f32 from vector<1xf32>
        %add3A_918 = arith.constant 2 : i32
        %add3A_919 = arith.addi %add3A_877, %add3A_918 : i32
        %get3A_920 = arith.constant 2 : i32
        %get3A_921 = arith.index_cast %get3A_920 : i32 to index
        %get3A_922 = arith.index_cast %add3A_919 : i32 to index
        %get3A_923 = arith.constant 0 : index
        %get3A_924 = tpu.vector_load %arg8[%get3A_921, %get3A_922, %get3A_923] {strides = array<i32>} : memref<3x512x32xbf16, #tpu.memory_space<vmem>>, vector<32xbf16>,
        %unpack3A_925 = tpu.unpack_subelements %get3A_924, 0 {pack_format = #tpu.pack_format<interleaved>} : vector<32xbf16> -> vector<16xf32>
        %unpack3A_926 = tpu.unpack_subelements %get3A_924, 1 {pack_format = #tpu.pack_format<interleaved>} : vector<32xbf16> -> vector<16xf32>
        %mul3A_927 = vector.broadcast %squeeze3A_917 : f32 to vector<16xf32>
        %mul3A_928 = arith.mulf %mul3A_927, %unpack3A_925 : vector<16xf32>
        %add3A_929 = arith.addf %add3A_912, %mul3A_928 : vector<16xf32>
        %mul3A_930 = vector.broadcast %squeeze3A_917 : f32 to vector<16xf32>
        %mul3A_931 = arith.mulf %mul3A_930, %unpack3A_926 : vector<16xf32>
        %add3A_932 = arith.addf %add3A_915, %mul3A_931 : vector<16xf32>
        %slice3A_933 = vector.extract_strided_slice %get3A_881 {offsets = [3], sizes = [1], strides = [1]} : vector<16xf32> to vector<1xf32>
        %squeeze3A_934 = vector.extract %slice3A_933[0] : f32 from vector<1xf32>
        %add3A_935 = arith.constant 3 : i32
        %add3A_936 = arith.addi %add3A_877, %add3A_935 : i32
        %get3A_937 = arith.constant 2 : i32
        %get3A_938 = arith.index_cast %get3A_937 : i32 to index
        %get3A_939 = arith.index_cast %add3A_936 : i32 to index
        %get3A_940 = arith.constant 0 : index
        %get3A_941 = tpu.vector_load %arg8[%get3A_938, %get3A_939, %get3A_940] {strides = array<i32>} : memref<3x512x32xbf16, #tpu.memory_space<vmem>>, vector<32xbf16>,
        %unpack3A_942 = tpu.unpack_subelements %get3A_941, 0 {pack_format = #tpu.pack_format<interleaved>} : vector<32xbf16> -> vector<16xf32>
        %unpack3A_943 = tpu.unpack_subelements %get3A_941, 1 {pack_format = #tpu.pack_format<interleaved>} : vector<32xbf16> -> vector<16xf32>
        %mul3A_944 = vector.broadcast %squeeze3A_934 : f32 to vector<16xf32>
        %mul3A_945 = arith.mulf %mul3A_944, %unpack3A_942 : vector<16xf32>
        %add3A_946 = arith.addf %add3A_929, %mul3A_945 : vector<16xf32>
        %mul3A_947 = vector.broadcast %squeeze3A_934 : f32 to vector<16xf32>
        %mul3A_948 = arith.mulf %mul3A_947, %unpack3A_943 : vector<16xf32>
        %add3A_949 = arith.addf %add3A_932, %mul3A_948 : vector<16xf32>
        %slice3A_950 = vector.extract_strided_slice %get3A_881 {offsets = [4], sizes = [1], strides = [1]} : vector<16xf32> to vector<1xf32>
        %squeeze3A_951 = vector.extract %slice3A_950[0] : f32 from vector<1xf32>
        %add3A_952 = arith.constant 4 : i32
        %add3A_953 = arith.addi %add3A_877, %add3A_952 : i32
        %get3A_954 = arith.constant 2 : i32
        %get3A_955 = arith.index_cast %get3A_954 : i32 to index
        %get3A_956 = arith.index_cast %add3A_953 : i32 to index
        %get3A_957 = arith.constant 0 : index
        %get3A_958 = tpu.vector_load %arg8[%get3A_955, %get3A_956, %get3A_957] {strides = array<i32>} : memref<3x512x32xbf16, #tpu.memory_space<vmem>>, vector<32xbf16>,
        %unpack3A_959 = tpu.unpack_subelements %get3A_958, 0 {pack_format = #tpu.pack_format<interleaved>} : vector<32xbf16> -> vector<16xf32>
        %unpack3A_960 = tpu.unpack_subelements %get3A_958, 1 {pack_format = #tpu.pack_format<interleaved>} : vector<32xbf16> -> vector<16xf32>
        %mul3A_961 = vector.broadcast %squeeze3A_951 : f32 to vector<16xf32>
        %mul3A_962 = arith.mulf %mul3A_961, %unpack3A_959 : vector<16xf32>
        %add3A_963 = arith.addf %add3A_946, %mul3A_962 : vector<16xf32>
        %mul3A_964 = vector.broadcast %squeeze3A_951 : f32 to vector<16xf32>
        %mul3A_965 = arith.mulf %mul3A_964, %unpack3A_960 : vector<16xf32>
        %add3A_966 = arith.addf %add3A_949, %mul3A_965 : vector<16xf32>
        %slice3A_967 = vector.extract_strided_slice %get3A_881 {offsets = [5], sizes = [1], strides = [1]} : vector<16xf32> to vector<1xf32>
        %squeeze3A_968 = vector.extract %slice3A_967[0] : f32 from vector<1xf32>
        %add3A_969 = arith.constant 5 : i32
        %add3A_970 = arith.addi %add3A_877, %add3A_969 : i32
        %get3A_971 = arith.constant 2 : i32
        %get3A_972 = arith.index_cast %get3A_971 : i32 to index
        %get3A_973 = arith.index_cast %add3A_970 : i32 to index
        %get3A_974 = arith.constant 0 : index
        %get3A_975 = tpu.vector_load %arg8[%get3A_972, %get3A_973, %get3A_974] {strides = array<i32>} : memref<3x512x32xbf16, #tpu.memory_space<vmem>>, vector<32xbf16>,
        %unpack3A_976 = tpu.unpack_subelements %get3A_975, 0 {pack_format = #tpu.pack_format<interleaved>} : vector<32xbf16> -> vector<16xf32>
        %unpack3A_977 = tpu.unpack_subelements %get3A_975, 1 {pack_format = #tpu.pack_format<interleaved>} : vector<32xbf16> -> vector<16xf32>
        %mul3A_978 = vector.broadcast %squeeze3A_968 : f32 to vector<16xf32>
        %mul3A_979 = arith.mulf %mul3A_978, %unpack3A_976 : vector<16xf32>
        %add3A_980 = arith.addf %add3A_963, %mul3A_979 : vector<16xf32>
        %mul3A_981 = vector.broadcast %squeeze3A_968 : f32 to vector<16xf32>
        %mul3A_982 = arith.mulf %mul3A_981, %unpack3A_977 : vector<16xf32>
        %add3A_983 = arith.addf %add3A_966, %mul3A_982 : vector<16xf32>
        %slice3A_984 = vector.extract_strided_slice %get3A_881 {offsets = [6], sizes = [1], strides = [1]} : vector<16xf32> to vector<1xf32>
        %squeeze3A_985 = vector.extract %slice3A_984[0] : f32 from vector<1xf32>
        %add3A_986 = arith.constant 6 : i32
        %add3A_987 = arith.addi %add3A_877, %add3A_986 : i32
        %get3A_988 = arith.constant 2 : i32
        %get3A_989 = arith.index_cast %get3A_988 : i32 to index
        %get3A_990 = arith.index_cast %add3A_987 : i32 to index
        %get3A_991 = arith.constant 0 : index
        %get3A_992 = tpu.vector_load %arg8[%get3A_989, %get3A_990, %get3A_991] {strides = array<i32>} : memref<3x512x32xbf16, #tpu.memory_space<vmem>>, vector<32xbf16>,
        %unpack3A_993 = tpu.unpack_subelements %get3A_992, 0 {pack_format = #tpu.pack_format<interleaved>} : vector<32xbf16> -> vector<16xf32>
        %unpack3A_994 = tpu.unpack_subelements %get3A_992, 1 {pack_format = #tpu.pack_format<interleaved>} : vector<32xbf16> -> vector<16xf32>
        %mul3A_995 = vector.broadcast %squeeze3A_985 : f32 to vector<16xf32>
        %mul3A_996 = arith.mulf %mul3A_995, %unpack3A_993 : vector<16xf32>
        %add3A_997 = arith.addf %add3A_980, %mul3A_996 : vector<16xf32>
        %mul3A_998 = vector.broadcast %squeeze3A_985 : f32 to vector<16xf32>
        %mul3A_999 = arith.mulf %mul3A_998, %unpack3A_994 : vector<16xf32>
        %add3A_1000 = arith.addf %add3A_983, %mul3A_999 : vector<16xf32>
        %slice3A_1001 = vector.extract_strided_slice %get3A_881 {offsets = [7], sizes = [1], strides = [1]} : vector<16xf32> to vector<1xf32>
        %squeeze3A_1002 = vector.extract %slice3A_1001[0] : f32 from vector<1xf32>
        %add3A_1003 = arith.constant 7 : i32
        %add3A_1004 = arith.addi %add3A_877, %add3A_1003 : i32
        %get3A_1005 = arith.constant 2 : i32
        %get3A_1006 = arith.index_cast %get3A_1005 : i32 to index
        %get3A_1007 = arith.index_cast %add3A_1004 : i32 to index
        %get3A_1008 = arith.constant 0 : index
        %get3A_1009 = tpu.vector_load %arg8[%get3A_1006, %get3A_1007, %get3A_1008] {strides = array<i32>} : memref<3x512x32xbf16, #tpu.memory_space<vmem>>, vector<32xbf16>,
        %unpack3A_1010 = tpu.unpack_subelements %get3A_1009, 0 {pack_format = #tpu.pack_format<interleaved>} : vector<32xbf16> -> vector<16xf32>
        %unpack3A_1011 = tpu.unpack_subelements %get3A_1009, 1 {pack_format = #tpu.pack_format<interleaved>} : vector<32xbf16> -> vector<16xf32>
        %mul3A_1012 = vector.broadcast %squeeze3A_1002 : f32 to vector<16xf32>
        %mul3A_1013 = arith.mulf %mul3A_1012, %unpack3A_1010 : vector<16xf32>
        %add3A_1014 = arith.addf %add3A_997, %mul3A_1013 : vector<16xf32>
        %mul3A_1015 = vector.broadcast %squeeze3A_1002 : f32 to vector<16xf32>
        %mul3A_1016 = arith.mulf %mul3A_1015, %unpack3A_1011 : vector<16xf32>
        %add3A_1017 = arith.addf %add3A_1000, %mul3A_1016 : vector<16xf32>
        %slice3A_1018 = vector.extract_strided_slice %get3A_881 {offsets = [8], sizes = [1], strides = [1]} : vector<16xf32> to vector<1xf32>
        %squeeze3A_1019 = vector.extract %slice3A_1018[0] : f32 from vector<1xf32>
        %add3A_1020 = arith.constant 8 : i32
        %add3A_1021 = arith.addi %add3A_877, %add3A_1020 : i32
        %get3A_1022 = arith.constant 2 : i32
        %get3A_1023 = arith.index_cast %get3A_1022 : i32 to index
        %get3A_1024 = arith.index_cast %add3A_1021 : i32 to index
        %get3A_1025 = arith.constant 0 : index
        %get3A_1026 = tpu.vector_load %arg8[%get3A_1023, %get3A_1024, %get3A_1025] {strides = array<i32>} : memref<3x512x32xbf16, #tpu.memory_space<vmem>>, vector<32xbf16>,
        %unpack3A_1027 = tpu.unpack_subelements %get3A_1026, 0 {pack_format = #tpu.pack_format<interleaved>} : vector<32xbf16> -> vector<16xf32>
        %unpack3A_1028 = tpu.unpack_subelements %get3A_1026, 1 {pack_format = #tpu.pack_format<interleaved>} : vector<32xbf16> -> vector<16xf32>
        %mul3A_1029 = vector.broadcast %squeeze3A_1019 : f32 to vector<16xf32>
        %mul3A_1030 = arith.mulf %mul3A_1029, %unpack3A_1027 : vector<16xf32>
        %add3A_1031 = arith.addf %add3A_1014, %mul3A_1030 : vector<16xf32>
        %mul3A_1032 = vector.broadcast %squeeze3A_1019 : f32 to vector<16xf32>
        %mul3A_1033 = arith.mulf %mul3A_1032, %unpack3A_1028 : vector<16xf32>
        %add3A_1034 = arith.addf %add3A_1017, %mul3A_1033 : vector<16xf32>
        %slice3A_1035 = vector.extract_strided_slice %get3A_881 {offsets = [9], sizes = [1], strides = [1]} : vector<16xf32> to vector<1xf32>
        %squeeze3A_1036 = vector.extract %slice3A_1035[0] : f32 from vector<1xf32>
        %add3A_1037 = arith.constant 9 : i32
        %add3A_1038 = arith.addi %add3A_877, %add3A_1037 : i32
        %get3A_1039 = arith.constant 2 : i32
        %get3A_1040 = arith.index_cast %get3A_1039 : i32 to index
        %get3A_1041 = arith.index_cast %add3A_1038 : i32 to index
        %get3A_1042 = arith.constant 0 : index
        %get3A_1043 = tpu.vector_load %arg8[%get3A_1040, %get3A_1041, %get3A_1042] {strides = array<i32>} : memref<3x512x32xbf16, #tpu.memory_space<vmem>>, vector<32xbf16>,
        %unpack3A_1044 = tpu.unpack_subelements %get3A_1043, 0 {pack_format = #tpu.pack_format<interleaved>} : vector<32xbf16> -> vector<16xf32>
        %unpack3A_1045 = tpu.unpack_subelements %get3A_1043, 1 {pack_format = #tpu.pack_format<interleaved>} : vector<32xbf16> -> vector<16xf32>
        %mul3A_1046 = vector.broadcast %squeeze3A_1036 : f32 to vector<16xf32>
        %mul3A_1047 = arith.mulf %mul3A_1046, %unpack3A_1044 : vector<16xf32>
        %add3A_1048 = arith.addf %add3A_1031, %mul3A_1047 : vector<16xf32>
        %mul3A_1049 = vector.broadcast %squeeze3A_1036 : f32 to vector<16xf32>
        %mul3A_1050 = arith.mulf %mul3A_1049, %unpack3A_1045 : vector<16xf32>
        %add3A_1051 = arith.addf %add3A_1034, %mul3A_1050 : vector<16xf32>
        %slice3A_1052 = vector.extract_strided_slice %get3A_881 {offsets = [10], sizes = [1], strides = [1]} : vector<16xf32> to vector<1xf32>
        %squeeze3A_1053 = vector.extract %slice3A_1052[0] : f32 from vector<1xf32>
        %add3A_1054 = arith.constant 10 : i32
        %add3A_1055 = arith.addi %add3A_877, %add3A_1054 : i32
        %get3A_1056 = arith.constant 2 : i32
        %get3A_1057 = arith.index_cast %get3A_1056 : i32 to index
        %get3A_1058 = arith.index_cast %add3A_1055 : i32 to index
        %get3A_1059 = arith.constant 0 : index
        %get3A_1060 = tpu.vector_load %arg8[%get3A_1057, %get3A_1058, %get3A_1059] {strides = array<i32>} : memref<3x512x32xbf16, #tpu.memory_space<vmem>>, vector<32xbf16>,
        %unpack3A_1061 = tpu.unpack_subelements %get3A_1060, 0 {pack_format = #tpu.pack_format<interleaved>} : vector<32xbf16> -> vector<16xf32>
        %unpack3A_1062 = tpu.unpack_subelements %get3A_1060, 1 {pack_format = #tpu.pack_format<interleaved>} : vector<32xbf16> -> vector<16xf32>
        %mul3A_1063 = vector.broadcast %squeeze3A_1053 : f32 to vector<16xf32>
        %mul3A_1064 = arith.mulf %mul3A_1063, %unpack3A_1061 : vector<16xf32>
        %add3A_1065 = arith.addf %add3A_1048, %mul3A_1064 : vector<16xf32>
        %mul3A_1066 = vector.broadcast %squeeze3A_1053 : f32 to vector<16xf32>
        %mul3A_1067 = arith.mulf %mul3A_1066, %unpack3A_1062 : vector<16xf32>
        %add3A_1068 = arith.addf %add3A_1051, %mul3A_1067 : vector<16xf32>
        %slice3A_1069 = vector.extract_strided_slice %get3A_881 {offsets = [11], sizes = [1], strides = [1]} : vector<16xf32> to vector<1xf32>
        %squeeze3A_1070 = vector.extract %slice3A_1069[0] : f32 from vector<1xf32>
        %add3A_1071 = arith.constant 11 : i32
        %add3A_1072 = arith.addi %add3A_877, %add3A_1071 : i32
        %get3A_1073 = arith.constant 2 : i32
        %get3A_1074 = arith.index_cast %get3A_1073 : i32 to index
        %get3A_1075 = arith.index_cast %add3A_1072 : i32 to index
        %get3A_1076 = arith.constant 0 : index
        %get3A_1077 = tpu.vector_load %arg8[%get3A_1074, %get3A_1075, %get3A_1076] {strides = array<i32>} : memref<3x512x32xbf16, #tpu.memory_space<vmem>>, vector<32xbf16>,
        %unpack3A_1078 = tpu.unpack_subelements %get3A_1077, 0 {pack_format = #tpu.pack_format<interleaved>} : vector<32xbf16> -> vector<16xf32>
        %unpack3A_1079 = tpu.unpack_subelements %get3A_1077, 1 {pack_format = #tpu.pack_format<interleaved>} : vector<32xbf16> -> vector<16xf32>
        %mul3A_1080 = vector.broadcast %squeeze3A_1070 : f32 to vector<16xf32>
        %mul3A_1081 = arith.mulf %mul3A_1080, %unpack3A_1078 : vector<16xf32>
        %add3A_1082 = arith.addf %add3A_1065, %mul3A_1081 : vector<16xf32>
        %mul3A_1083 = vector.broadcast %squeeze3A_1070 : f32 to vector<16xf32>
        %mul3A_1084 = arith.mulf %mul3A_1083, %unpack3A_1079 : vector<16xf32>
        %add3A_1085 = arith.addf %add3A_1068, %mul3A_1084 : vector<16xf32>
        %slice3A_1086 = vector.extract_strided_slice %get3A_881 {offsets = [12], sizes = [1], strides = [1]} : vector<16xf32> to vector<1xf32>
        %squeeze3A_1087 = vector.extract %slice3A_1086[0] : f32 from vector<1xf32>
        %add3A_1088 = arith.constant 12 : i32
        %add3A_1089 = arith.addi %add3A_877, %add3A_1088 : i32
        %get3A_1090 = arith.constant 2 : i32
        %get3A_1091 = arith.index_cast %get3A_1090 : i32 to index
        %get3A_1092 = arith.index_cast %add3A_1089 : i32 to index
        %get3A_1093 = arith.constant 0 : index
        %get3A_1094 = tpu.vector_load %arg8[%get3A_1091, %get3A_1092, %get3A_1093] {strides = array<i32>} : memref<3x512x32xbf16, #tpu.memory_space<vmem>>, vector<32xbf16>,
        %unpack3A_1095 = tpu.unpack_subelements %get3A_1094, 0 {pack_format = #tpu.pack_format<interleaved>} : vector<32xbf16> -> vector<16xf32>
        %unpack3A_1096 = tpu.unpack_subelements %get3A_1094, 1 {pack_format = #tpu.pack_format<interleaved>} : vector<32xbf16> -> vector<16xf32>
        %mul3A_1097 = vector.broadcast %squeeze3A_1087 : f32 to vector<16xf32>
        %mul3A_1098 = arith.mulf %mul3A_1097, %unpack3A_1095 : vector<16xf32>
        %add3A_1099 = arith.addf %add3A_1082, %mul3A_1098 : vector<16xf32>
        %mul3A_1100 = vector.broadcast %squeeze3A_1087 : f32 to vector<16xf32>
        %mul3A_1101 = arith.mulf %mul3A_1100, %unpack3A_1096 : vector<16xf32>
        %add3A_1102 = arith.addf %add3A_1085, %mul3A_1101 : vector<16xf32>
        %slice3A_1103 = vector.extract_strided_slice %get3A_881 {offsets = [13], sizes = [1], strides = [1]} : vector<16xf32> to vector<1xf32>
        %squeeze3A_1104 = vector.extract %slice3A_1103[0] : f32 from vector<1xf32>
        %add3A_1105 = arith.constant 13 : i32
        %add3A_1106 = arith.addi %add3A_877, %add3A_1105 : i32
        %get3A_1107 = arith.constant 2 : i32
        %get3A_1108 = arith.index_cast %get3A_1107 : i32 to index
        %get3A_1109 = arith.index_cast %add3A_1106 : i32 to index
        %get3A_1110 = arith.constant 0 : index
        %get3A_1111 = tpu.vector_load %arg8[%get3A_1108, %get3A_1109, %get3A_1110] {strides = array<i32>} : memref<3x512x32xbf16, #tpu.memory_space<vmem>>, vector<32xbf16>,
        %unpack3A_1112 = tpu.unpack_subelements %get3A_1111, 0 {pack_format = #tpu.pack_format<interleaved>} : vector<32xbf16> -> vector<16xf32>
        %unpack3A_1113 = tpu.unpack_subelements %get3A_1111, 1 {pack_format = #tpu.pack_format<interleaved>} : vector<32xbf16> -> vector<16xf32>
        %mul3A_1114 = vector.broadcast %squeeze3A_1104 : f32 to vector<16xf32>
        %mul3A_1115 = arith.mulf %mul3A_1114, %unpack3A_1112 : vector<16xf32>
        %add3A_1116 = arith.addf %add3A_1099, %mul3A_1115 : vector<16xf32>
        %mul3A_1117 = vector.broadcast %squeeze3A_1104 : f32 to vector<16xf32>
        %mul3A_1118 = arith.mulf %mul3A_1117, %unpack3A_1113 : vector<16xf32>
        %add3A_1119 = arith.addf %add3A_1102, %mul3A_1118 : vector<16xf32>
        %slice3A_1120 = vector.extract_strided_slice %get3A_881 {offsets = [14], sizes = [1], strides = [1]} : vector<16xf32> to vector<1xf32>
        %squeeze3A_1121 = vector.extract %slice3A_1120[0] : f32 from vector<1xf32>
        %add3A_1122 = arith.constant 14 : i32
        %add3A_1123 = arith.addi %add3A_877, %add3A_1122 : i32
        %get3A_1124 = arith.constant 2 : i32
        %get3A_1125 = arith.index_cast %get3A_1124 : i32 to index
        %get3A_1126 = arith.index_cast %add3A_1123 : i32 to index
        %get3A_1127 = arith.constant 0 : index
        %get3A_1128 = tpu.vector_load %arg8[%get3A_1125, %get3A_1126, %get3A_1127] {strides = array<i32>} : memref<3x512x32xbf16, #tpu.memory_space<vmem>>, vector<32xbf16>,
        %unpack3A_1129 = tpu.unpack_subelements %get3A_1128, 0 {pack_format = #tpu.pack_format<interleaved>} : vector<32xbf16> -> vector<16xf32>
        %unpack3A_1130 = tpu.unpack_subelements %get3A_1128, 1 {pack_format = #tpu.pack_format<interleaved>} : vector<32xbf16> -> vector<16xf32>
        %mul3A_1131 = vector.broadcast %squeeze3A_1121 : f32 to vector<16xf32>
        %mul3A_1132 = arith.mulf %mul3A_1131, %unpack3A_1129 : vector<16xf32>
        %add3A_1133 = arith.addf %add3A_1116, %mul3A_1132 : vector<16xf32>
        %mul3A_1134 = vector.broadcast %squeeze3A_1121 : f32 to vector<16xf32>
        %mul3A_1135 = arith.mulf %mul3A_1134, %unpack3A_1130 : vector<16xf32>
        %add3A_1136 = arith.addf %add3A_1119, %mul3A_1135 : vector<16xf32>
        %slice3A_1137 = vector.extract_strided_slice %get3A_881 {offsets = [15], sizes = [1], strides = [1]} : vector<16xf32> to vector<1xf32>
        %squeeze3A_1138 = vector.extract %slice3A_1137[0] : f32 from vector<1xf32>
        %add3A_1139 = arith.constant 15 : i32
        %add3A_1140 = arith.addi %add3A_877, %add3A_1139 : i32
        %get3A_1141 = arith.constant 2 : i32
        %get3A_1142 = arith.index_cast %get3A_1141 : i32 to index
        %get3A_1143 = arith.index_cast %add3A_1140 : i32 to index
        %get3A_1144 = arith.constant 0 : index
        %get3A_1145 = tpu.vector_load %arg8[%get3A_1142, %get3A_1143, %get3A_1144] {strides = array<i32>} : memref<3x512x32xbf16, #tpu.memory_space<vmem>>, vector<32xbf16>,
        %unpack3A_1146 = tpu.unpack_subelements %get3A_1145, 0 {pack_format = #tpu.pack_format<interleaved>} : vector<32xbf16> -> vector<16xf32>
        %unpack3A_1147 = tpu.unpack_subelements %get3A_1145, 1 {pack_format = #tpu.pack_format<interleaved>} : vector<32xbf16> -> vector<16xf32>
        %mul3A_1148 = vector.broadcast %squeeze3A_1138 : f32 to vector<16xf32>
        %mul3A_1149 = arith.mulf %mul3A_1148, %unpack3A_1146 : vector<16xf32>
        %add3A_1150 = arith.addf %add3A_1133, %mul3A_1149 : vector<16xf32>
        %mul3A_1151 = vector.broadcast %squeeze3A_1138 : f32 to vector<16xf32>
        %mul3A_1152 = arith.mulf %mul3A_1151, %unpack3A_1147 : vector<16xf32>
        %add3A_1153 = arith.addf %add3A_1136, %mul3A_1152 : vector<16xf32>
        %mul3A_1154 = arith.constant 16 : i32
        %mul3A_1155 = arith.muli %scan3A_314, %mul3A_1154 : i32
        %add3A_1156 = arith.constant 384 : i32
        %add3A_1157 = arith.addi %add3A_1156, %mul3A_1155 : i32
        %get3A_1158 = arith.constant 2 : i32
        %get3A_1159 = arith.index_cast %get3A_1158 : i32 to index
        %get3A_1160 = arith.index_cast %add3A_1157 : i32 to index
        %get3A_1161 = tpu.vector_load %arg7[%get3A_1159, %get3A_1160] {strides = array<i32>} : memref<3x512xf32, #tpu.memory_space<vmem>>, vector<16xf32>,
        %slice3A_1162 = vector.extract_strided_slice %get3A_1161 {offsets = [0], sizes = [1], strides = [1]} : vector<16xf32> to vector<1xf32>
        %squeeze3A_1163 = vector.extract %slice3A_1162[0] : f32 from vector<1xf32>
        %add3A_1164 = arith.constant 0 : i32
        %add3A_1165 = arith.addi %add3A_1157, %add3A_1164 : i32
        %get3A_1166 = arith.constant 2 : i32
        %get3A_1167 = arith.index_cast %get3A_1166 : i32 to index
        %get3A_1168 = arith.index_cast %add3A_1165 : i32 to index
        %get3A_1169 = arith.constant 0 : index
        %get3A_1170 = tpu.vector_load %arg8[%get3A_1167, %get3A_1168, %get3A_1169] {strides = array<i32>} : memref<3x512x32xbf16, #tpu.memory_space<vmem>>, vector<32xbf16>,
        %unpack3A_1171 = tpu.unpack_subelements %get3A_1170, 0 {pack_format = #tpu.pack_format<interleaved>} : vector<32xbf16> -> vector<16xf32>
        %unpack3A_1172 = tpu.unpack_subelements %get3A_1170, 1 {pack_format = #tpu.pack_format<interleaved>} : vector<32xbf16> -> vector<16xf32>
        %mul3A_1173 = vector.broadcast %squeeze3A_1163 : f32 to vector<16xf32>
        %mul3A_1174 = arith.mulf %mul3A_1173, %unpack3A_1171 : vector<16xf32>
        %add3A_1175 = arith.addf %add3A_1150, %mul3A_1174 : vector<16xf32>
        %mul3A_1176 = vector.broadcast %squeeze3A_1163 : f32 to vector<16xf32>
        %mul3A_1177 = arith.mulf %mul3A_1176, %unpack3A_1172 : vector<16xf32>
        %add3A_1178 = arith.addf %add3A_1153, %mul3A_1177 : vector<16xf32>
        %slice3A_1179 = vector.extract_strided_slice %get3A_1161 {offsets = [1], sizes = [1], strides = [1]} : vector<16xf32> to vector<1xf32>
        %squeeze3A_1180 = vector.extract %slice3A_1179[0] : f32 from vector<1xf32>
        %add3A_1181 = arith.constant 1 : i32
        %add3A_1182 = arith.addi %add3A_1157, %add3A_1181 : i32
        %get3A_1183 = arith.constant 2 : i32
        %get3A_1184 = arith.index_cast %get3A_1183 : i32 to index
        %get3A_1185 = arith.index_cast %add3A_1182 : i32 to index
        %get3A_1186 = arith.constant 0 : index
        %get3A_1187 = tpu.vector_load %arg8[%get3A_1184, %get3A_1185, %get3A_1186] {strides = array<i32>} : memref<3x512x32xbf16, #tpu.memory_space<vmem>>, vector<32xbf16>,
        %unpack3A_1188 = tpu.unpack_subelements %get3A_1187, 0 {pack_format = #tpu.pack_format<interleaved>} : vector<32xbf16> -> vector<16xf32>
        %unpack3A_1189 = tpu.unpack_subelements %get3A_1187, 1 {pack_format = #tpu.pack_format<interleaved>} : vector<32xbf16> -> vector<16xf32>
        %mul3A_1190 = vector.broadcast %squeeze3A_1180 : f32 to vector<16xf32>
        %mul3A_1191 = arith.mulf %mul3A_1190, %unpack3A_1188 : vector<16xf32>
        %add3A_1192 = arith.addf %add3A_1175, %mul3A_1191 : vector<16xf32>
        %mul3A_1193 = vector.broadcast %squeeze3A_1180 : f32 to vector<16xf32>
        %mul3A_1194 = arith.mulf %mul3A_1193, %unpack3A_1189 : vector<16xf32>
        %add3A_1195 = arith.addf %add3A_1178, %mul3A_1194 : vector<16xf32>
        %slice3A_1196 = vector.extract_strided_slice %get3A_1161 {offsets = [2], sizes = [1], strides = [1]} : vector<16xf32> to vector<1xf32>
        %squeeze3A_1197 = vector.extract %slice3A_1196[0] : f32 from vector<1xf32>
        %add3A_1198 = arith.constant 2 : i32
        %add3A_1199 = arith.addi %add3A_1157, %add3A_1198 : i32
        %get3A_1200 = arith.constant 2 : i32
        %get3A_1201 = arith.index_cast %get3A_1200 : i32 to index
        %get3A_1202 = arith.index_cast %add3A_1199 : i32 to index
        %get3A_1203 = arith.constant 0 : index
        %get3A_1204 = tpu.vector_load %arg8[%get3A_1201, %get3A_1202, %get3A_1203] {strides = array<i32>} : memref<3x512x32xbf16, #tpu.memory_space<vmem>>, vector<32xbf16>,
        %unpack3A_1205 = tpu.unpack_subelements %get3A_1204, 0 {pack_format = #tpu.pack_format<interleaved>} : vector<32xbf16> -> vector<16xf32>
        %unpack3A_1206 = tpu.unpack_subelements %get3A_1204, 1 {pack_format = #tpu.pack_format<interleaved>} : vector<32xbf16> -> vector<16xf32>
        %mul3A_1207 = vector.broadcast %squeeze3A_1197 : f32 to vector<16xf32>
        %mul3A_1208 = arith.mulf %mul3A_1207, %unpack3A_1205 : vector<16xf32>
        %add3A_1209 = arith.addf %add3A_1192, %mul3A_1208 : vector<16xf32>
        %mul3A_1210 = vector.broadcast %squeeze3A_1197 : f32 to vector<16xf32>
        %mul3A_1211 = arith.mulf %mul3A_1210, %unpack3A_1206 : vector<16xf32>
        %add3A_1212 = arith.addf %add3A_1195, %mul3A_1211 : vector<16xf32>
        %slice3A_1213 = vector.extract_strided_slice %get3A_1161 {offsets = [3], sizes = [1], strides = [1]} : vector<16xf32> to vector<1xf32>
        %squeeze3A_1214 = vector.extract %slice3A_1213[0] : f32 from vector<1xf32>
        %add3A_1215 = arith.constant 3 : i32
        %add3A_1216 = arith.addi %add3A_1157, %add3A_1215 : i32
        %get3A_1217 = arith.constant 2 : i32
        %get3A_1218 = arith.index_cast %get3A_1217 : i32 to index
        %get3A_1219 = arith.index_cast %add3A_1216 : i32 to index
        %get3A_1220 = arith.constant 0 : index
        %get3A_1221 = tpu.vector_load %arg8[%get3A_1218, %get3A_1219, %get3A_1220] {strides = array<i32>} : memref<3x512x32xbf16, #tpu.memory_space<vmem>>, vector<32xbf16>,
        %unpack3A_1222 = tpu.unpack_subelements %get3A_1221, 0 {pack_format = #tpu.pack_format<interleaved>} : vector<32xbf16> -> vector<16xf32>
        %unpack3A_1223 = tpu.unpack_subelements %get3A_1221, 1 {pack_format = #tpu.pack_format<interleaved>} : vector<32xbf16> -> vector<16xf32>
        %mul3A_1224 = vector.broadcast %squeeze3A_1214 : f32 to vector<16xf32>
        %mul3A_1225 = arith.mulf %mul3A_1224, %unpack3A_1222 : vector<16xf32>
        %add3A_1226 = arith.addf %add3A_1209, %mul3A_1225 : vector<16xf32>
        %mul3A_1227 = vector.broadcast %squeeze3A_1214 : f32 to vector<16xf32>
        %mul3A_1228 = arith.mulf %mul3A_1227, %unpack3A_1223 : vector<16xf32>
        %add3A_1229 = arith.addf %add3A_1212, %mul3A_1228 : vector<16xf32>
        %slice3A_1230 = vector.extract_strided_slice %get3A_1161 {offsets = [4], sizes = [1], strides = [1]} : vector<16xf32> to vector<1xf32>
        %squeeze3A_1231 = vector.extract %slice3A_1230[0] : f32 from vector<1xf32>
        %add3A_1232 = arith.constant 4 : i32
        %add3A_1233 = arith.addi %add3A_1157, %add3A_1232 : i32
        %get3A_1234 = arith.constant 2 : i32
        %get3A_1235 = arith.index_cast %get3A_1234 : i32 to index
        %get3A_1236 = arith.index_cast %add3A_1233 : i32 to index
        %get3A_1237 = arith.constant 0 : index
        %get3A_1238 = tpu.vector_load %arg8[%get3A_1235, %get3A_1236, %get3A_1237] {strides = array<i32>} : memref<3x512x32xbf16, #tpu.memory_space<vmem>>, vector<32xbf16>,
        %unpack3A_1239 = tpu.unpack_subelements %get3A_1238, 0 {pack_format = #tpu.pack_format<interleaved>} : vector<32xbf16> -> vector<16xf32>
        %unpack3A_1240 = tpu.unpack_subelements %get3A_1238, 1 {pack_format = #tpu.pack_format<interleaved>} : vector<32xbf16> -> vector<16xf32>
        %mul3A_1241 = vector.broadcast %squeeze3A_1231 : f32 to vector<16xf32>
        %mul3A_1242 = arith.mulf %mul3A_1241, %unpack3A_1239 : vector<16xf32>
        %add3A_1243 = arith.addf %add3A_1226, %mul3A_1242 : vector<16xf32>
        %mul3A_1244 = vector.broadcast %squeeze3A_1231 : f32 to vector<16xf32>
        %mul3A_1245 = arith.mulf %mul3A_1244, %unpack3A_1240 : vector<16xf32>
        %add3A_1246 = arith.addf %add3A_1229, %mul3A_1245 : vector<16xf32>
        %slice3A_1247 = vector.extract_strided_slice %get3A_1161 {offsets = [5], sizes = [1], strides = [1]} : vector<16xf32> to vector<1xf32>
        %squeeze3A_1248 = vector.extract %slice3A_1247[0] : f32 from vector<1xf32>
        %add3A_1249 = arith.constant 5 : i32
        %add3A_1250 = arith.addi %add3A_1157, %add3A_1249 : i32
        %get3A_1251 = arith.constant 2 : i32
        %get3A_1252 = arith.index_cast %get3A_1251 : i32 to index
        %get3A_1253 = arith.index_cast %add3A_1250 : i32 to index
        %get3A_1254 = arith.constant 0 : index
        %get3A_1255 = tpu.vector_load %arg8[%get3A_1252, %get3A_1253, %get3A_1254] {strides = array<i32>} : memref<3x512x32xbf16, #tpu.memory_space<vmem>>, vector<32xbf16>,
        %unpack3A_1256 = tpu.unpack_subelements %get3A_1255, 0 {pack_format = #tpu.pack_format<interleaved>} : vector<32xbf16> -> vector<16xf32>
        %unpack3A_1257 = tpu.unpack_subelements %get3A_1255, 1 {pack_format = #tpu.pack_format<interleaved>} : vector<32xbf16> -> vector<16xf32>
        %mul3A_1258 = vector.broadcast %squeeze3A_1248 : f32 to vector<16xf32>
        %mul3A_1259 = arith.mulf %mul3A_1258, %unpack3A_1256 : vector<16xf32>
        %add3A_1260 = arith.addf %add3A_1243, %mul3A_1259 : vector<16xf32>
        %mul3A_1261 = vector.broadcast %squeeze3A_1248 : f32 to vector<16xf32>
        %mul3A_1262 = arith.mulf %mul3A_1261, %unpack3A_1257 : vector<16xf32>
        %add3A_1263 = arith.addf %add3A_1246, %mul3A_1262 : vector<16xf32>
        %slice3A_1264 = vector.extract_strided_slice %get3A_1161 {offsets = [6], sizes = [1], strides = [1]} : vector<16xf32> to vector<1xf32>
        %squeeze3A_1265 = vector.extract %slice3A_1264[0] : f32 from vector<1xf32>
        %add3A_1266 = arith.constant 6 : i32
        %add3A_1267 = arith.addi %add3A_1157, %add3A_1266 : i32
        %get3A_1268 = arith.constant 2 : i32
        %get3A_1269 = arith.index_cast %get3A_1268 : i32 to index
        %get3A_1270 = arith.index_cast %add3A_1267 : i32 to index
        %get3A_1271 = arith.constant 0 : index
        %get3A_1272 = tpu.vector_load %arg8[%get3A_1269, %get3A_1270, %get3A_1271] {strides = array<i32>} : memref<3x512x32xbf16, #tpu.memory_space<vmem>>, vector<32xbf16>,
        %unpack3A_1273 = tpu.unpack_subelements %get3A_1272, 0 {pack_format = #tpu.pack_format<interleaved>} : vector<32xbf16> -> vector<16xf32>
        %unpack3A_1274 = tpu.unpack_subelements %get3A_1272, 1 {pack_format = #tpu.pack_format<interleaved>} : vector<32xbf16> -> vector<16xf32>
        %mul3A_1275 = vector.broadcast %squeeze3A_1265 : f32 to vector<16xf32>
        %mul3A_1276 = arith.mulf %mul3A_1275, %unpack3A_1273 : vector<16xf32>
        %add3A_1277 = arith.addf %add3A_1260, %mul3A_1276 : vector<16xf32>
        %mul3A_1278 = vector.broadcast %squeeze3A_1265 : f32 to vector<16xf32>
        %mul3A_1279 = arith.mulf %mul3A_1278, %unpack3A_1274 : vector<16xf32>
        %add3A_1280 = arith.addf %add3A_1263, %mul3A_1279 : vector<16xf32>
        %slice3A_1281 = vector.extract_strided_slice %get3A_1161 {offsets = [7], sizes = [1], strides = [1]} : vector<16xf32> to vector<1xf32>
        %squeeze3A_1282 = vector.extract %slice3A_1281[0] : f32 from vector<1xf32>
        %add3A_1283 = arith.constant 7 : i32
        %add3A_1284 = arith.addi %add3A_1157, %add3A_1283 : i32
        %get3A_1285 = arith.constant 2 : i32
        %get3A_1286 = arith.index_cast %get3A_1285 : i32 to index
        %get3A_1287 = arith.index_cast %add3A_1284 : i32 to index
        %get3A_1288 = arith.constant 0 : index
        %get3A_1289 = tpu.vector_load %arg8[%get3A_1286, %get3A_1287, %get3A_1288] {strides = array<i32>} : memref<3x512x32xbf16, #tpu.memory_space<vmem>>, vector<32xbf16>,
        %unpack3A_1290 = tpu.unpack_subelements %get3A_1289, 0 {pack_format = #tpu.pack_format<interleaved>} : vector<32xbf16> -> vector<16xf32>
        %unpack3A_1291 = tpu.unpack_subelements %get3A_1289, 1 {pack_format = #tpu.pack_format<interleaved>} : vector<32xbf16> -> vector<16xf32>
        %mul3A_1292 = vector.broadcast %squeeze3A_1282 : f32 to vector<16xf32>
        %mul3A_1293 = arith.mulf %mul3A_1292, %unpack3A_1290 : vector<16xf32>
        %add3A_1294 = arith.addf %add3A_1277, %mul3A_1293 : vector<16xf32>
        %mul3A_1295 = vector.broadcast %squeeze3A_1282 : f32 to vector<16xf32>
        %mul3A_1296 = arith.mulf %mul3A_1295, %unpack3A_1291 : vector<16xf32>
        %add3A_1297 = arith.addf %add3A_1280, %mul3A_1296 : vector<16xf32>
        %slice3A_1298 = vector.extract_strided_slice %get3A_1161 {offsets = [8], sizes = [1], strides = [1]} : vector<16xf32> to vector<1xf32>
        %squeeze3A_1299 = vector.extract %slice3A_1298[0] : f32 from vector<1xf32>
        %add3A_1300 = arith.constant 8 : i32
        %add3A_1301 = arith.addi %add3A_1157, %add3A_1300 : i32
        %get3A_1302 = arith.constant 2 : i32
        %get3A_1303 = arith.index_cast %get3A_1302 : i32 to index
        %get3A_1304 = arith.index_cast %add3A_1301 : i32 to index
        %get3A_1305 = arith.constant 0 : index
        %get3A_1306 = tpu.vector_load %arg8[%get3A_1303, %get3A_1304, %get3A_1305] {strides = array<i32>} : memref<3x512x32xbf16, #tpu.memory_space<vmem>>, vector<32xbf16>,
        %unpack3A_1307 = tpu.unpack_subelements %get3A_1306, 0 {pack_format = #tpu.pack_format<interleaved>} : vector<32xbf16> -> vector<16xf32>
        %unpack3A_1308 = tpu.unpack_subelements %get3A_1306, 1 {pack_format = #tpu.pack_format<interleaved>} : vector<32xbf16> -> vector<16xf32>
        %mul3A_1309 = vector.broadcast %squeeze3A_1299 : f32 to vector<16xf32>
        %mul3A_1310 = arith.mulf %mul3A_1309, %unpack3A_1307 : vector<16xf32>
        %add3A_1311 = arith.addf %add3A_1294, %mul3A_1310 : vector<16xf32>
        %mul3A_1312 = vector.broadcast %squeeze3A_1299 : f32 to vector<16xf32>
        %mul3A_1313 = arith.mulf %mul3A_1312, %unpack3A_1308 : vector<16xf32>
        %add3A_1314 = arith.addf %add3A_1297, %mul3A_1313 : vector<16xf32>
        %slice3A_1315 = vector.extract_strided_slice %get3A_1161 {offsets = [9], sizes = [1], strides = [1]} : vector<16xf32> to vector<1xf32>
        %squeeze3A_1316 = vector.extract %slice3A_1315[0] : f32 from vector<1xf32>
        %add3A_1317 = arith.constant 9 : i32
        %add3A_1318 = arith.addi %add3A_1157, %add3A_1317 : i32
        %get3A_1319 = arith.constant 2 : i32
        %get3A_1320 = arith.index_cast %get3A_1319 : i32 to index
        %get3A_1321 = arith.index_cast %add3A_1318 : i32 to index
        %get3A_1322 = arith.constant 0 : index
        %get3A_1323 = tpu.vector_load %arg8[%get3A_1320, %get3A_1321, %get3A_1322] {strides = array<i32>} : memref<3x512x32xbf16, #tpu.memory_space<vmem>>, vector<32xbf16>,
        %unpack3A_1324 = tpu.unpack_subelements %get3A_1323, 0 {pack_format = #tpu.pack_format<interleaved>} : vector<32xbf16> -> vector<16xf32>
        %unpack3A_1325 = tpu.unpack_subelements %get3A_1323, 1 {pack_format = #tpu.pack_format<interleaved>} : vector<32xbf16> -> vector<16xf32>
        %mul3A_1326 = vector.broadcast %squeeze3A_1316 : f32 to vector<16xf32>
        %mul3A_1327 = arith.mulf %mul3A_1326, %unpack3A_1324 : vector<16xf32>
        %add3A_1328 = arith.addf %add3A_1311, %mul3A_1327 : vector<16xf32>
        %mul3A_1329 = vector.broadcast %squeeze3A_1316 : f32 to vector<16xf32>
        %mul3A_1330 = arith.mulf %mul3A_1329, %unpack3A_1325 : vector<16xf32>
        %add3A_1331 = arith.addf %add3A_1314, %mul3A_1330 : vector<16xf32>
        %slice3A_1332 = vector.extract_strided_slice %get3A_1161 {offsets = [10], sizes = [1], strides = [1]} : vector<16xf32> to vector<1xf32>
        %squeeze3A_1333 = vector.extract %slice3A_1332[0] : f32 from vector<1xf32>
        %add3A_1334 = arith.constant 10 : i32
        %add3A_1335 = arith.addi %add3A_1157, %add3A_1334 : i32
        %get3A_1336 = arith.constant 2 : i32
        %get3A_1337 = arith.index_cast %get3A_1336 : i32 to index
        %get3A_1338 = arith.index_cast %add3A_1335 : i32 to index
        %get3A_1339 = arith.constant 0 : index
        %get3A_1340 = tpu.vector_load %arg8[%get3A_1337, %get3A_1338, %get3A_1339] {strides = array<i32>} : memref<3x512x32xbf16, #tpu.memory_space<vmem>>, vector<32xbf16>,
        %unpack3A_1341 = tpu.unpack_subelements %get3A_1340, 0 {pack_format = #tpu.pack_format<interleaved>} : vector<32xbf16> -> vector<16xf32>
        %unpack3A_1342 = tpu.unpack_subelements %get3A_1340, 1 {pack_format = #tpu.pack_format<interleaved>} : vector<32xbf16> -> vector<16xf32>
        %mul3A_1343 = vector.broadcast %squeeze3A_1333 : f32 to vector<16xf32>
        %mul3A_1344 = arith.mulf %mul3A_1343, %unpack3A_1341 : vector<16xf32>
        %add3A_1345 = arith.addf %add3A_1328, %mul3A_1344 : vector<16xf32>
        %mul3A_1346 = vector.broadcast %squeeze3A_1333 : f32 to vector<16xf32>
        %mul3A_1347 = arith.mulf %mul3A_1346, %unpack3A_1342 : vector<16xf32>
        %add3A_1348 = arith.addf %add3A_1331, %mul3A_1347 : vector<16xf32>
        %slice3A_1349 = vector.extract_strided_slice %get3A_1161 {offsets = [11], sizes = [1], strides = [1]} : vector<16xf32> to vector<1xf32>
        %squeeze3A_1350 = vector.extract %slice3A_1349[0] : f32 from vector<1xf32>
        %add3A_1351 = arith.constant 11 : i32
        %add3A_1352 = arith.addi %add3A_1157, %add3A_1351 : i32
        %get3A_1353 = arith.constant 2 : i32
        %get3A_1354 = arith.index_cast %get3A_1353 : i32 to index
        %get3A_1355 = arith.index_cast %add3A_1352 : i32 to index
        %get3A_1356 = arith.constant 0 : index
        %get3A_1357 = tpu.vector_load %arg8[%get3A_1354, %get3A_1355, %get3A_1356] {strides = array<i32>} : memref<3x512x32xbf16, #tpu.memory_space<vmem>>, vector<32xbf16>,
        %unpack3A_1358 = tpu.unpack_subelements %get3A_1357, 0 {pack_format = #tpu.pack_format<interleaved>} : vector<32xbf16> -> vector<16xf32>
        %unpack3A_1359 = tpu.unpack_subelements %get3A_1357, 1 {pack_format = #tpu.pack_format<interleaved>} : vector<32xbf16> -> vector<16xf32>
        %mul3A_1360 = vector.broadcast %squeeze3A_1350 : f32 to vector<16xf32>
        %mul3A_1361 = arith.mulf %mul3A_1360, %unpack3A_1358 : vector<16xf32>
        %add3A_1362 = arith.addf %add3A_1345, %mul3A_1361 : vector<16xf32>
        %mul3A_1363 = vector.broadcast %squeeze3A_1350 : f32 to vector<16xf32>
        %mul3A_1364 = arith.mulf %mul3A_1363, %unpack3A_1359 : vector<16xf32>
        %add3A_1365 = arith.addf %add3A_1348, %mul3A_1364 : vector<16xf32>
        %slice3A_1366 = vector.extract_strided_slice %get3A_1161 {offsets = [12], sizes = [1], strides = [1]} : vector<16xf32> to vector<1xf32>
        %squeeze3A_1367 = vector.extract %slice3A_1366[0] : f32 from vector<1xf32>
        %add3A_1368 = arith.constant 12 : i32
        %add3A_1369 = arith.addi %add3A_1157, %add3A_1368 : i32
        %get3A_1370 = arith.constant 2 : i32
        %get3A_1371 = arith.index_cast %get3A_1370 : i32 to index
        %get3A_1372 = arith.index_cast %add3A_1369 : i32 to index
        %get3A_1373 = arith.constant 0 : index
        %get3A_1374 = tpu.vector_load %arg8[%get3A_1371, %get3A_1372, %get3A_1373] {strides = array<i32>} : memref<3x512x32xbf16, #tpu.memory_space<vmem>>, vector<32xbf16>,
        %unpack3A_1375 = tpu.unpack_subelements %get3A_1374, 0 {pack_format = #tpu.pack_format<interleaved>} : vector<32xbf16> -> vector<16xf32>
        %unpack3A_1376 = tpu.unpack_subelements %get3A_1374, 1 {pack_format = #tpu.pack_format<interleaved>} : vector<32xbf16> -> vector<16xf32>
        %mul3A_1377 = vector.broadcast %squeeze3A_1367 : f32 to vector<16xf32>
        %mul3A_1378 = arith.mulf %mul3A_1377, %unpack3A_1375 : vector<16xf32>
        %add3A_1379 = arith.addf %add3A_1362, %mul3A_1378 : vector<16xf32>
        %mul3A_1380 = vector.broadcast %squeeze3A_1367 : f32 to vector<16xf32>
        %mul3A_1381 = arith.mulf %mul3A_1380, %unpack3A_1376 : vector<16xf32>
        %add3A_1382 = arith.addf %add3A_1365, %mul3A_1381 : vector<16xf32>
        %slice3A_1383 = vector.extract_strided_slice %get3A_1161 {offsets = [13], sizes = [1], strides = [1]} : vector<16xf32> to vector<1xf32>
        %squeeze3A_1384 = vector.extract %slice3A_1383[0] : f32 from vector<1xf32>
        %add3A_1385 = arith.constant 13 : i32
        %add3A_1386 = arith.addi %add3A_1157, %add3A_1385 : i32
        %get3A_1387 = arith.constant 2 : i32
        %get3A_1388 = arith.index_cast %get3A_1387 : i32 to index
        %get3A_1389 = arith.index_cast %add3A_1386 : i32 to index
        %get3A_1390 = arith.constant 0 : index
        %get3A_1391 = tpu.vector_load %arg8[%get3A_1388, %get3A_1389, %get3A_1390] {strides = array<i32>} : memref<3x512x32xbf16, #tpu.memory_space<vmem>>, vector<32xbf16>,
        %unpack3A_1392 = tpu.unpack_subelements %get3A_1391, 0 {pack_format = #tpu.pack_format<interleaved>} : vector<32xbf16> -> vector<16xf32>
        %unpack3A_1393 = tpu.unpack_subelements %get3A_1391, 1 {pack_format = #tpu.pack_format<interleaved>} : vector<32xbf16> -> vector<16xf32>
        %mul3A_1394 = vector.broadcast %squeeze3A_1384 : f32 to vector<16xf32>
        %mul3A_1395 = arith.mulf %mul3A_1394, %unpack3A_1392 : vector<16xf32>
        %add3A_1396 = arith.addf %add3A_1379, %mul3A_1395 : vector<16xf32>
        %mul3A_1397 = vector.broadcast %squeeze3A_1384 : f32 to vector<16xf32>
        %mul3A_1398 = arith.mulf %mul3A_1397, %unpack3A_1393 : vector<16xf32>
        %add3A_1399 = arith.addf %add3A_1382, %mul3A_1398 : vector<16xf32>
        %slice3A_1400 = vector.extract_strided_slice %get3A_1161 {offsets = [14], sizes = [1], strides = [1]} : vector<16xf32> to vector<1xf32>
        %squeeze3A_1401 = vector.extract %slice3A_1400[0] : f32 from vector<1xf32>
        %add3A_1402 = arith.constant 14 : i32
        %add3A_1403 = arith.addi %add3A_1157, %add3A_1402 : i32
        %get3A_1404 = arith.constant 2 : i32
        %get3A_1405 = arith.index_cast %get3A_1404 : i32 to index
        %get3A_1406 = arith.index_cast %add3A_1403 : i32 to index
        %get3A_1407 = arith.constant 0 : index
        %get3A_1408 = tpu.vector_load %arg8[%get3A_1405, %get3A_1406, %get3A_1407] {strides = array<i32>} : memref<3x512x32xbf16, #tpu.memory_space<vmem>>, vector<32xbf16>,
        %unpack3A_1409 = tpu.unpack_subelements %get3A_1408, 0 {pack_format = #tpu.pack_format<interleaved>} : vector<32xbf16> -> vector<16xf32>
        %unpack3A_1410 = tpu.unpack_subelements %get3A_1408, 1 {pack_format = #tpu.pack_format<interleaved>} : vector<32xbf16> -> vector<16xf32>
        %mul3A_1411 = vector.broadcast %squeeze3A_1401 : f32 to vector<16xf32>
        %mul3A_1412 = arith.mulf %mul3A_1411, %unpack3A_1409 : vector<16xf32>
        %add3A_1413 = arith.addf %add3A_1396, %mul3A_1412 : vector<16xf32>
        %mul3A_1414 = vector.broadcast %squeeze3A_1401 : f32 to vector<16xf32>
        %mul3A_1415 = arith.mulf %mul3A_1414, %unpack3A_1410 : vector<16xf32>
        %add3A_1416 = arith.addf %add3A_1399, %mul3A_1415 : vector<16xf32>
        %slice3A_1417 = vector.extract_strided_slice %get3A_1161 {offsets = [15], sizes = [1], strides = [1]} : vector<16xf32> to vector<1xf32>
        %squeeze3A_1418 = vector.extract %slice3A_1417[0] : f32 from vector<1xf32>
        %add3A_1419 = arith.constant 15 : i32
        %add3A_1420 = arith.addi %add3A_1157, %add3A_1419 : i32
        %get3A_1421 = arith.constant 2 : i32
        %get3A_1422 = arith.index_cast %get3A_1421 : i32 to index
        %get3A_1423 = arith.index_cast %add3A_1420 : i32 to index
        %get3A_1424 = arith.constant 0 : index
        %get3A_1425 = tpu.vector_load %arg8[%get3A_1422, %get3A_1423, %get3A_1424] {strides = array<i32>} : memref<3x512x32xbf16, #tpu.memory_space<vmem>>, vector<32xbf16>,
        %unpack3A_1426 = tpu.unpack_subelements %get3A_1425, 0 {pack_format = #tpu.pack_format<interleaved>} : vector<32xbf16> -> vector<16xf32>
        %unpack3A_1427 = tpu.unpack_subelements %get3A_1425, 1 {pack_format = #tpu.pack_format<interleaved>} : vector<32xbf16> -> vector<16xf32>
        %mul3A_1428 = vector.broadcast %squeeze3A_1418 : f32 to vector<16xf32>
        %mul3A_1429 = arith.mulf %mul3A_1428, %unpack3A_1426 : vector<16xf32>
        %add3A_1430 = arith.addf %add3A_1413, %mul3A_1429 : vector<16xf32>
        %mul3A_1431 = vector.broadcast %squeeze3A_1418 : f32 to vector<16xf32>
        %mul3A_1432 = arith.mulf %mul3A_1431, %unpack3A_1427 : vector<16xf32>
        %add3A_1433 = arith.addf %add3A_1416, %mul3A_1432 : vector<16xf32>
        %swap3A = arith.index_cast %add3A_307 : i32 to index
        %swap3A_1434 = arith.index_cast %scan3A_314 : i32 to index
        %swap3A_1435 = arith.constant 0 : index
        %swap3A_1436 = tpu.vector_load %arg9[%swap3A, %swap3A_1434, %swap3A_1435] {strides = array<i32>} : memref<75x8x32xf32, #tpu.memory_space<vmem>>, vector<16xf32>,
        tpu.vector_store %arg9[%swap3A, %swap3A_1434, %swap3A_1435], %add3A_1430 {strides = array<i32>} : memref<75x8x32xf32, #tpu.memory_space<vmem>>, vector<16xf32>,
        %swap3A_1437 = arith.index_cast %add3A_307 : i32 to index
        %swap3A_1438 = arith.index_cast %scan3A_314 : i32 to index
        %swap3A_1439 = arith.constant 16 : index
        %swap3A_1440 = tpu.vector_load %arg9[%swap3A_1437, %swap3A_1438, %swap3A_1439] {strides = array<i32>} : memref<75x8x32xf32, #tpu.memory_space<vmem>>, vector<16xf32>,
        tpu.vector_store %arg9[%swap3A_1437, %swap3A_1438, %swap3A_1439], %add3A_1433 {strides = array<i32>} : memref<75x8x32xf32, #tpu.memory_space<vmem>>, vector<16xf32>,
      }
      %scan3A_313 = arith.constant 8 : i32
    }
    %scan3A_71 = arith.constant 25 : i32
    %dma_wait3A_72 = arith.constant 74 : i32
    %dma_wait3A_73 = arith.constant 0 : i32
    %dma_wait3A_74 = arith.constant 0 : i32
    %dma_wait3A_75 = arith.constant 0 : i32
    %dma_wait3A_76 = tpu.memref_slice %arg8[%dma_wait3A_73, %dma_wait3A_74, %dma_wait3A_75] : memref<3x512x32xbf16, #tpu.memory_space<vmem>> -> memref<1x512x32xbf16, #tpu.memory_space<vmem>>
    %dma_wait3A_77 = tpu.memref_squeeze %dma_wait3A_76 : memref<1x512x32xbf16, #tpu.memory_space<vmem>> -> memref<512x32xbf16, #tpu.memory_space<vmem>>
    %dma_wait3A_78 = arith.constant 0 : i32
    %dma_wait3A_79 = tpu.memref_slice %arg6[%dma_wait3A_72, %dma_wait3A_78] : memref<75x512xi32, #tpu.memory_space<vmem>> -> memref<1x512xi32, #tpu.memory_space<vmem>>
    %dma_wait3A_80 = tpu.memref_squeeze %dma_wait3A_79 : memref<1x512xi32, #tpu.memory_space<vmem>> -> memref<512xi32, #tpu.memory_space<vmem>>
    %dma_wait3A_81 = arith.constant 0 : i32
    %dma_wait3A_82 = arith.constant 0 : i32
    %dma_wait3A_83 = tpu.memref_slice %arg2[%dma_wait3A_81, %dma_wait3A_82] : memref<348160x32xbf16, #tpu.memory_space<hbm>> -> memref<348160x32xbf16, #tpu.memory_space<hbm>>
    tpu.wait_indirect_dma semaphore(%arg11 : memref<!tpu.dma_semaphore, #tpu.memory_space<semaphore_mem>>) src(%dma_wait3A_83 : memref<348160x32xbf16, #tpu.memory_space<hbm>>) dst(%dma_wait3A_77 : memref<512x32xbf16, #tpu.memory_space<vmem>>)
    %dma_wait3A_84 = arith.constant 74 : i32
    %dma_wait3A_85 = arith.constant 0 : i32
    %dma_wait3A_86 = arith.constant 0 : i32
    %dma_wait3A_87 = tpu.memref_slice %arg7[%dma_wait3A_85, %dma_wait3A_86] : memref<3x512xf32, #tpu.memory_space<vmem>> -> memref<1x512xf32, #tpu.memory_space<vmem>>
    %dma_wait3A_88 = tpu.memref_squeeze %dma_wait3A_87 : memref<1x512xf32, #tpu.memory_space<vmem>> -> memref<512xf32, #tpu.memory_space<vmem>>
    %dma_wait3A_89 = arith.constant 0 : i32
    %dma_wait3A_90 = tpu.memref_slice %arg4[%add3A, %dma_wait3A_84, %dma_wait3A_89] : memref<32x75x512xf32, #tpu.memory_space<hbm>> -> memref<1x1x512xf32, #tpu.memory_space<hbm>>
    %dma_wait3A_91 = tpu.memref_squeeze %dma_wait3A_90 : memref<1x1x512xf32, #tpu.memory_space<hbm>> -> memref<512xf32, #tpu.memory_space<hbm>>
    %dma_wait3A_92 = arith.constant 0 : i32
    %dma_wait3A_93 = tpu.memref_slice %arg7[%dma_wait3A_85, %dma_wait3A_92] : memref<3x512xf32, #tpu.memory_space<vmem>> -> memref<1x512xf32, #tpu.memory_space<vmem>>
    %dma_wait3A_94 = tpu.memref_squeeze %dma_wait3A_93 : memref<1x512xf32, #tpu.memory_space<vmem>> -> memref<512xf32, #tpu.memory_space<vmem>>
    %dma_wait3A_95 = arith.constant 0 : i32
    %dma_wait3A_96 = tpu.memref_slice %arg4[%add3A, %dma_wait3A_84, %dma_wait3A_95] : memref<32x75x512xf32, #tpu.memory_space<hbm>> -> memref<1x1x512xf32, #tpu.memory_space<hbm>>
    %dma_wait3A_97 = tpu.memref_squeeze %dma_wait3A_96 : memref<1x1x512xf32, #tpu.memory_space<hbm>> -> memref<512xf32, #tpu.memory_space<hbm>>
    tpu.wait_dma2 semaphore(%arg14 : memref<!tpu.dma_semaphore, #tpu.memory_space<semaphore_mem>>) src(%dma_wait3A_97 : memref<512xf32, #tpu.memory_space<hbm>>) dst(%dma_wait3A_94 : memref<512xf32, #tpu.memory_space<vmem>>)
    %dma_wait3A_98 = arith.constant 74 : i32
    %dma_wait3A_99 = arith.constant 1 : i32
    %dma_wait3A_100 = arith.constant 0 : i32
    %dma_wait3A_101 = arith.constant 0 : i32
    %dma_wait3A_102 = tpu.memref_slice %arg8[%dma_wait3A_99, %dma_wait3A_100, %dma_wait3A_101] : memref<3x512x32xbf16, #tpu.memory_space<vmem>> -> memref<1x512x32xbf16, #tpu.memory_space<vmem>>
    %dma_wait3A_103 = tpu.memref_squeeze %dma_wait3A_102 : memref<1x512x32xbf16, #tpu.memory_space<vmem>> -> memref<512x32xbf16, #tpu.memory_space<vmem>>
    %dma_wait3A_104 = arith.constant 0 : i32
    %dma_wait3A_105 = tpu.memref_slice %arg6[%dma_wait3A_98, %dma_wait3A_104] : memref<75x512xi32, #tpu.memory_space<vmem>> -> memref<1x512xi32, #tpu.memory_space<vmem>>
    %dma_wait3A_106 = tpu.memref_squeeze %dma_wait3A_105 : memref<1x512xi32, #tpu.memory_space<vmem>> -> memref<512xi32, #tpu.memory_space<vmem>>
    %dma_wait3A_107 = arith.constant 0 : i32
    %dma_wait3A_108 = arith.constant 0 : i32
    %dma_wait3A_109 = tpu.memref_slice %arg2[%dma_wait3A_107, %dma_wait3A_108] : memref<348160x32xbf16, #tpu.memory_space<hbm>> -> memref<348160x32xbf16, #tpu.memory_space<hbm>>
    tpu.wait_indirect_dma semaphore(%arg12 : memref<!tpu.dma_semaphore, #tpu.memory_space<semaphore_mem>>) src(%dma_wait3A_109 : memref<348160x32xbf16, #tpu.memory_space<hbm>>) dst(%dma_wait3A_103 : memref<512x32xbf16, #tpu.memory_space<vmem>>)
    %dma_wait3A_110 = arith.constant 74 : i32
    %dma_wait3A_111 = arith.constant 1 : i32
    %dma_wait3A_112 = arith.constant 0 : i32
    %dma_wait3A_113 = tpu.memref_slice %arg7[%dma_wait3A_111, %dma_wait3A_112] : memref<3x512xf32, #tpu.memory_space<vmem>> -> memref<1x512xf32, #tpu.memory_space<vmem>>
    %dma_wait3A_114 = tpu.memref_squeeze %dma_wait3A_113 : memref<1x512xf32, #tpu.memory_space<vmem>> -> memref<512xf32, #tpu.memory_space<vmem>>
    %dma_wait3A_115 = arith.constant 0 : i32
    %dma_wait3A_116 = tpu.memref_slice %arg4[%add3A, %dma_wait3A_110, %dma_wait3A_115] : memref<32x75x512xf32, #tpu.memory_space<hbm>> -> memref<1x1x512xf32, #tpu.memory_space<hbm>>
    %dma_wait3A_117 = tpu.memref_squeeze %dma_wait3A_116 : memref<1x1x512xf32, #tpu.memory_space<hbm>> -> memref<512xf32, #tpu.memory_space<hbm>>
    %dma_wait3A_118 = arith.constant 0 : i32
    %dma_wait3A_119 = tpu.memref_slice %arg7[%dma_wait3A_111, %dma_wait3A_118] : memref<3x512xf32, #tpu.memory_space<vmem>> -> memref<1x512xf32, #tpu.memory_space<vmem>>
    %dma_wait3A_120 = tpu.memref_squeeze %dma_wait3A_119 : memref<1x512xf32, #tpu.memory_space<vmem>> -> memref<512xf32, #tpu.memory_space<vmem>>
    %dma_wait3A_121 = arith.constant 0 : i32
    %dma_wait3A_122 = tpu.memref_slice %arg4[%add3A, %dma_wait3A_110, %dma_wait3A_121] : memref<32x75x512xf32, #tpu.memory_space<hbm>> -> memref<1x1x512xf32, #tpu.memory_space<hbm>>
    %dma_wait3A_123 = tpu.memref_squeeze %dma_wait3A_122 : memref<1x1x512xf32, #tpu.memory_space<hbm>> -> memref<512xf32, #tpu.memory_space<hbm>>
    tpu.wait_dma2 semaphore(%arg15 : memref<!tpu.dma_semaphore, #tpu.memory_space<semaphore_mem>>) src(%dma_wait3A_123 : memref<512xf32, #tpu.memory_space<hbm>>) dst(%dma_wait3A_120 : memref<512xf32, #tpu.memory_space<vmem>>)
    "tpu.region"() ({
      %run_scoped3A = tpu.sem_alloc : memref<!tpu.dma_semaphore, #tpu.memory_space<semaphore_mem>>
      %dma_start3A_124 = arith.constant 0 : i32
      %dma_start3A_125 = arith.constant 0 : i32
      %dma_start3A_126 = arith.constant 0 : i32
      %dma_start3A_127 = tpu.memref_slice %arg5[%add3A, %dma_start3A_124, %dma_start3A_125, %dma_start3A_126] : memref<32x75x8x32xf32, #tpu.memory_space<hbm>> -> memref<1x75x8x32xf32, #tpu.memory_space<hbm>>
      %dma_start3A_128 = tpu.memref_squeeze %dma_start3A_127 : memref<1x75x8x32xf32, #tpu.memory_space<hbm>> -> memref<75x8x32xf32, #tpu.memory_space<hbm>>
      %dma_start3A_129 = arith.constant 0 : i32
      %dma_start3A_130 = arith.constant 0 : i32
      %dma_start3A_131 = arith.constant 0 : i32
      %dma_start3A_132 = tpu.memref_slice %arg5[%add3A, %dma_start3A_129, %dma_start3A_130, %dma_start3A_131] : memref<32x75x8x32xf32, #tpu.memory_space<hbm>> -> memref<1x75x8x32xf32, #tpu.memory_space<hbm>>
      %dma_start3A_133 = tpu.memref_squeeze %dma_start3A_132 : memref<1x75x8x32xf32, #tpu.memory_space<hbm>> -> memref<75x8x32xf32, #tpu.memory_space<hbm>>
      tpu.enqueue_dma source(%arg9 : memref<75x8x32xf32, #tpu.memory_space<vmem>>) target(%dma_start3A_133 : memref<75x8x32xf32, #tpu.memory_space<hbm>>) target_semaphore(%run_scoped3A : memref<!tpu.dma_semaphore, #tpu.memory_space<semaphore_mem>>)
      %dma_wait3A_134 = arith.constant 0 : i32
      %dma_wait3A_135 = arith.constant 0 : i32
      %dma_wait3A_136 = arith.constant 0 : i32
      %dma_wait3A_137 = tpu.memref_slice %arg5[%add3A, %dma_wait3A_134, %dma_wait3A_135, %dma_wait3A_136] : memref<32x75x8x32xf32, #tpu.memory_space<hbm>> -> memref<1x75x8x32xf32, #tpu.memory_space<hbm>>
      %dma_wait3A_138 = tpu.memref_squeeze %dma_wait3A_137 : memref<1x75x8x32xf32, #tpu.memory_space<hbm>> -> memref<75x8x32xf32, #tpu.memory_space<hbm>>
      %dma_wait3A_139 = arith.constant 0 : i32
      %dma_wait3A_140 = arith.constant 0 : i32
      %dma_wait3A_141 = arith.constant 0 : i32
      %dma_wait3A_142 = tpu.memref_slice %arg5[%add3A, %dma_wait3A_139, %dma_wait3A_140, %dma_wait3A_141] : memref<32x75x8x32xf32, #tpu.memory_space<hbm>> -> memref<1x75x8x32xf32, #tpu.memory_space<hbm>>
      %dma_wait3A_143 = tpu.memref_squeeze %dma_wait3A_142 : memref<1x75x8x32xf32, #tpu.memory_space<hbm>> -> memref<75x8x32xf32, #tpu.memory_space<hbm>>
      tpu.wait_dma2 semaphore(%run_scoped3A : memref<!tpu.dma_semaphore, #tpu.memory_space<semaphore_mem>>) src(%arg9 : memref<75x8x32xf32, #tpu.memory_space<vmem>>) dst(%dma_wait3A_143 : memref<75x8x32xf32, #tpu.memory_space<hbm>>)
      tpu.yield
    }) : () -> ()
    return
  }
}

module attributes {stable_mosaic.version = 14 : i64} {
  func.func @_matmul_bias_body(%arg0: i32, %arg1: memref<512x256xf32, #tpu.memory_space<vmem>>, %arg2: memref<256x256xf32, #tpu.memory_space<vmem>>, %arg3: memref<1x256xf32, #tpu.memory_space<vmem>>, %arg4: memref<512x256xbf16, #tpu.memory_space<vmem>>) attributes {dimension_semantics = [#tpu.dimension_semantics<arbitrary>], iteration_bounds = array<i64: 85>, scalar_prefetch = 0 : i64, scratch_operands = 0 : i64, tpu.core_type = #tpu.core_type<tc>, window_params = [{transform_indices = @transform_0, window_bounds = array<i64: 512, 256>}, {pipeline_mode = #tpu.pipeline_mode<synchronous>, transform_indices = @transform_1, window_bounds = array<i64: 256, 256>}, {pipeline_mode = #tpu.pipeline_mode<synchronous>, transform_indices = @transform_2, window_bounds = array<i64: 1, 256>}, {transform_indices = @transform_3, window_bounds = array<i64: 512, 256>}]} {
    %get3A = arith.constant 0 : index
    %get3A_0 = arith.constant 0 : index
    %get3A_1 = vector.load %arg1[%get3A, %get3A_0] : memref<512x256xf32, #tpu.memory_space<vmem>>, vector<512x256xf32>
    %get3A_2 = arith.constant 0 : index
    %get3A_3 = arith.constant 0 : index
    %get3A_4 = vector.load %arg2[%get3A_2, %get3A_3] : memref<256x256xf32, #tpu.memory_space<vmem>>, vector<256x256xf32>
    %dot_general3A = arith.constant dense<0.000000e+00> : vector<512x256xf32>
    %dot_general3A_5 = tpu.matmul %get3A_1, %get3A_4, %dot_general3A {dimension_numbers = #tpu.dot_dimension_numbers<[1], [0], [0], [1], [0, 0, 1, 1], [], []>, transpose_lhs_hint = false} : vector<512x256xf32>, vector<256x256xf32>, vector<512x256xf32> -> vector<512x256xf32>
    %get3A_6 = arith.constant 0 : index
    %get3A_7 = arith.constant 0 : index
    %get3A_8 = vector.load %arg3[%get3A_6, %get3A_7] : memref<1x256xf32, #tpu.memory_space<vmem>>, vector<1x256xf32>
    %add3A = vector.broadcast %get3A_8 : vector<1x256xf32> to vector<512x256xf32>
    %add3A_9 = arith.addf %dot_general3A_5, %add3A : vector<512x256xf32>
    %convert_element_type3A = arith.truncf %add3A_9 : vector<512x256xf32> to vector<512x256xbf16>
    %swap3A = arith.constant 0 : index
    %swap3A_10 = arith.constant 0 : index
    %swap3A_11 = vector.load %arg4[%swap3A, %swap3A_10] : memref<512x256xbf16, #tpu.memory_space<vmem>>, vector<512x256xbf16>
    tpu.vector_store %arg4[%swap3A, %swap3A_10], %convert_element_type3A {strides = array<i32>} : memref<512x256xbf16, #tpu.memory_space<vmem>>, vector<512x256xbf16>,
    return
  }
  func.func @transform_0(%arg0: i32) -> (i32, i32) {
    %c0_i32 = arith.constant 0 : i32
    %c0_i32_0 = arith.constant 0 : i32
    return %arg0, %c0_i32 : i32, i32
  }
  func.func @transform_1(%arg0: i32) -> (i32, i32) {
    %c0_i32 = arith.constant 0 : i32
    %c0_i32_0 = arith.constant 0 : i32
    %c0_i32_1 = arith.constant 0 : i32
    return %c0_i32, %c0_i32_0 : i32, i32
  }
  func.func @transform_2(%arg0: i32) -> (i32, i32) {
    %c0_i32 = arith.constant 0 : i32
    %c0_i32_0 = arith.constant 0 : i32
    %c0_i32_1 = arith.constant 0 : i32
    return %c0_i32, %c0_i32_0 : i32, i32
  }
  func.func @transform_3(%arg0: i32) -> (i32, i32) {
    %c0_i32 = arith.constant 0 : i32
    %c0_i32_0 = arith.constant 0 : i32
    return %arg0, %c0_i32 : i32, i32
  }
}

module attributes {stable_mosaic.version = 14 : i64} {
  func.func @_prep_body(%arg0: memref<2400x256xf32, #tpu.memory_space<vmem>>, %arg1: memref<2400x128xf32, #tpu.memory_space<vmem>>, %arg2: memref<2400x128xf32, #tpu.memory_space<vmem>>, %arg3: memref<256x128xf32, #tpu.memory_space<vmem>>, %arg4: memref<256x128xf32, #tpu.memory_space<vmem>>, %arg5: memref<256x128xf32, #tpu.memory_space<vmem>>, %arg6: memref<1x128xf32, #tpu.memory_space<vmem>>, %arg7: memref<1x128xf32, #tpu.memory_space<vmem>>, %arg8: memref<1x128xf32, #tpu.memory_space<vmem>>, %arg9: memref<128x128xf32, #tpu.memory_space<vmem>>, %arg10: memref<1x128xf32, #tpu.memory_space<vmem>>, %arg11: memref<1x128xf32, #tpu.memory_space<vmem>>, %arg12: memref<1x128xi32, #tpu.memory_space<vmem>>, %arg13: memref<1x128xi32, #tpu.memory_space<vmem>>, %arg14: memref<1x128xi32, #tpu.memory_space<vmem>>, %arg15: memref<2400x1xi32, #tpu.memory_space<vmem>>, %arg16: memref<2400x512xi32, #tpu.memory_space<vmem>>, %arg17: memref<2400x512xf32, #tpu.memory_space<vmem>>) attributes {dimension_semantics = [], scalar_prefetch = 0 : i64, scratch_operands = 0 : i64, tpu.core_type = #tpu.core_type<tc>} {
    %get3A = arith.constant 0 : index
    %get3A_0 = arith.constant 0 : index
    %get3A_1 = vector.load %arg0[%get3A, %get3A_0] : memref<2400x256xf32, #tpu.memory_space<vmem>>, vector<2400x256xf32>
    %get3A_2 = arith.constant 0 : index
    %get3A_3 = arith.constant 0 : index
    %get3A_4 = vector.load %arg3[%get3A_2, %get3A_3] : memref<256x128xf32, #tpu.memory_space<vmem>>, vector<256x128xf32>
    %dot_general3A = arith.constant dense<0.000000e+00> : vector<2400x128xf32>
    %dot_general3A_5 = tpu.matmul %get3A_1, %get3A_4, %dot_general3A {dimension_numbers = #tpu.dot_dimension_numbers<[1], [0], [0], [1], [0, 0, 1, 1], [], []>, transpose_lhs_hint = false} : vector<2400x256xf32>, vector<256x128xf32>, vector<2400x128xf32> -> vector<2400x128xf32>
    %get3A_6 = arith.constant 0 : index
    %get3A_7 = arith.constant 0 : index
    %get3A_8 = vector.load %arg6[%get3A_6, %get3A_7] : memref<1x128xf32, #tpu.memory_space<vmem>>, vector<1x128xf32>
    %add3A = vector.broadcast %get3A_8 : vector<1x128xf32> to vector<2400x128xf32>
    %add3A_9 = arith.addf %dot_general3A_5, %add3A : vector<2400x128xf32>
    %get3A_10 = arith.constant 0 : index
    %get3A_11 = arith.constant 0 : index
    %get3A_12 = vector.load %arg4[%get3A_10, %get3A_11] : memref<256x128xf32, #tpu.memory_space<vmem>>, vector<256x128xf32>
    %dot_general3A_13 = arith.constant dense<0.000000e+00> : vector<2400x128xf32>
    %dot_general3A_14 = tpu.matmul %get3A_1, %get3A_12, %dot_general3A_13 {dimension_numbers = #tpu.dot_dimension_numbers<[1], [0], [0], [1], [0, 0, 1, 1], [], []>, transpose_lhs_hint = false} : vector<2400x256xf32>, vector<256x128xf32>, vector<2400x128xf32> -> vector<2400x128xf32>
    %get3A_15 = arith.constant 0 : index
    %get3A_16 = arith.constant 0 : index
    %get3A_17 = vector.load %arg7[%get3A_15, %get3A_16] : memref<1x128xf32, #tpu.memory_space<vmem>>, vector<1x128xf32>
    %add3A_18 = vector.broadcast %get3A_17 : vector<1x128xf32> to vector<2400x128xf32>
    %add3A_19 = arith.addf %dot_general3A_14, %add3A_18 : vector<2400x128xf32>
    %get3A_20 = arith.constant 0 : index
    %get3A_21 = arith.constant 0 : index
    %get3A_22 = vector.load %arg5[%get3A_20, %get3A_21] : memref<256x128xf32, #tpu.memory_space<vmem>>, vector<256x128xf32>
    %dot_general3A_23 = arith.constant dense<0.000000e+00> : vector<2400x128xf32>
    %dot_general3A_24 = tpu.matmul %get3A_1, %get3A_22, %dot_general3A_23 {dimension_numbers = #tpu.dot_dimension_numbers<[1], [0], [0], [1], [0, 0, 1, 1], [], []>, transpose_lhs_hint = false} : vector<2400x256xf32>, vector<256x128xf32>, vector<2400x128xf32> -> vector<2400x128xf32>
    %get3A_25 = arith.constant 0 : index
    %get3A_26 = arith.constant 0 : index
    %get3A_27 = vector.load %arg8[%get3A_25, %get3A_26] : memref<1x128xf32, #tpu.memory_space<vmem>>, vector<1x128xf32>
    %add3A_28 = vector.broadcast %get3A_27 : vector<1x128xf32> to vector<2400x128xf32>
    %add3A_29 = arith.addf %dot_general3A_24, %add3A_28 : vector<2400x128xf32>
    %reduce_max3A = arith.constant dense<0xFF800000> : vector<2400xf32>
    %reduce_max3A_30 = vector.multi_reduction <maximumf>, %add3A_29, %reduce_max3A [1] : vector<2400x128xf32> to vector<2400xf32>
    %broadcast_in_dim3A = vector.shape_cast %reduce_max3A_30 : vector<2400xf32> to vector<2400x1xf32>
    %sub3A = vector.broadcast %broadcast_in_dim3A : vector<2400x1xf32> to vector<2400x128xf32>
    %sub3A_31 = arith.subf %add3A_29, %sub3A : vector<2400x128xf32>
    %exp3A = math.exp %sub3A_31 : vector<2400x128xf32>
    %get3A_32 = arith.constant 0 : index
    %get3A_33 = arith.constant 0 : index
    %get3A_34 = vector.load %arg9[%get3A_32, %get3A_33] : memref<128x128xf32, #tpu.memory_space<vmem>>, vector<128x128xf32>
    %dot_general3A_35 = arith.constant dense<0.000000e+00> : vector<2400x128xf32>
    %dot_general3A_36 = tpu.matmul %exp3A, %get3A_34, %dot_general3A_35 {dimension_numbers = #tpu.dot_dimension_numbers<[1], [0], [0], [1], [0, 0, 1, 1], [], []>, transpose_lhs_hint = false} : vector<2400x128xf32>, vector<128x128xf32>, vector<2400x128xf32> -> vector<2400x128xf32>
    %div3A = arith.divf %exp3A, %dot_general3A_36 : vector<2400x128xf32>
    %get3A_37 = arith.constant 0 : index
    %get3A_38 = arith.constant 0 : index
    %get3A_39 = vector.load %arg10[%get3A_37, %get3A_38] : memref<1x128xf32, #tpu.memory_space<vmem>>, vector<1x128xf32>
    %get3A_40 = arith.constant 0 : index
    %get3A_41 = arith.constant 0 : index
    %get3A_42 = vector.load %arg11[%get3A_40, %get3A_41] : memref<1x128xf32, #tpu.memory_space<vmem>>, vector<1x128xf32>
    %get3A_43 = arith.constant 0 : index
    %get3A_44 = arith.constant 0 : index
    %get3A_45 = vector.load %arg1[%get3A_43, %get3A_44] : memref<2400x128xf32, #tpu.memory_space<vmem>>, vector<2400x128xf32>
    %mul3A = vector.broadcast %get3A_39 : vector<1x128xf32> to vector<2400x128xf32>
    %mul3A_46 = arith.mulf %get3A_45, %mul3A : vector<2400x128xf32>
    %add3A_47 = arith.addf %mul3A_46, %add3A_9 : vector<2400x128xf32>
    %sub3A_48 = arith.constant 5.000000e-01 : f32
    %sub3A_49 = vector.broadcast %sub3A_48 : f32 to vector<2400x128xf32>
    %sub3A_50 = arith.subf %add3A_47, %sub3A_49 : vector<2400x128xf32>
    %get3A_51 = arith.constant 0 : index
    %get3A_52 = arith.constant 0 : index
    %get3A_53 = vector.load %arg2[%get3A_51, %get3A_52] : memref<2400x128xf32, #tpu.memory_space<vmem>>, vector<2400x128xf32>
    %mul3A_54 = vector.broadcast %get3A_42 : vector<1x128xf32> to vector<2400x128xf32>
    %mul3A_55 = arith.mulf %get3A_53, %mul3A_54 : vector<2400x128xf32>
    %add3A_56 = arith.addf %mul3A_55, %add3A_19 : vector<2400x128xf32>
    %sub3A_57 = arith.constant 5.000000e-01 : f32
    %sub3A_58 = vector.broadcast %sub3A_57 : f32 to vector<2400x128xf32>
    %sub3A_59 = arith.subf %add3A_56, %sub3A_58 : vector<2400x128xf32>
    %floor3A = math.floor %sub3A_50 : vector<2400x128xf32>
    %floor3A_60 = math.floor %sub3A_59 : vector<2400x128xf32>
    %sub3A_61 = arith.subf %sub3A_50, %floor3A : vector<2400x128xf32>
    %sub3A_62 = arith.subf %sub3A_59, %floor3A_60 : vector<2400x128xf32>
    %get3A_63 = arith.constant 0 : index
    %get3A_64 = arith.constant 0 : index
    %get3A_65 = vector.load %arg15[%get3A_63, %get3A_64] : memref<2400x1xi32, #tpu.memory_space<vmem>>, vector<2400x1xi32>
    %get3A_66 = arith.constant 0 : index
    %get3A_67 = arith.constant 0 : index
    %get3A_68 = vector.load %arg14[%get3A_66, %get3A_67] : memref<1x128xi32, #tpu.memory_space<vmem>>, vector<1x128xi32>
    %add3A_69 = vector.broadcast %get3A_65 : vector<2400x1xi32> to vector<2400x128xi32>
    %add3A_70 = vector.broadcast %get3A_68 : vector<1x128xi32> to vector<2400x128xi32>
    %add3A_71 = arith.addi %add3A_69, %add3A_70 : vector<2400x128xi32>
    %add3A_72 = arith.constant 0.000000e+00 : f32
    %add3A_73 = vector.broadcast %add3A_72 : f32 to vector<2400x128xf32>
    %add3A_74 = arith.addf %floor3A, %add3A_73 : vector<2400x128xf32>
    %add3A_75 = arith.constant 0.000000e+00 : f32
    %add3A_76 = vector.broadcast %add3A_75 : f32 to vector<2400x128xf32>
    %add3A_77 = arith.addf %floor3A_60, %add3A_76 : vector<2400x128xf32>
    %sub3A_78 = arith.constant 1.000000e+00 : f32
    %sub3A_79 = vector.broadcast %sub3A_78 : f32 to vector<2400x128xf32>
    %sub3A_80 = arith.subf %sub3A_79, %sub3A_61 : vector<2400x128xf32>
    %sub3A_81 = arith.constant 1.000000e+00 : f32
    %sub3A_82 = vector.broadcast %sub3A_81 : f32 to vector<2400x128xf32>
    %sub3A_83 = arith.subf %sub3A_82, %sub3A_62 : vector<2400x128xf32>
    %mul3A_84 = arith.mulf %sub3A_80, %sub3A_83 : vector<2400x128xf32>
    %ge3A = arith.constant 0.000000e+00 : f32
    %ge3A_85 = vector.broadcast %ge3A : f32 to vector<2400x128xf32>
    %ge3A_86 = arith.cmpf oge, %add3A_74, %ge3A_85 : vector<2400x128xf32>
    %sub3A_87 = arith.constant 1.000000e+00 : f32
    %sub3A_88 = vector.broadcast %sub3A_87 : f32 to vector<1x128xf32>
    %sub3A_89 = arith.subf %get3A_39, %sub3A_88 : vector<1x128xf32>
    %le3A = vector.broadcast %sub3A_89 : vector<1x128xf32> to vector<2400x128xf32>
    %le3A_90 = arith.cmpf ole, %add3A_74, %le3A : vector<2400x128xf32>
    %and3A = arith.andi %ge3A_86, %le3A_90 : vector<2400x128xi1>
    %ge3A_91 = arith.constant 0.000000e+00 : f32
    %ge3A_92 = vector.broadcast %ge3A_91 : f32 to vector<2400x128xf32>
    %ge3A_93 = arith.cmpf oge, %add3A_77, %ge3A_92 : vector<2400x128xf32>
    %and3A_94 = arith.andi %and3A, %ge3A_93 : vector<2400x128xi1>
    %sub3A_95 = arith.constant 1.000000e+00 : f32
    %sub3A_96 = vector.broadcast %sub3A_95 : f32 to vector<1x128xf32>
    %sub3A_97 = arith.subf %get3A_42, %sub3A_96 : vector<1x128xf32>
    %le3A_98 = vector.broadcast %sub3A_97 : vector<1x128xf32> to vector<2400x128xf32>
    %le3A_99 = arith.cmpf ole, %add3A_77, %le3A_98 : vector<2400x128xf32>
    %and3A_100 = arith.andi %and3A_94, %le3A_99 : vector<2400x128xi1>
    %sub3A_101 = arith.constant 1.000000e+00 : f32
    %sub3A_102 = vector.broadcast %sub3A_101 : f32 to vector<1x128xf32>
    %sub3A_103 = arith.subf %get3A_39, %sub3A_102 : vector<1x128xf32>
    %jit3A = arith.constant 0.000000e+00 : f32
    %max3A = vector.broadcast %jit3A : f32 to vector<2400x128xf32>
    %max3A_104 = arith.maximumf %max3A, %add3A_74 : vector<2400x128xf32>
    %min3A = vector.broadcast %sub3A_103 : vector<1x128xf32> to vector<2400x128xf32>
    %min3A_105 = arith.minimumf %min3A, %max3A_104 : vector<2400x128xf32>
    %convert_element_type3A = arith.fptosi %min3A_105 : vector<2400x128xf32> to vector<2400x128xi32>
    %sub3A_106 = arith.constant 1.000000e+00 : f32
    %sub3A_107 = vector.broadcast %sub3A_106 : f32 to vector<1x128xf32>
    %sub3A_108 = arith.subf %get3A_42, %sub3A_107 : vector<1x128xf32>
    %jit3A_109 = arith.constant 0.000000e+00 : f32
    %max3A_110 = vector.broadcast %jit3A_109 : f32 to vector<2400x128xf32>
    %max3A_111 = arith.maximumf %max3A_110, %add3A_77 : vector<2400x128xf32>
    %min3A_112 = vector.broadcast %sub3A_108 : vector<1x128xf32> to vector<2400x128xf32>
    %min3A_113 = arith.minimumf %min3A_112, %max3A_111 : vector<2400x128xf32>
    %convert_element_type3A_114 = arith.fptosi %min3A_113 : vector<2400x128xf32> to vector<2400x128xi32>
    %get3A_115 = arith.constant 0 : index
    %get3A_116 = arith.constant 0 : index
    %get3A_117 = vector.load %arg12[%get3A_115, %get3A_116] : memref<1x128xi32, #tpu.memory_space<vmem>>, vector<1x128xi32>
    %mul3A_118 = vector.broadcast %get3A_117 : vector<1x128xi32> to vector<2400x128xi32>
    %mul3A_119 = arith.muli %convert_element_type3A_114, %mul3A_118 : vector<2400x128xi32>
    %add3A_120 = arith.addi %mul3A_119, %convert_element_type3A : vector<2400x128xi32>
    %get3A_121 = arith.constant 0 : index
    %get3A_122 = arith.constant 0 : index
    %get3A_123 = vector.load %arg13[%get3A_121, %get3A_122] : memref<1x128xi32, #tpu.memory_space<vmem>>, vector<1x128xi32>
    %add3A_124 = vector.broadcast %get3A_123 : vector<1x128xi32> to vector<2400x128xi32>
    %add3A_125 = arith.addi %add3A_120, %add3A_124 : vector<2400x128xi32>
    %mul3A_126 = arith.constant 8 : i32
    %mul3A_127 = vector.broadcast %mul3A_126 : i32 to vector<2400x128xi32>
    %mul3A_128 = arith.muli %add3A_125, %mul3A_127 : vector<2400x128xi32>
    %add3A_129 = arith.addi %mul3A_128, %add3A_71 : vector<2400x128xi32>
    %swap3A = arith.constant 0 : index
    %swap3A_130 = arith.constant 0 : index
    %swap3A_131 = vector.load %arg16[%swap3A, %swap3A_130] : memref<2400x512xi32, #tpu.memory_space<vmem>>, vector<2400x128xi32>
    tpu.vector_store %arg16[%swap3A, %swap3A_130], %add3A_129 {strides = array<i32>} : memref<2400x512xi32, #tpu.memory_space<vmem>>, vector<2400x128xi32>,
    %mul3A_132 = arith.mulf %div3A, %mul3A_84 : vector<2400x128xf32>
    %convert_element_type3A_133 = arith.extui %and3A_100 : vector<2400x128xi1> to vector<2400x128xi32>
    %convert_element_type3A_134 = arith.sitofp %convert_element_type3A_133 : vector<2400x128xi32> to vector<2400x128xf32>
    %mul3A_135 = arith.mulf %mul3A_132, %convert_element_type3A_134 : vector<2400x128xf32>
    %swap3A_136 = arith.constant 0 : index
    %swap3A_137 = arith.constant 0 : index
    %swap3A_138 = vector.load %arg17[%swap3A_136, %swap3A_137] : memref<2400x512xf32, #tpu.memory_space<vmem>>, vector<2400x128xf32>
    tpu.vector_store %arg17[%swap3A_136, %swap3A_137], %mul3A_135 {strides = array<i32>} : memref<2400x512xf32, #tpu.memory_space<vmem>>, vector<2400x128xf32>,
    %add3A_139 = arith.constant 1.000000e+00 : f32
    %add3A_140 = vector.broadcast %add3A_139 : f32 to vector<2400x128xf32>
    %add3A_141 = arith.addf %floor3A, %add3A_140 : vector<2400x128xf32>
    %add3A_142 = arith.constant 0.000000e+00 : f32
    %add3A_143 = vector.broadcast %add3A_142 : f32 to vector<2400x128xf32>
    %add3A_144 = arith.addf %floor3A_60, %add3A_143 : vector<2400x128xf32>
    %sub3A_145 = arith.constant 1.000000e+00 : f32
    %sub3A_146 = vector.broadcast %sub3A_145 : f32 to vector<2400x128xf32>
    %sub3A_147 = arith.subf %sub3A_146, %sub3A_62 : vector<2400x128xf32>
    %mul3A_148 = arith.mulf %sub3A_61, %sub3A_147 : vector<2400x128xf32>
    %ge3A_149 = arith.constant 0.000000e+00 : f32
    %ge3A_150 = vector.broadcast %ge3A_149 : f32 to vector<2400x128xf32>
    %ge3A_151 = arith.cmpf oge, %add3A_141, %ge3A_150 : vector<2400x128xf32>
    %sub3A_152 = arith.constant 1.000000e+00 : f32
    %sub3A_153 = vector.broadcast %sub3A_152 : f32 to vector<1x128xf32>
    %sub3A_154 = arith.subf %get3A_39, %sub3A_153 : vector<1x128xf32>
    %le3A_155 = vector.broadcast %sub3A_154 : vector<1x128xf32> to vector<2400x128xf32>
    %le3A_156 = arith.cmpf ole, %add3A_141, %le3A_155 : vector<2400x128xf32>
    %and3A_157 = arith.andi %ge3A_151, %le3A_156 : vector<2400x128xi1>
    %ge3A_158 = arith.constant 0.000000e+00 : f32
    %ge3A_159 = vector.broadcast %ge3A_158 : f32 to vector<2400x128xf32>
    %ge3A_160 = arith.cmpf oge, %add3A_144, %ge3A_159 : vector<2400x128xf32>
    %and3A_161 = arith.andi %and3A_157, %ge3A_160 : vector<2400x128xi1>
    %sub3A_162 = arith.constant 1.000000e+00 : f32
    %sub3A_163 = vector.broadcast %sub3A_162 : f32 to vector<1x128xf32>
    %sub3A_164 = arith.subf %get3A_42, %sub3A_163 : vector<1x128xf32>
    %le3A_165 = vector.broadcast %sub3A_164 : vector<1x128xf32> to vector<2400x128xf32>
    %le3A_166 = arith.cmpf ole, %add3A_144, %le3A_165 : vector<2400x128xf32>
    %and3A_167 = arith.andi %and3A_161, %le3A_166 : vector<2400x128xi1>
    %sub3A_168 = arith.constant 1.000000e+00 : f32
    %sub3A_169 = vector.broadcast %sub3A_168 : f32 to vector<1x128xf32>
    %sub3A_170 = arith.subf %get3A_39, %sub3A_169 : vector<1x128xf32>
    %jit3A_171 = arith.constant 0.000000e+00 : f32
    %max3A_172 = vector.broadcast %jit3A_171 : f32 to vector<2400x128xf32>
    %max3A_173 = arith.maximumf %max3A_172, %add3A_141 : vector<2400x128xf32>
    %min3A_174 = vector.broadcast %sub3A_170 : vector<1x128xf32> to vector<2400x128xf32>
    %min3A_175 = arith.minimumf %min3A_174, %max3A_173 : vector<2400x128xf32>
    %convert_element_type3A_176 = arith.fptosi %min3A_175 : vector<2400x128xf32> to vector<2400x128xi32>
    %sub3A_177 = arith.constant 1.000000e+00 : f32
    %sub3A_178 = vector.broadcast %sub3A_177 : f32 to vector<1x128xf32>
    %sub3A_179 = arith.subf %get3A_42, %sub3A_178 : vector<1x128xf32>
    %jit3A_180 = arith.constant 0.000000e+00 : f32
    %max3A_181 = vector.broadcast %jit3A_180 : f32 to vector<2400x128xf32>
    %max3A_182 = arith.maximumf %max3A_181, %add3A_144 : vector<2400x128xf32>
    %min3A_183 = vector.broadcast %sub3A_179 : vector<1x128xf32> to vector<2400x128xf32>
    %min3A_184 = arith.minimumf %min3A_183, %max3A_182 : vector<2400x128xf32>
    %convert_element_type3A_185 = arith.fptosi %min3A_184 : vector<2400x128xf32> to vector<2400x128xi32>
    %get3A_186 = arith.constant 0 : index
    %get3A_187 = arith.constant 0 : index
    %get3A_188 = vector.load %arg12[%get3A_186, %get3A_187] : memref<1x128xi32, #tpu.memory_space<vmem>>, vector<1x128xi32>
    %mul3A_189 = vector.broadcast %get3A_188 : vector<1x128xi32> to vector<2400x128xi32>
    %mul3A_190 = arith.muli %convert_element_type3A_185, %mul3A_189 : vector<2400x128xi32>
    %add3A_191 = arith.addi %mul3A_190, %convert_element_type3A_176 : vector<2400x128xi32>
    %get3A_192 = arith.constant 0 : index
    %get3A_193 = arith.constant 0 : index
    %get3A_194 = vector.load %arg13[%get3A_192, %get3A_193] : memref<1x128xi32, #tpu.memory_space<vmem>>, vector<1x128xi32>
    %add3A_195 = vector.broadcast %get3A_194 : vector<1x128xi32> to vector<2400x128xi32>
    %add3A_196 = arith.addi %add3A_191, %add3A_195 : vector<2400x128xi32>
    %mul3A_197 = arith.constant 8 : i32
    %mul3A_198 = vector.broadcast %mul3A_197 : i32 to vector<2400x128xi32>
    %mul3A_199 = arith.muli %add3A_196, %mul3A_198 : vector<2400x128xi32>
    %add3A_200 = arith.addi %mul3A_199, %add3A_71 : vector<2400x128xi32>
    %swap3A_201 = arith.constant 0 : index
    %swap3A_202 = arith.constant 128 : index
    %swap3A_203 = vector.load %arg16[%swap3A_201, %swap3A_202] : memref<2400x512xi32, #tpu.memory_space<vmem>>, vector<2400x128xi32>
    tpu.vector_store %arg16[%swap3A_201, %swap3A_202], %add3A_200 {strides = array<i32>} : memref<2400x512xi32, #tpu.memory_space<vmem>>, vector<2400x128xi32>,
    %mul3A_204 = arith.mulf %div3A, %mul3A_148 : vector<2400x128xf32>
    %convert_element_type3A_205 = arith.extui %and3A_167 : vector<2400x128xi1> to vector<2400x128xi32>
    %convert_element_type3A_206 = arith.sitofp %convert_element_type3A_205 : vector<2400x128xi32> to vector<2400x128xf32>
    %mul3A_207 = arith.mulf %mul3A_204, %convert_element_type3A_206 : vector<2400x128xf32>
    %swap3A_208 = arith.constant 0 : index
    %swap3A_209 = arith.constant 128 : index
    %swap3A_210 = vector.load %arg17[%swap3A_208, %swap3A_209] : memref<2400x512xf32, #tpu.memory_space<vmem>>, vector<2400x128xf32>
    tpu.vector_store %arg17[%swap3A_208, %swap3A_209], %mul3A_207 {strides = array<i32>} : memref<2400x512xf32, #tpu.memory_space<vmem>>, vector<2400x128xf32>,
    %add3A_211 = arith.constant 0.000000e+00 : f32
    %add3A_212 = vector.broadcast %add3A_211 : f32 to vector<2400x128xf32>
    %add3A_213 = arith.addf %floor3A, %add3A_212 : vector<2400x128xf32>
    %add3A_214 = arith.constant 1.000000e+00 : f32
    %add3A_215 = vector.broadcast %add3A_214 : f32 to vector<2400x128xf32>
    %add3A_216 = arith.addf %floor3A_60, %add3A_215 : vector<2400x128xf32>
    %sub3A_217 = arith.constant 1.000000e+00 : f32
    %sub3A_218 = vector.broadcast %sub3A_217 : f32 to vector<2400x128xf32>
    %sub3A_219 = arith.subf %sub3A_218, %sub3A_61 : vector<2400x128xf32>
    %mul3A_220 = arith.mulf %sub3A_219, %sub3A_62 : vector<2400x128xf32>
    %ge3A_221 = arith.constant 0.000000e+00 : f32
    %ge3A_222 = vector.broadcast %ge3A_221 : f32 to vector<2400x128xf32>
    %ge3A_223 = arith.cmpf oge, %add3A_213, %ge3A_222 : vector<2400x128xf32>
    %sub3A_224 = arith.constant 1.000000e+00 : f32
    %sub3A_225 = vector.broadcast %sub3A_224 : f32 to vector<1x128xf32>
    %sub3A_226 = arith.subf %get3A_39, %sub3A_225 : vector<1x128xf32>
    %le3A_227 = vector.broadcast %sub3A_226 : vector<1x128xf32> to vector<2400x128xf32>
    %le3A_228 = arith.cmpf ole, %add3A_213, %le3A_227 : vector<2400x128xf32>
    %and3A_229 = arith.andi %ge3A_223, %le3A_228 : vector<2400x128xi1>
    %ge3A_230 = arith.constant 0.000000e+00 : f32
    %ge3A_231 = vector.broadcast %ge3A_230 : f32 to vector<2400x128xf32>
    %ge3A_232 = arith.cmpf oge, %add3A_216, %ge3A_231 : vector<2400x128xf32>
    %and3A_233 = arith.andi %and3A_229, %ge3A_232 : vector<2400x128xi1>
    %sub3A_234 = arith.constant 1.000000e+00 : f32
    %sub3A_235 = vector.broadcast %sub3A_234 : f32 to vector<1x128xf32>
    %sub3A_236 = arith.subf %get3A_42, %sub3A_235 : vector<1x128xf32>
    %le3A_237 = vector.broadcast %sub3A_236 : vector<1x128xf32> to vector<2400x128xf32>
    %le3A_238 = arith.cmpf ole, %add3A_216, %le3A_237 : vector<2400x128xf32>
    %and3A_239 = arith.andi %and3A_233, %le3A_238 : vector<2400x128xi1>
    %sub3A_240 = arith.constant 1.000000e+00 : f32
    %sub3A_241 = vector.broadcast %sub3A_240 : f32 to vector<1x128xf32>
    %sub3A_242 = arith.subf %get3A_39, %sub3A_241 : vector<1x128xf32>
    %jit3A_243 = arith.constant 0.000000e+00 : f32
    %max3A_244 = vector.broadcast %jit3A_243 : f32 to vector<2400x128xf32>
    %max3A_245 = arith.maximumf %max3A_244, %add3A_213 : vector<2400x128xf32>
    %min3A_246 = vector.broadcast %sub3A_242 : vector<1x128xf32> to vector<2400x128xf32>
    %min3A_247 = arith.minimumf %min3A_246, %max3A_245 : vector<2400x128xf32>
    %convert_element_type3A_248 = arith.fptosi %min3A_247 : vector<2400x128xf32> to vector<2400x128xi32>
    %sub3A_249 = arith.constant 1.000000e+00 : f32
    %sub3A_250 = vector.broadcast %sub3A_249 : f32 to vector<1x128xf32>
    %sub3A_251 = arith.subf %get3A_42, %sub3A_250 : vector<1x128xf32>
    %jit3A_252 = arith.constant 0.000000e+00 : f32
    %max3A_253 = vector.broadcast %jit3A_252 : f32 to vector<2400x128xf32>
    %max3A_254 = arith.maximumf %max3A_253, %add3A_216 : vector<2400x128xf32>
    %min3A_255 = vector.broadcast %sub3A_251 : vector<1x128xf32> to vector<2400x128xf32>
    %min3A_256 = arith.minimumf %min3A_255, %max3A_254 : vector<2400x128xf32>
    %convert_element_type3A_257 = arith.fptosi %min3A_256 : vector<2400x128xf32> to vector<2400x128xi32>
    %get3A_258 = arith.constant 0 : index
    %get3A_259 = arith.constant 0 : index
    %get3A_260 = vector.load %arg12[%get3A_258, %get3A_259] : memref<1x128xi32, #tpu.memory_space<vmem>>, vector<1x128xi32>
    %mul3A_261 = vector.broadcast %get3A_260 : vector<1x128xi32> to vector<2400x128xi32>
    %mul3A_262 = arith.muli %convert_element_type3A_257, %mul3A_261 : vector<2400x128xi32>
    %add3A_263 = arith.addi %mul3A_262, %convert_element_type3A_248 : vector<2400x128xi32>
    %get3A_264 = arith.constant 0 : index
    %get3A_265 = arith.constant 0 : index
    %get3A_266 = vector.load %arg13[%get3A_264, %get3A_265] : memref<1x128xi32, #tpu.memory_space<vmem>>, vector<1x128xi32>
    %add3A_267 = vector.broadcast %get3A_266 : vector<1x128xi32> to vector<2400x128xi32>
    %add3A_268 = arith.addi %add3A_263, %add3A_267 : vector<2400x128xi32>
    %mul3A_269 = arith.constant 8 : i32
    %mul3A_270 = vector.broadcast %mul3A_269 : i32 to vector<2400x128xi32>
    %mul3A_271 = arith.muli %add3A_268, %mul3A_270 : vector<2400x128xi32>
    %add3A_272 = arith.addi %mul3A_271, %add3A_71 : vector<2400x128xi32>
    %swap3A_273 = arith.constant 0 : index
    %swap3A_274 = arith.constant 256 : index
    %swap3A_275 = vector.load %arg16[%swap3A_273, %swap3A_274] : memref<2400x512xi32, #tpu.memory_space<vmem>>, vector<2400x128xi32>
    tpu.vector_store %arg16[%swap3A_273, %swap3A_274], %add3A_272 {strides = array<i32>} : memref<2400x512xi32, #tpu.memory_space<vmem>>, vector<2400x128xi32>,
    %mul3A_276 = arith.mulf %div3A, %mul3A_220 : vector<2400x128xf32>
    %convert_element_type3A_277 = arith.extui %and3A_239 : vector<2400x128xi1> to vector<2400x128xi32>
    %convert_element_type3A_278 = arith.sitofp %convert_element_type3A_277 : vector<2400x128xi32> to vector<2400x128xf32>
    %mul3A_279 = arith.mulf %mul3A_276, %convert_element_type3A_278 : vector<2400x128xf32>
    %swap3A_280 = arith.constant 0 : index
    %swap3A_281 = arith.constant 256 : index
    %swap3A_282 = vector.load %arg17[%swap3A_280, %swap3A_281] : memref<2400x512xf32, #tpu.memory_space<vmem>>, vector<2400x128xf32>
    tpu.vector_store %arg17[%swap3A_280, %swap3A_281], %mul3A_279 {strides = array<i32>} : memref<2400x512xf32, #tpu.memory_space<vmem>>, vector<2400x128xf32>,
    %add3A_283 = arith.constant 1.000000e+00 : f32
    %add3A_284 = vector.broadcast %add3A_283 : f32 to vector<2400x128xf32>
    %add3A_285 = arith.addf %floor3A, %add3A_284 : vector<2400x128xf32>
    %add3A_286 = arith.constant 1.000000e+00 : f32
    %add3A_287 = vector.broadcast %add3A_286 : f32 to vector<2400x128xf32>
    %add3A_288 = arith.addf %floor3A_60, %add3A_287 : vector<2400x128xf32>
    %mul3A_289 = arith.mulf %sub3A_61, %sub3A_62 : vector<2400x128xf32>
    %ge3A_290 = arith.constant 0.000000e+00 : f32
    %ge3A_291 = vector.broadcast %ge3A_290 : f32 to vector<2400x128xf32>
    %ge3A_292 = arith.cmpf oge, %add3A_285, %ge3A_291 : vector<2400x128xf32>
    %sub3A_293 = arith.constant 1.000000e+00 : f32
    %sub3A_294 = vector.broadcast %sub3A_293 : f32 to vector<1x128xf32>
    %sub3A_295 = arith.subf %get3A_39, %sub3A_294 : vector<1x128xf32>
    %le3A_296 = vector.broadcast %sub3A_295 : vector<1x128xf32> to vector<2400x128xf32>
    %le3A_297 = arith.cmpf ole, %add3A_285, %le3A_296 : vector<2400x128xf32>
    %and3A_298 = arith.andi %ge3A_292, %le3A_297 : vector<2400x128xi1>
    %ge3A_299 = arith.constant 0.000000e+00 : f32
    %ge3A_300 = vector.broadcast %ge3A_299 : f32 to vector<2400x128xf32>
    %ge3A_301 = arith.cmpf oge, %add3A_288, %ge3A_300 : vector<2400x128xf32>
    %and3A_302 = arith.andi %and3A_298, %ge3A_301 : vector<2400x128xi1>
    %sub3A_303 = arith.constant 1.000000e+00 : f32
    %sub3A_304 = vector.broadcast %sub3A_303 : f32 to vector<1x128xf32>
    %sub3A_305 = arith.subf %get3A_42, %sub3A_304 : vector<1x128xf32>
    %le3A_306 = vector.broadcast %sub3A_305 : vector<1x128xf32> to vector<2400x128xf32>
    %le3A_307 = arith.cmpf ole, %add3A_288, %le3A_306 : vector<2400x128xf32>
    %and3A_308 = arith.andi %and3A_302, %le3A_307 : vector<2400x128xi1>
    %sub3A_309 = arith.constant 1.000000e+00 : f32
    %sub3A_310 = vector.broadcast %sub3A_309 : f32 to vector<1x128xf32>
    %sub3A_311 = arith.subf %get3A_39, %sub3A_310 : vector<1x128xf32>
    %jit3A_312 = arith.constant 0.000000e+00 : f32
    %max3A_313 = vector.broadcast %jit3A_312 : f32 to vector<2400x128xf32>
    %max3A_314 = arith.maximumf %max3A_313, %add3A_285 : vector<2400x128xf32>
    %min3A_315 = vector.broadcast %sub3A_311 : vector<1x128xf32> to vector<2400x128xf32>
    %min3A_316 = arith.minimumf %min3A_315, %max3A_314 : vector<2400x128xf32>
    %convert_element_type3A_317 = arith.fptosi %min3A_316 : vector<2400x128xf32> to vector<2400x128xi32>
    %sub3A_318 = arith.constant 1.000000e+00 : f32
    %sub3A_319 = vector.broadcast %sub3A_318 : f32 to vector<1x128xf32>
    %sub3A_320 = arith.subf %get3A_42, %sub3A_319 : vector<1x128xf32>
    %jit3A_321 = arith.constant 0.000000e+00 : f32
    %max3A_322 = vector.broadcast %jit3A_321 : f32 to vector<2400x128xf32>
    %max3A_323 = arith.maximumf %max3A_322, %add3A_288 : vector<2400x128xf32>
    %min3A_324 = vector.broadcast %sub3A_320 : vector<1x128xf32> to vector<2400x128xf32>
    %min3A_325 = arith.minimumf %min3A_324, %max3A_323 : vector<2400x128xf32>
    %convert_element_type3A_326 = arith.fptosi %min3A_325 : vector<2400x128xf32> to vector<2400x128xi32>
    %get3A_327 = arith.constant 0 : index
    %get3A_328 = arith.constant 0 : index
    %get3A_329 = vector.load %arg12[%get3A_327, %get3A_328] : memref<1x128xi32, #tpu.memory_space<vmem>>, vector<1x128xi32>
    %mul3A_330 = vector.broadcast %get3A_329 : vector<1x128xi32> to vector<2400x128xi32>
    %mul3A_331 = arith.muli %convert_element_type3A_326, %mul3A_330 : vector<2400x128xi32>
    %add3A_332 = arith.addi %mul3A_331, %convert_element_type3A_317 : vector<2400x128xi32>
    %get3A_333 = arith.constant 0 : index
    %get3A_334 = arith.constant 0 : index
    %get3A_335 = vector.load %arg13[%get3A_333, %get3A_334] : memref<1x128xi32, #tpu.memory_space<vmem>>, vector<1x128xi32>
    %add3A_336 = vector.broadcast %get3A_335 : vector<1x128xi32> to vector<2400x128xi32>
    %add3A_337 = arith.addi %add3A_332, %add3A_336 : vector<2400x128xi32>
    %mul3A_338 = arith.constant 8 : i32
    %mul3A_339 = vector.broadcast %mul3A_338 : i32 to vector<2400x128xi32>
    %mul3A_340 = arith.muli %add3A_337, %mul3A_339 : vector<2400x128xi32>
    %add3A_341 = arith.addi %mul3A_340, %add3A_71 : vector<2400x128xi32>
    %swap3A_342 = arith.constant 0 : index
    %swap3A_343 = arith.constant 384 : index
    %swap3A_344 = vector.load %arg16[%swap3A_342, %swap3A_343] : memref<2400x512xi32, #tpu.memory_space<vmem>>, vector<2400x128xi32>
    tpu.vector_store %arg16[%swap3A_342, %swap3A_343], %add3A_341 {strides = array<i32>} : memref<2400x512xi32, #tpu.memory_space<vmem>>, vector<2400x128xi32>,
    %mul3A_345 = arith.mulf %div3A, %mul3A_289 : vector<2400x128xf32>
    %convert_element_type3A_346 = arith.extui %and3A_308 : vector<2400x128xi1> to vector<2400x128xi32>
    %convert_element_type3A_347 = arith.sitofp %convert_element_type3A_346 : vector<2400x128xi32> to vector<2400x128xf32>
    %mul3A_348 = arith.mulf %mul3A_345, %convert_element_type3A_347 : vector<2400x128xf32>
    %swap3A_349 = arith.constant 0 : index
    %swap3A_350 = arith.constant 384 : index
    %swap3A_351 = vector.load %arg17[%swap3A_349, %swap3A_350] : memref<2400x512xf32, #tpu.memory_space<vmem>>, vector<2400x128xf32>
    tpu.vector_store %arg17[%swap3A_349, %swap3A_350], %mul3A_348 {strides = array<i32>} : memref<2400x512xf32, #tpu.memory_space<vmem>>, vector<2400x128xf32>,
    return
  }
}

module attributes {stable_mosaic.version = 14 : i64} {
  func.func @_matmul_bias_body(%arg0: i32, %arg1: memref<480x256xf32, #tpu.memory_space<vmem>>, %arg2: memref<256x256xf32, #tpu.memory_space<vmem>>, %arg3: memref<1x256xf32, #tpu.memory_space<vmem>>, %arg4: memref<480x256xf32, #tpu.memory_space<vmem>>) attributes {dimension_semantics = [#tpu.dimension_semantics<arbitrary>], iteration_bounds = array<i64: 5>, scalar_prefetch = 0 : i64, scratch_operands = 0 : i64, tpu.core_type = #tpu.core_type<tc>, window_params = [{transform_indices = @transform_0, window_bounds = array<i64: 480, 256>}, {pipeline_mode = #tpu.pipeline_mode<synchronous>, transform_indices = @transform_1, window_bounds = array<i64: 256, 256>}, {pipeline_mode = #tpu.pipeline_mode<synchronous>, transform_indices = @transform_2, window_bounds = array<i64: 1, 256>}, {transform_indices = @transform_3, window_bounds = array<i64: 480, 256>}]} {
    %get3A = arith.constant 0 : index
    %get3A_0 = arith.constant 0 : index
    %get3A_1 = vector.load %arg1[%get3A, %get3A_0] : memref<480x256xf32, #tpu.memory_space<vmem>>, vector<480x256xf32>
    %get3A_2 = arith.constant 0 : index
    %get3A_3 = arith.constant 0 : index
    %get3A_4 = vector.load %arg2[%get3A_2, %get3A_3] : memref<256x256xf32, #tpu.memory_space<vmem>>, vector<256x256xf32>
    %dot_general3A = arith.constant dense<0.000000e+00> : vector<480x256xf32>
    %dot_general3A_5 = tpu.matmul %get3A_1, %get3A_4, %dot_general3A {dimension_numbers = #tpu.dot_dimension_numbers<[1], [0], [0], [1], [0, 0, 1, 1], [], []>, transpose_lhs_hint = false} : vector<480x256xf32>, vector<256x256xf32>, vector<480x256xf32> -> vector<480x256xf32>
    %get3A_6 = arith.constant 0 : index
    %get3A_7 = arith.constant 0 : index
    %get3A_8 = vector.load %arg3[%get3A_6, %get3A_7] : memref<1x256xf32, #tpu.memory_space<vmem>>, vector<1x256xf32>
    %add3A = vector.broadcast %get3A_8 : vector<1x256xf32> to vector<480x256xf32>
    %add3A_9 = arith.addf %dot_general3A_5, %add3A : vector<480x256xf32>
    %swap3A = arith.constant 0 : index
    %swap3A_10 = arith.constant 0 : index
    %swap3A_11 = vector.load %arg4[%swap3A, %swap3A_10] : memref<480x256xf32, #tpu.memory_space<vmem>>, vector<480x256xf32>
    tpu.vector_store %arg4[%swap3A, %swap3A_10], %add3A_9 {strides = array<i32>} : memref<480x256xf32, #tpu.memory_space<vmem>>, vector<480x256xf32>,
    return
  }
  func.func @transform_0(%arg0: i32) -> (i32, i32) {
    %c0_i32 = arith.constant 0 : i32
    %c0_i32_0 = arith.constant 0 : i32
    return %arg0, %c0_i32 : i32, i32
  }
  func.func @transform_1(%arg0: i32) -> (i32, i32) {
    %c0_i32 = arith.constant 0 : i32
    %c0_i32_0 = arith.constant 0 : i32
    %c0_i32_1 = arith.constant 0 : i32
    return %c0_i32, %c0_i32_0 : i32, i32
  }
  func.func @transform_2(%arg0: i32) -> (i32, i32) {
    %c0_i32 = arith.constant 0 : i32
    %c0_i32_0 = arith.constant 0 : i32
    %c0_i32_1 = arith.constant 0 : i32
    return %c0_i32, %c0_i32_0 : i32, i32
  }
  func.func @transform_3(%arg0: i32) -> (i32, i32) {
    %c0_i32 = arith.constant 0 : i32
    %c0_i32_0 = arith.constant 0 : i32
    return %arg0, %c0_i32 : i32, i32
  }
}

</mosaic_0001>

<sc_bundles>
// kernel: kernel.6.cloned.1.call-start
scs
__scs_entry_jumppad:
0x0: {  	(pc) =	sbr.rel $0x88, $3  }
0x1: {  	(tag) =	ssettag $0x0;
	lr =	simm.s32 $0x1  }
0x2: {  	[smem:$0x3F96] =	sst lr;
	_ =	strace $0xD0000000  }
0x3: {  	_ = 	snop  }
0x4: {  	_ = 	snop  }
0x5: {  	_ = 	snop  }
0x6: {  	_ = 	snop  }
0x7: {  	_ = 	snop  }
__scs_overlays_trampoline_lowered:
0x8: {  	[smem:$0x3FA5] =	sst s0  }
0x9: {  	[smem:$0x3FA6] =	sst s1  }
0xa: {  	[smem:$0x3FA7] =	sst s2  }
0xb: {  	[smem:$0x3FA8] =	sst s3  }
0xc: {  	[smem:$0x3FA9] =	sst s4  }
0xd: {  	[smem:$0x3FAA] =	sst s5  }
0xe: {  	[smem:$0x3FAB] =	sst s6  }
0xf: {  	[smem:$0x3FAC] =	sst s7  }
0x10: {  	[smem:$0x3FAD] =	sst s8  }
0x11: {  	[smem:$0x3FAE] =	sst s9;
	s0 =	simm.s32 @!p0 $0x0  }
0x12: {  	s1 =	sld [smem:$0x3F94];
	s0 =	simm.s32 @p0 $0x1  }
0x13: {  	[smem:$0x3FAF] =	sst s0;
	s0 =	simm.s32 @!p1 $0x0  }
0x14: {  	s2 =	sld [smem:$0x3F93];
	s0 =	simm.s32 @p1 $0x1  }
0x15: {  	[smem:$0x3FB0] =	sst s0;
	s0 =	simm.s32 @!p2 $0x0  }
0x16: {  	s3 =	sld [smem:$0x3FDB];
	s0 =	simm.s32 @p2 $0x1  }
0x17: {  	s4 =	simm.s32 $0x1BF5;
	[smem:$0x3FB2] =	sst s0  }
0x18: {  	s0 =	sld [smem:$0x3F95];
	_ =	swait.ge [sflag:s4], $0x0  }
0x19: {  	s7 =	sld [smem:$0x3F96]  }
0x1a: {  	s8 =	sadd.s32 $0xFFFFE003, lr  }
0x1b: {  	s9 =	sadd.s32 $0xFFFFFEF7, lr;
	s5 =	simm.s32 $0xFFFFFFFF;
	p2 =	slt.u32 s8, $0xFFFFF086  }
0x1c: {  	p1 =	slt.u32 s9, $0xF7A;
	s5 =	simm.s32 @!p2 $0x0  }
0x1d: {  	s5 =	simm.s32 @p1 $0x1;
	p0 =	seq.s32 s7, s2  }
0x1e: {  	s7 =	smul.u32 @!p0 $0xF7A, s2;
	p2 =	seq.s32 @!p0 s5, $0x0  }
0x1f: {  	s9 =	smul.u32 $0xF7A, s1;
	s8 =	simm.s32 @!p0 $0x1BF5;
	p2 =	por !p2, p0  }
0x20: {  	[sflag:s8] =	ssyncset.s32 @!p0 $0xFFFFF086;
	s6 =	sadd.s32 @!p0 s3, s7;
	s7 =	simm.s32 @!p0 $0x108  }
0x21: {  	s3 =	sadd.s32 s3, s9;
	s6 =	sadd.s32 @!p0 $0x88, s6;
	s7 =	simm.s32 @p2 $0x1082  }
0x22: {  	[simem:s7], [sflag:s8] =	dma.local @!p0 [hbm:s6], $0xF7A  }
0x23: {  	s9 =	sor.u32 $0xD0000000, s2;
	s6 =	simm.s32 $0x108;
	_ =	swait.ge @!p0 [sflag:s8], $0x0  }
0x24: {  	s3 =	sadd.s32 $0x88, s3;
	s6 =	simm.s32 @!p1 $0x1082;
	[sflag:s4] =	ssyncset.s32 $0xFFFFF086  }
0x25: {  	[simem:s6], [sflag:s4] =	dma.local [hbm:s3], $0xF7A  }
0x26: {  	[smem:$0x3F96] =	sst s1;
	(tag) =	ssettag s2;
	_ =	strace s9  }
0x27: {  	s1 =	sld [smem:$0x3FA6]  }
0x28: {  	s2 =	sld [smem:$0x3FA7]  }
0x29: {  	s4 =	sld [smem:$0x3FA9]  }
0x2a: {  	p0 =	seq.s32 s5, $0x0;
	s5 =	sld [smem:$0x3FAA]  }
0x2b: {  	s6 =	sld [smem:$0x3FAB]  }
0x2c: {  	s7 =	sld [smem:$0x3FAC]  }
0x2d: {  	s3 =	simm.s32 $0x108;
	s8 =	sld [smem:$0x3FAD]  }
0x2e: {  	s3 =	simm.s32 @!p0 $0x1082;
	s9 =	sld [smem:$0x3FAE]  }
0x2f: {  	lr =	sadd.s32 s0, s3;
	s0 =	sld [smem:$0x3FA5]  }
0x30: {  	s3 =	sld [smem:$0x3FA8]  }
0x31: {  	[smem:$0x3FB1] =	sst s10  }
0x32: {  	s10 =	sld [smem:$0x3FAF];
	_ =	sdelay $0x3  }
0x33: {  	p0 =	seq.s32 s10, $0x1;
	s10 =	sld [smem:$0x3FB1];
	_ =	sdelay $0x3  }
0x34: {  	[smem:$0x3FB1] =	sst s10  }
0x35: {  	s10 =	sld [smem:$0x3FB0];
	_ =	sdelay $0x3  }
0x36: {  	p1 =	seq.s32 s10, $0x1;
	s10 =	sld [smem:$0x3FB1];
	_ =	sdelay $0x3  }
0x37: {  	[smem:$0x3FB1] =	sst s10  }
0x38: {  	s10 =	sld [smem:$0x3FB2]  }
0x39: {  	_ = 	snop;
	(pc) =	sbr.ind lr, $3  }
0x3a: {  	_ = 	snop  }
0x3b: {  	_ = 	snop  }
0x3c: {  	p2 =	seq.s32 s10, $0x1;
	s10 =	sld [smem:$0x3FB1]  }
0x3d: {  	_ =	shalt  }
0x3e: {  	_ =	shalt  }
0x3f: {  	_ =	shalt  }
0x40: {  	_ =	shalt  }
0x41: {  	_ =	shalt  }
0x42: {  	_ =	shalt  }
0x43: {  	_ =	shalt  }
0x44: {  	_ =	shalt  }
0x45: {  	_ =	shalt  }
0x46: {  	_ =	shalt  }
0x47: {  	_ =	shalt  }
0x48: {  	_ =	shalt  }
0x49: {  	_ =	shalt  }
0x4a: {  	_ =	shalt  }
0x4b: {  	_ =	shalt  }
0x4c: {  	_ =	shalt  }
0x4d: {  	_ =	shalt  }
0x4e: {  	_ =	shalt  }
0x4f: {  	_ =	shalt  }
0x50: {  	_ =	shalt  }
0x51: {  	_ =	shalt  }
0x52: {  	_ =	shalt  }
0x53: {  	_ =	shalt  }
0x54: {  	_ =	shalt  }
0x55: {  	_ =	shalt  }
0x56: {  	_ =	shalt  }
0x57: {  	_ =	shalt  }
0x58: {  	_ =	shalt  }
0x59: {  	_ =	shalt  }
0x5a: {  	_ =	shalt  }
0x5b: {  	_ =	shalt  }
0x5c: {  	_ =	shalt  }
0x5d: {  	_ =	shalt  }
0x5e: {  	_ =	shalt  }
0x5f: {  	_ =	shalt  }
0x60: {  	_ =	shalt  }
0x61: {  	_ =	shalt  }
0x62: {  	_ =	shalt  }
0x63: {  	_ =	shalt  }
0x64: {  	_ =	shalt  }
0x65: {  	_ =	shalt  }
0x66: {  	_ =	shalt  }
0x67: {  	_ =	shalt  }
0x68: {  	_ =	shalt  }
0x69: {  	_ =	shalt  }
0x6a: {  	_ =	shalt  }
0x6b: {  	_ =	shalt  }
0x6c: {  	_ =	shalt  }
0x6d: {  	_ =	shalt  }
0x6e: {  	_ =	shalt  }
0x6f: {  	_ =	shalt  }
0x70: {  	_ =	shalt  }
0x71: {  	_ =	shalt  }
0x72: {  	_ =	shalt  }
0x73: {  	_ =	shalt  }
0x74: {  	_ =	shalt  }
0x75: {  	_ =	shalt  }
0x76: {  	_ =	shalt  }
0x77: {  	_ =	shalt  }
0x78: {  	_ =	shalt  }
0x79: {  	_ =	shalt  }
0x7a: {  	_ =	shalt  }
0x7b: {  	_ =	shalt  }
0x7c: {  	_ =	shalt  }
0x7d: {  	_ =	shalt  }
0x7e: {  	_ =	shalt  }
0x7f: {  	_ =	shalt  }
0x80: {  	_ =	shalt  }
0x81: {  	_ =	shalt  }
0x82: {  	_ =	shalt  }
0x83: {  	_ =	shalt  }
0x84: {  	_ =	shalt  }
0x85: {  	_ =	shalt  }
0x86: {  	_ =	shalt  }
0x87: {  	_ =	shalt  }
.Lfunc_end0:
.L_simem_size_0:
called_computation_lowered:
.L_overlay_start_0:
0x88: {  	s2 =	sld [smem:$0x3FD9]  }
0x89: {  	s3 =	sld [smem:$0x3FFE];
	_ =	sdelay $0x1  }
0x8a: {  	s1 =	srdreg.scid  }
0x8b: {  	s0 =	sand.u32 $0x1, s1  }
0x8c: {  	s17 =	sshll.u32 s0, $0xA;
	s2 =	sadd.s32 s3, s2  }
0x8d: {  	s2 =	sadd.s32 s2, s17  }
0x8e: {  	[smem:$0x3FBD] =	sst s2  }
0x8f: {  	_ = 	snop  }
0x90: {  	s2 =	sld [smem:$0x3FD0];
	(tm) =	ssettm $0x1  }
0x91: {  	s18 =	sld [smem:$0x3FFB];
	_ =	sdelay $0x3  }
0x92: {  	_ =	strace s18  }
0x93: {  	s3 =	sld [smem:$0x3FFC];
	_ =	sdelay $0x3  }
0x94: {  	_ =	strace s3  }
0x95: {  	s3 =	sld [smem:$0x3FFD];
	_ =	sdelay $0x3  }
0x96: {  	_ =	strace s3  }
0x97: {  	_ =	strace $0x8FFFFFFF  }
0x98: {  	s19 =	sld [smem:$0x3FDB];
	_ =	sdelay $0x1  }
0x99: {  	s4 =	simm.s32 $_scs_section_size  }
0x9a: {  	s5 =	simm.s32 $_size__tile_overlayer_lowered;
	s6 =	simm.s32 $_tile_overlayer_lowered  }
0x9b: {  	s22 =	simm.s32 $0x1BFF;
	s21 =	sshll.u32 s6, $0x1;
	s3 =	sadd.s32 s4, s19  }
0x9c: {  	s7 =	simm.s32 $0x0;
	s20 =	sshll.u32 s5, $0x1;
	s5 =	sadd.s32 s21, s3  }
0x9d: {  	[timem:s7], [sflag:s22] =	dma.local [hbm:s5], s20  }
0x9e: {  	_ =	swait.ge [sflag:s22], s20  }
0x9f: {  	s4 =	ssub.s32 $0x0, s20;
	[sflag:s22] =	ssyncset.done $0x0  }
0xa0: {  	[sflag:s22] =	ssyncadd.s32 s4;
	_ =	sdelay $0x1  }
0xa1: {  	s23 =	simm.s32 $0x1B8B  }
0xa2: {  	_ =	swait.ge [sflag:s23], $0x1  }
0xa3: {  	[sflag:s23] =	ssyncset.done $0x0  }
0xa4: {  	s25 =	simm.s32 $0x1B8E;
	s24 =	sld [smem:$0x3FFE];
	[sflag:s23] =	ssyncadd.s32 $0xFFFFFFFF  }
0xa5: {  	s26 =	simm.s32 $execute0_lowered;
	[smem:$0x3FD2] =	sst s25  }
0xa6: {  	s5 =	sshll.u32 s26, $0x1;
	_ =	strace $0x80000046;
	[dreg:$0x1] =	wrdreg $0xFFFFFFFF  }
0xa7: {  	s28 =	simm.s32 $_size_execute0_lowered;
	s3 =	sadd.s32 s3, s5;
	[dreg:$0x0] =	wrdreg $0x0  }
0xa8: {  	s5 =	sshll.u32 s28, $0x1;
	[dreg:$0x2] =	wrdreg s3  }
0xa9: {  	[dreg:$0x3] =	wrdreg s5  }
0xaa: {  	[dreg:$0x4] =	wrdreg $0xC0  }
0xab: {  	_ =	task [dreg:s7], $0x5FFFF  }
0xac: {  	[dreg:$0x1] =	wrdreg $0xFFFFFFFF  }
0xad: {  	[dreg:$0x0] =	wrdreg $0x60  }
0xae: {  	[dreg:$0x2] =	wrdreg s24  }
0xaf: {  	[dreg:$0x3] =	wrdreg s2  }
0xb0: {  	[dreg:$0x4] =	wrdreg $0x9  }
0xb1: {  	_ =	task.clear_ibuf [dreg:s7], $0x5FFFF;
	_ =	strace $0x90000046  }
0xb2: {  	s29 =	simm.s32 $0x9;
	_ =	strace $0x80000048  }
0xb3: {  	_ =	swait.ge [sflag:s29], $0x1  }
0xb4: {  	[sflag:s29] =	ssyncadd.s32 $0xFFFFFFFF  }
0xb5: {  	_ =	strace $0x90000048  }
0xb6: {  	_ =	sfence  }
0xb7: {  	s30 =	sld [smem:$0x0];
	_ =	sdelay $0x2  }
0xb8: {  	s31 =	sshll.u32 s1, $0xD;
	s1 =	sshrl.u32 s1, $0x2  }
0xb9: {  	s3 =	sand.u32 $0x4000, s31;
	s1 =	sadd.s32 s1, s30  }
0xba: {  	s0 =	sor.u32 s3, s0;
	s1 =	sshll.u32 s1, $0x11  }
0xbb: {  	s0 =	sor.u32 s1, s0  }
0xbc: {  	s0 =	sadd.s32 $0x8F2B, s0  }
0xbd: {  	[sflag:s0] =	ssyncadd.remote.s32 $0x1  }
0xbe: {  	_ =	sfence.sel $0xFFFF  }
0xbf: {  	[dreg:$0x0] =	wrdreg $0xFFFFFFFF;
	(pc) =	sbr.abs _section_cstart, $3  }
0xc0: {  	[dreg:$0x1] =	wrdreg $0xFFFFFFFF  }
0xc1: {  	_ =	task.clear_ibuf [dreg:s7], $0x2FFFF;
	_ =	strace $0x9FFFFFFF  }
0xc2: {  	(tm) =	ssettm $0x7FFFFFFF  }
0xc3: {  	_ =	shalt  }
tec
execute0_lowered:
.L_overlay_start_1:
0x0: {  	(tag) =	ssettag $0x1  }
0x1: {  	s0 =	rddreg [dreg:$0x0];
	s1 =	srdreg.scid  }
0x2: {  	s2 =	stileid.u32;
	s7 =	rddreg [dreg:$0x1]  }
0x3: {  	s11 =	simm.s32 $0x1;
	s12 =	simm.s32 $0x200;
	s13 =	simm.s32 $0x9C00  }
0x4: {  	s14 =	simm.s32 $0x9600;
	s15 =	simm.s32 $0xBC00;
	s16 =	simm.s32 $0x9800  }
0x5: {  	s17 =	simm.s32 $0xDC00;
	s18 =	simm.s32 $0x9A00;
	s19 =	simm.s32 $0x2  }
0x6: {  	s20 =	simm.s32 $0x5;
	s21 =	simm.s32 $0x3;
	s22 =	simm.s32 $0x6  }
0x7: {  	s23 =	simm.s32 $0x4;
	s1 =	sand.u32 $0x1, s1;
	s3 =	sshll.u32 s2, $0x1  }
0x8: {  	s24 =	simm.s32 $0x7;
	s26 =	simm.s32 $0x8;
	s6 =	sor.u32 s1, s3  }
0x9: {  	s2 =	simm.s32 $0x0;
	s4 =	sadd.s32 $0xACA00, s0;
	s3 =	smul.u32 $0x9600, s6  }
0xa: {  	s5 =	sadd.s32 $0x28200, s0;
	[smem:$0x7FF] =	sst s2;
	s10 =	smul.u32 $0x960, s6  }
0xb: {  	s1 =	ssub.s32 $0x2, s1;
	_ =	strace $0x80000047;
	s8 =	sshrl.u32 s3, $0x3  }
0xc: {  	s9 =	sshrl.u32 s1, $0x1;
	s31 =	sadd.s32 s7, s10;
	s0 =	sadd.s32 s8, s0  }
0xd: {  	s6 =	sadd.s32 s5, s8;
	[dreg:$0x5] =	wrdreg s31;
	s0 =	sadd.s32 $0x2A00, s0  }
0xe: {  	s1 =	ssub.s32 s1, s9;
	s30 =	sadd.s32 $0x40, s6;
	[dreg:$0x3] =	wrdreg s0  }
0xf: {  	s28 =	simm.s32 $0x0;
	s10 =	smax.u32 s1, $0x1;
	[dreg:$0x4] =	wrdreg s30  }
.LBB2_1:
0x10: {  	s0 =	rddreg [dreg:$0x3]  }
0x11: {  	[tilespmem:s2], [sflag:$0x1] =	stream.linear.gather [hbm4b:s0+s2], $0x9600, $0x38;
	[tilespmem:$0x14700] =	vst v63  }
0x12: {  	_ =	swait.ge [sflag:s11], $0x9600  }
0x13: {  	[sflag:s11] =	ssyncset.done $0x0  }
0x14: {  	[sflag:s11] =	ssyncadd.s32 $0xFFFF6A00  }
0x15: {  	[tilespmem:s13], [sflag:$0x2] =	stream.indirect.gather [hbm4b:s4+s12], $0x10, s2, s12, $0xb8;
	[tilespmem:$0x14700] =	vst v63  }
0x16: {  	_ = 	snop  }
0x17: {  	[tilespmem:s14], [sflag:$0x5] =	stream.linear.gather [hbm4b:s6+s2], $0x200, $0x38;
	[tilespmem:$0x14700] =	vst v63  }
0x18: {  	s29 =	simm.s32 $0xFC10;
	s30 =	simm.s32 $0xFD10  }
0x19: {  	[tilespmem:s15], [sflag:$0x3] =	stream.indirect.gather [hbm4b:s4+s12], $0x10, s12, s12, $0xb8;
	[tilespmem:$0x14700] =	vst v63  }
0x1a: {  	s31 =	simm.s32 $0xFE10;
	s1 =	simm.s32 $0x0;
	s25 =	rddreg [dreg:$0x4]  }
0x1b: {  	[tilespmem:s16], [sflag:$0x6] =	stream.linear.gather [hbm4b:s25+s2], $0x200, $0x38;
	[tilespmem:$0x14700] =	vst v63  }
.LBB2_2:
0x1c: {  	s0 =	smul.u32 $0x3, s1;
	_ =	sdelay $0x1  }
0x1d: {  	s7 =	sshll.u32 s0, $0x9  }
0x1e: {  	s7 =	sadd.s32 $0x400, s7  }
0x1f: {  	[tilespmem:s17], [sflag:$0x4] =	stream.indirect.gather [hbm4b:s4+s12], $0x10, s7, s12, $0xb8;
	[tilespmem:$0x14700] =	vst v63  }
0x20: {  	s7 =	sadd.s32 s3, s7  }
0x21: {  	s7 =	sshrl.u32 s7, $0x3  }
0x22: {  	s25 =	simm.s32 $0x0;
	s7 =	sadd.s32 s5, s7  }
0x23: {  	[tilespmem:s18], [sflag:$0x7] =	stream.linear.gather [hbm4b:s7+s25], $0x200, $0x38;
	[tilespmem:$0x14700] =	vst v63  }
0x24: {  	_ =	swait.ge [sflag:s19], $0x2000  }
0x25: {  	[sflag:s19] =	ssyncset.done $0x0  }
0x26: {  	[sflag:s19] =	ssyncadd.s32 $0xFFFFE000  }
0x27: {  	_ =	swait.ge [sflag:s20], $0x200  }
0x28: {  	[sflag:s20] =	ssyncset.done $0x0  }
0x29: {  	s8 =	smov.u32 s29;
	s7 =	simm.s32 $0x9700;
	[sflag:s20] =	ssyncadd.s32 $0xFFFFFE00  }
.LBB2_3:
0x2a: {  	v1 =	vld [tilespmem:s7+$0xFFFFFF00]  }
0x2b: {  	s9 =	sshra.s32 s25, $0x2  }
0x2c: {  	v0 =	vld [tilespmem:s9+$0x9C00]  }
0x2d: {  	v2 =	vld [tilespmem:s9+$0x9C10]  }
0x2e: {  	v5 =	vld [tilespmem:s9+$0x9C20]  }
0x2f: {  	v7 =	vld [tilespmem:s9+$0x9C30];
	v3 =	vbroadcast v1, $0x0;
	v6 =	vbroadcast v1, $0x1  }
0x30: {  	v51 =	vld [tilespmem:s9+$0x9C40];
	v8 =	vbroadcast v1, $0x2;
	v9 =	vbroadcast v1, $0x3  }
0x31: {  	v54 =	vld [tilespmem:s9+$0x9C50];
	v57 =	vbroadcast v1, $0x4;
	v60 =	vbroadcast v1, $0x5  }
0x32: {  	v59 =	vld [tilespmem:s9+$0x9C60];
	v14 =	vbroadcast v1, $0x6;
	v17 =	vbroadcast v1, $0x7  }
0x33: {  	v63 =	vld [tilespmem:s9+$0x9C70];
	v23 =	vbroadcast v1, $0x8;
	v26 =	vbroadcast v1, $0x9  }
0x34: {  	v16 =	vld [tilespmem:s9+$0x9C80];
	v32 =	vbroadcast v1, $0xA;
	v35 =	vbroadcast v1, $0xB  }
0x35: {  	v20 =	vld [tilespmem:s9+$0x9C90];
	v41 =	vbroadcast v1, $0xC;
	v44 =	vbroadcast v1, $0xD;
	v4 =	vunpack.i.l.bf16.f32 v0  }
0x36: {  	v25 =	vld [tilespmem:s9+$0x9CA0];
	v0 =	vunpack.i.u.bf16.f32 v0;
	v49 =	vunpack.i.l.bf16.f32 v2;
	v2 =	vunpack.i.u.bf16.f32 v2  }
0x37: {  	v29 =	vld [tilespmem:s9+$0x9CB0];
	v50 =	vunpack.i.l.bf16.f32 v5;
	v5 =	vunpack.i.u.bf16.f32 v5;
	v53 =	vunpack.i.l.bf16.f32 v7  }
0x38: {  	v34 =	vld [tilespmem:s9+$0x9CC0];
	v56 =	vunpack.i.u.bf16.f32 v7;
	v58 =	vunpack.i.l.bf16.f32 v51;
	v62 =	vunpack.i.l.bf16.f32 v54  }
0x39: {  	v38 =	vld [tilespmem:s9+$0x9CD0];
	v13 =	vunpack.i.u.bf16.f32 v54;
	v15 =	vunpack.i.l.bf16.f32 v59;
	v7 =	vunpack.i.u.bf16.f32 v59  }
0x3a: {  	v19 =	vunpack.i.l.bf16.f32 v63;
	v22 =	vunpack.i.u.bf16.f32 v63;
	v24 =	vunpack.i.l.bf16.f32 v16  }
0x3b: {  	v28 =	vunpack.i.l.bf16.f32 v20;
	v31 =	vunpack.i.u.bf16.f32 v20;
	v0 =	vmul.f32 v0, v3  }
0x3c: {  	v33 =	vunpack.i.l.bf16.f32 v25;
	v37 =	vunpack.i.l.bf16.f32 v29;
	v40 =	vunpack.i.u.bf16.f32 v29  }
0x3d: {  	v42 =	vunpack.i.l.bf16.f32 v34;
	v2 =	vmul.f32 v2, v6;
	v0 =	vadd.f32 $0.0e+00, v0  }
0x3e: {  	v46 =	vunpack.i.l.bf16.f32 v38;
	v4 =	vmul.f32 v4, v3;
	v3 =	vmul.f32 v49, v6  }
0x3f: {  	v52 =	vmul.f32 v5, v8;
	v55 =	vmul.f32 v53, v9;
	v0 =	vadd.f32 v2, v0  }
0x40: {  	v6 =	vunpack.i.u.bf16.f32 v51;
	v12 =	vmul.f32 v62, v60;
	v4 =	vadd.f32 $0.0e+00, v4  }
0x41: {  	v18 =	vmul.f32 v7, v14;
	v2 =	vmul.f32 v56, v9;
	v0 =	vadd.f32 v52, v0  }
0x42: {  	v21 =	vmul.f32 v19, v17;
	v3 =	vadd.f32 v3, v4;
	v4 =	vmul.f32 v50, v8  }
0x43: {  	v30 =	vmul.f32 v28, v26;
	v61 =	vmul.f32 v6, v57;
	v0 =	vadd.f32 v2, v0  }
0x44: {  	v39 =	vmul.f32 v37, v35;
	v7 =	vunpack.i.u.bf16.f32 v34;
	v3 =	vadd.f32 v4, v3  }
0x45: {  	v48 =	vmul.f32 v46, v44;
	v2 =	vmul.f32 v13, v60;
	v0 =	vadd.f32 v61, v0  }
0x46: {  	v43 =	vld [tilespmem:s9+$0x9CE0];
	v49 =	vunpack.i.u.bf16.f32 v38;
	v4 =	vmul.f32 v58, v57;
	v3 =	vadd.f32 v55, v3  }
0x47: {  	v53 =	vld [tilespmem:s9+$0xA400];
	v6 =	vunpack.i.u.bf16.f32 v25;
	v45 =	vmul.f32 v7, v41;
	v0 =	vadd.f32 v2, v0  }
0x48: {  	v51 =	vmul.f32 v49, v44;
	v36 =	vmul.f32 v6, v32;
	v3 =	vadd.f32 v4, v3  }
0x49: {  	v8 =	vunpack.i.u.bf16.f32 v16;
	v2 =	vmul.f32 v22, v17;
	v0 =	vadd.f32 v18, v0  }
0x4a: {  	v47 =	vld [tilespmem:s9+$0x9CF0];
	v50 =	vbroadcast v1, $0xE;
	v4 =	vmul.f32 v15, v14;
	v3 =	vadd.f32 v12, v3  }
0x4b: {  	v44 =	vld [tilespmem:s9+$0xA4A0];
	v1 =	vbroadcast v1, $0xF;
	v27 =	vmul.f32 v8, v23;
	v0 =	vadd.f32 v2, v0  }
0x4c: {  	v8 =	vunpack.i.u.bf16.f32 v43;
	v62 =	vunpack.i.u.bf16.f32 v53;
	v3 =	vadd.f32 v4, v3  }
0x4d: {  	v56 =	vld [tilespmem:s9+$0xA410];
	v52 =	vunpack.i.l.bf16.f32 v43;
	v2 =	vmul.f32 v31, v26;
	v0 =	vadd.f32 v27, v0  }
0x4e: {  	v54 =	vmul.f32 v8, v50;
	v61 =	vld [tilespmem:s9+$0xA420];
	v4 =	vmul.f32 v24, v23;
	v3 =	vadd.f32 v21, v3  }
0x4f: {  	v58 =	vunpack.i.u.bf16.f32 v47;
	v5 =	vmul.f32 v52, v50;
	v12 =	vld [tilespmem:s9+$0xA430];
	v0 =	vadd.f32 v2, v0  }
0x50: {  	v52 =	vunpack.i.l.bf16.f32 v44;
	v55 =	vunpack.i.l.bf16.f32 v47;
	v17 =	vld [tilespmem:s9+$0xA440];
	v3 =	vadd.f32 v4, v3  }
0x51: {  	v60 =	vunpack.i.l.bf16.f32 v53;
	v21 =	vld [tilespmem:s9+$0xA450];
	v2 =	vmul.f32 v40, v35;
	v0 =	vadd.f32 v36, v0  }
0x52: {  	v57 =	vmul.f32 v55, v1;
	v26 =	vld [tilespmem:s9+$0xA460];
	v4 =	vmul.f32 v33, v32;
	v3 =	vadd.f32 v30, v3  }
0x53: {  	v1 =	vmul.f32 v58, v1;
	v11 =	vunpack.i.l.bf16.f32 v56;
	v30 =	vld [tilespmem:s9+$0xA470];
	v0 =	vadd.f32 v2, v0  }
0x54: {  	v14 =	vunpack.i.u.bf16.f32 v56;
	v16 =	vunpack.i.l.bf16.f32 v61;
	v35 =	vld [tilespmem:s9+$0xA480];
	v3 =	vadd.f32 v4, v3  }
0x55: {  	v20 =	vunpack.i.l.bf16.f32 v12;
	v23 =	vunpack.i.u.bf16.f32 v12;
	v2 =	vadd.f32 v45, v0;
	v0 =	vld [tilespmem:s7+$0xFFFFFF80]  }
0x56: {  	v25 =	vunpack.i.l.bf16.f32 v17;
	v4 =	vmul.f32 v42, v41;
	v3 =	vadd.f32 v39, v3  }
0x57: {  	v8 =	vunpack.i.u.bf16.f32 v17;
	v29 =	vunpack.i.l.bf16.f32 v21;
	v32 =	vunpack.i.u.bf16.f32 v21;
	v39 =	vld [tilespmem:s9+$0xA490]  }
0x58: {  	v34 =	vunpack.i.l.bf16.f32 v26;
	v7 =	vunpack.i.u.bf16.f32 v26;
	v3 =	vadd.f32 v4, v3  }
0x59: {  	v38 =	vunpack.i.l.bf16.f32 v30;
	v41 =	vunpack.i.u.bf16.f32 v30;
	v43 =	vunpack.i.l.bf16.f32 v35  }
0x5a: {  	v6 =	vunpack.i.u.bf16.f32 v35;
	v3 =	vadd.f32 v48, v3;
	v59 =	vbroadcast v0, $0x0  }
0x5b: {  	v2 =	vadd.f32 v51, v2;
	v63 =	vbroadcast v0, $0x1;
	v15 =	vbroadcast v0, $0x2  }
0x5c: {  	v53 =	vld [tilespmem:s9+$0xA4C0];
	v47 =	vunpack.i.l.bf16.f32 v39;
	v18 =	vbroadcast v0, $0x3;
	v24 =	vbroadcast v0, $0x4  }
0x5d: {  	v50 =	vunpack.i.u.bf16.f32 v39;
	v27 =	vbroadcast v0, $0x5;
	v33 =	vbroadcast v0, $0x6  }
0x5e: {  	v3 =	vadd.f32 v5, v3;
	v36 =	vbroadcast v0, $0x7;
	v42 =	vbroadcast v0, $0x8  }
0x5f: {  	v2 =	vadd.f32 v54, v2;
	v45 =	vbroadcast v0, $0x9;
	v51 =	vbroadcast v0, $0xA  }
0x60: {  	v5 =	vunpack.i.u.bf16.f32 v61;
	v54 =	vbroadcast v0, $0xB;
	v17 =	vbroadcast v0, $0xE  }
0x61: {  	v61 =	vunpack.i.l.bf16.f32 v53;
	v4 =	vmul.f32 v60, v59;
	v10 =	vmul.f32 v62, v59  }
0x62: {  	v1 =	vadd.f32 v1, v2;
	v13 =	vmul.f32 v11, v63;
	v2 =	vmul.f32 v14, v63  }
0x63: {  	v48 =	vld [tilespmem:s9+$0xA4B0];
	v3 =	vadd.f32 v57, v3;
	v19 =	vmul.f32 v5, v15;
	v22 =	vmul.f32 v20, v18  }
0x64: {  	v28 =	vmul.f32 v8, v24;
	v31 =	vmul.f32 v29, v27;
	v1 =	vadd.f32 v10, v1  }
0x65: {  	v37 =	vmul.f32 v7, v33;
	v40 =	vmul.f32 v38, v36;
	v3 =	vadd.f32 v4, v3  }
0x66: {  	v46 =	vmul.f32 v6, v42;
	v49 =	vmul.f32 v47, v45;
	v1 =	vadd.f32 v2, v1  }
0x67: {  	v8 =	vunpack.i.u.bf16.f32 v44;
	v4 =	vmul.f32 v16, v15;
	v3 =	vadd.f32 v13, v3  }
0x68: {  	v56 =	vunpack.i.l.bf16.f32 v48;
	v2 =	vmul.f32 v23, v18;
	v1 =	vadd.f32 v19, v1  }
0x69: {  	v57 =	vld [tilespmem:s9+$0xA4D0];
	v59 =	vunpack.i.u.bf16.f32 v48;
	v60 =	vbroadcast v0, $0xC;
	v3 =	vadd.f32 v4, v3  }
0x6a: {  	v62 =	vld [tilespmem:s9+$0xA4E0];
	v7 =	vunpack.i.u.bf16.f32 v53;
	v63 =	vbroadcast v0, $0xD;
	v1 =	vadd.f32 v2, v1  }
0x6b: {  	v20 =	vld [tilespmem:s9+$0xAC00];
	v0 =	vbroadcast v0, $0xF;
	v4 =	vmul.f32 v25, v24;
	v3 =	vadd.f32 v22, v3  }
0x6c: {  	v38 =	vld [tilespmem:s9+$0xAC40];
	v55 =	vmul.f32 v8, v51;
	v2 =	vmul.f32 v32, v27;
	v1 =	vadd.f32 v28, v1  }
0x6d: {  	v47 =	vld [tilespmem:s9+$0xAC60];
	v58 =	vmul.f32 v56, v54;
	v12 =	vmul.f32 v7, v60;
	v3 =	vadd.f32 v4, v3  }
0x6e: {  	v13 =	vunpack.i.l.bf16.f32 v57;
	v16 =	vunpack.i.u.bf16.f32 v57;
	v1 =	vadd.f32 v2, v1  }
0x6f: {  	v15 =	vmul.f32 v13, v63;
	v4 =	vmul.f32 v34, v33;
	v3 =	vadd.f32 v31, v3  }
0x70: {  	v14 =	vld [tilespmem:s9+$0xA4F0];
	v18 =	vmul.f32 v16, v63;
	v2 =	vmul.f32 v41, v36;
	v1 =	vadd.f32 v37, v1  }
0x71: {  	v56 =	vld [tilespmem:s9+$0xAC80];
	v6 =	vunpack.i.u.bf16.f32 v62;
	v29 =	vunpack.i.u.bf16.f32 v20;
	v3 =	vadd.f32 v4, v3  }
0x72: {  	v8 =	vunpack.i.u.bf16.f32 v38;
	v7 =	vunpack.i.u.bf16.f32 v47;
	v1 =	vadd.f32 v2, v1  }
0x73: {  	v19 =	vunpack.i.l.bf16.f32 v62;
	v4 =	vmul.f32 v43, v42;
	v3 =	vadd.f32 v40, v3  }
0x74: {  	v23 =	vld [tilespmem:s9+$0xAC10];
	v21 =	vmul.f32 v6, v17;
	v2 =	vmul.f32 v50, v45;
	v1 =	vadd.f32 v46, v1  }
0x75: {  	v25 =	vunpack.i.u.bf16.f32 v14;
	v5 =	vmul.f32 v19, v17;
	v17 =	vld [tilespmem:s9+$0xACB0];
	v3 =	vadd.f32 v4, v3  }
0x76: {  	v6 =	vunpack.i.u.bf16.f32 v56;
	v22 =	vunpack.i.l.bf16.f32 v14;
	v28 =	vld [tilespmem:s9+$0xAC20];
	v1 =	vadd.f32 v2, v1  }
0x77: {  	v27 =	vunpack.i.l.bf16.f32 v20;
	v33 =	vld [tilespmem:s9+$0xAC30];
	v4 =	vmul.f32 v52, v51;
	v3 =	vadd.f32 v49, v3  }
0x78: {  	v24 =	vmul.f32 v22, v0;
	v42 =	vld [tilespmem:s9+$0xAC50];
	v2 =	vmul.f32 v59, v54;
	v1 =	vadd.f32 v55, v1  }
0x79: {  	v0 =	vmul.f32 v25, v0;
	v32 =	vunpack.i.l.bf16.f32 v23;
	v51 =	vld [tilespmem:s9+$0xAC70];
	v3 =	vadd.f32 v4, v3  }
0x7a: {  	v35 =	vunpack.i.u.bf16.f32 v23;
	v25 =	vunpack.i.l.bf16.f32 v17;
	v1 =	vadd.f32 v2, v1  }
0x7b: {  	v37 =	vunpack.i.l.bf16.f32 v28;
	v4 =	vmul.f32 v61, v60;
	v60 =	vld [tilespmem:s9+$0xAC90];
	v3 =	vadd.f32 v58, v3  }
0x7c: {  	v41 =	vunpack.i.l.bf16.f32 v33;
	v44 =	vunpack.i.u.bf16.f32 v33;
	v2 =	vadd.f32 v12, v1;
	v1 =	vld [tilespmem:s7+$0x0]  }
0x7d: {  	v46 =	vunpack.i.l.bf16.f32 v38;
	v50 =	vunpack.i.l.bf16.f32 v42;
	v3 =	vadd.f32 v4, v3  }
0x7e: {  	v13 =	vld [tilespmem:s9+$0xACA0];
	v53 =	vunpack.i.u.bf16.f32 v42;
	v55 =	vunpack.i.l.bf16.f32 v47;
	v59 =	vunpack.i.l.bf16.f32 v51  }
0x7f: {  	v62 =	vunpack.i.u.bf16.f32 v51;
	v3 =	vadd.f32 v15, v3;
	v2 =	vadd.f32 v18, v2  }
0x80: {  	v12 =	vunpack.i.l.bf16.f32 v56;
	v16 =	vunpack.i.l.bf16.f32 v60;
	v19 =	vunpack.i.u.bf16.f32 v60  }
0x81: {  	v3 =	vadd.f32 v5, v3;
	v2 =	vadd.f32 v21, v2;
	v26 =	vbroadcast v1, $0x0  }
0x82: {  	v5 =	vunpack.i.u.bf16.f32 v28;
	v30 =	vbroadcast v1, $0x1;
	v36 =	vbroadcast v1, $0x2  }
0x83: {  	v21 =	vunpack.i.l.bf16.f32 v13;
	v39 =	vbroadcast v1, $0x3;
	v45 =	vbroadcast v1, $0x4  }
0x84: {  	v28 =	vunpack.i.u.bf16.f32 v17;
	v48 =	vbroadcast v1, $0x5;
	v54 =	vbroadcast v1, $0x6  }
0x85: {  	v57 =	vbroadcast v1, $0x7;
	v0 =	vadd.f32 v0, v2;
	v31 =	vmul.f32 v29, v26  }
0x86: {  	v63 =	vbroadcast v1, $0x8;
	v3 =	vadd.f32 v24, v3;
	v4 =	vmul.f32 v27, v26  }
0x87: {  	v14 =	vbroadcast v1, $0x9;
	v2 =	vmul.f32 v35, v30;
	v0 =	vadd.f32 v31, v0  }
0x88: {  	v20 =	vbroadcast v1, $0xA;
	v34 =	vmul.f32 v32, v30;
	v3 =	vadd.f32 v4, v3  }
0x89: {  	v23 =	vbroadcast v1, $0xB;
	v40 =	vmul.f32 v5, v36;
	v0 =	vadd.f32 v2, v0  }
0x8a: {  	v38 =	vbroadcast v1, $0xE;
	v4 =	vmul.f32 v37, v36;
	v3 =	vadd.f32 v34, v3  }
0x8b: {  	v43 =	vmul.f32 v41, v39;
	v2 =	vmul.f32 v44, v39;
	v0 =	vadd.f32 v40, v0  }
0x8c: {  	v22 =	vld [tilespmem:s9+$0xACC0];
	v49 =	vmul.f32 v8, v45;
	v52 =	vmul.f32 v50, v48;
	v3 =	vadd.f32 v4, v3  }
0x8d: {  	v58 =	vmul.f32 v7, v54;
	v61 =	vmul.f32 v59, v57;
	v0 =	vadd.f32 v2, v0  }
0x8e: {  	v15 =	vmul.f32 v6, v63;
	v4 =	vmul.f32 v46, v45;
	v3 =	vadd.f32 v43, v3  }
0x8f: {  	v18 =	vmul.f32 v16, v14;
	v2 =	vmul.f32 v53, v48;
	v0 =	vadd.f32 v49, v0  }
0x90: {  	v8 =	vunpack.i.u.bf16.f32 v13;
	v26 =	vld [tilespmem:s9+$0xACD0];
	v27 =	vmul.f32 v25, v23;
	v3 =	vadd.f32 v4, v3  }
0x91: {  	v29 =	vbroadcast v1, $0xC;
	v30 =	vunpack.i.l.bf16.f32 v22;
	v0 =	vadd.f32 v2, v0  }
0x92: {  	v7 =	vunpack.i.u.bf16.f32 v22;
	v41 =	vld [tilespmem:s9+$0xB400];
	v4 =	vmul.f32 v55, v54;
	v3 =	vadd.f32 v52, v3  }
0x93: {  	v32 =	vbroadcast v1, $0xD;
	v35 =	vld [tilespmem:s9+$0xACF0];
	v2 =	vmul.f32 v62, v57;
	v0 =	vadd.f32 v58, v0  }
0x94: {  	v1 =	vbroadcast v1, $0xF;
	v24 =	vmul.f32 v8, v20;
	v3 =	vadd.f32 v4, v3  }
0x95: {  	v59 =	vld [tilespmem:s9+$0xB440];
	v33 =	vmul.f32 v7, v29;
	v34 =	vunpack.i.l.bf16.f32 v26;
	v0 =	vadd.f32 v2, v0  }
0x96: {  	v37 =	vunpack.i.u.bf16.f32 v26;
	v4 =	vmul.f32 v12, v63;
	v3 =	vadd.f32 v61, v3  }
0x97: {  	v31 =	vld [tilespmem:s9+$0xACE0];
	v50 =	vunpack.i.u.bf16.f32 v41;
	v2 =	vmul.f32 v19, v14;
	v0 =	vadd.f32 v15, v0  }
0x98: {  	v44 =	vld [tilespmem:s9+$0xB410];
	v46 =	vunpack.i.u.bf16.f32 v35;
	v43 =	vunpack.i.l.bf16.f32 v35;
	v3 =	vadd.f32 v4, v3  }
0x99: {  	v45 =	vmul.f32 v43, v1;
	v1 =	vmul.f32 v46, v1;
	v46 =	vld [tilespmem:s9+$0xB4D0];
	v0 =	vadd.f32 v2, v0  }
0x9a: {  	v8 =	vunpack.i.u.bf16.f32 v59;
	v49 =	vld [tilespmem:s9+$0xB420];
	v4 =	vmul.f32 v21, v20;
	v3 =	vadd.f32 v18, v3  }
0x9b: {  	v36 =	vmul.f32 v34, v32;
	v54 =	vld [tilespmem:s9+$0xB430];
	v2 =	vmul.f32 v28, v23;
	v0 =	vadd.f32 v24, v0  }
0x9c: {  	v39 =	vmul.f32 v37, v32;
	v40 =	vunpack.i.l.bf16.f32 v31;
	v63 =	vld [tilespmem:s9+$0xB450];
	v3 =	vadd.f32 v4, v3  }
0x9d: {  	v6 =	vunpack.i.u.bf16.f32 v31;
	v5 =	vmul.f32 v40, v38;
	v19 =	vld [tilespmem:s9+$0xB470];
	v0 =	vadd.f32 v2, v0  }
0x9e: {  	v42 =	vmul.f32 v6, v38;
	v15 =	vld [tilespmem:s9+$0xB460];
	v4 =	vmul.f32 v30, v29;
	v3 =	vadd.f32 v27, v3  }
0x9f: {  	v48 =	vunpack.i.l.bf16.f32 v41;
	v53 =	vunpack.i.l.bf16.f32 v44;
	v2 =	vadd.f32 v33, v0;
	v0 =	vld [tilespmem:s7+$0x80]  }
0xa0: {  	v56 =	vunpack.i.u.bf16.f32 v44;
	v58 =	vunpack.i.l.bf16.f32 v49;
	v3 =	vadd.f32 v4, v3  }
0xa1: {  	v62 =	vunpack.i.l.bf16.f32 v54;
	v12 =	vunpack.i.u.bf16.f32 v54;
	v54 =	vunpack.i.l.bf16.f32 v46  }
0xa2: {  	v14 =	vunpack.i.l.bf16.f32 v59;
	v21 =	vunpack.i.u.bf16.f32 v63;
	v24 =	vld [tilespmem:s9+$0xB480];
	v3 =	vadd.f32 v36, v3  }
0xa3: {  	v18 =	vunpack.i.l.bf16.f32 v63;
	v30 =	vunpack.i.u.bf16.f32 v19;
	v2 =	vadd.f32 v39, v2  }
0xa4: {  	v23 =	vunpack.i.l.bf16.f32 v15;
	v3 =	vadd.f32 v5, v3;
	v47 =	vbroadcast v0, $0x0  }
0xa5: {  	v7 =	vunpack.i.u.bf16.f32 v15;
	v27 =	vunpack.i.l.bf16.f32 v19;
	v2 =	vadd.f32 v42, v2  }
0xa6: {  	v51 =	vbroadcast v0, $0x1;
	v3 =	vadd.f32 v45, v3;
	v4 =	vmul.f32 v48, v47  }
0xa7: {  	v32 =	vunpack.i.l.bf16.f32 v24;
	v1 =	vadd.f32 v1, v2;
	v52 =	vmul.f32 v50, v47  }
0xa8: {  	v28 =	vld [tilespmem:s9+$0xB490];
	v57 =	vbroadcast v0, $0x2;
	v55 =	vmul.f32 v53, v51;
	v3 =	vadd.f32 v4, v3  }
0xa9: {  	v5 =	vunpack.i.u.bf16.f32 v49;
	v2 =	vmul.f32 v56, v51;
	v1 =	vadd.f32 v52, v1  }
0xaa: {  	v60 =	vbroadcast v0, $0x3;
	v4 =	vmul.f32 v58, v57;
	v3 =	vadd.f32 v55, v3  }
0xab: {  	v6 =	vunpack.i.u.bf16.f32 v24;
	v61 =	vmul.f32 v5, v57;
	v1 =	vadd.f32 v2, v1  }
0xac: {  	v13 =	vbroadcast v0, $0x4;
	v11 =	vmul.f32 v62, v60;
	v3 =	vadd.f32 v4, v3  }
0xad: {  	v36 =	vunpack.i.l.bf16.f32 v28;
	v2 =	vmul.f32 v12, v60;
	v1 =	vadd.f32 v61, v1  }
0xae: {  	v16 =	vbroadcast v0, $0x5;
	v4 =	vmul.f32 v14, v13;
	v3 =	vadd.f32 v11, v3  }
0xaf: {  	v39 =	vunpack.i.u.bf16.f32 v28;
	v17 =	vmul.f32 v8, v13;
	v1 =	vadd.f32 v2, v1  }
0xb0: {  	v33 =	vld [tilespmem:s9+$0xB4A0];
	v22 =	vbroadcast v0, $0x6;
	v20 =	vmul.f32 v18, v16;
	v3 =	vadd.f32 v4, v3  }
0xb1: {  	v25 =	vbroadcast v0, $0x7;
	v2 =	vmul.f32 v21, v16;
	v1 =	vadd.f32 v17, v1  }
0xb2: {  	v31 =	vbroadcast v0, $0x8;
	v4 =	vmul.f32 v23, v22;
	v3 =	vadd.f32 v20, v3  }
0xb3: {  	v37 =	vld [tilespmem:s9+$0xB4B0];
	v34 =	vbroadcast v0, $0x9;
	v26 =	vmul.f32 v7, v22;
	v1 =	vadd.f32 v2, v1  }
0xb4: {  	v40 =	vbroadcast v0, $0xA;
	v29 =	vmul.f32 v27, v25;
	v3 =	vadd.f32 v4, v3  }
0xb5: {  	v41 =	vunpack.i.l.bf16.f32 v33;
	v2 =	vmul.f32 v30, v25;
	v1 =	vadd.f32 v26, v1  }
0xb6: {  	v43 =	vbroadcast v0, $0xB;
	v4 =	vmul.f32 v32, v31;
	v3 =	vadd.f32 v29, v3  }
0xb7: {  	v42 =	vld [tilespmem:s9+$0xB4C0];
	v49 =	vbroadcast v0, $0xC;
	v35 =	vmul.f32 v6, v31;
	v1 =	vadd.f32 v2, v1  }
0xb8: {  	v45 =	vunpack.i.l.bf16.f32 v37;
	v38 =	vmul.f32 v36, v34;
	v3 =	vadd.f32 v4, v3  }
0xb9: {  	v8 =	vunpack.i.u.bf16.f32 v33;
	v2 =	vmul.f32 v39, v34;
	v1 =	vadd.f32 v35, v1  }
0xba: {  	v47 =	vmul.f32 v45, v43;
	v4 =	vmul.f32 v41, v40;
	v3 =	vadd.f32 v38, v3  }
0xbb: {  	v48 =	vunpack.i.u.bf16.f32 v37;
	v44 =	vmul.f32 v8, v40;
	v1 =	vadd.f32 v2, v1  }
0xbc: {  	v51 =	vld [tilespmem:s9+$0xB4E0];
	v50 =	vunpack.i.l.bf16.f32 v42;
	v7 =	vunpack.i.u.bf16.f32 v42;
	v3 =	vadd.f32 v4, v3  }
0xbd: {  	v52 =	vbroadcast v0, $0xD;
	v2 =	vmul.f32 v48, v43;
	v1 =	vadd.f32 v44, v1  }
0xbe: {  	v57 =	vunpack.i.u.bf16.f32 v46;
	v55 =	vld [tilespmem:s9+$0xB4F0];
	v4 =	vmul.f32 v50, v49;
	v3 =	vadd.f32 v47, v3  }
0xbf: {  	v58 =	vbroadcast v0, $0xE;
	v53 =	vmul.f32 v7, v49;
	v1 =	vadd.f32 v2, v1  }
0xc0: {  	v0 =	vbroadcast v0, $0xF;
	v56 =	vmul.f32 v54, v52;
	v3 =	vadd.f32 v4, v3  }
0xc1: {  	v59 =	vunpack.i.l.bf16.f32 v51;
	v2 =	vmul.f32 v57, v52;
	v1 =	vadd.f32 v53, v1  }
0xc2: {  	v6 =	vunpack.i.u.bf16.f32 v51;
	v4 =	vmul.f32 v59, v58;
	v3 =	vadd.f32 v56, v3  }
0xc3: {  	v60 =	vmul.f32 v6, v58;
	v61 =	vunpack.i.l.bf16.f32 v55;
	v1 =	vadd.f32 v2, v1  }
0xc4: {  	p0 =	sne.s32 s25, $0x1C00;
	v62 =	vunpack.i.u.bf16.f32 v55;
	v5 =	vmul.f32 v61, v0;
	v3 =	vadd.f32 v4, v3  }
.Ltmp0:
0xc5: {  	v0 =	vmul.f32 v62, v0;
	v1 =	vadd.f32 v60, v1;
	(pc) =	sbr.rel @p0 .LBB2_3-.Ltmp0, $4  }
0xc6: {  	v63 =	vadd.f32 v5, v3  }
0xc7: {  	v0 =	vadd.f32 v0, v1  }
0xc8: {  	[tilespmem:s8+$0xFFFFFFF0] =	vst v63  }
0xc9: {  	s25 =	sadd.s32 $0x400, s25;
	s7 =	sadd.s32 $0x10, s7;
	[tilespmem:s8+$0x0] =	vst v0;
	s8 =	sadd.s32 $0x20, s8  }
0xca: {  	s7 =	smin.u32 s0, $0x47  }
0xcb: {  	s7 =	sshll.u32 s7, $0x9  }
0xcc: {  	s7 =	sadd.s32 $0x600, s7  }
0xcd: {  	[tilespmem:s13], [sflag:$0x2] =	stream.indirect.gather [hbm4b:s4+s12], $0x10, s7, s12, $0xb8;
	[tilespmem:$0x14700] =	vst v63  }
0xce: {  	s7 =	sadd.s32 s3, s7  }
0xcf: {  	s7 =	sshrl.u32 s7, $0x3  }
0xd0: {  	s25 =	simm.s32 $0x0;
	s7 =	sadd.s32 s5, s7  }
0xd1: {  	[tilespmem:s14], [sflag:$0x5] =	stream.linear.gather [hbm4b:s7+s25], $0x200, $0x38;
	[tilespmem:$0x14700] =	vst v63  }
0xd2: {  	_ =	swait.ge [sflag:s21], $0x2000  }
0xd3: {  	[sflag:s21] =	ssyncset.done $0x0  }
0xd4: {  	[sflag:s21] =	ssyncadd.s32 $0xFFFFE000  }
0xd5: {  	_ =	swait.ge [sflag:s22], $0x200  }
0xd6: {  	[sflag:s22] =	ssyncset.done $0x0  }
0xd7: {  	s8 =	simm.s32 $0xD4F0;
	v0 =	vmov s30;
	s7 =	simm.s32 $0x9980;
	[sflag:s22] =	ssyncadd.s32 $0xFFFFFE00  }
.LBB2_5:
0xd8: {  	v2 =	vld [tilespmem:s7+$0xFFFFFE80]  }
0xd9: {  	v1 =	vld [tilespmem:s8+$0xFFFFE710];
	_ =	sdelay $0x1  }
0xda: {  	v3 =	vld [tilespmem:s8+$0xFFFFE720];
	_ =	sdelay $0x1  }
0xdb: {  	v6 =	vld [tilespmem:s8+$0xFFFFE730];
	v4 =	vbroadcast v2, $0x0  }
0xdc: {  	v5 =	vunpack.i.l.bf16.f32 v1;
	v1 =	vunpack.i.u.bf16.f32 v1  }
0xdd: {  	v7 =	vbroadcast v2, $0x1;
	v1 =	vmul.f32 v1, v4  }
0xde: {  	v8 =	vld [tilespmem:s8+$0xFFFFE740];
	v47 =	vunpack.i.l.bf16.f32 v3;
	v3 =	vunpack.i.u.bf16.f32 v3  }
0xdf: {  	v9 =	vbroadcast v2, $0x2;
	v3 =	vmul.f32 v3, v7;
	v1 =	vadd.f32 $0.0e+00, v1  }
0xe0: {  	v49 =	vld [tilespmem:s8+$0xFFFFE750];
	v48 =	vunpack.i.l.bf16.f32 v6;
	v6 =	vunpack.i.u.bf16.f32 v6  }
0xe1: {  	v1 =	vadd.f32 v3, v1;
	v3 =	vmul.f32 v6, v9  }
0xe2: {  	v10 =	vbroadcast v2, $0x3  }
0xe3: {  	v51 =	vld [tilespmem:s8+$0xFFFFE760];
	v1 =	vadd.f32 v3, v1;
	v3 =	vunpack.i.u.bf16.f32 v8  }
0xe4: {  	v55 =	vld [tilespmem:s8+$0xFFFFE770];
	v53 =	vbroadcast v2, $0x4;
	v3 =	vmul.f32 v3, v10  }
0xe5: {  	v5 =	vmul.f32 v5, v4;
	v4 =	vmul.f32 v47, v7;
	v7 =	vunpack.i.u.bf16.f32 v49  }
0xe6: {  	v58 =	vld [tilespmem:s8+$0xFFFFE780];
	v1 =	vadd.f32 v3, v1;
	v3 =	vmul.f32 v7, v53  }
0xe7: {  	v62 =	vld [tilespmem:s8+$0xFFFFE790];
	v50 =	vunpack.i.l.bf16.f32 v8;
	v54 =	vunpack.i.l.bf16.f32 v49;
	v56 =	vbroadcast v2, $0x5  }
0xe8: {  	v57 =	vunpack.i.l.bf16.f32 v51;
	v1 =	vadd.f32 v3, v1;
	v3 =	vunpack.i.u.bf16.f32 v51  }
0xe9: {  	v13 =	vld [tilespmem:s8+$0xFFFFE7A0];
	v60 =	vbroadcast v2, $0x6;
	v61 =	vunpack.i.l.bf16.f32 v55;
	v3 =	vmul.f32 v3, v56  }
0xea: {  	v63 =	vbroadcast v2, $0x7;
	v5 =	vadd.f32 $0.0e+00, v5;
	v8 =	vunpack.i.u.bf16.f32 v55  }
0xeb: {  	v12 =	vunpack.i.l.bf16.f32 v58;
	v1 =	vadd.f32 v3, v1;
	v3 =	vmul.f32 v8, v60  }
0xec: {  	v17 =	vld [tilespmem:s8+$0xFFFFE7B0];
	v15 =	vbroadcast v2, $0x8;
	v16 =	vunpack.i.l.bf16.f32 v62;
	v4 =	vadd.f32 v4, v5  }
0xed: {  	v5 =	vmul.f32 v48, v9;
	v1 =	vadd.f32 v3, v1;
	v3 =	vunpack.i.u.bf16.f32 v58  }
0xee: {  	v18 =	vbroadcast v2, $0x9;
	v19 =	vunpack.i.l.bf16.f32 v13;
	v3 =	vmul.f32 v3, v63  }
0xef: {  	v20 =	vld [tilespmem:s8+$0xFFFFE7C0];
	v52 =	vmul.f32 v50, v10;
	v9 =	vunpack.i.u.bf16.f32 v62;
	v4 =	vadd.f32 v5, v4  }
0xf0: {  	v22 =	vbroadcast v2, $0xA;
	v1 =	vadd.f32 v3, v1;
	v3 =	vmul.f32 v9, v15  }
0xf1: {  	v24 =	vld [tilespmem:s8+$0xFFFFE7D0];
	v23 =	vunpack.i.l.bf16.f32 v17;
	v5 =	vmul.f32 v54, v53;
	v4 =	vadd.f32 v52, v4  }
0xf2: {  	v25 =	vbroadcast v2, $0xB;
	v1 =	vadd.f32 v3, v1;
	v3 =	vunpack.i.u.bf16.f32 v13  }
0xf3: {  	v27 =	vld [tilespmem:s8+$0xFFFFE7E0];
	v59 =	vmul.f32 v57, v56;
	v4 =	vadd.f32 v5, v4;
	v3 =	vmul.f32 v3, v18  }
0xf4: {  	v26 =	vunpack.i.l.bf16.f32 v20;
	v7 =	vunpack.i.u.bf16.f32 v17;
	v5 =	vmul.f32 v61, v60  }
0xf5: {  	v4 =	vadd.f32 v59, v4;
	v1 =	vadd.f32 v3, v1;
	v3 =	vmul.f32 v7, v22  }
0xf6: {  	v29 =	vbroadcast v2, $0xC;
	v30 =	vunpack.i.l.bf16.f32 v24;
	v14 =	vmul.f32 v12, v63  }
0xf7: {  	v34 =	vld [tilespmem:s8+$0xFFFFE800];
	v4 =	vadd.f32 v5, v4;
	v1 =	vadd.f32 v3, v1;
	v3 =	vunpack.i.u.bf16.f32 v20  }
0xf8: {  	v32 =	vbroadcast v2, $0xD;
	v36 =	vunpack.i.u.bf16.f32 v27;
	v3 =	vmul.f32 v3, v25  }
0xf9: {  	v31 =	vld [tilespmem:s8+$0xFFFFE7F0];
	v5 =	vmul.f32 v16, v15;
	v8 =	vunpack.i.u.bf16.f32 v24;
	v4 =	vadd.f32 v14, v4  }
0xfa: {  	v37 =	vbroadcast v2, $0xE;
	v1 =	vadd.f32 v3, v1;
	v3 =	vmul.f32 v8, v29  }
0xfb: {  	v2 =	vbroadcast v2, $0xF;
	v21 =	vmul.f32 v19, v18;
	v4 =	vadd.f32 v5, v4  }
0xfc: {  	v42 =	vunpack.i.l.bf16.f32 v34;
	v45 =	vunpack.i.u.bf16.f32 v34;
	v3 =	vadd.f32 v3, v1;
	v1 =	vld [tilespmem:s7+$0xFFFFFF00]  }
0xfd: {  	v40 =	vld [tilespmem:s8+$0xFFFFEF10];
	v38 =	vmul.f32 v36, v32;
	v5 =	vmul.f32 v23, v22;
	v4 =	vadd.f32 v21, v4  }
0xfe: {  	v28 =	vmul.f32 v26, v25;
	v44 =	vmul.f32 v42, v2;
	v9 =	vunpack.i.u.bf16.f32 v31  }
0xff: {  	v41 =	vmul.f32 v9, v37;
	v4 =	vadd.f32 v5, v4;
	v3 =	vadd.f32 v38, v3  }
0x100: {  	v43 =	vld [tilespmem:s8+$0xFFFFEF20];
	v33 =	vunpack.i.l.bf16.f32 v27;
	v2 =	vmul.f32 v45, v2;
	v5 =	vmul.f32 v30, v29  }
0x101: {  	v4 =	vadd.f32 v28, v4;
	v3 =	vadd.f32 v41, v3;
	v46 =	vbroadcast v1, $0x0  }
0x102: {  	v39 =	vunpack.i.l.bf16.f32 v31;
	v35 =	vmul.f32 v33, v32;
	v49 =	vunpack.i.u.bf16.f32 v40;
	v48 =	vld [tilespmem:s8+$0xFFFFEF30]  }
0x103: {  	v4 =	vadd.f32 v5, v4;
	v2 =	vadd.f32 v2, v3;
	v3 =	vmul.f32 v49, v46  }
0x104: {  	v6 =	vmul.f32 v39, v37;
	v50 =	vbroadcast v1, $0x1  }
0x105: {  	v52 =	vld [tilespmem:s8+$0xFFFFEF40];
	v4 =	vadd.f32 v35, v4;
	v2 =	vadd.f32 v3, v2;
	v3 =	vunpack.i.u.bf16.f32 v43  }
0x106: {  	v56 =	vld [tilespmem:s8+$0xFFFFEF50];
	v54 =	vbroadcast v1, $0x2;
	v3 =	vmul.f32 v3, v50  }
0x107: {  	v59 =	vld [tilespmem:s8+$0xFFFFEF60];
	v4 =	vadd.f32 v6, v4;
	v6 =	vunpack.i.u.bf16.f32 v48  }
0x108: {  	v63 =	vld [tilespmem:s8+$0xFFFFEF70];
	v2 =	vadd.f32 v3, v2;
	v3 =	vmul.f32 v6, v54  }
0x109: {  	v47 =	vunpack.i.l.bf16.f32 v40;
	v21 =	vld [tilespmem:s8+$0xFFFFEFA0];
	v57 =	vbroadcast v1, $0x3  }
0x10a: {  	v55 =	vunpack.i.l.bf16.f32 v48;
	v2 =	vadd.f32 v3, v2;
	v3 =	vunpack.i.u.bf16.f32 v52  }
0x10b: {  	v51 =	vunpack.i.l.bf16.f32 v43;
	v61 =	vbroadcast v1, $0x4;
	v3 =	vmul.f32 v3, v57  }
0x10c: {  	v58 =	vunpack.i.l.bf16.f32 v52;
	v14 =	vld [tilespmem:s8+$0xFFFFEF80];
	v62 =	vunpack.i.l.bf16.f32 v56;
	v9 =	vunpack.i.u.bf16.f32 v56  }
0x10d: {  	v13 =	vunpack.i.l.bf16.f32 v59;
	v2 =	vadd.f32 v3, v2;
	v3 =	vmul.f32 v9, v61  }
0x10e: {  	v17 =	vunpack.i.l.bf16.f32 v63;
	v18 =	vld [tilespmem:s8+$0xFFFFEF90];
	v27 =	vunpack.i.l.bf16.f32 v21;
	v12 =	vbroadcast v1, $0x5  }
0x10f: {  	v16 =	vbroadcast v1, $0x6;
	v2 =	vadd.f32 v3, v2;
	v3 =	vunpack.i.u.bf16.f32 v59  }
0x110: {  	v4 =	vadd.f32 v44, v4;
	v5 =	vmul.f32 v47, v46;
	v3 =	vmul.f32 v3, v12  }
0x111: {  	v28 =	vld [tilespmem:s8+$0xFFFFEFC0];
	v20 =	vunpack.i.l.bf16.f32 v14;
	v8 =	vunpack.i.u.bf16.f32 v63;
	v53 =	vmul.f32 v51, v50  }
0x112: {  	v25 =	vld [tilespmem:s8+$0xFFFFEFB0];
	v4 =	vadd.f32 v5, v4;
	v2 =	vadd.f32 v3, v2;
	v3 =	vmul.f32 v8, v16  }
0x113: {  	v24 =	vunpack.i.l.bf16.f32 v18;
	v19 =	vbroadcast v1, $0x7;
	v5 =	vmul.f32 v55, v54  }
0x114: {  	v4 =	vadd.f32 v53, v4;
	v2 =	vadd.f32 v3, v2;
	v3 =	vunpack.i.u.bf16.f32 v14  }
0x115: {  	v7 =	vunpack.i.u.bf16.f32 v18;
	v23 =	vbroadcast v1, $0x8;
	v3 =	vmul.f32 v3, v19  }
0x116: {  	v34 =	vunpack.i.l.bf16.f32 v28;
	v60 =	vmul.f32 v58, v57;
	v4 =	vadd.f32 v5, v4  }
0x117: {  	v31 =	vunpack.i.l.bf16.f32 v25;
	v2 =	vadd.f32 v3, v2;
	v3 =	vmul.f32 v7, v23  }
0x118: {  	v32 =	vld [tilespmem:s8+$0xFFFFEFD0];
	v26 =	vbroadcast v1, $0x9;
	v5 =	vmul.f32 v62, v61;
	v4 =	vadd.f32 v60, v4  }
0x119: {  	v30 =	vbroadcast v1, $0xA;
	v2 =	vadd.f32 v3, v2;
	v3 =	vunpack.i.u.bf16.f32 v21  }
0x11a: {  	v35 =	vld [tilespmem:s8+$0xFFFFEFE0];
	v15 =	vmul.f32 v13, v12;
	v4 =	vadd.f32 v5, v4;
	v3 =	vmul.f32 v3, v26  }
0x11b: {  	v33 =	vbroadcast v1, $0xB;
	v5 =	vmul.f32 v17, v16;
	v9 =	vunpack.i.u.bf16.f32 v25  }
0x11c: {  	v4 =	vadd.f32 v15, v4;
	v2 =	vadd.f32 v3, v2;
	v3 =	vmul.f32 v9, v30  }
0x11d: {  	v38 =	vunpack.i.l.bf16.f32 v32;
	v37 =	vbroadcast v1, $0xC;
	v22 =	vmul.f32 v20, v19  }
0x11e: {  	v4 =	vadd.f32 v5, v4;
	v2 =	vadd.f32 v3, v2;
	v3 =	vunpack.i.u.bf16.f32 v28  }
0x11f: {  	v42 =	vld [tilespmem:s8+$0xFFFFF000];
	v44 =	vunpack.i.u.bf16.f32 v35;
	v40 =	vbroadcast v1, $0xD;
	v3 =	vmul.f32 v3, v33  }
0x120: {  	v39 =	vld [tilespmem:s8+$0xFFFFEFF0];
	v5 =	vmul.f32 v24, v23;
	v8 =	vunpack.i.u.bf16.f32 v32;
	v4 =	vadd.f32 v22, v4  }
0x121: {  	v45 =	vbroadcast v1, $0xE;
	v2 =	vadd.f32 v3, v2;
	v3 =	vmul.f32 v8, v37  }
0x122: {  	v1 =	vbroadcast v1, $0xF;
	v29 =	vmul.f32 v27, v26;
	v4 =	vadd.f32 v5, v4  }
0x123: {  	v36 =	vmul.f32 v34, v33;
	v46 =	vmul.f32 v44, v40;
	v3 =	vadd.f32 v3, v2;
	v2 =	vld [tilespmem:s7+$0xFFFFFF80]  }
0x124: {  	v48 =	vld [tilespmem:s8+$0xFFFFF710];
	v50 =	vunpack.i.l.bf16.f32 v42;
	v5 =	vmul.f32 v31, v30;
	v4 =	vadd.f32 v29, v4  }
0x125: {  	v53 =	vunpack.i.u.bf16.f32 v42;
	v52 =	vmul.f32 v50, v1;
	v7 =	vunpack.i.u.bf16.f32 v39  }
0x126: {  	v49 =	vmul.f32 v7, v45;
	v4 =	vadd.f32 v5, v4;
	v3 =	vadd.f32 v46, v3  }
0x127: {  	v41 =	vunpack.i.l.bf16.f32 v35;
	v51 =	vld [tilespmem:s8+$0xFFFFF720];
	v1 =	vmul.f32 v53, v1;
	v5 =	vmul.f32 v38, v37  }
0x128: {  	v4 =	vadd.f32 v36, v4;
	v3 =	vadd.f32 v49, v3;
	v54 =	vbroadcast v2, $0x0  }
0x129: {  	v56 =	vld [tilespmem:s8+$0xFFFFF730];
	v47 =	vunpack.i.l.bf16.f32 v39;
	v43 =	vmul.f32 v41, v40;
	v57 =	vunpack.i.u.bf16.f32 v48  }
0x12a: {  	v60 =	vld [tilespmem:s8+$0xFFFFF740];
	v4 =	vadd.f32 v5, v4;
	v1 =	vadd.f32 v1, v3;
	v3 =	vmul.f32 v57, v54  }
0x12b: {  	v6 =	vmul.f32 v47, v45;
	v15 =	vld [tilespmem:s8+$0xFFFFF760];
	v58 =	vbroadcast v2, $0x1  }
0x12c: {  	v12 =	vld [tilespmem:s8+$0xFFFFF750];
	v4 =	vadd.f32 v43, v4;
	v1 =	vadd.f32 v3, v1;
	v3 =	vunpack.i.u.bf16.f32 v51  }
0x12d: {  	v22 =	vld [tilespmem:s8+$0xFFFFF780];
	v62 =	vbroadcast v2, $0x2;
	v3 =	vmul.f32 v3, v58  }
0x12e: {  	v19 =	vld [tilespmem:s8+$0xFFFFF770];
	v4 =	vadd.f32 v6, v4;
	v6 =	vunpack.i.u.bf16.f32 v56  }
0x12f: {  	v63 =	vunpack.i.l.bf16.f32 v56;
	v29 =	vld [tilespmem:s8+$0xFFFFF7A0];
	v1 =	vadd.f32 v3, v1;
	v3 =	vmul.f32 v6, v62  }
0x130: {  	v55 =	vunpack.i.l.bf16.f32 v48;
	v59 =	vunpack.i.l.bf16.f32 v51;
	v26 =	vld [tilespmem:s8+$0xFFFFF790];
	v13 =	vbroadcast v2, $0x3  }
0x131: {  	v14 =	vunpack.i.l.bf16.f32 v60;
	v1 =	vadd.f32 v3, v1;
	v3 =	vunpack.i.u.bf16.f32 v60  }
0x132: {  	v18 =	vunpack.i.l.bf16.f32 v12;
	v17 =	vbroadcast v2, $0x4;
	v3 =	vmul.f32 v3, v13  }
0x133: {  	v21 =	vunpack.i.l.bf16.f32 v15;
	v25 =	vunpack.i.l.bf16.f32 v19;
	v9 =	vunpack.i.u.bf16.f32 v12  }
0x134: {  	v35 =	vunpack.i.l.bf16.f32 v29;
	v1 =	vadd.f32 v3, v1;
	v3 =	vmul.f32 v9, v17  }
0x135: {  	v36 =	vld [tilespmem:s8+$0xFFFFF7C0];
	v28 =	vunpack.i.l.bf16.f32 v22;
	v32 =	vunpack.i.l.bf16.f32 v26;
	v20 =	vbroadcast v2, $0x5  }
0x136: {  	v24 =	vbroadcast v2, $0x6;
	v1 =	vadd.f32 v3, v1;
	v3 =	vunpack.i.u.bf16.f32 v15  }
0x137: {  	v12 =	vld [tilespmem:s8+$0xFFFFFF30];
	v4 =	vadd.f32 v52, v4;
	v5 =	vmul.f32 v55, v54;
	v3 =	vmul.f32 v3, v20  }
0x138: {  	v33 =	vld [tilespmem:s8+$0xFFFFF7B0];
	v7 =	vunpack.i.u.bf16.f32 v26;
	v8 =	vunpack.i.u.bf16.f32 v19;
	v61 =	vmul.f32 v59, v58  }
0x139: {  	v43 =	vld [tilespmem:s8+$0xFFFFF7E0];
	v4 =	vadd.f32 v5, v4;
	v1 =	vadd.f32 v3, v1;
	v3 =	vmul.f32 v8, v24  }
0x13a: {  	v42 =	vunpack.i.l.bf16.f32 v36;
	v27 =	vbroadcast v2, $0x7;
	v5 =	vmul.f32 v63, v62  }
0x13b: {  	v4 =	vadd.f32 v61, v4;
	v1 =	vadd.f32 v3, v1;
	v3 =	vunpack.i.u.bf16.f32 v22  }
0x13c: {  	v19 =	vunpack.i.l.bf16.f32 v12;
	v31 =	vbroadcast v2, $0x8;
	v3 =	vmul.f32 v3, v27  }
0x13d: {  	v39 =	vunpack.i.l.bf16.f32 v33;
	v16 =	vmul.f32 v14, v13;
	v4 =	vadd.f32 v5, v4  }
0x13e: {  	v52 =	vunpack.i.u.bf16.f32 v43;
	v1 =	vadd.f32 v3, v1;
	v3 =	vmul.f32 v7, v31  }
0x13f: {  	v40 =	vld [tilespmem:s8+$0xFFFFF7D0];
	v34 =	vbroadcast v2, $0x9;
	v5 =	vmul.f32 v18, v17;
	v4 =	vadd.f32 v16, v4  }
0x140: {  	v38 =	vbroadcast v2, $0xA;
	v1 =	vadd.f32 v3, v1;
	v3 =	vunpack.i.u.bf16.f32 v29  }
0x141: {  	v23 =	vmul.f32 v21, v20;
	v4 =	vadd.f32 v5, v4;
	v3 =	vmul.f32 v3, v34  }
0x142: {  	v41 =	vbroadcast v2, $0xB;
	v5 =	vmul.f32 v25, v24;
	v9 =	vunpack.i.u.bf16.f32 v33  }
0x143: {  	v4 =	vadd.f32 v23, v4;
	v1 =	vadd.f32 v3, v1;
	v3 =	vmul.f32 v9, v38  }
0x144: {  	v46 =	vunpack.i.l.bf16.f32 v40;
	v45 =	vbroadcast v2, $0xC;
	v30 =	vmul.f32 v28, v27  }
0x145: {  	v4 =	vadd.f32 v5, v4;
	v1 =	vadd.f32 v3, v1;
	v3 =	vunpack.i.u.bf16.f32 v36  }
0x146: {  	v50 =	vld [tilespmem:s8+$0xFFFFF800];
	v49 =	vunpack.i.l.bf16.f32 v43;
	v48 =	vbroadcast v2, $0xD;
	v3 =	vmul.f32 v3, v41  }
0x147: {  	v47 =	vld [tilespmem:s8+$0xFFFFF7F0];
	v5 =	vmul.f32 v32, v31;
	v8 =	vunpack.i.u.bf16.f32 v40;
	v4 =	vadd.f32 v30, v4  }
0x148: {  	v53 =	vbroadcast v2, $0xE;
	v1 =	vadd.f32 v3, v1;
	v3 =	vmul.f32 v8, v45  }
0x149: {  	v2 =	vbroadcast v2, $0xF;
	v37 =	vmul.f32 v35, v34;
	v4 =	vadd.f32 v5, v4  }
0x14a: {  	v44 =	vmul.f32 v42, v41;
	v54 =	vmul.f32 v52, v48;
	v3 =	vadd.f32 v3, v1;
	v1 =	vld [tilespmem:s7+$0x0]  }
0x14b: {  	v56 =	vld [tilespmem:s8+$0xFFFFFF10];
	v58 =	vunpack.i.l.bf16.f32 v50;
	v5 =	vmul.f32 v39, v38;
	v4 =	vadd.f32 v37, v4  }
0x14c: {  	v61 =	vunpack.i.u.bf16.f32 v50;
	v60 =	vmul.f32 v58, v2;
	v7 =	vunpack.i.u.bf16.f32 v47  }
0x14d: {  	v59 =	vld [tilespmem:s8+$0xFFFFFF20];
	v57 =	vmul.f32 v7, v53;
	v4 =	vadd.f32 v5, v4;
	v3 =	vadd.f32 v54, v3  }
0x14e: {  	v55 =	vunpack.i.l.bf16.f32 v47;
	v2 =	vmul.f32 v61, v2;
	v5 =	vmul.f32 v46, v45  }
0x14f: {  	v16 =	vld [tilespmem:s8+$0xFFFFFF40];
	v4 =	vadd.f32 v44, v4;
	v3 =	vadd.f32 v57, v3;
	v62 =	vbroadcast v1, $0x0  }
0x150: {  	v51 =	vmul.f32 v49, v48;
	v63 =	vunpack.i.l.bf16.f32 v56;
	v13 =	vunpack.i.u.bf16.f32 v56;
	v20 =	vld [tilespmem:s8+$0xFFFFFF50]  }
0x151: {  	v23 =	vld [tilespmem:s8+$0xFFFFFF60];
	v4 =	vadd.f32 v5, v4;
	v2 =	vadd.f32 v2, v3;
	v3 =	vmul.f32 v13, v62  }
0x152: {  	v6 =	vmul.f32 v55, v53;
	v15 =	vunpack.i.l.bf16.f32 v59;
	v14 =	vbroadcast v1, $0x1  }
0x153: {  	v4 =	vadd.f32 v51, v4;
	v2 =	vadd.f32 v3, v2;
	v3 =	vunpack.i.u.bf16.f32 v59  }
0x154: {  	v22 =	vunpack.i.l.bf16.f32 v16;
	v18 =	vbroadcast v1, $0x2;
	v3 =	vmul.f32 v3, v14  }
0x155: {  	v26 =	vunpack.i.l.bf16.f32 v20;
	v27 =	vld [tilespmem:s8+$0xFFFFFF70];
	v4 =	vadd.f32 v6, v4;
	v6 =	vunpack.i.u.bf16.f32 v12  }
0x156: {  	v29 =	vunpack.i.l.bf16.f32 v23;
	v2 =	vadd.f32 v3, v2;
	v3 =	vmul.f32 v6, v18  }
0x157: {  	v37 =	vld [tilespmem:s8+$0xFFFFFFA0];
	v4 =	vadd.f32 v60, v4;
	v21 =	vbroadcast v1, $0x3;
	v5 =	vmul.f32 v63, v62  }
0x158: {  	v25 =	vbroadcast v1, $0x4;
	v2 =	vadd.f32 v3, v2;
	v3 =	vunpack.i.u.bf16.f32 v16  }
0x159: {  	v30 =	vld [tilespmem:s8+$0xFFFFFF80];
	v17 =	vmul.f32 v15, v14;
	v4 =	vadd.f32 v5, v4;
	v3 =	vmul.f32 v3, v21  }
0x15a: {  	v33 =	vunpack.i.l.bf16.f32 v27;
	v9 =	vunpack.i.u.bf16.f32 v20;
	v5 =	vmul.f32 v19, v18  }
0x15b: {  	v34 =	vld [tilespmem:s8+$0xFFFFFF90];
	v4 =	vadd.f32 v17, v4;
	v2 =	vadd.f32 v3, v2;
	v3 =	vmul.f32 v9, v25  }
0x15c: {  	v43 =	vunpack.i.l.bf16.f32 v37;
	v28 =	vbroadcast v1, $0x5;
	v24 =	vmul.f32 v22, v21  }
0x15d: {  	v4 =	vadd.f32 v5, v4;
	v2 =	vadd.f32 v3, v2;
	v3 =	vunpack.i.u.bf16.f32 v23  }
0x15e: {  	v36 =	vunpack.i.l.bf16.f32 v30;
	v32 =	vbroadcast v1, $0x6;
	v3 =	vmul.f32 v3, v28  }
0x15f: {  	v44 =	vld [tilespmem:s8+$0xFFFFFFC0];
	v8 =	vunpack.i.u.bf16.f32 v27;
	v5 =	vmul.f32 v26, v25;
	v4 =	vadd.f32 v24, v4  }
0x160: {  	v40 =	vunpack.i.l.bf16.f32 v34;
	v2 =	vadd.f32 v3, v2;
	v3 =	vmul.f32 v8, v32  }
0x161: {  	v41 =	vld [tilespmem:s8+$0xFFFFFFB0];
	v35 =	vbroadcast v1, $0x7;
	v31 =	vmul.f32 v29, v28;
	v4 =	vadd.f32 v5, v4  }
0x162: {  	v39 =	vbroadcast v1, $0x8;
	v2 =	vadd.f32 v3, v2;
	v3 =	vunpack.i.u.bf16.f32 v30  }
0x163: {  	v48 =	vld [tilespmem:s8+$0xFFFFFFD0];
	v5 =	vmul.f32 v33, v32;
	v4 =	vadd.f32 v31, v4;
	v3 =	vmul.f32 v3, v35  }
0x164: {  	v7 =	vunpack.i.u.bf16.f32 v34;
	v50 =	vunpack.i.l.bf16.f32 v44;
	v38 =	vmul.f32 v36, v35  }
0x165: {  	v51 =	vld [tilespmem:s8+$0xFFFFFFE0];
	v4 =	vadd.f32 v5, v4;
	v2 =	vadd.f32 v3, v2;
	v3 =	vmul.f32 v7, v39  }
0x166: {  	v47 =	vunpack.i.l.bf16.f32 v41;
	v42 =	vbroadcast v1, $0x9;
	v5 =	vmul.f32 v40, v39  }
0x167: {  	v4 =	vadd.f32 v38, v4;
	v2 =	vadd.f32 v3, v2;
	v3 =	vunpack.i.u.bf16.f32 v37  }
0x168: {  	v54 =	vunpack.i.l.bf16.f32 v48;
	v46 =	vbroadcast v1, $0xA;
	v3 =	vmul.f32 v3, v42  }
0x169: {  	v45 =	vmul.f32 v43, v42;
	v9 =	vunpack.i.u.bf16.f32 v41;
	v4 =	vadd.f32 v5, v4  }
0x16a: {  	v57 =	vunpack.i.l.bf16.f32 v51;
	v2 =	vadd.f32 v3, v2;
	v3 =	vmul.f32 v9, v46  }
0x16b: {  	v49 =	vbroadcast v1, $0xB;
	v5 =	vmul.f32 v47, v46;
	v4 =	vadd.f32 v45, v4  }
0x16c: {  	v53 =	vbroadcast v1, $0xC;
	v2 =	vadd.f32 v3, v2;
	v3 =	vunpack.i.u.bf16.f32 v44  }
0x16d: {  	v55 =	vld [tilespmem:s8+$0xFFFFFFF0];
	v52 =	vmul.f32 v50, v49;
	v4 =	vadd.f32 v5, v4;
	v3 =	vmul.f32 v3, v49  }
0x16e: {  	v56 =	vbroadcast v1, $0xD;
	v8 =	vunpack.i.u.bf16.f32 v48;
	v5 =	vmul.f32 v54, v53  }
0x16f: {  	v58 =	vld [tilespmem:s8+$0x0];
	v4 =	vadd.f32 v52, v4;
	v2 =	vadd.f32 v3, v2;
	v3 =	vmul.f32 v8, v53  }
0x170: {  	v60 =	vbroadcast v1, $0xE;
	v59 =	vmul.f32 v57, v56  }
0x171: {  	v4 =	vadd.f32 v5, v4;
	v2 =	vadd.f32 v3, v2;
	v3 =	vunpack.i.u.bf16.f32 v51  }
0x172: {  	v61 =	vunpack.i.l.bf16.f32 v55;
	v1 =	vbroadcast v1, $0xF;
	v3 =	vmul.f32 v3, v56  }
0x173: {  	v7 =	vunpack.i.u.bf16.f32 v55;
	v5 =	vmul.f32 v61, v60;
	v4 =	vadd.f32 v59, v4  }
0x174: {  	v62 =	vunpack.i.l.bf16.f32 v58;
	v2 =	vadd.f32 v3, v2;
	v3 =	vmul.f32 v7, v60  }
0x175: {  	p0 =	sne.s32 s25, $0x380;
	v63 =	vunpack.i.u.bf16.f32 v58;
	v6 =	vmul.f32 v62, v1;
	v4 =	vadd.f32 v5, v4  }
.Ltmp1:
0x176: {  	v1 =	vmul.f32 v63, v1;
	v2 =	vadd.f32 v3, v2;
	(pc) =	sbr.rel @p0 .LBB2_5-.Ltmp1, $4  }
0x177: {  	v3 =	vadd.f32 v6, v4  }
0x178: {  	s9 =	sshra.s32 s25, $0x2;
	v1 =	vadd.f32 v1, v2  }
0x179: {  	[tilespmem:v0+s9+$0xFFFFFFF0 ss:$0x1] =	vst.idx.msk $0xffff, v3  }
0x17a: {  	s25 =	sadd.s32 $0x80, s25;
	s8 =	sadd.s32 $0x100, s8;
	s7 =	sadd.s32 $0x10, s7;
	[tilespmem:v0+s9+$0x0 ss:$0x1] =	vst.idx.msk $0xffff, v1  }
0x17b: {  	s0 =	smin.u32 s0, $0x46  }
0x17c: {  	s0 =	sshll.u32 s0, $0x9  }
0x17d: {  	s0 =	sadd.s32 $0x800, s0  }
0x17e: {  	[tilespmem:s15], [sflag:$0x3] =	stream.indirect.gather [hbm4b:s4+s12], $0x10, s0, s12, $0xb8;
	[tilespmem:$0x14700] =	vst v63  }
0x17f: {  	s0 =	sadd.s32 s3, s0  }
0x180: {  	s0 =	sshrl.u32 s0, $0x3  }
0x181: {  	s7 =	sadd.s32 s5, s0;
	s0 =	simm.s32 $0x0  }
0x182: {  	[tilespmem:s16], [sflag:$0x6] =	stream.linear.gather [hbm4b:s7+s0], $0x200, $0x38;
	[tilespmem:$0x14700] =	vst v63  }
0x183: {  	_ =	swait.ge [sflag:s23], $0x2000  }
0x184: {  	[sflag:s23] =	ssyncset.done $0x0  }
0x185: {  	[sflag:s23] =	ssyncadd.s32 $0xFFFFE000  }
0x186: {  	_ =	swait.ge [sflag:s24], $0x200  }
0x187: {  	[sflag:s24] =	ssyncset.done $0x0  }
0x188: {  	s8 =	smov.u32 s31;
	s7 =	simm.s32 $0x9B80;
	[sflag:s24] =	ssyncadd.s32 $0xFFFFFE00  }
.LBB2_7:
0x189: {  	v1 =	vld [tilespmem:s7+$0xFFFFFE80]  }
0x18a: {  	s9 =	sshra.s32 s0, $0x2  }
0x18b: {  	v0 =	vld [tilespmem:s9+$0xDC00]  }
0x18c: {  	v2 =	vld [tilespmem:s9+$0xDC10]  }
0x18d: {  	v5 =	vld [tilespmem:s9+$0xDC20]  }
0x18e: {  	v7 =	vld [tilespmem:s9+$0xDC30];
	v3 =	vbroadcast v1, $0x0;
	v6 =	vbroadcast v1, $0x1  }
0x18f: {  	v51 =	vld [tilespmem:s9+$0xDC40];
	v8 =	vbroadcast v1, $0x2;
	v9 =	vbroadcast v1, $0x3  }
0x190: {  	v54 =	vld [tilespmem:s9+$0xDC50];
	v57 =	vbroadcast v1, $0x4;
	v60 =	vbroadcast v1, $0x5  }
0x191: {  	v59 =	vld [tilespmem:s9+$0xDC60];
	v14 =	vbroadcast v1, $0x6;
	v17 =	vbroadcast v1, $0x7  }
0x192: {  	v63 =	vld [tilespmem:s9+$0xDC70];
	v23 =	vbroadcast v1, $0x8;
	v26 =	vbroadcast v1, $0x9  }
0x193: {  	v16 =	vld [tilespmem:s9+$0xDC80];
	v32 =	vbroadcast v1, $0xA;
	v35 =	vbroadcast v1, $0xB  }
0x194: {  	v20 =	vld [tilespmem:s9+$0xDC90];
	v41 =	vbroadcast v1, $0xC;
	v44 =	vbroadcast v1, $0xD;
	v4 =	vunpack.i.l.bf16.f32 v0  }
0x195: {  	v25 =	vld [tilespmem:s9+$0xDCA0];
	v0 =	vunpack.i.u.bf16.f32 v0;
	v49 =	vunpack.i.l.bf16.f32 v2;
	v2 =	vunpack.i.u.bf16.f32 v2  }
0x196: {  	v29 =	vld [tilespmem:s9+$0xDCB0];
	v50 =	vunpack.i.l.bf16.f32 v5;
	v5 =	vunpack.i.u.bf16.f32 v5;
	v53 =	vunpack.i.l.bf16.f32 v7  }
0x197: {  	v34 =	vld [tilespmem:s9+$0xDCC0];
	v56 =	vunpack.i.u.bf16.f32 v7;
	v58 =	vunpack.i.l.bf16.f32 v51;
	v62 =	vunpack.i.l.bf16.f32 v54  }
0x198: {  	v38 =	vld [tilespmem:s9+$0xDCD0];
	v13 =	vunpack.i.u.bf16.f32 v54;
	v15 =	vunpack.i.l.bf16.f32 v59;
	v7 =	vunpack.i.u.bf16.f32 v59  }
0x199: {  	v19 =	vunpack.i.l.bf16.f32 v63;
	v22 =	vunpack.i.u.bf16.f32 v63;
	v24 =	vunpack.i.l.bf16.f32 v16  }
0x19a: {  	v28 =	vunpack.i.l.bf16.f32 v20;
	v31 =	vunpack.i.u.bf16.f32 v20;
	v0 =	vmul.f32 v0, v3  }
0x19b: {  	v33 =	vunpack.i.l.bf16.f32 v25;
	v37 =	vunpack.i.l.bf16.f32 v29;
	v40 =	vunpack.i.u.bf16.f32 v29  }
0x19c: {  	v42 =	vunpack.i.l.bf16.f32 v34;
	v2 =	vmul.f32 v2, v6;
	v0 =	vadd.f32 $0.0e+00, v0  }
0x19d: {  	v46 =	vunpack.i.l.bf16.f32 v38;
	v4 =	vmul.f32 v4, v3;
	v3 =	vmul.f32 v49, v6  }
0x19e: {  	v52 =	vmul.f32 v5, v8;
	v55 =	vmul.f32 v53, v9;
	v0 =	vadd.f32 v2, v0  }
0x19f: {  	v6 =	vunpack.i.u.bf16.f32 v51;
	v12 =	vmul.f32 v62, v60;
	v4 =	vadd.f32 $0.0e+00, v4  }
0x1a0: {  	v18 =	vmul.f32 v7, v14;
	v2 =	vmul.f32 v56, v9;
	v0 =	vadd.f32 v52, v0  }
0x1a1: {  	v21 =	vmul.f32 v19, v17;
	v3 =	vadd.f32 v3, v4;
	v4 =	vmul.f32 v50, v8  }
0x1a2: {  	v30 =	vmul.f32 v28, v26;
	v61 =	vmul.f32 v6, v57;
	v0 =	vadd.f32 v2, v0  }
0x1a3: {  	v39 =	vmul.f32 v37, v35;
	v7 =	vunpack.i.u.bf16.f32 v34;
	v3 =	vadd.f32 v4, v3  }
0x1a4: {  	v48 =	vmul.f32 v46, v44;
	v2 =	vmul.f32 v13, v60;
	v0 =	vadd.f32 v61, v0  }
0x1a5: {  	v43 =	vld [tilespmem:s9+$0xDCE0];
	v49 =	vunpack.i.u.bf16.f32 v38;
	v4 =	vmul.f32 v58, v57;
	v3 =	vadd.f32 v55, v3  }
0x1a6: {  	v53 =	vld [tilespmem:s9+$0xE400];
	v6 =	vunpack.i.u.bf16.f32 v25;
	v45 =	vmul.f32 v7, v41;
	v0 =	vadd.f32 v2, v0  }
0x1a7: {  	v51 =	vmul.f32 v49, v44;
	v36 =	vmul.f32 v6, v32;
	v3 =	vadd.f32 v4, v3  }
0x1a8: {  	v8 =	vunpack.i.u.bf16.f32 v16;
	v2 =	vmul.f32 v22, v17;
	v0 =	vadd.f32 v18, v0  }
0x1a9: {  	v47 =	vld [tilespmem:s9+$0xDCF0];
	v50 =	vbroadcast v1, $0xE;
	v4 =	vmul.f32 v15, v14;
	v3 =	vadd.f32 v12, v3  }
0x1aa: {  	v44 =	vld [tilespmem:s9+$0xE4A0];
	v1 =	vbroadcast v1, $0xF;
	v27 =	vmul.f32 v8, v23;
	v0 =	vadd.f32 v2, v0  }
0x1ab: {  	v8 =	vunpack.i.u.bf16.f32 v43;
	v62 =	vunpack.i.u.bf16.f32 v53;
	v3 =	vadd.f32 v4, v3  }
0x1ac: {  	v56 =	vld [tilespmem:s9+$0xE410];
	v52 =	vunpack.i.l.bf16.f32 v43;
	v2 =	vmul.f32 v31, v26;
	v0 =	vadd.f32 v27, v0  }
0x1ad: {  	v54 =	vmul.f32 v8, v50;
	v61 =	vld [tilespmem:s9+$0xE420];
	v4 =	vmul.f32 v24, v23;
	v3 =	vadd.f32 v21, v3  }
0x1ae: {  	v58 =	vunpack.i.u.bf16.f32 v47;
	v5 =	vmul.f32 v52, v50;
	v12 =	vld [tilespmem:s9+$0xE430];
	v0 =	vadd.f32 v2, v0  }
0x1af: {  	v52 =	vunpack.i.l.bf16.f32 v44;
	v55 =	vunpack.i.l.bf16.f32 v47;
	v17 =	vld [tilespmem:s9+$0xE440];
	v3 =	vadd.f32 v4, v3  }
0x1b0: {  	v60 =	vunpack.i.l.bf16.f32 v53;
	v21 =	vld [tilespmem:s9+$0xE450];
	v2 =	vmul.f32 v40, v35;
	v0 =	vadd.f32 v36, v0  }
0x1b1: {  	v57 =	vmul.f32 v55, v1;
	v26 =	vld [tilespmem:s9+$0xE460];
	v4 =	vmul.f32 v33, v32;
	v3 =	vadd.f32 v30, v3  }
0x1b2: {  	v1 =	vmul.f32 v58, v1;
	v11 =	vunpack.i.l.bf16.f32 v56;
	v30 =	vld [tilespmem:s9+$0xE470];
	v0 =	vadd.f32 v2, v0  }
0x1b3: {  	v14 =	vunpack.i.u.bf16.f32 v56;
	v16 =	vunpack.i.l.bf16.f32 v61;
	v35 =	vld [tilespmem:s9+$0xE480];
	v3 =	vadd.f32 v4, v3  }
0x1b4: {  	v20 =	vunpack.i.l.bf16.f32 v12;
	v23 =	vunpack.i.u.bf16.f32 v12;
	v2 =	vadd.f32 v45, v0;
	v0 =	vld [tilespmem:s7+$0xFFFFFF00]  }
0x1b5: {  	v25 =	vunpack.i.l.bf16.f32 v17;
	v4 =	vmul.f32 v42, v41;
	v3 =	vadd.f32 v39, v3  }
0x1b6: {  	v8 =	vunpack.i.u.bf16.f32 v17;
	v29 =	vunpack.i.l.bf16.f32 v21;
	v32 =	vunpack.i.u.bf16.f32 v21;
	v39 =	vld [tilespmem:s9+$0xE490]  }
0x1b7: {  	v34 =	vunpack.i.l.bf16.f32 v26;
	v7 =	vunpack.i.u.bf16.f32 v26;
	v3 =	vadd.f32 v4, v3  }
0x1b8: {  	v38 =	vunpack.i.l.bf16.f32 v30;
	v41 =	vunpack.i.u.bf16.f32 v30;
	v43 =	vunpack.i.l.bf16.f32 v35  }
0x1b9: {  	v6 =	vunpack.i.u.bf16.f32 v35;
	v3 =	vadd.f32 v48, v3;
	v59 =	vbroadcast v0, $0x0  }
0x1ba: {  	v2 =	vadd.f32 v51, v2;
	v63 =	vbroadcast v0, $0x1;
	v15 =	vbroadcast v0, $0x2  }
0x1bb: {  	v53 =	vld [tilespmem:s9+$0xE4C0];
	v47 =	vunpack.i.l.bf16.f32 v39;
	v18 =	vbroadcast v0, $0x3;
	v24 =	vbroadcast v0, $0x4  }
0x1bc: {  	v50 =	vunpack.i.u.bf16.f32 v39;
	v27 =	vbroadcast v0, $0x5;
	v33 =	vbroadcast v0, $0x6  }
0x1bd: {  	v3 =	vadd.f32 v5, v3;
	v36 =	vbroadcast v0, $0x7;
	v42 =	vbroadcast v0, $0x8  }
0x1be: {  	v2 =	vadd.f32 v54, v2;
	v45 =	vbroadcast v0, $0x9;
	v51 =	vbroadcast v0, $0xA  }
0x1bf: {  	v5 =	vunpack.i.u.bf16.f32 v61;
	v54 =	vbroadcast v0, $0xB;
	v17 =	vbroadcast v0, $0xE  }
0x1c0: {  	v61 =	vunpack.i.l.bf16.f32 v53;
	v4 =	vmul.f32 v60, v59;
	v10 =	vmul.f32 v62, v59  }
0x1c1: {  	v1 =	vadd.f32 v1, v2;
	v13 =	vmul.f32 v11, v63;
	v2 =	vmul.f32 v14, v63  }
0x1c2: {  	v48 =	vld [tilespmem:s9+$0xE4B0];
	v3 =	vadd.f32 v57, v3;
	v19 =	vmul.f32 v5, v15;
	v22 =	vmul.f32 v20, v18  }
0x1c3: {  	v28 =	vmul.f32 v8, v24;
	v31 =	vmul.f32 v29, v27;
	v1 =	vadd.f32 v10, v1  }
0x1c4: {  	v37 =	vmul.f32 v7, v33;
	v40 =	vmul.f32 v38, v36;
	v3 =	vadd.f32 v4, v3  }
0x1c5: {  	v46 =	vmul.f32 v6, v42;
	v49 =	vmul.f32 v47, v45;
	v1 =	vadd.f32 v2, v1  }
0x1c6: {  	v8 =	vunpack.i.u.bf16.f32 v44;
	v4 =	vmul.f32 v16, v15;
	v3 =	vadd.f32 v13, v3  }
0x1c7: {  	v56 =	vunpack.i.l.bf16.f32 v48;
	v2 =	vmul.f32 v23, v18;
	v1 =	vadd.f32 v19, v1  }
0x1c8: {  	v57 =	vld [tilespmem:s9+$0xE4D0];
	v59 =	vunpack.i.u.bf16.f32 v48;
	v60 =	vbroadcast v0, $0xC;
	v3 =	vadd.f32 v4, v3  }
0x1c9: {  	v62 =	vld [tilespmem:s9+$0xE4E0];
	v7 =	vunpack.i.u.bf16.f32 v53;
	v63 =	vbroadcast v0, $0xD;
	v1 =	vadd.f32 v2, v1  }
0x1ca: {  	v20 =	vld [tilespmem:s9+$0xEC00];
	v0 =	vbroadcast v0, $0xF;
	v4 =	vmul.f32 v25, v24;
	v3 =	vadd.f32 v22, v3  }
0x1cb: {  	v38 =	vld [tilespmem:s9+$0xEC40];
	v55 =	vmul.f32 v8, v51;
	v2 =	vmul.f32 v32, v27;
	v1 =	vadd.f32 v28, v1  }
0x1cc: {  	v47 =	vld [tilespmem:s9+$0xEC60];
	v58 =	vmul.f32 v56, v54;
	v12 =	vmul.f32 v7, v60;
	v3 =	vadd.f32 v4, v3  }
0x1cd: {  	v13 =	vunpack.i.l.bf16.f32 v57;
	v16 =	vunpack.i.u.bf16.f32 v57;
	v1 =	vadd.f32 v2, v1  }
0x1ce: {  	v15 =	vmul.f32 v13, v63;
	v4 =	vmul.f32 v34, v33;
	v3 =	vadd.f32 v31, v3  }
0x1cf: {  	v14 =	vld [tilespmem:s9+$0xE4F0];
	v18 =	vmul.f32 v16, v63;
	v2 =	vmul.f32 v41, v36;
	v1 =	vadd.f32 v37, v1  }
0x1d0: {  	v56 =	vld [tilespmem:s9+$0xEC80];
	v6 =	vunpack.i.u.bf16.f32 v62;
	v29 =	vunpack.i.u.bf16.f32 v20;
	v3 =	vadd.f32 v4, v3  }
0x1d1: {  	v8 =	vunpack.i.u.bf16.f32 v38;
	v7 =	vunpack.i.u.bf16.f32 v47;
	v1 =	vadd.f32 v2, v1  }
0x1d2: {  	v19 =	vunpack.i.l.bf16.f32 v62;
	v4 =	vmul.f32 v43, v42;
	v3 =	vadd.f32 v40, v3  }
0x1d3: {  	v23 =	vld [tilespmem:s9+$0xEC10];
	v21 =	vmul.f32 v6, v17;
	v2 =	vmul.f32 v50, v45;
	v1 =	vadd.f32 v46, v1  }
0x1d4: {  	v25 =	vunpack.i.u.bf16.f32 v14;
	v5 =	vmul.f32 v19, v17;
	v17 =	vld [tilespmem:s9+$0xECB0];
	v3 =	vadd.f32 v4, v3  }
0x1d5: {  	v6 =	vunpack.i.u.bf16.f32 v56;
	v22 =	vunpack.i.l.bf16.f32 v14;
	v28 =	vld [tilespmem:s9+$0xEC20];
	v1 =	vadd.f32 v2, v1  }
0x1d6: {  	v27 =	vunpack.i.l.bf16.f32 v20;
	v33 =	vld [tilespmem:s9+$0xEC30];
	v4 =	vmul.f32 v52, v51;
	v3 =	vadd.f32 v49, v3  }
0x1d7: {  	v24 =	vmul.f32 v22, v0;
	v42 =	vld [tilespmem:s9+$0xEC50];
	v2 =	vmul.f32 v59, v54;
	v1 =	vadd.f32 v55, v1  }
0x1d8: {  	v0 =	vmul.f32 v25, v0;
	v32 =	vunpack.i.l.bf16.f32 v23;
	v51 =	vld [tilespmem:s9+$0xEC70];
	v3 =	vadd.f32 v4, v3  }
0x1d9: {  	v35 =	vunpack.i.u.bf16.f32 v23;
	v25 =	vunpack.i.l.bf16.f32 v17;
	v1 =	vadd.f32 v2, v1  }
0x1da: {  	v37 =	vunpack.i.l.bf16.f32 v28;
	v4 =	vmul.f32 v61, v60;
	v60 =	vld [tilespmem:s9+$0xEC90];
	v3 =	vadd.f32 v58, v3  }
0x1db: {  	v41 =	vunpack.i.l.bf16.f32 v33;
	v44 =	vunpack.i.u.bf16.f32 v33;
	v2 =	vadd.f32 v12, v1;
	v1 =	vld [tilespmem:s7+$0xFFFFFF80]  }
0x1dc: {  	v46 =	vunpack.i.l.bf16.f32 v38;
	v50 =	vunpack.i.l.bf16.f32 v42;
	v3 =	vadd.f32 v4, v3  }
0x1dd: {  	v13 =	vld [tilespmem:s9+$0xECA0];
	v53 =	vunpack.i.u.bf16.f32 v42;
	v55 =	vunpack.i.l.bf16.f32 v47;
	v59 =	vunpack.i.l.bf16.f32 v51  }
0x1de: {  	v62 =	vunpack.i.u.bf16.f32 v51;
	v3 =	vadd.f32 v15, v3;
	v2 =	vadd.f32 v18, v2  }
0x1df: {  	v12 =	vunpack.i.l.bf16.f32 v56;
	v16 =	vunpack.i.l.bf16.f32 v60;
	v19 =	vunpack.i.u.bf16.f32 v60  }
0x1e0: {  	v3 =	vadd.f32 v5, v3;
	v2 =	vadd.f32 v21, v2;
	v26 =	vbroadcast v1, $0x0  }
0x1e1: {  	v5 =	vunpack.i.u.bf16.f32 v28;
	v30 =	vbroadcast v1, $0x1;
	v36 =	vbroadcast v1, $0x2  }
0x1e2: {  	v21 =	vunpack.i.l.bf16.f32 v13;
	v39 =	vbroadcast v1, $0x3;
	v45 =	vbroadcast v1, $0x4  }
0x1e3: {  	v28 =	vunpack.i.u.bf16.f32 v17;
	v48 =	vbroadcast v1, $0x5;
	v54 =	vbroadcast v1, $0x6  }
0x1e4: {  	v57 =	vbroadcast v1, $0x7;
	v0 =	vadd.f32 v0, v2;
	v31 =	vmul.f32 v29, v26  }
0x1e5: {  	v63 =	vbroadcast v1, $0x8;
	v3 =	vadd.f32 v24, v3;
	v4 =	vmul.f32 v27, v26  }
0x1e6: {  	v14 =	vbroadcast v1, $0x9;
	v2 =	vmul.f32 v35, v30;
	v0 =	vadd.f32 v31, v0  }
0x1e7: {  	v20 =	vbroadcast v1, $0xA;
	v34 =	vmul.f32 v32, v30;
	v3 =	vadd.f32 v4, v3  }
0x1e8: {  	v23 =	vbroadcast v1, $0xB;
	v40 =	vmul.f32 v5, v36;
	v0 =	vadd.f32 v2, v0  }
0x1e9: {  	v38 =	vbroadcast v1, $0xE;
	v4 =	vmul.f32 v37, v36;
	v3 =	vadd.f32 v34, v3  }
0x1ea: {  	v43 =	vmul.f32 v41, v39;
	v2 =	vmul.f32 v44, v39;
	v0 =	vadd.f32 v40, v0  }
0x1eb: {  	v22 =	vld [tilespmem:s9+$0xECC0];
	v49 =	vmul.f32 v8, v45;
	v52 =	vmul.f32 v50, v48;
	v3 =	vadd.f32 v4, v3  }
0x1ec: {  	v58 =	vmul.f32 v7, v54;
	v61 =	vmul.f32 v59, v57;
	v0 =	vadd.f32 v2, v0  }
0x1ed: {  	v15 =	vmul.f32 v6, v63;
	v4 =	vmul.f32 v46, v45;
	v3 =	vadd.f32 v43, v3  }
0x1ee: {  	v18 =	vmul.f32 v16, v14;
	v2 =	vmul.f32 v53, v48;
	v0 =	vadd.f32 v49, v0  }
0x1ef: {  	v8 =	vunpack.i.u.bf16.f32 v13;
	v26 =	vld [tilespmem:s9+$0xECD0];
	v27 =	vmul.f32 v25, v23;
	v3 =	vadd.f32 v4, v3  }
0x1f0: {  	v29 =	vbroadcast v1, $0xC;
	v30 =	vunpack.i.l.bf16.f32 v22;
	v0 =	vadd.f32 v2, v0  }
0x1f1: {  	v7 =	vunpack.i.u.bf16.f32 v22;
	v41 =	vld [tilespmem:s9+$0xF400];
	v4 =	vmul.f32 v55, v54;
	v3 =	vadd.f32 v52, v3  }
0x1f2: {  	v32 =	vbroadcast v1, $0xD;
	v35 =	vld [tilespmem:s9+$0xECF0];
	v2 =	vmul.f32 v62, v57;
	v0 =	vadd.f32 v58, v0  }
0x1f3: {  	v1 =	vbroadcast v1, $0xF;
	v24 =	vmul.f32 v8, v20;
	v3 =	vadd.f32 v4, v3  }
0x1f4: {  	v59 =	vld [tilespmem:s9+$0xF440];
	v33 =	vmul.f32 v7, v29;
	v34 =	vunpack.i.l.bf16.f32 v26;
	v0 =	vadd.f32 v2, v0  }
0x1f5: {  	v37 =	vunpack.i.u.bf16.f32 v26;
	v4 =	vmul.f32 v12, v63;
	v3 =	vadd.f32 v61, v3  }
0x1f6: {  	v31 =	vld [tilespmem:s9+$0xECE0];
	v50 =	vunpack.i.u.bf16.f32 v41;
	v2 =	vmul.f32 v19, v14;
	v0 =	vadd.f32 v15, v0  }
0x1f7: {  	v44 =	vld [tilespmem:s9+$0xF410];
	v46 =	vunpack.i.u.bf16.f32 v35;
	v43 =	vunpack.i.l.bf16.f32 v35;
	v3 =	vadd.f32 v4, v3  }
0x1f8: {  	v45 =	vmul.f32 v43, v1;
	v1 =	vmul.f32 v46, v1;
	v46 =	vld [tilespmem:s9+$0xF4D0];
	v0 =	vadd.f32 v2, v0  }
0x1f9: {  	v8 =	vunpack.i.u.bf16.f32 v59;
	v49 =	vld [tilespmem:s9+$0xF420];
	v4 =	vmul.f32 v21, v20;
	v3 =	vadd.f32 v18, v3  }
0x1fa: {  	v36 =	vmul.f32 v34, v32;
	v54 =	vld [tilespmem:s9+$0xF430];
	v2 =	vmul.f32 v28, v23;
	v0 =	vadd.f32 v24, v0  }
0x1fb: {  	v39 =	vmul.f32 v37, v32;
	v40 =	vunpack.i.l.bf16.f32 v31;
	v63 =	vld [tilespmem:s9+$0xF450];
	v3 =	vadd.f32 v4, v3  }
0x1fc: {  	v6 =	vunpack.i.u.bf16.f32 v31;
	v5 =	vmul.f32 v40, v38;
	v19 =	vld [tilespmem:s9+$0xF470];
	v0 =	vadd.f32 v2, v0  }
0x1fd: {  	v42 =	vmul.f32 v6, v38;
	v15 =	vld [tilespmem:s9+$0xF460];
	v4 =	vmul.f32 v30, v29;
	v3 =	vadd.f32 v27, v3  }
0x1fe: {  	v48 =	vunpack.i.l.bf16.f32 v41;
	v53 =	vunpack.i.l.bf16.f32 v44;
	v2 =	vadd.f32 v33, v0;
	v0 =	vld [tilespmem:s7+$0x0]  }
0x1ff: {  	v56 =	vunpack.i.u.bf16.f32 v44;
	v58 =	vunpack.i.l.bf16.f32 v49;
	v3 =	vadd.f32 v4, v3  }
0x200: {  	v62 =	vunpack.i.l.bf16.f32 v54;
	v12 =	vunpack.i.u.bf16.f32 v54;
	v54 =	vunpack.i.l.bf16.f32 v46  }
0x201: {  	v14 =	vunpack.i.l.bf16.f32 v59;
	v21 =	vunpack.i.u.bf16.f32 v63;
	v24 =	vld [tilespmem:s9+$0xF480];
	v3 =	vadd.f32 v36, v3  }
0x202: {  	v18 =	vunpack.i.l.bf16.f32 v63;
	v30 =	vunpack.i.u.bf16.f32 v19;
	v2 =	vadd.f32 v39, v2  }
0x203: {  	v23 =	vunpack.i.l.bf16.f32 v15;
	v3 =	vadd.f32 v5, v3;
	v47 =	vbroadcast v0, $0x0  }
0x204: {  	v7 =	vunpack.i.u.bf16.f32 v15;
	v27 =	vunpack.i.l.bf16.f32 v19;
	v2 =	vadd.f32 v42, v2  }
0x205: {  	v51 =	vbroadcast v0, $0x1;
	v3 =	vadd.f32 v45, v3;
	v4 =	vmul.f32 v48, v47  }
0x206: {  	v32 =	vunpack.i.l.bf16.f32 v24;
	v1 =	vadd.f32 v1, v2;
	v52 =	vmul.f32 v50, v47  }
0x207: {  	v28 =	vld [tilespmem:s9+$0xF490];
	v57 =	vbroadcast v0, $0x2;
	v55 =	vmul.f32 v53, v51;
	v3 =	vadd.f32 v4, v3  }
0x208: {  	v5 =	vunpack.i.u.bf16.f32 v49;
	v2 =	vmul.f32 v56, v51;
	v1 =	vadd.f32 v52, v1  }
0x209: {  	v60 =	vbroadcast v0, $0x3;
	v4 =	vmul.f32 v58, v57;
	v3 =	vadd.f32 v55, v3  }
0x20a: {  	v6 =	vunpack.i.u.bf16.f32 v24;
	v61 =	vmul.f32 v5, v57;
	v1 =	vadd.f32 v2, v1  }
0x20b: {  	v13 =	vbroadcast v0, $0x4;
	v11 =	vmul.f32 v62, v60;
	v3 =	vadd.f32 v4, v3  }
0x20c: {  	v36 =	vunpack.i.l.bf16.f32 v28;
	v2 =	vmul.f32 v12, v60;
	v1 =	vadd.f32 v61, v1  }
0x20d: {  	v16 =	vbroadcast v0, $0x5;
	v4 =	vmul.f32 v14, v13;
	v3 =	vadd.f32 v11, v3  }
0x20e: {  	v39 =	vunpack.i.u.bf16.f32 v28;
	v17 =	vmul.f32 v8, v13;
	v1 =	vadd.f32 v2, v1  }
0x20f: {  	v33 =	vld [tilespmem:s9+$0xF4A0];
	v22 =	vbroadcast v0, $0x6;
	v20 =	vmul.f32 v18, v16;
	v3 =	vadd.f32 v4, v3  }
0x210: {  	v25 =	vbroadcast v0, $0x7;
	v2 =	vmul.f32 v21, v16;
	v1 =	vadd.f32 v17, v1  }
0x211: {  	v31 =	vbroadcast v0, $0x8;
	v4 =	vmul.f32 v23, v22;
	v3 =	vadd.f32 v20, v3  }
0x212: {  	v37 =	vld [tilespmem:s9+$0xF4B0];
	v34 =	vbroadcast v0, $0x9;
	v26 =	vmul.f32 v7, v22;
	v1 =	vadd.f32 v2, v1  }
0x213: {  	v40 =	vbroadcast v0, $0xA;
	v29 =	vmul.f32 v27, v25;
	v3 =	vadd.f32 v4, v3  }
0x214: {  	v41 =	vunpack.i.l.bf16.f32 v33;
	v2 =	vmul.f32 v30, v25;
	v1 =	vadd.f32 v26, v1  }
0x215: {  	v43 =	vbroadcast v0, $0xB;
	v4 =	vmul.f32 v32, v31;
	v3 =	vadd.f32 v29, v3  }
0x216: {  	v42 =	vld [tilespmem:s9+$0xF4C0];
	v49 =	vbroadcast v0, $0xC;
	v35 =	vmul.f32 v6, v31;
	v1 =	vadd.f32 v2, v1  }
0x217: {  	v45 =	vunpack.i.l.bf16.f32 v37;
	v38 =	vmul.f32 v36, v34;
	v3 =	vadd.f32 v4, v3  }
0x218: {  	v8 =	vunpack.i.u.bf16.f32 v33;
	v2 =	vmul.f32 v39, v34;
	v1 =	vadd.f32 v35, v1  }
0x219: {  	v47 =	vmul.f32 v45, v43;
	v4 =	vmul.f32 v41, v40;
	v3 =	vadd.f32 v38, v3  }
0x21a: {  	v48 =	vunpack.i.u.bf16.f32 v37;
	v44 =	vmul.f32 v8, v40;
	v1 =	vadd.f32 v2, v1  }
0x21b: {  	v51 =	vld [tilespmem:s9+$0xF4E0];
	v50 =	vunpack.i.l.bf16.f32 v42;
	v7 =	vunpack.i.u.bf16.f32 v42;
	v3 =	vadd.f32 v4, v3  }
0x21c: {  	v52 =	vbroadcast v0, $0xD;
	v2 =	vmul.f32 v48, v43;
	v1 =	vadd.f32 v44, v1  }
0x21d: {  	v57 =	vunpack.i.u.bf16.f32 v46;
	v55 =	vld [tilespmem:s9+$0xF4F0];
	v4 =	vmul.f32 v50, v49;
	v3 =	vadd.f32 v47, v3  }
0x21e: {  	v58 =	vbroadcast v0, $0xE;
	v53 =	vmul.f32 v7, v49;
	v1 =	vadd.f32 v2, v1  }
0x21f: {  	v0 =	vbroadcast v0, $0xF;
	v56 =	vmul.f32 v54, v52;
	v3 =	vadd.f32 v4, v3  }
0x220: {  	v59 =	vunpack.i.l.bf16.f32 v51;
	v2 =	vmul.f32 v57, v52;
	v1 =	vadd.f32 v53, v1  }
0x221: {  	v6 =	vunpack.i.u.bf16.f32 v51;
	v4 =	vmul.f32 v59, v58;
	v3 =	vadd.f32 v56, v3  }
0x222: {  	v60 =	vmul.f32 v6, v58;
	v61 =	vunpack.i.l.bf16.f32 v55;
	v1 =	vadd.f32 v2, v1  }
0x223: {  	p0 =	sne.s32 s0, $0x1C00;
	v62 =	vunpack.i.u.bf16.f32 v55;
	v5 =	vmul.f32 v61, v0;
	v3 =	vadd.f32 v4, v3  }
.Ltmp2:
0x224: {  	v0 =	vmul.f32 v62, v0;
	v1 =	vadd.f32 v60, v1;
	(pc) =	sbr.rel @p0 .LBB2_7-.Ltmp2, $4  }
0x225: {  	v63 =	vadd.f32 v5, v3  }
0x226: {  	v0 =	vadd.f32 v0, v1  }
0x227: {  	[tilespmem:s8+$0xFFFFFFF0] =	vst v63  }
0x228: {  	s0 =	sadd.s32 $0x400, s0;
	s7 =	sadd.s32 $0x10, s7;
	[tilespmem:s8+$0x0] =	vst v0;
	s8 =	sadd.s32 $0x20, s8  }
0x229: {  	s1 =	sadd.s32 $0x1, s1  }
0x22a: {  	p0 =	sne.s32 s1, $0x19  }
.Ltmp3:
0x22b: {  	_ = 	snop;
	(pc) =	sbr.rel @p0 .LBB2_2-.Ltmp3, $2  }
0x22c: {  	_ =	sdelay $0x2  }
0x22d: {  	s29 =	sadd.s32 $0x300, s29;
	s30 =	sadd.s32 $0x300, s30;
	s31 =	sadd.s32 $0x300, s31  }
0x22e: {  	_ =	swait.ge [sflag:s19], $0x2000  }
0x22f: {  	[sflag:s19] =	ssyncset.done $0x0  }
0x230: {  	[sflag:s19] =	ssyncadd.s32 $0xFFFFE000  }
0x231: {  	_ =	swait.ge [sflag:s20], $0x200  }
0x232: {  	[sflag:s20] =	ssyncset.done $0x0  }
0x233: {  	[sflag:s20] =	ssyncadd.s32 $0xFFFFFE00  }
0x234: {  	_ =	swait.ge [sflag:s21], $0x2000  }
0x235: {  	[sflag:s21] =	ssyncset.done $0x0  }
0x236: {  	[sflag:s21] =	ssyncadd.s32 $0xFFFFE000  }
0x237: {  	s28 =	sadd.s32 $0x1, s28;
	_ =	swait.ge [sflag:s22], $0x200  }
0x238: {  	s1 =	simm.s32 $0xFC00;
	p0 =	sne.s32 s28, s10;
	[sflag:s22] =	ssyncset.done $0x0  }
.Ltmp4:
0x239: {  	s0 =	rddreg [dreg:$0x5];
	[sflag:s22] =	ssyncadd.s32 $0xFFFFFE00;
	(pc) =	sbr.rel @p0 .LBB2_1-.Ltmp4, $4  }
0x23a: {  	[hbm4b:s0+s2] =	stream.linear.scatter [tilespmem:s1], [sflag:$0x8], $0x4B00, $0x38;
	[tilespmem:$0x14700] =	vst v63  }
0x23b: {  	_ =	swait.ge [sflag:s26], $0x4B00  }
0x23c: {  	[sflag:s26] =	ssyncset.done $0x0  }
0x23d: {  	[sflag:s26] =	ssyncadd.s32 $0xFFFFB500  }
0x23e: {  	_ =	sfence.sel $0x180000  }
0x23f: {  	[bflag:$0x0] =	sbarrier.arrive $0xFFFF  }
0x240: {  	_ =	strace $0x90000047  }
0x241: {  	s0 =	stileid.u32;
	[bflag:$0x2] =	sbarrier.arrive $0xFFFF  }
0x242: {  	p0 =	sne.s32 s0, $0x0;
	s0 =	rddreg [dreg:$0x2]  }
0x243: {  	s0 =	sadd.s32 @!p0 $0x100000, s0  }
0x244: {  	[sflag:s0] =	ssyncadd.tile.s32 @!p0 $0x1;
	_ =	shalt  }
.Lfunc_end2:
_tile_overlayer_lowered:
.L_overlay_start_2:
0x245: {  	(tag) =	ssettag $0x2  }
0x246: {  	s0 =	rddreg [dreg:$0x0];
	s2 =	stileid.u32  }
0x247: {  	s1 =	rddreg [dreg:$0x1];
	p0 =	sne.s32 s2, $0x0  }
0x248: {  	s3 =	rddreg [dreg:$0x2];
	[bflag:$0x3] =	sbarrier.arrive $0xFFFF;
	s2 =	simm.s32 @!p0 $0x1C08  }
0x249: {  	[timem:s3], [sflag:s2] =	dma.local @!p0 [hbm:s0], s1  }
0x24a: {  	s0 =	simm.s32 @!p0 $0x8  }
0x24b: {  	_ =	swait.ge @!p0 [sflag:s0], s1  }
0x24c: {  	s1 =	ssub.s32 @!p0 $0x0, s1;
	[sflag:s0] =	ssyncset.done @!p0 $0x0  }
0x24d: {  	[sflag:s0] =	ssyncadd.s32 @!p0 s1  }
0x24e: {  	[bflag:$0x3] =	sbarrier.arrive $0xFFFF  }
0x24f: {  	_ =	shalt  }

</sc_bundles>
